<compile_context>
chip_gen: v7x
topology: tpu7x:2x2x1
jax: 0.10.2.dev20260603
libtpu: 0.0.44.dev20260713+nightly
codegen_flags: <defaults>
</compile_context>

<pallas_src>
import functools

import jax
import jax.numpy as jnp
from jax import lax
from jax.experimental import pallas as pl
from jax.experimental.pallas import tpu as pltpu
from jax.experimental.pallas import tpu_sc as plsc

_BS = 64
_NCROPS = 5
_T = 256
_D = 1024
_K = 3
_ALPHA = 0.0001
_MARGIN = 100.0
_B2 = _BS // 2

_NEG_INF = float("-inf")


_VPB = 1


def _mag_body(x_ref, o_ref):
    x = x_ref[0]
    s = jnp.sum(x * x, axis=1, keepdims=True)
    v = jnp.sqrt(s) * (1.0 / _NCROPS)
    for b in range(_VPB):
        acc = v[b * _NCROPS * _T : b * _NCROPS * _T + _T]
        for c in range(1, _NCROPS):
            lo = b * _NCROPS * _T + c * _T
            acc = acc + v[lo : lo + _T]
        o_ref[0, b] = acc[:, 0]


def _feature_magnitudes(feats3, half):
    nblk = _B2 // _VPB
    return pl.pallas_call(
        _mag_body,
        grid=(nblk,),
        in_specs=[pl.BlockSpec(
            (1, _VPB * _NCROPS * _T, _D), lambda b: (b + half * nblk, 0, 0))],
        out_specs=pl.BlockSpec((1, _VPB, _T), lambda b: (b, 0, 0)),
        out_shape=jax.ShapeDtypeStruct((nblk, _VPB, _T), jnp.float32),
    )(feats3)


_MESH = plsc.VectorSubcoreMesh(core_axis_name="c", subcore_axis_name="s")


def _make_sc_topk_gather(b_base):
    @functools.partial(
        pl.kernel,
        mesh=_MESH,
        out_type=[
            jax.ShapeDtypeStruct((_B2 * _NCROPS * 16,), jnp.float32),
            jax.ShapeDtypeStruct((_B2 * 16,), jnp.float32),
        ],
        scratch_types=[
            pltpu.VMEM((_T,), jnp.float32),
            pltpu.VMEM((_NCROPS * _T,), jnp.float32),
            pltpu.VMEM((16,), jnp.int32),
            pltpu.VMEM((32,), jnp.float32),
            pltpu.VMEM((32,), jnp.int32),
            pltpu.VMEM((16, _D), jnp.float32),
            pltpu.VMEM((_NCROPS * 16,), jnp.float32),
            pltpu.VMEM((16,), jnp.float32),
            pltpu.SemaphoreType.DMA,
        ],
    )
    def _sc_topk_gather(fm_hbm, sc_hbm, feats_hbm, n2_out, lg_out,
                        fm_v, sc_v, idx_v, vrot, irot, rows_v, n2_s, lg_s, sem):
        wid = lax.axis_index("s") * 2 + lax.axis_index("c")
        lane = lax.iota(jnp.int32, 16)
        zeros_i = jnp.zeros((16,), jnp.int32)

        b = wid
        bg = b + b_base

        pltpu.sync_copy(fm_hbm.at[pl.ds(b * _T, _T)], fm_v)
        pltpu.sync_copy(sc_hbm.at[pl.ds(bg * _NCROPS * _T, _NCROPS * _T)], sc_v)

        v1 = v2 = v3 = jnp.full((16,), _NEG_INF, jnp.float32)
        i1 = i2 = i3 = zeros_i
        for k in range(16):
            x = fm_v[pl.ds(k * 16, 16)]
            t = lane + (k * 16)
            b1 = x > v1
            b2 = x > v2
            b3 = x > v3
            nv1 = jnp.where(b1, x, v1)
            ni1 = jnp.where(b1, t, i1)
            nv2 = jnp.where(b1, v1, jnp.where(b2, x, v2))
            ni2 = jnp.where(b1, i1, jnp.where(b2, t, i2))
            nv3 = jnp.where(b2, v2, jnp.where(b3, x, v3))
            ni3 = jnp.where(b2, i2, jnp.where(b3, t, i3))
            v1, v2, v3, i1, i2, i3 = nv1, nv2, nv3, ni1, ni2, ni3

        t_splats = []
        for _ in range(_K):
            rv, ri = v1, i1
            for sh in (1, 2, 4, 8):
                vrot[pl.ds(0, 16)] = rv
                vrot[pl.ds(16, 16)] = rv
                irot[pl.ds(0, 16)] = ri
                irot[pl.ds(16, 16)] = ri
                pv = vrot[pl.ds(sh, 16)]
                pi = irot[pl.ds(sh, 16)]
                take = (pv > rv) | ((pv == rv) & (pi < ri))
                rv = jnp.where(take, pv, rv)
                ri = jnp.where(take, pi, ri)
            t_splat = ri
            t_splats.append(t_splat)
            onehot = i1 == t_splat
            v1 = jnp.where(onehot, v2, v1)
            i1 = jnp.where(onehot, i2, i1)
            v2 = jnp.where(onehot, v3, v2)
            i2 = jnp.where(onehot, i3, i2)
        t1, t2, t3 = t_splats

        c_vec = jnp.zeros((16,), jnp.int32)
        for thr in (3, 6, 9, 12):
            c_vec = jnp.where(lane >= thr, c_vec + 1, c_vec)
        k_vec = lane - c_vec * 3
        t_vec = jnp.where(k_vec == 0, t1, jnp.where(k_vec == 1, t2, t3))

        acc = jnp.zeros((16,), jnp.float32)
        zf = jnp.zeros((16,), jnp.float32)
        for k in range(16):
            t_pos = lane + (k * 16)
            cs = sc_v[pl.ds(k * 16, 16)]
            for c in range(1, _NCROPS):
                cs = cs + sc_v[pl.ds(c * _T + k * 16, 16)]
            acc = (acc
                   + jnp.where(t_pos == t1, cs, zf)
                   + jnp.where(t_pos == t2, cs, zf)
                   + jnp.where(t_pos == t3, cs, zf))
        lg_s[...] = acc
        pltpu.sync_copy(lg_s, lg_out.at[pl.ds(b * 16, 16)])

        idx_v[...] = (bg * _NCROPS + c_vec) * _T + t_vec
        pltpu.async_copy(feats_hbm.at[idx_v], rows_v, sem).wait()

        def body(j, accs):
            out = []
            for c in range(_NCROPS):
                s = (rows_v[3 * c, pl.ds(j * 16, 16)]
                     + rows_v[3 * c + 1, pl.ds(j * 16, 16)]
                     + rows_v[3 * c + 2, pl.ds(j * 16, 16)])
                out.append(accs[c] + s * s)
            return tuple(out)

        accs = lax.fori_loop(0, _D // 16, body,
                             tuple(jnp.zeros((16,), jnp.float32) for _ in range(_NCROPS)))
        for c in range(_NCROPS):
            n2_s[pl.ds(c * 16, 16)] = accs[c]
        pltpu.sync_copy(n2_s, n2_out.at[pl.ds(b * _NCROPS * 16, _NCROPS * 16)])

    return _sc_topk_gather


_sc_half0 = _make_sc_topk_gather(0)
_sc_half1 = _make_sc_topk_gather(_B2)


def _loss_body(n2_ref, lg_ref, lab_ref, o_ref):
    l2 = jnp.sqrt(jnp.sum(n2_ref[...], axis=1) * (1.0 / 9.0))
    l_abn = jnp.abs(_MARGIN - l2[: _B2 * _NCROPS])
    l_nor = l2[_B2 * _NCROPS:]
    loss_mgnt = jnp.mean((l_abn + l_nor) ** 2)
    x = jnp.sum(lg_ref[...], axis=1) * (1.0 / (_NCROPS * _K))
    y = lab_ref[0]
    sp = jnp.maximum(x, 0.0) + jnp.log1p(jnp.exp(-jnp.abs(x)))
    loss_scor = jnp.mean(sp - x * y)
    o_ref[...] = jnp.stack([_ALPHA * loss_mgnt, loss_scor]).reshape(1, 2)


def _final_losses(n2s, lg, labels):
    return pl.pallas_call(
        _loss_body,
        in_specs=[
            pl.BlockSpec((_BS * _NCROPS, 16), lambda: (0, 0)),
            pl.BlockSpec((_BS, 16), lambda: (0, 0)),
            pl.BlockSpec((1, _BS), lambda: (0, 0)),
        ],
        out_specs=pl.BlockSpec((1, 2), lambda: (0, 0)),
        out_shape=jax.ShapeDtypeStruct((1, 2), jnp.float32),
    )(n2s, lg, labels)


def kernel(feats, scores, labels):
    feats3 = feats.reshape(_BS // _VPB, _VPB * _NCROPS * _T, _D)
    scores_flat = scores.reshape(_BS * _NCROPS * _T)
    feats2d = feats.reshape(_BS * _NCROPS * _T, _D)

    fm_a = _feature_magnitudes(feats3, 0)
    n2a, lga = _sc_half0(fm_a.reshape(_B2 * _T), scores_flat, feats2d)
    fm_b = _feature_magnitudes(feats3, 1)
    n2b, lgb = _sc_half1(fm_b.reshape(_B2 * _T), scores_flat, feats2d)

    n2s = jnp.concatenate([n2a, n2b]).reshape(_BS * _NCROPS, 16)
    lg = jnp.concatenate([lga, lgb]).reshape(_BS, 16)

    out = _final_losses(n2s, lg, labels.reshape(1, _BS))
    return out.reshape(2)

# --- scband reference (transcript-rebuilt; emitter-appended) ---
"""Pipeline reference for scband-rtfm-89266600280124 (READ-ONLY COPY).

The authoritative reference and input builder live on the scoring server;
editing this copy changes nothing except your own understanding.
"""

import jax, jax.numpy as jnp
import numpy as np

BS = 64
NCROPS = 5
T = 256
D = 1024
K = 3
ALPHA = 0.0001
MARGIN = 100.0


def setup_inputs(seed: int = 0):
    key = jax.random.key(seed)
    k1, k2 = jax.random.split(key)
    feats = jax.random.normal(k1, (BS * NCROPS, T, D), dtype=jnp.float32)
    scores = jax.random.normal(k2, (BS * NCROPS, T, 1), dtype=jnp.float32)
    labels = jnp.concatenate([jnp.ones((BS // 2,), jnp.float32), jnp.zeros((BS // 2,), jnp.float32)])
    return {"feats": feats, "scores": scores, "labels": labels}


def _softplus(x):
    return jnp.logaddexp(0.0, x)


def reference(feats, scores, labels):
    B2 = BS // 2
    # feature magnitudes: L2 norm over feature dim, mean over crops (pfu.get_mtrcs_magn + uncrop)
    f = feats.reshape(BS, NCROPS, T, D)
    fmgnt = jnp.sqrt(jnp.sum(f * f, axis=3)).mean(axis=1)  # [BS, T]
    abn_fmgnt, nor_fmgnt = fmgnt[:B2], fmgnt[B2:]
    # top-k snippet selection per video (torch.topk -> jax.lax.top_k)
    _, idx_abn = jax.lax.top_k(abn_fmgnt, K)  # [B2, K]
    _, idx_nor = jax.lax.top_k(nor_fmgnt, K)
    # unbag + permute('1023'): [NCROPS, B2, T, D]
    abn_feats = jnp.transpose(f[:B2], (1, 0, 2, 3))
    nor_feats = jnp.transpose(f[B2:], (1, 0, 2, 3))
    # gather_feats_per_crop with avg=True: gather top-k along T per crop, mean over k
    sel_abn = jnp.take_along_axis(abn_feats, idx_abn[None, :, :, None], axis=2).mean(axis=2)
    sel_nor = jnp.take_along_axis(nor_feats, idx_nor[None, :, :, None], axis=2).mean(axis=2)
    sel_abn = sel_abn.reshape(NCROPS * B2, D)
    sel_nor = sel_nor.reshape(NCROPS * B2, D)
    # feature-magnitude (RTFM) loss
    l2n_abn = jnp.sqrt(jnp.sum(sel_abn * sel_abn, axis=1))
    l_fabn = jnp.abs(MARGIN - l2n_abn)
    l_fnor = jnp.sqrt(jnp.sum(sel_nor * sel_nor, axis=1))
    loss_mgnt = jnp.mean((l_fabn + l_fnor) ** 2)
    # scores: uncrop mean over crops, select top-k scores by magnitude indices, mean over k
    s = scores.reshape(BS, NCROPS, T).mean(axis=1)  # [BS, T]
    abn_scors, nor_scors = s[:B2], s[B2:]
    vls_abn = jnp.take_along_axis(abn_scors, idx_abn, axis=1).mean(axis=1)  # [B2]
    vls_nor = jnp.take_along_axis(nor_scors, idx_nor, axis=1).mean(axis=1)
    logits = jnp.concatenate([vls_abn, vls_nor])
    # BCEWithLogitsLoss: mean(softplus(x) - x*y)
    loss_scor = jnp.mean(_softplus(logits) - logits * labels)
    return jnp.stack([ALPHA * loss_mgnt, loss_scor])

if __name__ == "__main__":
    import jax
    _d = setup_inputs()
    print(jax.jit(kernel)(*tuple(_d.values())))

</pallas_src>

<mosaic_0001>
#map = affine_map<(d0, d1) -> (0)>
#map1 = affine_map<(d0, d1) -> (0, 0)>
module attributes {stable_mosaic.version = 14 : i64} {
  func.func @_sc_topk_gather(%arg0: i32, %arg1: i32, %arg2: memref<8192xf32, #tpu.memory_space<hbm>>, %arg3: memref<81920xf32, #tpu.memory_space<hbm>>, %arg4: memref<81920x1024xf32, #tpu.memory_space<hbm>>, %arg5: memref<2560xf32, #tpu.memory_space<hbm>>, %arg6: memref<512xf32, #tpu.memory_space<hbm>>, %arg7: memref<256xf32, #tpu.memory_space<vmem>>, %arg8: memref<1280xf32, #tpu.memory_space<vmem>>, %arg9: memref<16xi32, #tpu.memory_space<vmem>>, %arg10: memref<32xf32, #tpu.memory_space<vmem>>, %arg11: memref<32xi32, #tpu.memory_space<vmem>>, %arg12: memref<16x1024xf32, #tpu.memory_space<vmem>>, %arg13: memref<80xf32, #tpu.memory_space<vmem>>, %arg14: memref<16xf32, #tpu.memory_space<vmem>>, %arg15: memref<!tpu.dma_semaphore, #tpu.memory_space<semaphore_mem>>) attributes {dimension_semantics = [#tpu.dimension_semantics<core_parallel>, #tpu.dimension_semantics<subcore_parallel>], iteration_bounds = array<i64: 2, 16>, scalar_prefetch = 0 : i64, scratch_operands = 9 : i64, tpu.core_type = #tpu.core_type<sc_vector_subcore>, window_params = [{transform_indices = #map}, {transform_indices = #map}, {transform_indices = #map1}, {transform_indices = #map}, {transform_indices = #map}]} {
    %mul3A = arith.constant 2 : i32
    %mul3A_0 = arith.muli %arg1, %mul3A : i32
    %add3A = arith.addi %mul3A_0, %arg0 : i32
    %iota3A = tpu.iota {dimensions = array<i32: 0>} : vector<16xi32>
    %broadcast_in_dim3A = arith.constant 0 : i32
    %broadcast_in_dim3A_1 = vector.broadcast %broadcast_in_dim3A : i32 to vector<16xi32>
    %add3A_2 = arith.constant 0 : i32
    %add3A_3 = arith.addi %add3A, %add3A_2 : i32
    %mul3A_4 = arith.constant 256 : i32
    %mul3A_5 = arith.muli %add3A, %mul3A_4 : i32
    "tpu.region"() ({
      %run_scoped3A = tpu.sem_alloc : memref<!tpu.dma_semaphore, #tpu.memory_space<semaphore_mem>>
      %dma_start3A_1272 = tpu.memref_slice %arg2[%mul3A_5] : memref<8192xf32, #tpu.memory_space<hbm>> -> memref<256xf32, #tpu.memory_space<hbm>>
      %dma_start3A_1273 = tpu.memref_slice %arg2[%mul3A_5] : memref<8192xf32, #tpu.memory_space<hbm>> -> memref<256xf32, #tpu.memory_space<hbm>>
      tpu.enqueue_dma source(%dma_start3A_1273 : memref<256xf32, #tpu.memory_space<hbm>>) target(%arg7 : memref<256xf32, #tpu.memory_space<vmem>>) target_semaphore(%run_scoped3A : memref<!tpu.dma_semaphore, #tpu.memory_space<semaphore_mem>>)
      %dma_wait3A_1274 = tpu.memref_slice %arg2[%mul3A_5] : memref<8192xf32, #tpu.memory_space<hbm>> -> memref<256xf32, #tpu.memory_space<hbm>>
      %dma_wait3A_1275 = tpu.memref_slice %arg2[%mul3A_5] : memref<8192xf32, #tpu.memory_space<hbm>> -> memref<256xf32, #tpu.memory_space<hbm>>
      tpu.wait_dma2 semaphore(%run_scoped3A : memref<!tpu.dma_semaphore, #tpu.memory_space<semaphore_mem>>) src(%dma_wait3A_1275 : memref<256xf32, #tpu.memory_space<hbm>>) dst(%arg7 : memref<256xf32, #tpu.memory_space<vmem>>)
      tpu.yield
    }) : () -> ()
    %mul3A_6 = arith.constant 5 : i32
    %mul3A_7 = arith.muli %add3A_3, %mul3A_6 : i32
    %mul3A_8 = arith.constant 256 : i32
    %mul3A_9 = arith.muli %mul3A_7, %mul3A_8 : i32
    "tpu.region"() ({
      %run_scoped3A = tpu.sem_alloc : memref<!tpu.dma_semaphore, #tpu.memory_space<semaphore_mem>>
      %dma_start3A_1272 = tpu.memref_slice %arg3[%mul3A_9] : memref<81920xf32, #tpu.memory_space<hbm>> -> memref<1280xf32, #tpu.memory_space<hbm>>
      %dma_start3A_1273 = tpu.memref_slice %arg3[%mul3A_9] : memref<81920xf32, #tpu.memory_space<hbm>> -> memref<1280xf32, #tpu.memory_space<hbm>>
      tpu.enqueue_dma source(%dma_start3A_1273 : memref<1280xf32, #tpu.memory_space<hbm>>) target(%arg8 : memref<1280xf32, #tpu.memory_space<vmem>>) target_semaphore(%run_scoped3A : memref<!tpu.dma_semaphore, #tpu.memory_space<semaphore_mem>>)
      %dma_wait3A_1274 = tpu.memref_slice %arg3[%mul3A_9] : memref<81920xf32, #tpu.memory_space<hbm>> -> memref<1280xf32, #tpu.memory_space<hbm>>
      %dma_wait3A_1275 = tpu.memref_slice %arg3[%mul3A_9] : memref<81920xf32, #tpu.memory_space<hbm>> -> memref<1280xf32, #tpu.memory_space<hbm>>
      tpu.wait_dma2 semaphore(%run_scoped3A : memref<!tpu.dma_semaphore, #tpu.memory_space<semaphore_mem>>) src(%dma_wait3A_1275 : memref<1280xf32, #tpu.memory_space<hbm>>) dst(%arg8 : memref<1280xf32, #tpu.memory_space<vmem>>)
      tpu.yield
    }) : () -> ()
    %broadcast_in_dim3A_10 = arith.constant 0xFF800000 : f32
    %broadcast_in_dim3A_11 = vector.broadcast %broadcast_in_dim3A_10 : f32 to vector<16xf32>
    %get3A = arith.constant 0 : index
    %get3A_12 = tpu.vector_load %arg7[%get3A] {strides = array<i32>} : memref<256xf32, #tpu.memory_space<vmem>>, vector<16xf32>,
    %get3A_13 = vector.shape_cast %get3A_12 : vector<16xf32> to vector<16xf32>
    %add3A_14 = arith.constant 0 : i32
    %add3A_15 = vector.broadcast %add3A_14 : i32 to vector<16xi32>
    %add3A_16 = arith.addi %iota3A, %add3A_15 : vector<16xi32>
    %gt3A = arith.cmpf ogt, %get3A_13, %broadcast_in_dim3A_11 : vector<16xf32>
    %gt3A_17 = arith.cmpf ogt, %get3A_13, %broadcast_in_dim3A_11 : vector<16xf32>
    %gt3A_18 = arith.cmpf ogt, %get3A_13, %broadcast_in_dim3A_11 : vector<16xf32>
    %select_n3A = arith.select %gt3A, %get3A_13, %broadcast_in_dim3A_11 : vector<16xi1>, vector<16xf32>
    %select_n3A_19 = arith.select %gt3A, %add3A_16, %broadcast_in_dim3A_1 : vector<16xi1>, vector<16xi32>
    %select_n3A_20 = arith.select %gt3A_17, %get3A_13, %broadcast_in_dim3A_11 : vector<16xi1>, vector<16xf32>
    %select_n3A_21 = arith.select %gt3A, %broadcast_in_dim3A_11, %select_n3A_20 : vector<16xi1>, vector<16xf32>
    %select_n3A_22 = arith.select %gt3A_17, %add3A_16, %broadcast_in_dim3A_1 : vector<16xi1>, vector<16xi32>
    %select_n3A_23 = arith.select %gt3A, %broadcast_in_dim3A_1, %select_n3A_22 : vector<16xi1>, vector<16xi32>
    %select_n3A_24 = arith.select %gt3A_18, %get3A_13, %broadcast_in_dim3A_11 : vector<16xi1>, vector<16xf32>
    %select_n3A_25 = arith.select %gt3A_17, %broadcast_in_dim3A_11, %select_n3A_24 : vector<16xi1>, vector<16xf32>
    %select_n3A_26 = arith.select %gt3A_18, %add3A_16, %broadcast_in_dim3A_1 : vector<16xi1>, vector<16xi32>
    %select_n3A_27 = arith.select %gt3A_17, %broadcast_in_dim3A_1, %select_n3A_26 : vector<16xi1>, vector<16xi32>
    %get3A_28 = arith.constant 16 : index
    %get3A_29 = tpu.vector_load %arg7[%get3A_28] {strides = array<i32>} : memref<256xf32, #tpu.memory_space<vmem>>, vector<16xf32>,
    %get3A_30 = vector.shape_cast %get3A_29 : vector<16xf32> to vector<16xf32>
    %add3A_31 = arith.constant 16 : i32
    %add3A_32 = vector.broadcast %add3A_31 : i32 to vector<16xi32>
    %add3A_33 = arith.addi %iota3A, %add3A_32 : vector<16xi32>
    %gt3A_34 = arith.cmpf ogt, %get3A_30, %select_n3A : vector<16xf32>
    %gt3A_35 = arith.cmpf ogt, %get3A_30, %select_n3A_21 : vector<16xf32>
    %gt3A_36 = arith.cmpf ogt, %get3A_30, %select_n3A_25 : vector<16xf32>
    %select_n3A_37 = arith.select %gt3A_34, %get3A_30, %select_n3A : vector<16xi1>, vector<16xf32>
    %select_n3A_38 = arith.select %gt3A_34, %add3A_33, %select_n3A_19 : vector<16xi1>, vector<16xi32>
    %select_n3A_39 = arith.select %gt3A_35, %get3A_30, %select_n3A_21 : vector<16xi1>, vector<16xf32>
    %select_n3A_40 = arith.select %gt3A_34, %select_n3A, %select_n3A_39 : vector<16xi1>, vector<16xf32>
    %select_n3A_41 = arith.select %gt3A_35, %add3A_33, %select_n3A_23 : vector<16xi1>, vector<16xi32>
    %select_n3A_42 = arith.select %gt3A_34, %select_n3A_19, %select_n3A_41 : vector<16xi1>, vector<16xi32>
    %select_n3A_43 = arith.select %gt3A_36, %get3A_30, %select_n3A_25 : vector<16xi1>, vector<16xf32>
    %select_n3A_44 = arith.select %gt3A_35, %select_n3A_21, %select_n3A_43 : vector<16xi1>, vector<16xf32>
    %select_n3A_45 = arith.select %gt3A_36, %add3A_33, %select_n3A_27 : vector<16xi1>, vector<16xi32>
    %select_n3A_46 = arith.select %gt3A_35, %select_n3A_23, %select_n3A_45 : vector<16xi1>, vector<16xi32>
    %get3A_47 = arith.constant 32 : index
    %get3A_48 = tpu.vector_load %arg7[%get3A_47] {strides = array<i32>} : memref<256xf32, #tpu.memory_space<vmem>>, vector<16xf32>,
    %get3A_49 = vector.shape_cast %get3A_48 : vector<16xf32> to vector<16xf32>
    %add3A_50 = arith.constant 32 : i32
    %add3A_51 = vector.broadcast %add3A_50 : i32 to vector<16xi32>
    %add3A_52 = arith.addi %iota3A, %add3A_51 : vector<16xi32>
    %gt3A_53 = arith.cmpf ogt, %get3A_49, %select_n3A_37 : vector<16xf32>
    %gt3A_54 = arith.cmpf ogt, %get3A_49, %select_n3A_40 : vector<16xf32>
    %gt3A_55 = arith.cmpf ogt, %get3A_49, %select_n3A_44 : vector<16xf32>
    %select_n3A_56 = arith.select %gt3A_53, %get3A_49, %select_n3A_37 : vector<16xi1>, vector<16xf32>
    %select_n3A_57 = arith.select %gt3A_53, %add3A_52, %select_n3A_38 : vector<16xi1>, vector<16xi32>
    %select_n3A_58 = arith.select %gt3A_54, %get3A_49, %select_n3A_40 : vector<16xi1>, vector<16xf32>
    %select_n3A_59 = arith.select %gt3A_53, %select_n3A_37, %select_n3A_58 : vector<16xi1>, vector<16xf32>
    %select_n3A_60 = arith.select %gt3A_54, %add3A_52, %select_n3A_42 : vector<16xi1>, vector<16xi32>
    %select_n3A_61 = arith.select %gt3A_53, %select_n3A_38, %select_n3A_60 : vector<16xi1>, vector<16xi32>
    %select_n3A_62 = arith.select %gt3A_55, %get3A_49, %select_n3A_44 : vector<16xi1>, vector<16xf32>
    %select_n3A_63 = arith.select %gt3A_54, %select_n3A_40, %select_n3A_62 : vector<16xi1>, vector<16xf32>
    %select_n3A_64 = arith.select %gt3A_55, %add3A_52, %select_n3A_46 : vector<16xi1>, vector<16xi32>
    %select_n3A_65 = arith.select %gt3A_54, %select_n3A_42, %select_n3A_64 : vector<16xi1>, vector<16xi32>
    %get3A_66 = arith.constant 48 : index
    %get3A_67 = tpu.vector_load %arg7[%get3A_66] {strides = array<i32>} : memref<256xf32, #tpu.memory_space<vmem>>, vector<16xf32>,
    %get3A_68 = vector.shape_cast %get3A_67 : vector<16xf32> to vector<16xf32>
    %add3A_69 = arith.constant 48 : i32
    %add3A_70 = vector.broadcast %add3A_69 : i32 to vector<16xi32>
    %add3A_71 = arith.addi %iota3A, %add3A_70 : vector<16xi32>
    %gt3A_72 = arith.cmpf ogt, %get3A_68, %select_n3A_56 : vector<16xf32>
    %gt3A_73 = arith.cmpf ogt, %get3A_68, %select_n3A_59 : vector<16xf32>
    %gt3A_74 = arith.cmpf ogt, %get3A_68, %select_n3A_63 : vector<16xf32>
    %select_n3A_75 = arith.select %gt3A_72, %get3A_68, %select_n3A_56 : vector<16xi1>, vector<16xf32>
    %select_n3A_76 = arith.select %gt3A_72, %add3A_71, %select_n3A_57 : vector<16xi1>, vector<16xi32>
    %select_n3A_77 = arith.select %gt3A_73, %get3A_68, %select_n3A_59 : vector<16xi1>, vector<16xf32>
    %select_n3A_78 = arith.select %gt3A_72, %select_n3A_56, %select_n3A_77 : vector<16xi1>, vector<16xf32>
    %select_n3A_79 = arith.select %gt3A_73, %add3A_71, %select_n3A_61 : vector<16xi1>, vector<16xi32>
    %select_n3A_80 = arith.select %gt3A_72, %select_n3A_57, %select_n3A_79 : vector<16xi1>, vector<16xi32>
    %select_n3A_81 = arith.select %gt3A_74, %get3A_68, %select_n3A_63 : vector<16xi1>, vector<16xf32>
    %select_n3A_82 = arith.select %gt3A_73, %select_n3A_59, %select_n3A_81 : vector<16xi1>, vector<16xf32>
    %select_n3A_83 = arith.select %gt3A_74, %add3A_71, %select_n3A_65 : vector<16xi1>, vector<16xi32>
    %select_n3A_84 = arith.select %gt3A_73, %select_n3A_61, %select_n3A_83 : vector<16xi1>, vector<16xi32>
    %get3A_85 = arith.constant 64 : index
    %get3A_86 = tpu.vector_load %arg7[%get3A_85] {strides = array<i32>} : memref<256xf32, #tpu.memory_space<vmem>>, vector<16xf32>,
    %get3A_87 = vector.shape_cast %get3A_86 : vector<16xf32> to vector<16xf32>
    %add3A_88 = arith.constant 64 : i32
    %add3A_89 = vector.broadcast %add3A_88 : i32 to vector<16xi32>
    %add3A_90 = arith.addi %iota3A, %add3A_89 : vector<16xi32>
    %gt3A_91 = arith.cmpf ogt, %get3A_87, %select_n3A_75 : vector<16xf32>
    %gt3A_92 = arith.cmpf ogt, %get3A_87, %select_n3A_78 : vector<16xf32>
    %gt3A_93 = arith.cmpf ogt, %get3A_87, %select_n3A_82 : vector<16xf32>
    %select_n3A_94 = arith.select %gt3A_91, %get3A_87, %select_n3A_75 : vector<16xi1>, vector<16xf32>
    %select_n3A_95 = arith.select %gt3A_91, %add3A_90, %select_n3A_76 : vector<16xi1>, vector<16xi32>
    %select_n3A_96 = arith.select %gt3A_92, %get3A_87, %select_n3A_78 : vector<16xi1>, vector<16xf32>
    %select_n3A_97 = arith.select %gt3A_91, %select_n3A_75, %select_n3A_96 : vector<16xi1>, vector<16xf32>
    %select_n3A_98 = arith.select %gt3A_92, %add3A_90, %select_n3A_80 : vector<16xi1>, vector<16xi32>
    %select_n3A_99 = arith.select %gt3A_91, %select_n3A_76, %select_n3A_98 : vector<16xi1>, vector<16xi32>
    %select_n3A_100 = arith.select %gt3A_93, %get3A_87, %select_n3A_82 : vector<16xi1>, vector<16xf32>
    %select_n3A_101 = arith.select %gt3A_92, %select_n3A_78, %select_n3A_100 : vector<16xi1>, vector<16xf32>
    %select_n3A_102 = arith.select %gt3A_93, %add3A_90, %select_n3A_84 : vector<16xi1>, vector<16xi32>
    %select_n3A_103 = arith.select %gt3A_92, %select_n3A_80, %select_n3A_102 : vector<16xi1>, vector<16xi32>
    %get3A_104 = arith.constant 80 : index
    %get3A_105 = tpu.vector_load %arg7[%get3A_104] {strides = array<i32>} : memref<256xf32, #tpu.memory_space<vmem>>, vector<16xf32>,
    %get3A_106 = vector.shape_cast %get3A_105 : vector<16xf32> to vector<16xf32>
    %add3A_107 = arith.constant 80 : i32
    %add3A_108 = vector.broadcast %add3A_107 : i32 to vector<16xi32>
    %add3A_109 = arith.addi %iota3A, %add3A_108 : vector<16xi32>
    %gt3A_110 = arith.cmpf ogt, %get3A_106, %select_n3A_94 : vector<16xf32>
    %gt3A_111 = arith.cmpf ogt, %get3A_106, %select_n3A_97 : vector<16xf32>
    %gt3A_112 = arith.cmpf ogt, %get3A_106, %select_n3A_101 : vector<16xf32>
    %select_n3A_113 = arith.select %gt3A_110, %get3A_106, %select_n3A_94 : vector<16xi1>, vector<16xf32>
    %select_n3A_114 = arith.select %gt3A_110, %add3A_109, %select_n3A_95 : vector<16xi1>, vector<16xi32>
    %select_n3A_115 = arith.select %gt3A_111, %get3A_106, %select_n3A_97 : vector<16xi1>, vector<16xf32>
    %select_n3A_116 = arith.select %gt3A_110, %select_n3A_94, %select_n3A_115 : vector<16xi1>, vector<16xf32>
    %select_n3A_117 = arith.select %gt3A_111, %add3A_109, %select_n3A_99 : vector<16xi1>, vector<16xi32>
    %select_n3A_118 = arith.select %gt3A_110, %select_n3A_95, %select_n3A_117 : vector<16xi1>, vector<16xi32>
    %select_n3A_119 = arith.select %gt3A_112, %get3A_106, %select_n3A_101 : vector<16xi1>, vector<16xf32>
    %select_n3A_120 = arith.select %gt3A_111, %select_n3A_97, %select_n3A_119 : vector<16xi1>, vector<16xf32>
    %select_n3A_121 = arith.select %gt3A_112, %add3A_109, %select_n3A_103 : vector<16xi1>, vector<16xi32>
    %select_n3A_122 = arith.select %gt3A_111, %select_n3A_99, %select_n3A_121 : vector<16xi1>, vector<16xi32>
    %get3A_123 = arith.constant 96 : index
    %get3A_124 = tpu.vector_load %arg7[%get3A_123] {strides = array<i32>} : memref<256xf32, #tpu.memory_space<vmem>>, vector<16xf32>,
    %get3A_125 = vector.shape_cast %get3A_124 : vector<16xf32> to vector<16xf32>
    %add3A_126 = arith.constant 96 : i32
    %add3A_127 = vector.broadcast %add3A_126 : i32 to vector<16xi32>
    %add3A_128 = arith.addi %iota3A, %add3A_127 : vector<16xi32>
    %gt3A_129 = arith.cmpf ogt, %get3A_125, %select_n3A_113 : vector<16xf32>
    %gt3A_130 = arith.cmpf ogt, %get3A_125, %select_n3A_116 : vector<16xf32>
    %gt3A_131 = arith.cmpf ogt, %get3A_125, %select_n3A_120 : vector<16xf32>
    %select_n3A_132 = arith.select %gt3A_129, %get3A_125, %select_n3A_113 : vector<16xi1>, vector<16xf32>
    %select_n3A_133 = arith.select %gt3A_129, %add3A_128, %select_n3A_114 : vector<16xi1>, vector<16xi32>
    %select_n3A_134 = arith.select %gt3A_130, %get3A_125, %select_n3A_116 : vector<16xi1>, vector<16xf32>
    %select_n3A_135 = arith.select %gt3A_129, %select_n3A_113, %select_n3A_134 : vector<16xi1>, vector<16xf32>
    %select_n3A_136 = arith.select %gt3A_130, %add3A_128, %select_n3A_118 : vector<16xi1>, vector<16xi32>
    %select_n3A_137 = arith.select %gt3A_129, %select_n3A_114, %select_n3A_136 : vector<16xi1>, vector<16xi32>
    %select_n3A_138 = arith.select %gt3A_131, %get3A_125, %select_n3A_120 : vector<16xi1>, vector<16xf32>
    %select_n3A_139 = arith.select %gt3A_130, %select_n3A_116, %select_n3A_138 : vector<16xi1>, vector<16xf32>
    %select_n3A_140 = arith.select %gt3A_131, %add3A_128, %select_n3A_122 : vector<16xi1>, vector<16xi32>
    %select_n3A_141 = arith.select %gt3A_130, %select_n3A_118, %select_n3A_140 : vector<16xi1>, vector<16xi32>
    %get3A_142 = arith.constant 112 : index
    %get3A_143 = tpu.vector_load %arg7[%get3A_142] {strides = array<i32>} : memref<256xf32, #tpu.memory_space<vmem>>, vector<16xf32>,
    %get3A_144 = vector.shape_cast %get3A_143 : vector<16xf32> to vector<16xf32>
    %add3A_145 = arith.constant 112 : i32
    %add3A_146 = vector.broadcast %add3A_145 : i32 to vector<16xi32>
    %add3A_147 = arith.addi %iota3A, %add3A_146 : vector<16xi32>
    %gt3A_148 = arith.cmpf ogt, %get3A_144, %select_n3A_132 : vector<16xf32>
    %gt3A_149 = arith.cmpf ogt, %get3A_144, %select_n3A_135 : vector<16xf32>
    %gt3A_150 = arith.cmpf ogt, %get3A_144, %select_n3A_139 : vector<16xf32>
    %select_n3A_151 = arith.select %gt3A_148, %get3A_144, %select_n3A_132 : vector<16xi1>, vector<16xf32>
    %select_n3A_152 = arith.select %gt3A_148, %add3A_147, %select_n3A_133 : vector<16xi1>, vector<16xi32>
    %select_n3A_153 = arith.select %gt3A_149, %get3A_144, %select_n3A_135 : vector<16xi1>, vector<16xf32>
    %select_n3A_154 = arith.select %gt3A_148, %select_n3A_132, %select_n3A_153 : vector<16xi1>, vector<16xf32>
    %select_n3A_155 = arith.select %gt3A_149, %add3A_147, %select_n3A_137 : vector<16xi1>, vector<16xi32>
    %select_n3A_156 = arith.select %gt3A_148, %select_n3A_133, %select_n3A_155 : vector<16xi1>, vector<16xi32>
    %select_n3A_157 = arith.select %gt3A_150, %get3A_144, %select_n3A_139 : vector<16xi1>, vector<16xf32>
    %select_n3A_158 = arith.select %gt3A_149, %select_n3A_135, %select_n3A_157 : vector<16xi1>, vector<16xf32>
    %select_n3A_159 = arith.select %gt3A_150, %add3A_147, %select_n3A_141 : vector<16xi1>, vector<16xi32>
    %select_n3A_160 = arith.select %gt3A_149, %select_n3A_137, %select_n3A_159 : vector<16xi1>, vector<16xi32>
    %get3A_161 = arith.constant 128 : index
    %get3A_162 = tpu.vector_load %arg7[%get3A_161] {strides = array<i32>} : memref<256xf32, #tpu.memory_space<vmem>>, vector<16xf32>,
    %get3A_163 = vector.shape_cast %get3A_162 : vector<16xf32> to vector<16xf32>
    %add3A_164 = arith.constant 128 : i32
    %add3A_165 = vector.broadcast %add3A_164 : i32 to vector<16xi32>
    %add3A_166 = arith.addi %iota3A, %add3A_165 : vector<16xi32>
    %gt3A_167 = arith.cmpf ogt, %get3A_163, %select_n3A_151 : vector<16xf32>
    %gt3A_168 = arith.cmpf ogt, %get3A_163, %select_n3A_154 : vector<16xf32>
    %gt3A_169 = arith.cmpf ogt, %get3A_163, %select_n3A_158 : vector<16xf32>
    %select_n3A_170 = arith.select %gt3A_167, %get3A_163, %select_n3A_151 : vector<16xi1>, vector<16xf32>
    %select_n3A_171 = arith.select %gt3A_167, %add3A_166, %select_n3A_152 : vector<16xi1>, vector<16xi32>
    %select_n3A_172 = arith.select %gt3A_168, %get3A_163, %select_n3A_154 : vector<16xi1>, vector<16xf32>
    %select_n3A_173 = arith.select %gt3A_167, %select_n3A_151, %select_n3A_172 : vector<16xi1>, vector<16xf32>
    %select_n3A_174 = arith.select %gt3A_168, %add3A_166, %select_n3A_156 : vector<16xi1>, vector<16xi32>
    %select_n3A_175 = arith.select %gt3A_167, %select_n3A_152, %select_n3A_174 : vector<16xi1>, vector<16xi32>
    %select_n3A_176 = arith.select %gt3A_169, %get3A_163, %select_n3A_158 : vector<16xi1>, vector<16xf32>
    %select_n3A_177 = arith.select %gt3A_168, %select_n3A_154, %select_n3A_176 : vector<16xi1>, vector<16xf32>
    %select_n3A_178 = arith.select %gt3A_169, %add3A_166, %select_n3A_160 : vector<16xi1>, vector<16xi32>
    %select_n3A_179 = arith.select %gt3A_168, %select_n3A_156, %select_n3A_178 : vector<16xi1>, vector<16xi32>
    %get3A_180 = arith.constant 144 : index
    %get3A_181 = tpu.vector_load %arg7[%get3A_180] {strides = array<i32>} : memref<256xf32, #tpu.memory_space<vmem>>, vector<16xf32>,
    %get3A_182 = vector.shape_cast %get3A_181 : vector<16xf32> to vector<16xf32>
    %add3A_183 = arith.constant 144 : i32
    %add3A_184 = vector.broadcast %add3A_183 : i32 to vector<16xi32>
    %add3A_185 = arith.addi %iota3A, %add3A_184 : vector<16xi32>
    %gt3A_186 = arith.cmpf ogt, %get3A_182, %select_n3A_170 : vector<16xf32>
    %gt3A_187 = arith.cmpf ogt, %get3A_182, %select_n3A_173 : vector<16xf32>
    %gt3A_188 = arith.cmpf ogt, %get3A_182, %select_n3A_177 : vector<16xf32>
    %select_n3A_189 = arith.select %gt3A_186, %get3A_182, %select_n3A_170 : vector<16xi1>, vector<16xf32>
    %select_n3A_190 = arith.select %gt3A_186, %add3A_185, %select_n3A_171 : vector<16xi1>, vector<16xi32>
    %select_n3A_191 = arith.select %gt3A_187, %get3A_182, %select_n3A_173 : vector<16xi1>, vector<16xf32>
    %select_n3A_192 = arith.select %gt3A_186, %select_n3A_170, %select_n3A_191 : vector<16xi1>, vector<16xf32>
    %select_n3A_193 = arith.select %gt3A_187, %add3A_185, %select_n3A_175 : vector<16xi1>, vector<16xi32>
    %select_n3A_194 = arith.select %gt3A_186, %select_n3A_171, %select_n3A_193 : vector<16xi1>, vector<16xi32>
    %select_n3A_195 = arith.select %gt3A_188, %get3A_182, %select_n3A_177 : vector<16xi1>, vector<16xf32>
    %select_n3A_196 = arith.select %gt3A_187, %select_n3A_173, %select_n3A_195 : vector<16xi1>, vector<16xf32>
    %select_n3A_197 = arith.select %gt3A_188, %add3A_185, %select_n3A_179 : vector<16xi1>, vector<16xi32>
    %select_n3A_198 = arith.select %gt3A_187, %select_n3A_175, %select_n3A_197 : vector<16xi1>, vector<16xi32>
    %get3A_199 = arith.constant 160 : index
    %get3A_200 = tpu.vector_load %arg7[%get3A_199] {strides = array<i32>} : memref<256xf32, #tpu.memory_space<vmem>>, vector<16xf32>,
    %get3A_201 = vector.shape_cast %get3A_200 : vector<16xf32> to vector<16xf32>
    %add3A_202 = arith.constant 160 : i32
    %add3A_203 = vector.broadcast %add3A_202 : i32 to vector<16xi32>
    %add3A_204 = arith.addi %iota3A, %add3A_203 : vector<16xi32>
    %gt3A_205 = arith.cmpf ogt, %get3A_201, %select_n3A_189 : vector<16xf32>
    %gt3A_206 = arith.cmpf ogt, %get3A_201, %select_n3A_192 : vector<16xf32>
    %gt3A_207 = arith.cmpf ogt, %get3A_201, %select_n3A_196 : vector<16xf32>
    %select_n3A_208 = arith.select %gt3A_205, %get3A_201, %select_n3A_189 : vector<16xi1>, vector<16xf32>
    %select_n3A_209 = arith.select %gt3A_205, %add3A_204, %select_n3A_190 : vector<16xi1>, vector<16xi32>
    %select_n3A_210 = arith.select %gt3A_206, %get3A_201, %select_n3A_192 : vector<16xi1>, vector<16xf32>
    %select_n3A_211 = arith.select %gt3A_205, %select_n3A_189, %select_n3A_210 : vector<16xi1>, vector<16xf32>
    %select_n3A_212 = arith.select %gt3A_206, %add3A_204, %select_n3A_194 : vector<16xi1>, vector<16xi32>
    %select_n3A_213 = arith.select %gt3A_205, %select_n3A_190, %select_n3A_212 : vector<16xi1>, vector<16xi32>
    %select_n3A_214 = arith.select %gt3A_207, %get3A_201, %select_n3A_196 : vector<16xi1>, vector<16xf32>
    %select_n3A_215 = arith.select %gt3A_206, %select_n3A_192, %select_n3A_214 : vector<16xi1>, vector<16xf32>
    %select_n3A_216 = arith.select %gt3A_207, %add3A_204, %select_n3A_198 : vector<16xi1>, vector<16xi32>
    %select_n3A_217 = arith.select %gt3A_206, %select_n3A_194, %select_n3A_216 : vector<16xi1>, vector<16xi32>
    %get3A_218 = arith.constant 176 : index
    %get3A_219 = tpu.vector_load %arg7[%get3A_218] {strides = array<i32>} : memref<256xf32, #tpu.memory_space<vmem>>, vector<16xf32>,
    %get3A_220 = vector.shape_cast %get3A_219 : vector<16xf32> to vector<16xf32>
    %add3A_221 = arith.constant 176 : i32
    %add3A_222 = vector.broadcast %add3A_221 : i32 to vector<16xi32>
    %add3A_223 = arith.addi %iota3A, %add3A_222 : vector<16xi32>
    %gt3A_224 = arith.cmpf ogt, %get3A_220, %select_n3A_208 : vector<16xf32>
    %gt3A_225 = arith.cmpf ogt, %get3A_220, %select_n3A_211 : vector<16xf32>
    %gt3A_226 = arith.cmpf ogt, %get3A_220, %select_n3A_215 : vector<16xf32>
    %select_n3A_227 = arith.select %gt3A_224, %get3A_220, %select_n3A_208 : vector<16xi1>, vector<16xf32>
    %select_n3A_228 = arith.select %gt3A_224, %add3A_223, %select_n3A_209 : vector<16xi1>, vector<16xi32>
    %select_n3A_229 = arith.select %gt3A_225, %get3A_220, %select_n3A_211 : vector<16xi1>, vector<16xf32>
    %select_n3A_230 = arith.select %gt3A_224, %select_n3A_208, %select_n3A_229 : vector<16xi1>, vector<16xf32>
    %select_n3A_231 = arith.select %gt3A_225, %add3A_223, %select_n3A_213 : vector<16xi1>, vector<16xi32>
    %select_n3A_232 = arith.select %gt3A_224, %select_n3A_209, %select_n3A_231 : vector<16xi1>, vector<16xi32>
    %select_n3A_233 = arith.select %gt3A_226, %get3A_220, %select_n3A_215 : vector<16xi1>, vector<16xf32>
    %select_n3A_234 = arith.select %gt3A_225, %select_n3A_211, %select_n3A_233 : vector<16xi1>, vector<16xf32>
    %select_n3A_235 = arith.select %gt3A_226, %add3A_223, %select_n3A_217 : vector<16xi1>, vector<16xi32>
    %select_n3A_236 = arith.select %gt3A_225, %select_n3A_213, %select_n3A_235 : vector<16xi1>, vector<16xi32>
    %get3A_237 = arith.constant 192 : index
    %get3A_238 = tpu.vector_load %arg7[%get3A_237] {strides = array<i32>} : memref<256xf32, #tpu.memory_space<vmem>>, vector<16xf32>,
    %get3A_239 = vector.shape_cast %get3A_238 : vector<16xf32> to vector<16xf32>
    %add3A_240 = arith.constant 192 : i32
    %add3A_241 = vector.broadcast %add3A_240 : i32 to vector<16xi32>
    %add3A_242 = arith.addi %iota3A, %add3A_241 : vector<16xi32>
    %gt3A_243 = arith.cmpf ogt, %get3A_239, %select_n3A_227 : vector<16xf32>
    %gt3A_244 = arith.cmpf ogt, %get3A_239, %select_n3A_230 : vector<16xf32>
    %gt3A_245 = arith.cmpf ogt, %get3A_239, %select_n3A_234 : vector<16xf32>
    %select_n3A_246 = arith.select %gt3A_243, %get3A_239, %select_n3A_227 : vector<16xi1>, vector<16xf32>
    %select_n3A_247 = arith.select %gt3A_243, %add3A_242, %select_n3A_228 : vector<16xi1>, vector<16xi32>
    %select_n3A_248 = arith.select %gt3A_244, %get3A_239, %select_n3A_230 : vector<16xi1>, vector<16xf32>
    %select_n3A_249 = arith.select %gt3A_243, %select_n3A_227, %select_n3A_248 : vector<16xi1>, vector<16xf32>
    %select_n3A_250 = arith.select %gt3A_244, %add3A_242, %select_n3A_232 : vector<16xi1>, vector<16xi32>
    %select_n3A_251 = arith.select %gt3A_243, %select_n3A_228, %select_n3A_250 : vector<16xi1>, vector<16xi32>
    %select_n3A_252 = arith.select %gt3A_245, %get3A_239, %select_n3A_234 : vector<16xi1>, vector<16xf32>
    %select_n3A_253 = arith.select %gt3A_244, %select_n3A_230, %select_n3A_252 : vector<16xi1>, vector<16xf32>
    %select_n3A_254 = arith.select %gt3A_245, %add3A_242, %select_n3A_236 : vector<16xi1>, vector<16xi32>
    %select_n3A_255 = arith.select %gt3A_244, %select_n3A_232, %select_n3A_254 : vector<16xi1>, vector<16xi32>
    %get3A_256 = arith.constant 208 : index
    %get3A_257 = tpu.vector_load %arg7[%get3A_256] {strides = array<i32>} : memref<256xf32, #tpu.memory_space<vmem>>, vector<16xf32>,
    %get3A_258 = vector.shape_cast %get3A_257 : vector<16xf32> to vector<16xf32>
    %add3A_259 = arith.constant 208 : i32
    %add3A_260 = vector.broadcast %add3A_259 : i32 to vector<16xi32>
    %add3A_261 = arith.addi %iota3A, %add3A_260 : vector<16xi32>
    %gt3A_262 = arith.cmpf ogt, %get3A_258, %select_n3A_246 : vector<16xf32>
    %gt3A_263 = arith.cmpf ogt, %get3A_258, %select_n3A_249 : vector<16xf32>
    %gt3A_264 = arith.cmpf ogt, %get3A_258, %select_n3A_253 : vector<16xf32>
    %select_n3A_265 = arith.select %gt3A_262, %get3A_258, %select_n3A_246 : vector<16xi1>, vector<16xf32>
    %select_n3A_266 = arith.select %gt3A_262, %add3A_261, %select_n3A_247 : vector<16xi1>, vector<16xi32>
    %select_n3A_267 = arith.select %gt3A_263, %get3A_258, %select_n3A_249 : vector<16xi1>, vector<16xf32>
    %select_n3A_268 = arith.select %gt3A_262, %select_n3A_246, %select_n3A_267 : vector<16xi1>, vector<16xf32>
    %select_n3A_269 = arith.select %gt3A_263, %add3A_261, %select_n3A_251 : vector<16xi1>, vector<16xi32>
    %select_n3A_270 = arith.select %gt3A_262, %select_n3A_247, %select_n3A_269 : vector<16xi1>, vector<16xi32>
    %select_n3A_271 = arith.select %gt3A_264, %get3A_258, %select_n3A_253 : vector<16xi1>, vector<16xf32>
    %select_n3A_272 = arith.select %gt3A_263, %select_n3A_249, %select_n3A_271 : vector<16xi1>, vector<16xf32>
    %select_n3A_273 = arith.select %gt3A_264, %add3A_261, %select_n3A_255 : vector<16xi1>, vector<16xi32>
    %select_n3A_274 = arith.select %gt3A_263, %select_n3A_251, %select_n3A_273 : vector<16xi1>, vector<16xi32>
    %get3A_275 = arith.constant 224 : index
    %get3A_276 = tpu.vector_load %arg7[%get3A_275] {strides = array<i32>} : memref<256xf32, #tpu.memory_space<vmem>>, vector<16xf32>,
    %get3A_277 = vector.shape_cast %get3A_276 : vector<16xf32> to vector<16xf32>
    %add3A_278 = arith.constant 224 : i32
    %add3A_279 = vector.broadcast %add3A_278 : i32 to vector<16xi32>
    %add3A_280 = arith.addi %iota3A, %add3A_279 : vector<16xi32>
    %gt3A_281 = arith.cmpf ogt, %get3A_277, %select_n3A_265 : vector<16xf32>
    %gt3A_282 = arith.cmpf ogt, %get3A_277, %select_n3A_268 : vector<16xf32>
    %gt3A_283 = arith.cmpf ogt, %get3A_277, %select_n3A_272 : vector<16xf32>
    %select_n3A_284 = arith.select %gt3A_281, %get3A_277, %select_n3A_265 : vector<16xi1>, vector<16xf32>
    %select_n3A_285 = arith.select %gt3A_281, %add3A_280, %select_n3A_266 : vector<16xi1>, vector<16xi32>
    %select_n3A_286 = arith.select %gt3A_282, %get3A_277, %select_n3A_268 : vector<16xi1>, vector<16xf32>
    %select_n3A_287 = arith.select %gt3A_281, %select_n3A_265, %select_n3A_286 : vector<16xi1>, vector<16xf32>
    %select_n3A_288 = arith.select %gt3A_282, %add3A_280, %select_n3A_270 : vector<16xi1>, vector<16xi32>
    %select_n3A_289 = arith.select %gt3A_281, %select_n3A_266, %select_n3A_288 : vector<16xi1>, vector<16xi32>
    %select_n3A_290 = arith.select %gt3A_283, %get3A_277, %select_n3A_272 : vector<16xi1>, vector<16xf32>
    %select_n3A_291 = arith.select %gt3A_282, %select_n3A_268, %select_n3A_290 : vector<16xi1>, vector<16xf32>
    %select_n3A_292 = arith.select %gt3A_283, %add3A_280, %select_n3A_274 : vector<16xi1>, vector<16xi32>
    %select_n3A_293 = arith.select %gt3A_282, %select_n3A_270, %select_n3A_292 : vector<16xi1>, vector<16xi32>
    %get3A_294 = arith.constant 240 : index
    %get3A_295 = tpu.vector_load %arg7[%get3A_294] {strides = array<i32>} : memref<256xf32, #tpu.memory_space<vmem>>, vector<16xf32>,
    %get3A_296 = vector.shape_cast %get3A_295 : vector<16xf32> to vector<16xf32>
    %add3A_297 = arith.constant 240 : i32
    %add3A_298 = vector.broadcast %add3A_297 : i32 to vector<16xi32>
    %add3A_299 = arith.addi %iota3A, %add3A_298 : vector<16xi32>
    %gt3A_300 = arith.cmpf ogt, %get3A_296, %select_n3A_284 : vector<16xf32>
    %gt3A_301 = arith.cmpf ogt, %get3A_296, %select_n3A_287 : vector<16xf32>
    %gt3A_302 = arith.cmpf ogt, %get3A_296, %select_n3A_291 : vector<16xf32>
    %select_n3A_303 = arith.select %gt3A_300, %get3A_296, %select_n3A_284 : vector<16xi1>, vector<16xf32>
    %select_n3A_304 = arith.select %gt3A_300, %add3A_299, %select_n3A_285 : vector<16xi1>, vector<16xi32>
    %select_n3A_305 = arith.select %gt3A_301, %get3A_296, %select_n3A_287 : vector<16xi1>, vector<16xf32>
    %select_n3A_306 = arith.select %gt3A_300, %select_n3A_284, %select_n3A_305 : vector<16xi1>, vector<16xf32>
    %select_n3A_307 = arith.select %gt3A_301, %add3A_299, %select_n3A_289 : vector<16xi1>, vector<16xi32>
    %select_n3A_308 = arith.select %gt3A_300, %select_n3A_285, %select_n3A_307 : vector<16xi1>, vector<16xi32>
    %select_n3A_309 = arith.select %gt3A_302, %get3A_296, %select_n3A_291 : vector<16xi1>, vector<16xf32>
    %select_n3A_310 = arith.select %gt3A_301, %select_n3A_287, %select_n3A_309 : vector<16xi1>, vector<16xf32>
    %select_n3A_311 = arith.select %gt3A_302, %add3A_299, %select_n3A_293 : vector<16xi1>, vector<16xi32>
    %select_n3A_312 = arith.select %gt3A_301, %select_n3A_289, %select_n3A_311 : vector<16xi1>, vector<16xi32>
    %swap3A = arith.constant 0 : index
    %swap3A_313 = tpu.vector_load %arg10[%swap3A] {strides = array<i32>} : memref<32xf32, #tpu.memory_space<vmem>>, vector<16xf32>,
    %swap3A_314 = vector.shape_cast %swap3A_313 : vector<16xf32> to vector<16xf32>
    %swap3A_315 = vector.shape_cast %select_n3A_303 : vector<16xf32> to vector<16xf32>
    tpu.vector_store %arg10[%swap3A], %swap3A_315 {strides = array<i32>} : memref<32xf32, #tpu.memory_space<vmem>>, vector<16xf32>,
    %swap3A_316 = arith.constant 16 : index
    %swap3A_317 = tpu.vector_load %arg10[%swap3A_316] {strides = array<i32>} : memref<32xf32, #tpu.memory_space<vmem>>, vector<16xf32>,
    %swap3A_318 = vector.shape_cast %swap3A_317 : vector<16xf32> to vector<16xf32>
    %swap3A_319 = vector.shape_cast %select_n3A_303 : vector<16xf32> to vector<16xf32>
    tpu.vector_store %arg10[%swap3A_316], %swap3A_319 {strides = array<i32>} : memref<32xf32, #tpu.memory_space<vmem>>, vector<16xf32>,
    %swap3A_320 = arith.constant 0 : index
    %swap3A_321 = tpu.vector_load %arg11[%swap3A_320] {strides = array<i32>} : memref<32xi32, #tpu.memory_space<vmem>>, vector<16xi32>,
    %swap3A_322 = vector.shape_cast %swap3A_321 : vector<16xi32> to vector<16xi32>
    %swap3A_323 = vector.shape_cast %select_n3A_304 : vector<16xi32> to vector<16xi32>
    tpu.vector_store %arg11[%swap3A_320], %swap3A_323 {strides = array<i32>} : memref<32xi32, #tpu.memory_space<vmem>>, vector<16xi32>,
    %swap3A_324 = arith.constant 16 : index
    %swap3A_325 = tpu.vector_load %arg11[%swap3A_324] {strides = array<i32>} : memref<32xi32, #tpu.memory_space<vmem>>, vector<16xi32>,
    %swap3A_326 = vector.shape_cast %swap3A_325 : vector<16xi32> to vector<16xi32>
    %swap3A_327 = vector.shape_cast %select_n3A_304 : vector<16xi32> to vector<16xi32>
    tpu.vector_store %arg11[%swap3A_324], %swap3A_327 {strides = array<i32>} : memref<32xi32, #tpu.memory_space<vmem>>, vector<16xi32>,
    %get3A_328 = arith.constant 1 : index
    %get3A_329 = tpu.vector_load %arg10[%get3A_328] {strides = array<i32>} : memref<32xf32, #tpu.memory_space<vmem>>, vector<16xf32>,
    %get3A_330 = vector.shape_cast %get3A_329 : vector<16xf32> to vector<16xf32>
    %get3A_331 = arith.constant 1 : index
    %get3A_332 = tpu.vector_load %arg11[%get3A_331] {strides = array<i32>} : memref<32xi32, #tpu.memory_space<vmem>>, vector<16xi32>,
    %get3A_333 = vector.shape_cast %get3A_332 : vector<16xi32> to vector<16xi32>
    %gt3A_334 = arith.cmpf ogt, %get3A_330, %select_n3A_303 : vector<16xf32>
    %eq3A = arith.cmpf oeq, %get3A_330, %select_n3A_303 : vector<16xf32>
    %lt3A = arith.cmpi slt, %get3A_333, %select_n3A_304 : vector<16xi32>
    %and3A = arith.andi %eq3A, %lt3A : vector<16xi1>
    %or3A = arith.ori %gt3A_334, %and3A : vector<16xi1>
    %select_n3A_335 = arith.select %or3A, %get3A_330, %select_n3A_303 : vector<16xi1>, vector<16xf32>
    %select_n3A_336 = arith.select %or3A, %get3A_333, %select_n3A_304 : vector<16xi1>, vector<16xi32>
    %swap3A_337 = arith.constant 0 : index
    %swap3A_338 = tpu.vector_load %arg10[%swap3A_337] {strides = array<i32>} : memref<32xf32, #tpu.memory_space<vmem>>, vector<16xf32>,
    %swap3A_339 = vector.shape_cast %swap3A_338 : vector<16xf32> to vector<16xf32>
    %swap3A_340 = vector.shape_cast %select_n3A_335 : vector<16xf32> to vector<16xf32>
    tpu.vector_store %arg10[%swap3A_337], %swap3A_340 {strides = array<i32>} : memref<32xf32, #tpu.memory_space<vmem>>, vector<16xf32>,
    %swap3A_341 = arith.constant 16 : index
    %swap3A_342 = tpu.vector_load %arg10[%swap3A_341] {strides = array<i32>} : memref<32xf32, #tpu.memory_space<vmem>>, vector<16xf32>,
    %swap3A_343 = vector.shape_cast %swap3A_342 : vector<16xf32> to vector<16xf32>
    %swap3A_344 = vector.shape_cast %select_n3A_335 : vector<16xf32> to vector<16xf32>
    tpu.vector_store %arg10[%swap3A_341], %swap3A_344 {strides = array<i32>} : memref<32xf32, #tpu.memory_space<vmem>>, vector<16xf32>,
    %swap3A_345 = arith.constant 0 : index
    %swap3A_346 = tpu.vector_load %arg11[%swap3A_345] {strides = array<i32>} : memref<32xi32, #tpu.memory_space<vmem>>, vector<16xi32>,
    %swap3A_347 = vector.shape_cast %swap3A_346 : vector<16xi32> to vector<16xi32>
    %swap3A_348 = vector.shape_cast %select_n3A_336 : vector<16xi32> to vector<16xi32>
    tpu.vector_store %arg11[%swap3A_345], %swap3A_348 {strides = array<i32>} : memref<32xi32, #tpu.memory_space<vmem>>, vector<16xi32>,
    %swap3A_349 = arith.constant 16 : index
    %swap3A_350 = tpu.vector_load %arg11[%swap3A_349] {strides = array<i32>} : memref<32xi32, #tpu.memory_space<vmem>>, vector<16xi32>,
    %swap3A_351 = vector.shape_cast %swap3A_350 : vector<16xi32> to vector<16xi32>
    %swap3A_352 = vector.shape_cast %select_n3A_336 : vector<16xi32> to vector<16xi32>
    tpu.vector_store %arg11[%swap3A_349], %swap3A_352 {strides = array<i32>} : memref<32xi32, #tpu.memory_space<vmem>>, vector<16xi32>,
    %get3A_353 = arith.constant 2 : index
    %get3A_354 = tpu.vector_load %arg10[%get3A_353] {strides = array<i32>} : memref<32xf32, #tpu.memory_space<vmem>>, vector<16xf32>,
    %get3A_355 = vector.shape_cast %get3A_354 : vector<16xf32> to vector<16xf32>
    %get3A_356 = arith.constant 2 : index
    %get3A_357 = tpu.vector_load %arg11[%get3A_356] {strides = array<i32>} : memref<32xi32, #tpu.memory_space<vmem>>, vector<16xi32>,
    %get3A_358 = vector.shape_cast %get3A_357 : vector<16xi32> to vector<16xi32>
    %gt3A_359 = arith.cmpf ogt, %get3A_355, %select_n3A_335 : vector<16xf32>
    %eq3A_360 = arith.cmpf oeq, %get3A_355, %select_n3A_335 : vector<16xf32>
    %lt3A_361 = arith.cmpi slt, %get3A_358, %select_n3A_336 : vector<16xi32>
    %and3A_362 = arith.andi %eq3A_360, %lt3A_361 : vector<16xi1>
    %or3A_363 = arith.ori %gt3A_359, %and3A_362 : vector<16xi1>
    %select_n3A_364 = arith.select %or3A_363, %get3A_355, %select_n3A_335 : vector<16xi1>, vector<16xf32>
    %select_n3A_365 = arith.select %or3A_363, %get3A_358, %select_n3A_336 : vector<16xi1>, vector<16xi32>
    %swap3A_366 = arith.constant 0 : index
    %swap3A_367 = tpu.vector_load %arg10[%swap3A_366] {strides = array<i32>} : memref<32xf32, #tpu.memory_space<vmem>>, vector<16xf32>,
    %swap3A_368 = vector.shape_cast %swap3A_367 : vector<16xf32> to vector<16xf32>
    %swap3A_369 = vector.shape_cast %select_n3A_364 : vector<16xf32> to vector<16xf32>
    tpu.vector_store %arg10[%swap3A_366], %swap3A_369 {strides = array<i32>} : memref<32xf32, #tpu.memory_space<vmem>>, vector<16xf32>,
    %swap3A_370 = arith.constant 16 : index
    %swap3A_371 = tpu.vector_load %arg10[%swap3A_370] {strides = array<i32>} : memref<32xf32, #tpu.memory_space<vmem>>, vector<16xf32>,
    %swap3A_372 = vector.shape_cast %swap3A_371 : vector<16xf32> to vector<16xf32>
    %swap3A_373 = vector.shape_cast %select_n3A_364 : vector<16xf32> to vector<16xf32>
    tpu.vector_store %arg10[%swap3A_370], %swap3A_373 {strides = array<i32>} : memref<32xf32, #tpu.memory_space<vmem>>, vector<16xf32>,
    %swap3A_374 = arith.constant 0 : index
    %swap3A_375 = tpu.vector_load %arg11[%swap3A_374] {strides = array<i32>} : memref<32xi32, #tpu.memory_space<vmem>>, vector<16xi32>,
    %swap3A_376 = vector.shape_cast %swap3A_375 : vector<16xi32> to vector<16xi32>
    %swap3A_377 = vector.shape_cast %select_n3A_365 : vector<16xi32> to vector<16xi32>
    tpu.vector_store %arg11[%swap3A_374], %swap3A_377 {strides = array<i32>} : memref<32xi32, #tpu.memory_space<vmem>>, vector<16xi32>,
    %swap3A_378 = arith.constant 16 : index
    %swap3A_379 = tpu.vector_load %arg11[%swap3A_378] {strides = array<i32>} : memref<32xi32, #tpu.memory_space<vmem>>, vector<16xi32>,
    %swap3A_380 = vector.shape_cast %swap3A_379 : vector<16xi32> to vector<16xi32>
    %swap3A_381 = vector.shape_cast %select_n3A_365 : vector<16xi32> to vector<16xi32>
    tpu.vector_store %arg11[%swap3A_378], %swap3A_381 {strides = array<i32>} : memref<32xi32, #tpu.memory_space<vmem>>, vector<16xi32>,
    %get3A_382 = arith.constant 4 : index
    %get3A_383 = tpu.vector_load %arg10[%get3A_382] {strides = array<i32>} : memref<32xf32, #tpu.memory_space<vmem>>, vector<16xf32>,
    %get3A_384 = vector.shape_cast %get3A_383 : vector<16xf32> to vector<16xf32>
    %get3A_385 = arith.constant 4 : index
    %get3A_386 = tpu.vector_load %arg11[%get3A_385] {strides = array<i32>} : memref<32xi32, #tpu.memory_space<vmem>>, vector<16xi32>,
    %get3A_387 = vector.shape_cast %get3A_386 : vector<16xi32> to vector<16xi32>
    %gt3A_388 = arith.cmpf ogt, %get3A_384, %select_n3A_364 : vector<16xf32>
    %eq3A_389 = arith.cmpf oeq, %get3A_384, %select_n3A_364 : vector<16xf32>
    %lt3A_390 = arith.cmpi slt, %get3A_387, %select_n3A_365 : vector<16xi32>
    %and3A_391 = arith.andi %eq3A_389, %lt3A_390 : vector<16xi1>
    %or3A_392 = arith.ori %gt3A_388, %and3A_391 : vector<16xi1>
    %select_n3A_393 = arith.select %or3A_392, %get3A_384, %select_n3A_364 : vector<16xi1>, vector<16xf32>
    %select_n3A_394 = arith.select %or3A_392, %get3A_387, %select_n3A_365 : vector<16xi1>, vector<16xi32>
    %swap3A_395 = arith.constant 0 : index
    %swap3A_396 = tpu.vector_load %arg10[%swap3A_395] {strides = array<i32>} : memref<32xf32, #tpu.memory_space<vmem>>, vector<16xf32>,
    %swap3A_397 = vector.shape_cast %swap3A_396 : vector<16xf32> to vector<16xf32>
    %swap3A_398 = vector.shape_cast %select_n3A_393 : vector<16xf32> to vector<16xf32>
    tpu.vector_store %arg10[%swap3A_395], %swap3A_398 {strides = array<i32>} : memref<32xf32, #tpu.memory_space<vmem>>, vector<16xf32>,
    %swap3A_399 = arith.constant 16 : index
    %swap3A_400 = tpu.vector_load %arg10[%swap3A_399] {strides = array<i32>} : memref<32xf32, #tpu.memory_space<vmem>>, vector<16xf32>,
    %swap3A_401 = vector.shape_cast %swap3A_400 : vector<16xf32> to vector<16xf32>
    %swap3A_402 = vector.shape_cast %select_n3A_393 : vector<16xf32> to vector<16xf32>
    tpu.vector_store %arg10[%swap3A_399], %swap3A_402 {strides = array<i32>} : memref<32xf32, #tpu.memory_space<vmem>>, vector<16xf32>,
    %swap3A_403 = arith.constant 0 : index
    %swap3A_404 = tpu.vector_load %arg11[%swap3A_403] {strides = array<i32>} : memref<32xi32, #tpu.memory_space<vmem>>, vector<16xi32>,
    %swap3A_405 = vector.shape_cast %swap3A_404 : vector<16xi32> to vector<16xi32>
    %swap3A_406 = vector.shape_cast %select_n3A_394 : vector<16xi32> to vector<16xi32>
    tpu.vector_store %arg11[%swap3A_403], %swap3A_406 {strides = array<i32>} : memref<32xi32, #tpu.memory_space<vmem>>, vector<16xi32>,
    %swap3A_407 = arith.constant 16 : index
    %swap3A_408 = tpu.vector_load %arg11[%swap3A_407] {strides = array<i32>} : memref<32xi32, #tpu.memory_space<vmem>>, vector<16xi32>,
    %swap3A_409 = vector.shape_cast %swap3A_408 : vector<16xi32> to vector<16xi32>
    %swap3A_410 = vector.shape_cast %select_n3A_394 : vector<16xi32> to vector<16xi32>
    tpu.vector_store %arg11[%swap3A_407], %swap3A_410 {strides = array<i32>} : memref<32xi32, #tpu.memory_space<vmem>>, vector<16xi32>,
    %get3A_411 = arith.constant 8 : index
    %get3A_412 = tpu.vector_load %arg10[%get3A_411] {strides = array<i32>} : memref<32xf32, #tpu.memory_space<vmem>>, vector<16xf32>,
    %get3A_413 = vector.shape_cast %get3A_412 : vector<16xf32> to vector<16xf32>
    %get3A_414 = arith.constant 8 : index
    %get3A_415 = tpu.vector_load %arg11[%get3A_414] {strides = array<i32>} : memref<32xi32, #tpu.memory_space<vmem>>, vector<16xi32>,
    %get3A_416 = vector.shape_cast %get3A_415 : vector<16xi32> to vector<16xi32>
    %gt3A_417 = arith.cmpf ogt, %get3A_413, %select_n3A_393 : vector<16xf32>
    %eq3A_418 = arith.cmpf oeq, %get3A_413, %select_n3A_393 : vector<16xf32>
    %lt3A_419 = arith.cmpi slt, %get3A_416, %select_n3A_394 : vector<16xi32>
    %and3A_420 = arith.andi %eq3A_418, %lt3A_419 : vector<16xi1>
    %or3A_421 = arith.ori %gt3A_417, %and3A_420 : vector<16xi1>
    %select_n3A_422 = arith.select %or3A_421, %get3A_413, %select_n3A_393 : vector<16xi1>, vector<16xf32>
    %select_n3A_423 = arith.select %or3A_421, %get3A_416, %select_n3A_394 : vector<16xi1>, vector<16xi32>
    %eq3A_424 = arith.cmpi eq, %select_n3A_304, %select_n3A_423 : vector<16xi32>
    %select_n3A_425 = arith.select %eq3A_424, %select_n3A_306, %select_n3A_303 : vector<16xi1>, vector<16xf32>
    %select_n3A_426 = arith.select %eq3A_424, %select_n3A_308, %select_n3A_304 : vector<16xi1>, vector<16xi32>
    %select_n3A_427 = arith.select %eq3A_424, %select_n3A_310, %select_n3A_306 : vector<16xi1>, vector<16xf32>
    %select_n3A_428 = arith.select %eq3A_424, %select_n3A_312, %select_n3A_308 : vector<16xi1>, vector<16xi32>
    %swap3A_429 = arith.constant 0 : index
    %swap3A_430 = tpu.vector_load %arg10[%swap3A_429] {strides = array<i32>} : memref<32xf32, #tpu.memory_space<vmem>>, vector<16xf32>,
    %swap3A_431 = vector.shape_cast %swap3A_430 : vector<16xf32> to vector<16xf32>
    %swap3A_432 = vector.shape_cast %select_n3A_425 : vector<16xf32> to vector<16xf32>
    tpu.vector_store %arg10[%swap3A_429], %swap3A_432 {strides = array<i32>} : memref<32xf32, #tpu.memory_space<vmem>>, vector<16xf32>,
    %swap3A_433 = arith.constant 16 : index
    %swap3A_434 = tpu.vector_load %arg10[%swap3A_433] {strides = array<i32>} : memref<32xf32, #tpu.memory_space<vmem>>, vector<16xf32>,
    %swap3A_435 = vector.shape_cast %swap3A_434 : vector<16xf32> to vector<16xf32>
    %swap3A_436 = vector.shape_cast %select_n3A_425 : vector<16xf32> to vector<16xf32>
    tpu.vector_store %arg10[%swap3A_433], %swap3A_436 {strides = array<i32>} : memref<32xf32, #tpu.memory_space<vmem>>, vector<16xf32>,
    %swap3A_437 = arith.constant 0 : index
    %swap3A_438 = tpu.vector_load %arg11[%swap3A_437] {strides = array<i32>} : memref<32xi32, #tpu.memory_space<vmem>>, vector<16xi32>,
    %swap3A_439 = vector.shape_cast %swap3A_438 : vector<16xi32> to vector<16xi32>
    %swap3A_440 = vector.shape_cast %select_n3A_426 : vector<16xi32> to vector<16xi32>
    tpu.vector_store %arg11[%swap3A_437], %swap3A_440 {strides = array<i32>} : memref<32xi32, #tpu.memory_space<vmem>>, vector<16xi32>,
    %swap3A_441 = arith.constant 16 : index
    %swap3A_442 = tpu.vector_load %arg11[%swap3A_441] {strides = array<i32>} : memref<32xi32, #tpu.memory_space<vmem>>, vector<16xi32>,
    %swap3A_443 = vector.shape_cast %swap3A_442 : vector<16xi32> to vector<16xi32>
    %swap3A_444 = vector.shape_cast %select_n3A_426 : vector<16xi32> to vector<16xi32>
    tpu.vector_store %arg11[%swap3A_441], %swap3A_444 {strides = array<i32>} : memref<32xi32, #tpu.memory_space<vmem>>, vector<16xi32>,
    %get3A_445 = arith.constant 1 : index
    %get3A_446 = tpu.vector_load %arg10[%get3A_445] {strides = array<i32>} : memref<32xf32, #tpu.memory_space<vmem>>, vector<16xf32>,
    %get3A_447 = vector.shape_cast %get3A_446 : vector<16xf32> to vector<16xf32>
    %get3A_448 = arith.constant 1 : index
    %get3A_449 = tpu.vector_load %arg11[%get3A_448] {strides = array<i32>} : memref<32xi32, #tpu.memory_space<vmem>>, vector<16xi32>,
    %get3A_450 = vector.shape_cast %get3A_449 : vector<16xi32> to vector<16xi32>
    %gt3A_451 = arith.cmpf ogt, %get3A_447, %select_n3A_425 : vector<16xf32>
    %eq3A_452 = arith.cmpf oeq, %get3A_447, %select_n3A_425 : vector<16xf32>
    %lt3A_453 = arith.cmpi slt, %get3A_450, %select_n3A_426 : vector<16xi32>
    %and3A_454 = arith.andi %eq3A_452, %lt3A_453 : vector<16xi1>
    %or3A_455 = arith.ori %gt3A_451, %and3A_454 : vector<16xi1>
    %select_n3A_456 = arith.select %or3A_455, %get3A_447, %select_n3A_425 : vector<16xi1>, vector<16xf32>
    %select_n3A_457 = arith.select %or3A_455, %get3A_450, %select_n3A_426 : vector<16xi1>, vector<16xi32>
    %swap3A_458 = arith.constant 0 : index
    %swap3A_459 = tpu.vector_load %arg10[%swap3A_458] {strides = array<i32>} : memref<32xf32, #tpu.memory_space<vmem>>, vector<16xf32>,
    %swap3A_460 = vector.shape_cast %swap3A_459 : vector<16xf32> to vector<16xf32>
    %swap3A_461 = vector.shape_cast %select_n3A_456 : vector<16xf32> to vector<16xf32>
    tpu.vector_store %arg10[%swap3A_458], %swap3A_461 {strides = array<i32>} : memref<32xf32, #tpu.memory_space<vmem>>, vector<16xf32>,
    %swap3A_462 = arith.constant 16 : index
    %swap3A_463 = tpu.vector_load %arg10[%swap3A_462] {strides = array<i32>} : memref<32xf32, #tpu.memory_space<vmem>>, vector<16xf32>,
    %swap3A_464 = vector.shape_cast %swap3A_463 : vector<16xf32> to vector<16xf32>
    %swap3A_465 = vector.shape_cast %select_n3A_456 : vector<16xf32> to vector<16xf32>
    tpu.vector_store %arg10[%swap3A_462], %swap3A_465 {strides = array<i32>} : memref<32xf32, #tpu.memory_space<vmem>>, vector<16xf32>,
    %swap3A_466 = arith.constant 0 : index
    %swap3A_467 = tpu.vector_load %arg11[%swap3A_466] {strides = array<i32>} : memref<32xi32, #tpu.memory_space<vmem>>, vector<16xi32>,
    %swap3A_468 = vector.shape_cast %swap3A_467 : vector<16xi32> to vector<16xi32>
    %swap3A_469 = vector.shape_cast %select_n3A_457 : vector<16xi32> to vector<16xi32>
    tpu.vector_store %arg11[%swap3A_466], %swap3A_469 {strides = array<i32>} : memref<32xi32, #tpu.memory_space<vmem>>, vector<16xi32>,
    %swap3A_470 = arith.constant 16 : index
    %swap3A_471 = tpu.vector_load %arg11[%swap3A_470] {strides = array<i32>} : memref<32xi32, #tpu.memory_space<vmem>>, vector<16xi32>,
    %swap3A_472 = vector.shape_cast %swap3A_471 : vector<16xi32> to vector<16xi32>
    %swap3A_473 = vector.shape_cast %select_n3A_457 : vector<16xi32> to vector<16xi32>
    tpu.vector_store %arg11[%swap3A_470], %swap3A_473 {strides = array<i32>} : memref<32xi32, #tpu.memory_space<vmem>>, vector<16xi32>,
    %get3A_474 = arith.constant 2 : index
    %get3A_475 = tpu.vector_load %arg10[%get3A_474] {strides = array<i32>} : memref<32xf32, #tpu.memory_space<vmem>>, vector<16xf32>,
    %get3A_476 = vector.shape_cast %get3A_475 : vector<16xf32> to vector<16xf32>
    %get3A_477 = arith.constant 2 : index
    %get3A_478 = tpu.vector_load %arg11[%get3A_477] {strides = array<i32>} : memref<32xi32, #tpu.memory_space<vmem>>, vector<16xi32>,
    %get3A_479 = vector.shape_cast %get3A_478 : vector<16xi32> to vector<16xi32>
    %gt3A_480 = arith.cmpf ogt, %get3A_476, %select_n3A_456 : vector<16xf32>
    %eq3A_481 = arith.cmpf oeq, %get3A_476, %select_n3A_456 : vector<16xf32>
    %lt3A_482 = arith.cmpi slt, %get3A_479, %select_n3A_457 : vector<16xi32>
    %and3A_483 = arith.andi %eq3A_481, %lt3A_482 : vector<16xi1>
    %or3A_484 = arith.ori %gt3A_480, %and3A_483 : vector<16xi1>
    %select_n3A_485 = arith.select %or3A_484, %get3A_476, %select_n3A_456 : vector<16xi1>, vector<16xf32>
    %select_n3A_486 = arith.select %or3A_484, %get3A_479, %select_n3A_457 : vector<16xi1>, vector<16xi32>
    %swap3A_487 = arith.constant 0 : index
    %swap3A_488 = tpu.vector_load %arg10[%swap3A_487] {strides = array<i32>} : memref<32xf32, #tpu.memory_space<vmem>>, vector<16xf32>,
    %swap3A_489 = vector.shape_cast %swap3A_488 : vector<16xf32> to vector<16xf32>
    %swap3A_490 = vector.shape_cast %select_n3A_485 : vector<16xf32> to vector<16xf32>
    tpu.vector_store %arg10[%swap3A_487], %swap3A_490 {strides = array<i32>} : memref<32xf32, #tpu.memory_space<vmem>>, vector<16xf32>,
    %swap3A_491 = arith.constant 16 : index
    %swap3A_492 = tpu.vector_load %arg10[%swap3A_491] {strides = array<i32>} : memref<32xf32, #tpu.memory_space<vmem>>, vector<16xf32>,
    %swap3A_493 = vector.shape_cast %swap3A_492 : vector<16xf32> to vector<16xf32>
    %swap3A_494 = vector.shape_cast %select_n3A_485 : vector<16xf32> to vector<16xf32>
    tpu.vector_store %arg10[%swap3A_491], %swap3A_494 {strides = array<i32>} : memref<32xf32, #tpu.memory_space<vmem>>, vector<16xf32>,
    %swap3A_495 = arith.constant 0 : index
    %swap3A_496 = tpu.vector_load %arg11[%swap3A_495] {strides = array<i32>} : memref<32xi32, #tpu.memory_space<vmem>>, vector<16xi32>,
    %swap3A_497 = vector.shape_cast %swap3A_496 : vector<16xi32> to vector<16xi32>
    %swap3A_498 = vector.shape_cast %select_n3A_486 : vector<16xi32> to vector<16xi32>
    tpu.vector_store %arg11[%swap3A_495], %swap3A_498 {strides = array<i32>} : memref<32xi32, #tpu.memory_space<vmem>>, vector<16xi32>,
    %swap3A_499 = arith.constant 16 : index
    %swap3A_500 = tpu.vector_load %arg11[%swap3A_499] {strides = array<i32>} : memref<32xi32, #tpu.memory_space<vmem>>, vector<16xi32>,
    %swap3A_501 = vector.shape_cast %swap3A_500 : vector<16xi32> to vector<16xi32>
    %swap3A_502 = vector.shape_cast %select_n3A_486 : vector<16xi32> to vector<16xi32>
    tpu.vector_store %arg11[%swap3A_499], %swap3A_502 {strides = array<i32>} : memref<32xi32, #tpu.memory_space<vmem>>, vector<16xi32>,
    %get3A_503 = arith.constant 4 : index
    %get3A_504 = tpu.vector_load %arg10[%get3A_503] {strides = array<i32>} : memref<32xf32, #tpu.memory_space<vmem>>, vector<16xf32>,
    %get3A_505 = vector.shape_cast %get3A_504 : vector<16xf32> to vector<16xf32>
    %get3A_506 = arith.constant 4 : index
    %get3A_507 = tpu.vector_load %arg11[%get3A_506] {strides = array<i32>} : memref<32xi32, #tpu.memory_space<vmem>>, vector<16xi32>,
    %get3A_508 = vector.shape_cast %get3A_507 : vector<16xi32> to vector<16xi32>
    %gt3A_509 = arith.cmpf ogt, %get3A_505, %select_n3A_485 : vector<16xf32>
    %eq3A_510 = arith.cmpf oeq, %get3A_505, %select_n3A_485 : vector<16xf32>
    %lt3A_511 = arith.cmpi slt, %get3A_508, %select_n3A_486 : vector<16xi32>
    %and3A_512 = arith.andi %eq3A_510, %lt3A_511 : vector<16xi1>
    %or3A_513 = arith.ori %gt3A_509, %and3A_512 : vector<16xi1>
    %select_n3A_514 = arith.select %or3A_513, %get3A_505, %select_n3A_485 : vector<16xi1>, vector<16xf32>
    %select_n3A_515 = arith.select %or3A_513, %get3A_508, %select_n3A_486 : vector<16xi1>, vector<16xi32>
    %swap3A_516 = arith.constant 0 : index
    %swap3A_517 = tpu.vector_load %arg10[%swap3A_516] {strides = array<i32>} : memref<32xf32, #tpu.memory_space<vmem>>, vector<16xf32>,
    %swap3A_518 = vector.shape_cast %swap3A_517 : vector<16xf32> to vector<16xf32>
    %swap3A_519 = vector.shape_cast %select_n3A_514 : vector<16xf32> to vector<16xf32>
    tpu.vector_store %arg10[%swap3A_516], %swap3A_519 {strides = array<i32>} : memref<32xf32, #tpu.memory_space<vmem>>, vector<16xf32>,
    %swap3A_520 = arith.constant 16 : index
    %swap3A_521 = tpu.vector_load %arg10[%swap3A_520] {strides = array<i32>} : memref<32xf32, #tpu.memory_space<vmem>>, vector<16xf32>,
    %swap3A_522 = vector.shape_cast %swap3A_521 : vector<16xf32> to vector<16xf32>
    %swap3A_523 = vector.shape_cast %select_n3A_514 : vector<16xf32> to vector<16xf32>
    tpu.vector_store %arg10[%swap3A_520], %swap3A_523 {strides = array<i32>} : memref<32xf32, #tpu.memory_space<vmem>>, vector<16xf32>,
    %swap3A_524 = arith.constant 0 : index
    %swap3A_525 = tpu.vector_load %arg11[%swap3A_524] {strides = array<i32>} : memref<32xi32, #tpu.memory_space<vmem>>, vector<16xi32>,
    %swap3A_526 = vector.shape_cast %swap3A_525 : vector<16xi32> to vector<16xi32>
    %swap3A_527 = vector.shape_cast %select_n3A_515 : vector<16xi32> to vector<16xi32>
    tpu.vector_store %arg11[%swap3A_524], %swap3A_527 {strides = array<i32>} : memref<32xi32, #tpu.memory_space<vmem>>, vector<16xi32>,
    %swap3A_528 = arith.constant 16 : index
    %swap3A_529 = tpu.vector_load %arg11[%swap3A_528] {strides = array<i32>} : memref<32xi32, #tpu.memory_space<vmem>>, vector<16xi32>,
    %swap3A_530 = vector.shape_cast %swap3A_529 : vector<16xi32> to vector<16xi32>
    %swap3A_531 = vector.shape_cast %select_n3A_515 : vector<16xi32> to vector<16xi32>
    tpu.vector_store %arg11[%swap3A_528], %swap3A_531 {strides = array<i32>} : memref<32xi32, #tpu.memory_space<vmem>>, vector<16xi32>,
    %get3A_532 = arith.constant 8 : index
    %get3A_533 = tpu.vector_load %arg10[%get3A_532] {strides = array<i32>} : memref<32xf32, #tpu.memory_space<vmem>>, vector<16xf32>,
    %get3A_534 = vector.shape_cast %get3A_533 : vector<16xf32> to vector<16xf32>
    %get3A_535 = arith.constant 8 : index
    %get3A_536 = tpu.vector_load %arg11[%get3A_535] {strides = array<i32>} : memref<32xi32, #tpu.memory_space<vmem>>, vector<16xi32>,
    %get3A_537 = vector.shape_cast %get3A_536 : vector<16xi32> to vector<16xi32>
    %gt3A_538 = arith.cmpf ogt, %get3A_534, %select_n3A_514 : vector<16xf32>
    %eq3A_539 = arith.cmpf oeq, %get3A_534, %select_n3A_514 : vector<16xf32>
    %lt3A_540 = arith.cmpi slt, %get3A_537, %select_n3A_515 : vector<16xi32>
    %and3A_541 = arith.andi %eq3A_539, %lt3A_540 : vector<16xi1>
    %or3A_542 = arith.ori %gt3A_538, %and3A_541 : vector<16xi1>
    %select_n3A_543 = arith.select %or3A_542, %get3A_534, %select_n3A_514 : vector<16xi1>, vector<16xf32>
    %select_n3A_544 = arith.select %or3A_542, %get3A_537, %select_n3A_515 : vector<16xi1>, vector<16xi32>
    %eq3A_545 = arith.cmpi eq, %select_n3A_426, %select_n3A_544 : vector<16xi32>
    %select_n3A_546 = arith.select %eq3A_545, %select_n3A_427, %select_n3A_425 : vector<16xi1>, vector<16xf32>
    %select_n3A_547 = arith.select %eq3A_545, %select_n3A_428, %select_n3A_426 : vector<16xi1>, vector<16xi32>
    %select_n3A_548 = arith.select %eq3A_545, %select_n3A_310, %select_n3A_427 : vector<16xi1>, vector<16xf32>
    %select_n3A_549 = arith.select %eq3A_545, %select_n3A_312, %select_n3A_428 : vector<16xi1>, vector<16xi32>
    %swap3A_550 = arith.constant 0 : index
    %swap3A_551 = tpu.vector_load %arg10[%swap3A_550] {strides = array<i32>} : memref<32xf32, #tpu.memory_space<vmem>>, vector<16xf32>,
    %swap3A_552 = vector.shape_cast %swap3A_551 : vector<16xf32> to vector<16xf32>
    %swap3A_553 = vector.shape_cast %select_n3A_546 : vector<16xf32> to vector<16xf32>
    tpu.vector_store %arg10[%swap3A_550], %swap3A_553 {strides = array<i32>} : memref<32xf32, #tpu.memory_space<vmem>>, vector<16xf32>,
    %swap3A_554 = arith.constant 16 : index
    %swap3A_555 = tpu.vector_load %arg10[%swap3A_554] {strides = array<i32>} : memref<32xf32, #tpu.memory_space<vmem>>, vector<16xf32>,
    %swap3A_556 = vector.shape_cast %swap3A_555 : vector<16xf32> to vector<16xf32>
    %swap3A_557 = vector.shape_cast %select_n3A_546 : vector<16xf32> to vector<16xf32>
    tpu.vector_store %arg10[%swap3A_554], %swap3A_557 {strides = array<i32>} : memref<32xf32, #tpu.memory_space<vmem>>, vector<16xf32>,
    %swap3A_558 = arith.constant 0 : index
    %swap3A_559 = tpu.vector_load %arg11[%swap3A_558] {strides = array<i32>} : memref<32xi32, #tpu.memory_space<vmem>>, vector<16xi32>,
    %swap3A_560 = vector.shape_cast %swap3A_559 : vector<16xi32> to vector<16xi32>
    %swap3A_561 = vector.shape_cast %select_n3A_547 : vector<16xi32> to vector<16xi32>
    tpu.vector_store %arg11[%swap3A_558], %swap3A_561 {strides = array<i32>} : memref<32xi32, #tpu.memory_space<vmem>>, vector<16xi32>,
    %swap3A_562 = arith.constant 16 : index
    %swap3A_563 = tpu.vector_load %arg11[%swap3A_562] {strides = array<i32>} : memref<32xi32, #tpu.memory_space<vmem>>, vector<16xi32>,
    %swap3A_564 = vector.shape_cast %swap3A_563 : vector<16xi32> to vector<16xi32>
    %swap3A_565 = vector.shape_cast %select_n3A_547 : vector<16xi32> to vector<16xi32>
    tpu.vector_store %arg11[%swap3A_562], %swap3A_565 {strides = array<i32>} : memref<32xi32, #tpu.memory_space<vmem>>, vector<16xi32>,
    %get3A_566 = arith.constant 1 : index
    %get3A_567 = tpu.vector_load %arg10[%get3A_566] {strides = array<i32>} : memref<32xf32, #tpu.memory_space<vmem>>, vector<16xf32>,
    %get3A_568 = vector.shape_cast %get3A_567 : vector<16xf32> to vector<16xf32>
    %get3A_569 = arith.constant 1 : index
    %get3A_570 = tpu.vector_load %arg11[%get3A_569] {strides = array<i32>} : memref<32xi32, #tpu.memory_space<vmem>>, vector<16xi32>,
    %get3A_571 = vector.shape_cast %get3A_570 : vector<16xi32> to vector<16xi32>
    %gt3A_572 = arith.cmpf ogt, %get3A_568, %select_n3A_546 : vector<16xf32>
    %eq3A_573 = arith.cmpf oeq, %get3A_568, %select_n3A_546 : vector<16xf32>
    %lt3A_574 = arith.cmpi slt, %get3A_571, %select_n3A_547 : vector<16xi32>
    %and3A_575 = arith.andi %eq3A_573, %lt3A_574 : vector<16xi1>
    %or3A_576 = arith.ori %gt3A_572, %and3A_575 : vector<16xi1>
    %select_n3A_577 = arith.select %or3A_576, %get3A_568, %select_n3A_546 : vector<16xi1>, vector<16xf32>
    %select_n3A_578 = arith.select %or3A_576, %get3A_571, %select_n3A_547 : vector<16xi1>, vector<16xi32>
    %swap3A_579 = arith.constant 0 : index
    %swap3A_580 = tpu.vector_load %arg10[%swap3A_579] {strides = array<i32>} : memref<32xf32, #tpu.memory_space<vmem>>, vector<16xf32>,
    %swap3A_581 = vector.shape_cast %swap3A_580 : vector<16xf32> to vector<16xf32>
    %swap3A_582 = vector.shape_cast %select_n3A_577 : vector<16xf32> to vector<16xf32>
    tpu.vector_store %arg10[%swap3A_579], %swap3A_582 {strides = array<i32>} : memref<32xf32, #tpu.memory_space<vmem>>, vector<16xf32>,
    %swap3A_583 = arith.constant 16 : index
    %swap3A_584 = tpu.vector_load %arg10[%swap3A_583] {strides = array<i32>} : memref<32xf32, #tpu.memory_space<vmem>>, vector<16xf32>,
    %swap3A_585 = vector.shape_cast %swap3A_584 : vector<16xf32> to vector<16xf32>
    %swap3A_586 = vector.shape_cast %select_n3A_577 : vector<16xf32> to vector<16xf32>
    tpu.vector_store %arg10[%swap3A_583], %swap3A_586 {strides = array<i32>} : memref<32xf32, #tpu.memory_space<vmem>>, vector<16xf32>,
    %swap3A_587 = arith.constant 0 : index
    %swap3A_588 = tpu.vector_load %arg11[%swap3A_587] {strides = array<i32>} : memref<32xi32, #tpu.memory_space<vmem>>, vector<16xi32>,
    %swap3A_589 = vector.shape_cast %swap3A_588 : vector<16xi32> to vector<16xi32>
    %swap3A_590 = vector.shape_cast %select_n3A_578 : vector<16xi32> to vector<16xi32>
    tpu.vector_store %arg11[%swap3A_587], %swap3A_590 {strides = array<i32>} : memref<32xi32, #tpu.memory_space<vmem>>, vector<16xi32>,
    %swap3A_591 = arith.constant 16 : index
    %swap3A_592 = tpu.vector_load %arg11[%swap3A_591] {strides = array<i32>} : memref<32xi32, #tpu.memory_space<vmem>>, vector<16xi32>,
    %swap3A_593 = vector.shape_cast %swap3A_592 : vector<16xi32> to vector<16xi32>
    %swap3A_594 = vector.shape_cast %select_n3A_578 : vector<16xi32> to vector<16xi32>
    tpu.vector_store %arg11[%swap3A_591], %swap3A_594 {strides = array<i32>} : memref<32xi32, #tpu.memory_space<vmem>>, vector<16xi32>,
    %get3A_595 = arith.constant 2 : index
    %get3A_596 = tpu.vector_load %arg10[%get3A_595] {strides = array<i32>} : memref<32xf32, #tpu.memory_space<vmem>>, vector<16xf32>,
    %get3A_597 = vector.shape_cast %get3A_596 : vector<16xf32> to vector<16xf32>
    %get3A_598 = arith.constant 2 : index
    %get3A_599 = tpu.vector_load %arg11[%get3A_598] {strides = array<i32>} : memref<32xi32, #tpu.memory_space<vmem>>, vector<16xi32>,
    %get3A_600 = vector.shape_cast %get3A_599 : vector<16xi32> to vector<16xi32>
    %gt3A_601 = arith.cmpf ogt, %get3A_597, %select_n3A_577 : vector<16xf32>
    %eq3A_602 = arith.cmpf oeq, %get3A_597, %select_n3A_577 : vector<16xf32>
    %lt3A_603 = arith.cmpi slt, %get3A_600, %select_n3A_578 : vector<16xi32>
    %and3A_604 = arith.andi %eq3A_602, %lt3A_603 : vector<16xi1>
    %or3A_605 = arith.ori %gt3A_601, %and3A_604 : vector<16xi1>
    %select_n3A_606 = arith.select %or3A_605, %get3A_597, %select_n3A_577 : vector<16xi1>, vector<16xf32>
    %select_n3A_607 = arith.select %or3A_605, %get3A_600, %select_n3A_578 : vector<16xi1>, vector<16xi32>
    %swap3A_608 = arith.constant 0 : index
    %swap3A_609 = tpu.vector_load %arg10[%swap3A_608] {strides = array<i32>} : memref<32xf32, #tpu.memory_space<vmem>>, vector<16xf32>,
    %swap3A_610 = vector.shape_cast %swap3A_609 : vector<16xf32> to vector<16xf32>
    %swap3A_611 = vector.shape_cast %select_n3A_606 : vector<16xf32> to vector<16xf32>
    tpu.vector_store %arg10[%swap3A_608], %swap3A_611 {strides = array<i32>} : memref<32xf32, #tpu.memory_space<vmem>>, vector<16xf32>,
    %swap3A_612 = arith.constant 16 : index
    %swap3A_613 = tpu.vector_load %arg10[%swap3A_612] {strides = array<i32>} : memref<32xf32, #tpu.memory_space<vmem>>, vector<16xf32>,
    %swap3A_614 = vector.shape_cast %swap3A_613 : vector<16xf32> to vector<16xf32>
    %swap3A_615 = vector.shape_cast %select_n3A_606 : vector<16xf32> to vector<16xf32>
    tpu.vector_store %arg10[%swap3A_612], %swap3A_615 {strides = array<i32>} : memref<32xf32, #tpu.memory_space<vmem>>, vector<16xf32>,
    %swap3A_616 = arith.constant 0 : index
    %swap3A_617 = tpu.vector_load %arg11[%swap3A_616] {strides = array<i32>} : memref<32xi32, #tpu.memory_space<vmem>>, vector<16xi32>,
    %swap3A_618 = vector.shape_cast %swap3A_617 : vector<16xi32> to vector<16xi32>
    %swap3A_619 = vector.shape_cast %select_n3A_607 : vector<16xi32> to vector<16xi32>
    tpu.vector_store %arg11[%swap3A_616], %swap3A_619 {strides = array<i32>} : memref<32xi32, #tpu.memory_space<vmem>>, vector<16xi32>,
    %swap3A_620 = arith.constant 16 : index
    %swap3A_621 = tpu.vector_load %arg11[%swap3A_620] {strides = array<i32>} : memref<32xi32, #tpu.memory_space<vmem>>, vector<16xi32>,
    %swap3A_622 = vector.shape_cast %swap3A_621 : vector<16xi32> to vector<16xi32>
    %swap3A_623 = vector.shape_cast %select_n3A_607 : vector<16xi32> to vector<16xi32>
    tpu.vector_store %arg11[%swap3A_620], %swap3A_623 {strides = array<i32>} : memref<32xi32, #tpu.memory_space<vmem>>, vector<16xi32>,
    %get3A_624 = arith.constant 4 : index
    %get3A_625 = tpu.vector_load %arg10[%get3A_624] {strides = array<i32>} : memref<32xf32, #tpu.memory_space<vmem>>, vector<16xf32>,
    %get3A_626 = vector.shape_cast %get3A_625 : vector<16xf32> to vector<16xf32>
    %get3A_627 = arith.constant 4 : index
    %get3A_628 = tpu.vector_load %arg11[%get3A_627] {strides = array<i32>} : memref<32xi32, #tpu.memory_space<vmem>>, vector<16xi32>,
    %get3A_629 = vector.shape_cast %get3A_628 : vector<16xi32> to vector<16xi32>
    %gt3A_630 = arith.cmpf ogt, %get3A_626, %select_n3A_606 : vector<16xf32>
    %eq3A_631 = arith.cmpf oeq, %get3A_626, %select_n3A_606 : vector<16xf32>
    %lt3A_632 = arith.cmpi slt, %get3A_629, %select_n3A_607 : vector<16xi32>
    %and3A_633 = arith.andi %eq3A_631, %lt3A_632 : vector<16xi1>
    %or3A_634 = arith.ori %gt3A_630, %and3A_633 : vector<16xi1>
    %select_n3A_635 = arith.select %or3A_634, %get3A_626, %select_n3A_606 : vector<16xi1>, vector<16xf32>
    %select_n3A_636 = arith.select %or3A_634, %get3A_629, %select_n3A_607 : vector<16xi1>, vector<16xi32>
    %swap3A_637 = arith.constant 0 : index
    %swap3A_638 = tpu.vector_load %arg10[%swap3A_637] {strides = array<i32>} : memref<32xf32, #tpu.memory_space<vmem>>, vector<16xf32>,
    %swap3A_639 = vector.shape_cast %swap3A_638 : vector<16xf32> to vector<16xf32>
    %swap3A_640 = vector.shape_cast %select_n3A_635 : vector<16xf32> to vector<16xf32>
    tpu.vector_store %arg10[%swap3A_637], %swap3A_640 {strides = array<i32>} : memref<32xf32, #tpu.memory_space<vmem>>, vector<16xf32>,
    %swap3A_641 = arith.constant 16 : index
    %swap3A_642 = tpu.vector_load %arg10[%swap3A_641] {strides = array<i32>} : memref<32xf32, #tpu.memory_space<vmem>>, vector<16xf32>,
    %swap3A_643 = vector.shape_cast %swap3A_642 : vector<16xf32> to vector<16xf32>
    %swap3A_644 = vector.shape_cast %select_n3A_635 : vector<16xf32> to vector<16xf32>
    tpu.vector_store %arg10[%swap3A_641], %swap3A_644 {strides = array<i32>} : memref<32xf32, #tpu.memory_space<vmem>>, vector<16xf32>,
    %swap3A_645 = arith.constant 0 : index
    %swap3A_646 = tpu.vector_load %arg11[%swap3A_645] {strides = array<i32>} : memref<32xi32, #tpu.memory_space<vmem>>, vector<16xi32>,
    %swap3A_647 = vector.shape_cast %swap3A_646 : vector<16xi32> to vector<16xi32>
    %swap3A_648 = vector.shape_cast %select_n3A_636 : vector<16xi32> to vector<16xi32>
    tpu.vector_store %arg11[%swap3A_645], %swap3A_648 {strides = array<i32>} : memref<32xi32, #tpu.memory_space<vmem>>, vector<16xi32>,
    %swap3A_649 = arith.constant 16 : index
    %swap3A_650 = tpu.vector_load %arg11[%swap3A_649] {strides = array<i32>} : memref<32xi32, #tpu.memory_space<vmem>>, vector<16xi32>,
    %swap3A_651 = vector.shape_cast %swap3A_650 : vector<16xi32> to vector<16xi32>
    %swap3A_652 = vector.shape_cast %select_n3A_636 : vector<16xi32> to vector<16xi32>
    tpu.vector_store %arg11[%swap3A_649], %swap3A_652 {strides = array<i32>} : memref<32xi32, #tpu.memory_space<vmem>>, vector<16xi32>,
    %get3A_653 = arith.constant 8 : index
    %get3A_654 = tpu.vector_load %arg10[%get3A_653] {strides = array<i32>} : memref<32xf32, #tpu.memory_space<vmem>>, vector<16xf32>,
    %get3A_655 = vector.shape_cast %get3A_654 : vector<16xf32> to vector<16xf32>
    %get3A_656 = arith.constant 8 : index
    %get3A_657 = tpu.vector_load %arg11[%get3A_656] {strides = array<i32>} : memref<32xi32, #tpu.memory_space<vmem>>, vector<16xi32>,
    %get3A_658 = vector.shape_cast %get3A_657 : vector<16xi32> to vector<16xi32>
    %gt3A_659 = arith.cmpf ogt, %get3A_655, %select_n3A_635 : vector<16xf32>
    %eq3A_660 = arith.cmpf oeq, %get3A_655, %select_n3A_635 : vector<16xf32>
    %lt3A_661 = arith.cmpi slt, %get3A_658, %select_n3A_636 : vector<16xi32>
    %and3A_662 = arith.andi %eq3A_660, %lt3A_661 : vector<16xi1>
    %or3A_663 = arith.ori %gt3A_659, %and3A_662 : vector<16xi1>
    %select_n3A_664 = arith.select %or3A_663, %get3A_655, %select_n3A_635 : vector<16xi1>, vector<16xf32>
    %select_n3A_665 = arith.select %or3A_663, %get3A_658, %select_n3A_636 : vector<16xi1>, vector<16xi32>
    %eq3A_666 = arith.cmpi eq, %select_n3A_547, %select_n3A_665 : vector<16xi32>
    %select_n3A_667 = arith.select %eq3A_666, %select_n3A_548, %select_n3A_546 : vector<16xi1>, vector<16xf32>
    %select_n3A_668 = arith.select %eq3A_666, %select_n3A_549, %select_n3A_547 : vector<16xi1>, vector<16xi32>
    %select_n3A_669 = arith.select %eq3A_666, %select_n3A_310, %select_n3A_548 : vector<16xi1>, vector<16xf32>
    %select_n3A_670 = arith.select %eq3A_666, %select_n3A_312, %select_n3A_549 : vector<16xi1>, vector<16xi32>
    %broadcast_in_dim3A_671 = arith.constant 0 : i32
    %broadcast_in_dim3A_672 = vector.broadcast %broadcast_in_dim3A_671 : i32 to vector<16xi32>
    %ge3A = arith.constant 3 : i32
    %ge3A_673 = vector.broadcast %ge3A : i32 to vector<16xi32>
    %ge3A_674 = arith.cmpi sge, %iota3A, %ge3A_673 : vector<16xi32>
    %add3A_675 = arith.constant 1 : i32
    %add3A_676 = vector.broadcast %add3A_675 : i32 to vector<16xi32>
    %add3A_677 = arith.addi %broadcast_in_dim3A_672, %add3A_676 : vector<16xi32>
    %select_n3A_678 = arith.select %ge3A_674, %add3A_677, %broadcast_in_dim3A_672 : vector<16xi1>, vector<16xi32>
    %ge3A_679 = arith.constant 6 : i32
    %ge3A_680 = vector.broadcast %ge3A_679 : i32 to vector<16xi32>
    %ge3A_681 = arith.cmpi sge, %iota3A, %ge3A_680 : vector<16xi32>
    %add3A_682 = arith.constant 1 : i32
    %add3A_683 = vector.broadcast %add3A_682 : i32 to vector<16xi32>
    %add3A_684 = arith.addi %select_n3A_678, %add3A_683 : vector<16xi32>
    %select_n3A_685 = arith.select %ge3A_681, %add3A_684, %select_n3A_678 : vector<16xi1>, vector<16xi32>
    %ge3A_686 = arith.constant 9 : i32
    %ge3A_687 = vector.broadcast %ge3A_686 : i32 to vector<16xi32>
    %ge3A_688 = arith.cmpi sge, %iota3A, %ge3A_687 : vector<16xi32>
    %add3A_689 = arith.constant 1 : i32
    %add3A_690 = vector.broadcast %add3A_689 : i32 to vector<16xi32>
    %add3A_691 = arith.addi %select_n3A_685, %add3A_690 : vector<16xi32>
    %select_n3A_692 = arith.select %ge3A_688, %add3A_691, %select_n3A_685 : vector<16xi1>, vector<16xi32>
    %ge3A_693 = arith.constant 12 : i32
    %ge3A_694 = vector.broadcast %ge3A_693 : i32 to vector<16xi32>
    %ge3A_695 = arith.cmpi sge, %iota3A, %ge3A_694 : vector<16xi32>
    %add3A_696 = arith.constant 1 : i32
    %add3A_697 = vector.broadcast %add3A_696 : i32 to vector<16xi32>
    %add3A_698 = arith.addi %select_n3A_692, %add3A_697 : vector<16xi32>
    %select_n3A_699 = arith.select %ge3A_695, %add3A_698, %select_n3A_692 : vector<16xi1>, vector<16xi32>
    %mul3A_700 = arith.constant 3 : i32
    %mul3A_701 = vector.broadcast %mul3A_700 : i32 to vector<16xi32>
    %mul3A_702 = arith.muli %select_n3A_699, %mul3A_701 : vector<16xi32>
    %sub3A = arith.subi %iota3A, %mul3A_702 : vector<16xi32>
    %eq3A_703 = arith.constant 0 : i32
    %eq3A_704 = vector.broadcast %eq3A_703 : i32 to vector<16xi32>
    %eq3A_705 = arith.cmpi eq, %sub3A, %eq3A_704 : vector<16xi32>
    %eq3A_706 = arith.constant 1 : i32
    %eq3A_707 = vector.broadcast %eq3A_706 : i32 to vector<16xi32>
    %eq3A_708 = arith.cmpi eq, %sub3A, %eq3A_707 : vector<16xi32>
    %select_n3A_709 = arith.select %eq3A_708, %select_n3A_544, %select_n3A_665 : vector<16xi1>, vector<16xi32>
    %select_n3A_710 = arith.select %eq3A_705, %select_n3A_423, %select_n3A_709 : vector<16xi1>, vector<16xi32>
    %broadcast_in_dim3A_711 = arith.constant 0.000000e+00 : f32
    %broadcast_in_dim3A_712 = vector.broadcast %broadcast_in_dim3A_711 : f32 to vector<16xf32>
    %broadcast_in_dim3A_713 = arith.constant 0.000000e+00 : f32
    %broadcast_in_dim3A_714 = vector.broadcast %broadcast_in_dim3A_713 : f32 to vector<16xf32>
    %add3A_715 = arith.constant 0 : i32
    %add3A_716 = vector.broadcast %add3A_715 : i32 to vector<16xi32>
    %add3A_717 = arith.addi %iota3A, %add3A_716 : vector<16xi32>
    %get3A_718 = arith.constant 0 : index
    %get3A_719 = tpu.vector_load %arg8[%get3A_718] {strides = array<i32>} : memref<1280xf32, #tpu.memory_space<vmem>>, vector<16xf32>,
    %get3A_720 = vector.shape_cast %get3A_719 : vector<16xf32> to vector<16xf32>
    %get3A_721 = arith.constant 256 : index
    %get3A_722 = tpu.vector_load %arg8[%get3A_721] {strides = array<i32>} : memref<1280xf32, #tpu.memory_space<vmem>>, vector<16xf32>,
    %get3A_723 = vector.shape_cast %get3A_722 : vector<16xf32> to vector<16xf32>
    %add3A_724 = arith.addf %get3A_720, %get3A_723 : vector<16xf32>
    %get3A_725 = arith.constant 512 : index
    %get3A_726 = tpu.vector_load %arg8[%get3A_725] {strides = array<i32>} : memref<1280xf32, #tpu.memory_space<vmem>>, vector<16xf32>,
    %get3A_727 = vector.shape_cast %get3A_726 : vector<16xf32> to vector<16xf32>
    %add3A_728 = arith.addf %add3A_724, %get3A_727 : vector<16xf32>
    %get3A_729 = arith.constant 768 : index
    %get3A_730 = tpu.vector_load %arg8[%get3A_729] {strides = array<i32>} : memref<1280xf32, #tpu.memory_space<vmem>>, vector<16xf32>,
    %get3A_731 = vector.shape_cast %get3A_730 : vector<16xf32> to vector<16xf32>
    %add3A_732 = arith.addf %add3A_728, %get3A_731 : vector<16xf32>
    %get3A_733 = arith.constant 1024 : index
    %get3A_734 = tpu.vector_load %arg8[%get3A_733] {strides = array<i32>} : memref<1280xf32, #tpu.memory_space<vmem>>, vector<16xf32>,
    %get3A_735 = vector.shape_cast %get3A_734 : vector<16xf32> to vector<16xf32>
    %add3A_736 = arith.addf %add3A_732, %get3A_735 : vector<16xf32>
    %eq3A_737 = arith.cmpi eq, %add3A_717, %select_n3A_423 : vector<16xi32>
    %select_n3A_738 = arith.select %eq3A_737, %add3A_736, %broadcast_in_dim3A_714 : vector<16xi1>, vector<16xf32>
    %add3A_739 = arith.addf %broadcast_in_dim3A_712, %select_n3A_738 : vector<16xf32>
    %eq3A_740 = arith.cmpi eq, %add3A_717, %select_n3A_544 : vector<16xi32>
    %select_n3A_741 = arith.select %eq3A_740, %add3A_736, %broadcast_in_dim3A_714 : vector<16xi1>, vector<16xf32>
    %add3A_742 = arith.addf %add3A_739, %select_n3A_741 : vector<16xf32>
    %eq3A_743 = arith.cmpi eq, %add3A_717, %select_n3A_665 : vector<16xi32>
    %select_n3A_744 = arith.select %eq3A_743, %add3A_736, %broadcast_in_dim3A_714 : vector<16xi1>, vector<16xf32>
    %add3A_745 = arith.addf %add3A_742, %select_n3A_744 : vector<16xf32>
    %add3A_746 = arith.constant 16 : i32
    %add3A_747 = vector.broadcast %add3A_746 : i32 to vector<16xi32>
    %add3A_748 = arith.addi %iota3A, %add3A_747 : vector<16xi32>
    %get3A_749 = arith.constant 16 : index
    %get3A_750 = tpu.vector_load %arg8[%get3A_749] {strides = array<i32>} : memref<1280xf32, #tpu.memory_space<vmem>>, vector<16xf32>,
    %get3A_751 = vector.shape_cast %get3A_750 : vector<16xf32> to vector<16xf32>
    %get3A_752 = arith.constant 272 : index
    %get3A_753 = tpu.vector_load %arg8[%get3A_752] {strides = array<i32>} : memref<1280xf32, #tpu.memory_space<vmem>>, vector<16xf32>,
    %get3A_754 = vector.shape_cast %get3A_753 : vector<16xf32> to vector<16xf32>
    %add3A_755 = arith.addf %get3A_751, %get3A_754 : vector<16xf32>
    %get3A_756 = arith.constant 528 : index
    %get3A_757 = tpu.vector_load %arg8[%get3A_756] {strides = array<i32>} : memref<1280xf32, #tpu.memory_space<vmem>>, vector<16xf32>,
    %get3A_758 = vector.shape_cast %get3A_757 : vector<16xf32> to vector<16xf32>
    %add3A_759 = arith.addf %add3A_755, %get3A_758 : vector<16xf32>
    %get3A_760 = arith.constant 784 : index
    %get3A_761 = tpu.vector_load %arg8[%get3A_760] {strides = array<i32>} : memref<1280xf32, #tpu.memory_space<vmem>>, vector<16xf32>,
    %get3A_762 = vector.shape_cast %get3A_761 : vector<16xf32> to vector<16xf32>
    %add3A_763 = arith.addf %add3A_759, %get3A_762 : vector<16xf32>
    %get3A_764 = arith.constant 1040 : index
    %get3A_765 = tpu.vector_load %arg8[%get3A_764] {strides = array<i32>} : memref<1280xf32, #tpu.memory_space<vmem>>, vector<16xf32>,
    %get3A_766 = vector.shape_cast %get3A_765 : vector<16xf32> to vector<16xf32>
    %add3A_767 = arith.addf %add3A_763, %get3A_766 : vector<16xf32>
    %eq3A_768 = arith.cmpi eq, %add3A_748, %select_n3A_423 : vector<16xi32>
    %select_n3A_769 = arith.select %eq3A_768, %add3A_767, %broadcast_in_dim3A_714 : vector<16xi1>, vector<16xf32>
    %add3A_770 = arith.addf %add3A_745, %select_n3A_769 : vector<16xf32>
    %eq3A_771 = arith.cmpi eq, %add3A_748, %select_n3A_544 : vector<16xi32>
    %select_n3A_772 = arith.select %eq3A_771, %add3A_767, %broadcast_in_dim3A_714 : vector<16xi1>, vector<16xf32>
    %add3A_773 = arith.addf %add3A_770, %select_n3A_772 : vector<16xf32>
    %eq3A_774 = arith.cmpi eq, %add3A_748, %select_n3A_665 : vector<16xi32>
    %select_n3A_775 = arith.select %eq3A_774, %add3A_767, %broadcast_in_dim3A_714 : vector<16xi1>, vector<16xf32>
    %add3A_776 = arith.addf %add3A_773, %select_n3A_775 : vector<16xf32>
    %add3A_777 = arith.constant 32 : i32
    %add3A_778 = vector.broadcast %add3A_777 : i32 to vector<16xi32>
    %add3A_779 = arith.addi %iota3A, %add3A_778 : vector<16xi32>
    %get3A_780 = arith.constant 32 : index
    %get3A_781 = tpu.vector_load %arg8[%get3A_780] {strides = array<i32>} : memref<1280xf32, #tpu.memory_space<vmem>>, vector<16xf32>,
    %get3A_782 = vector.shape_cast %get3A_781 : vector<16xf32> to vector<16xf32>
    %get3A_783 = arith.constant 288 : index
    %get3A_784 = tpu.vector_load %arg8[%get3A_783] {strides = array<i32>} : memref<1280xf32, #tpu.memory_space<vmem>>, vector<16xf32>,
    %get3A_785 = vector.shape_cast %get3A_784 : vector<16xf32> to vector<16xf32>
    %add3A_786 = arith.addf %get3A_782, %get3A_785 : vector<16xf32>
    %get3A_787 = arith.constant 544 : index
    %get3A_788 = tpu.vector_load %arg8[%get3A_787] {strides = array<i32>} : memref<1280xf32, #tpu.memory_space<vmem>>, vector<16xf32>,
    %get3A_789 = vector.shape_cast %get3A_788 : vector<16xf32> to vector<16xf32>
    %add3A_790 = arith.addf %add3A_786, %get3A_789 : vector<16xf32>
    %get3A_791 = arith.constant 800 : index
    %get3A_792 = tpu.vector_load %arg8[%get3A_791] {strides = array<i32>} : memref<1280xf32, #tpu.memory_space<vmem>>, vector<16xf32>,
    %get3A_793 = vector.shape_cast %get3A_792 : vector<16xf32> to vector<16xf32>
    %add3A_794 = arith.addf %add3A_790, %get3A_793 : vector<16xf32>
    %get3A_795 = arith.constant 1056 : index
    %get3A_796 = tpu.vector_load %arg8[%get3A_795] {strides = array<i32>} : memref<1280xf32, #tpu.memory_space<vmem>>, vector<16xf32>,
    %get3A_797 = vector.shape_cast %get3A_796 : vector<16xf32> to vector<16xf32>
    %add3A_798 = arith.addf %add3A_794, %get3A_797 : vector<16xf32>
    %eq3A_799 = arith.cmpi eq, %add3A_779, %select_n3A_423 : vector<16xi32>
    %select_n3A_800 = arith.select %eq3A_799, %add3A_798, %broadcast_in_dim3A_714 : vector<16xi1>, vector<16xf32>
    %add3A_801 = arith.addf %add3A_776, %select_n3A_800 : vector<16xf32>
    %eq3A_802 = arith.cmpi eq, %add3A_779, %select_n3A_544 : vector<16xi32>
    %select_n3A_803 = arith.select %eq3A_802, %add3A_798, %broadcast_in_dim3A_714 : vector<16xi1>, vector<16xf32>
    %add3A_804 = arith.addf %add3A_801, %select_n3A_803 : vector<16xf32>
    %eq3A_805 = arith.cmpi eq, %add3A_779, %select_n3A_665 : vector<16xi32>
    %select_n3A_806 = arith.select %eq3A_805, %add3A_798, %broadcast_in_dim3A_714 : vector<16xi1>, vector<16xf32>
    %add3A_807 = arith.addf %add3A_804, %select_n3A_806 : vector<16xf32>
    %add3A_808 = arith.constant 48 : i32
    %add3A_809 = vector.broadcast %add3A_808 : i32 to vector<16xi32>
    %add3A_810 = arith.addi %iota3A, %add3A_809 : vector<16xi32>
    %get3A_811 = arith.constant 48 : index
    %get3A_812 = tpu.vector_load %arg8[%get3A_811] {strides = array<i32>} : memref<1280xf32, #tpu.memory_space<vmem>>, vector<16xf32>,
    %get3A_813 = vector.shape_cast %get3A_812 : vector<16xf32> to vector<16xf32>
    %get3A_814 = arith.constant 304 : index
    %get3A_815 = tpu.vector_load %arg8[%get3A_814] {strides = array<i32>} : memref<1280xf32, #tpu.memory_space<vmem>>, vector<16xf32>,
    %get3A_816 = vector.shape_cast %get3A_815 : vector<16xf32> to vector<16xf32>
    %add3A_817 = arith.addf %get3A_813, %get3A_816 : vector<16xf32>
    %get3A_818 = arith.constant 560 : index
    %get3A_819 = tpu.vector_load %arg8[%get3A_818] {strides = array<i32>} : memref<1280xf32, #tpu.memory_space<vmem>>, vector<16xf32>,
    %get3A_820 = vector.shape_cast %get3A_819 : vector<16xf32> to vector<16xf32>
    %add3A_821 = arith.addf %add3A_817, %get3A_820 : vector<16xf32>
    %get3A_822 = arith.constant 816 : index
    %get3A_823 = tpu.vector_load %arg8[%get3A_822] {strides = array<i32>} : memref<1280xf32, #tpu.memory_space<vmem>>, vector<16xf32>,
    %get3A_824 = vector.shape_cast %get3A_823 : vector<16xf32> to vector<16xf32>
    %add3A_825 = arith.addf %add3A_821, %get3A_824 : vector<16xf32>
    %get3A_826 = arith.constant 1072 : index
    %get3A_827 = tpu.vector_load %arg8[%get3A_826] {strides = array<i32>} : memref<1280xf32, #tpu.memory_space<vmem>>, vector<16xf32>,
    %get3A_828 = vector.shape_cast %get3A_827 : vector<16xf32> to vector<16xf32>
    %add3A_829 = arith.addf %add3A_825, %get3A_828 : vector<16xf32>
    %eq3A_830 = arith.cmpi eq, %add3A_810, %select_n3A_423 : vector<16xi32>
    %select_n3A_831 = arith.select %eq3A_830, %add3A_829, %broadcast_in_dim3A_714 : vector<16xi1>, vector<16xf32>
    %add3A_832 = arith.addf %add3A_807, %select_n3A_831 : vector<16xf32>
    %eq3A_833 = arith.cmpi eq, %add3A_810, %select_n3A_544 : vector<16xi32>
    %select_n3A_834 = arith.select %eq3A_833, %add3A_829, %broadcast_in_dim3A_714 : vector<16xi1>, vector<16xf32>
    %add3A_835 = arith.addf %add3A_832, %select_n3A_834 : vector<16xf32>
    %eq3A_836 = arith.cmpi eq, %add3A_810, %select_n3A_665 : vector<16xi32>
    %select_n3A_837 = arith.select %eq3A_836, %add3A_829, %broadcast_in_dim3A_714 : vector<16xi1>, vector<16xf32>
    %add3A_838 = arith.addf %add3A_835, %select_n3A_837 : vector<16xf32>
    %add3A_839 = arith.constant 64 : i32
    %add3A_840 = vector.broadcast %add3A_839 : i32 to vector<16xi32>
    %add3A_841 = arith.addi %iota3A, %add3A_840 : vector<16xi32>
    %get3A_842 = arith.constant 64 : index
    %get3A_843 = tpu.vector_load %arg8[%get3A_842] {strides = array<i32>} : memref<1280xf32, #tpu.memory_space<vmem>>, vector<16xf32>,
    %get3A_844 = vector.shape_cast %get3A_843 : vector<16xf32> to vector<16xf32>
    %get3A_845 = arith.constant 320 : index
    %get3A_846 = tpu.vector_load %arg8[%get3A_845] {strides = array<i32>} : memref<1280xf32, #tpu.memory_space<vmem>>, vector<16xf32>,
    %get3A_847 = vector.shape_cast %get3A_846 : vector<16xf32> to vector<16xf32>
    %add3A_848 = arith.addf %get3A_844, %get3A_847 : vector<16xf32>
    %get3A_849 = arith.constant 576 : index
    %get3A_850 = tpu.vector_load %arg8[%get3A_849] {strides = array<i32>} : memref<1280xf32, #tpu.memory_space<vmem>>, vector<16xf32>,
    %get3A_851 = vector.shape_cast %get3A_850 : vector<16xf32> to vector<16xf32>
    %add3A_852 = arith.addf %add3A_848, %get3A_851 : vector<16xf32>
    %get3A_853 = arith.constant 832 : index
    %get3A_854 = tpu.vector_load %arg8[%get3A_853] {strides = array<i32>} : memref<1280xf32, #tpu.memory_space<vmem>>, vector<16xf32>,
    %get3A_855 = vector.shape_cast %get3A_854 : vector<16xf32> to vector<16xf32>
    %add3A_856 = arith.addf %add3A_852, %get3A_855 : vector<16xf32>
    %get3A_857 = arith.constant 1088 : index
    %get3A_858 = tpu.vector_load %arg8[%get3A_857] {strides = array<i32>} : memref<1280xf32, #tpu.memory_space<vmem>>, vector<16xf32>,
    %get3A_859 = vector.shape_cast %get3A_858 : vector<16xf32> to vector<16xf32>
    %add3A_860 = arith.addf %add3A_856, %get3A_859 : vector<16xf32>
    %eq3A_861 = arith.cmpi eq, %add3A_841, %select_n3A_423 : vector<16xi32>
    %select_n3A_862 = arith.select %eq3A_861, %add3A_860, %broadcast_in_dim3A_714 : vector<16xi1>, vector<16xf32>
    %add3A_863 = arith.addf %add3A_838, %select_n3A_862 : vector<16xf32>
    %eq3A_864 = arith.cmpi eq, %add3A_841, %select_n3A_544 : vector<16xi32>
    %select_n3A_865 = arith.select %eq3A_864, %add3A_860, %broadcast_in_dim3A_714 : vector<16xi1>, vector<16xf32>
    %add3A_866 = arith.addf %add3A_863, %select_n3A_865 : vector<16xf32>
    %eq3A_867 = arith.cmpi eq, %add3A_841, %select_n3A_665 : vector<16xi32>
    %select_n3A_868 = arith.select %eq3A_867, %add3A_860, %broadcast_in_dim3A_714 : vector<16xi1>, vector<16xf32>
    %add3A_869 = arith.addf %add3A_866, %select_n3A_868 : vector<16xf32>
    %add3A_870 = arith.constant 80 : i32
    %add3A_871 = vector.broadcast %add3A_870 : i32 to vector<16xi32>
    %add3A_872 = arith.addi %iota3A, %add3A_871 : vector<16xi32>
    %get3A_873 = arith.constant 80 : index
    %get3A_874 = tpu.vector_load %arg8[%get3A_873] {strides = array<i32>} : memref<1280xf32, #tpu.memory_space<vmem>>, vector<16xf32>,
    %get3A_875 = vector.shape_cast %get3A_874 : vector<16xf32> to vector<16xf32>
    %get3A_876 = arith.constant 336 : index
    %get3A_877 = tpu.vector_load %arg8[%get3A_876] {strides = array<i32>} : memref<1280xf32, #tpu.memory_space<vmem>>, vector<16xf32>,
    %get3A_878 = vector.shape_cast %get3A_877 : vector<16xf32> to vector<16xf32>
    %add3A_879 = arith.addf %get3A_875, %get3A_878 : vector<16xf32>
    %get3A_880 = arith.constant 592 : index
    %get3A_881 = tpu.vector_load %arg8[%get3A_880] {strides = array<i32>} : memref<1280xf32, #tpu.memory_space<vmem>>, vector<16xf32>,
    %get3A_882 = vector.shape_cast %get3A_881 : vector<16xf32> to vector<16xf32>
    %add3A_883 = arith.addf %add3A_879, %get3A_882 : vector<16xf32>
    %get3A_884 = arith.constant 848 : index
    %get3A_885 = tpu.vector_load %arg8[%get3A_884] {strides = array<i32>} : memref<1280xf32, #tpu.memory_space<vmem>>, vector<16xf32>,
    %get3A_886 = vector.shape_cast %get3A_885 : vector<16xf32> to vector<16xf32>
    %add3A_887 = arith.addf %add3A_883, %get3A_886 : vector<16xf32>
    %get3A_888 = arith.constant 1104 : index
    %get3A_889 = tpu.vector_load %arg8[%get3A_888] {strides = array<i32>} : memref<1280xf32, #tpu.memory_space<vmem>>, vector<16xf32>,
    %get3A_890 = vector.shape_cast %get3A_889 : vector<16xf32> to vector<16xf32>
    %add3A_891 = arith.addf %add3A_887, %get3A_890 : vector<16xf32>
    %eq3A_892 = arith.cmpi eq, %add3A_872, %select_n3A_423 : vector<16xi32>
    %select_n3A_893 = arith.select %eq3A_892, %add3A_891, %broadcast_in_dim3A_714 : vector<16xi1>, vector<16xf32>
    %add3A_894 = arith.addf %add3A_869, %select_n3A_893 : vector<16xf32>
    %eq3A_895 = arith.cmpi eq, %add3A_872, %select_n3A_544 : vector<16xi32>
    %select_n3A_896 = arith.select %eq3A_895, %add3A_891, %broadcast_in_dim3A_714 : vector<16xi1>, vector<16xf32>
    %add3A_897 = arith.addf %add3A_894, %select_n3A_896 : vector<16xf32>
    %eq3A_898 = arith.cmpi eq, %add3A_872, %select_n3A_665 : vector<16xi32>
    %select_n3A_899 = arith.select %eq3A_898, %add3A_891, %broadcast_in_dim3A_714 : vector<16xi1>, vector<16xf32>
    %add3A_900 = arith.addf %add3A_897, %select_n3A_899 : vector<16xf32>
    %add3A_901 = arith.constant 96 : i32
    %add3A_902 = vector.broadcast %add3A_901 : i32 to vector<16xi32>
    %add3A_903 = arith.addi %iota3A, %add3A_902 : vector<16xi32>
    %get3A_904 = arith.constant 96 : index
    %get3A_905 = tpu.vector_load %arg8[%get3A_904] {strides = array<i32>} : memref<1280xf32, #tpu.memory_space<vmem>>, vector<16xf32>,
    %get3A_906 = vector.shape_cast %get3A_905 : vector<16xf32> to vector<16xf32>
    %get3A_907 = arith.constant 352 : index
    %get3A_908 = tpu.vector_load %arg8[%get3A_907] {strides = array<i32>} : memref<1280xf32, #tpu.memory_space<vmem>>, vector<16xf32>,
    %get3A_909 = vector.shape_cast %get3A_908 : vector<16xf32> to vector<16xf32>
    %add3A_910 = arith.addf %get3A_906, %get3A_909 : vector<16xf32>
    %get3A_911 = arith.constant 608 : index
    %get3A_912 = tpu.vector_load %arg8[%get3A_911] {strides = array<i32>} : memref<1280xf32, #tpu.memory_space<vmem>>, vector<16xf32>,
    %get3A_913 = vector.shape_cast %get3A_912 : vector<16xf32> to vector<16xf32>
    %add3A_914 = arith.addf %add3A_910, %get3A_913 : vector<16xf32>
    %get3A_915 = arith.constant 864 : index
    %get3A_916 = tpu.vector_load %arg8[%get3A_915] {strides = array<i32>} : memref<1280xf32, #tpu.memory_space<vmem>>, vector<16xf32>,
    %get3A_917 = vector.shape_cast %get3A_916 : vector<16xf32> to vector<16xf32>
    %add3A_918 = arith.addf %add3A_914, %get3A_917 : vector<16xf32>
    %get3A_919 = arith.constant 1120 : index
    %get3A_920 = tpu.vector_load %arg8[%get3A_919] {strides = array<i32>} : memref<1280xf32, #tpu.memory_space<vmem>>, vector<16xf32>,
    %get3A_921 = vector.shape_cast %get3A_920 : vector<16xf32> to vector<16xf32>
    %add3A_922 = arith.addf %add3A_918, %get3A_921 : vector<16xf32>
    %eq3A_923 = arith.cmpi eq, %add3A_903, %select_n3A_423 : vector<16xi32>
    %select_n3A_924 = arith.select %eq3A_923, %add3A_922, %broadcast_in_dim3A_714 : vector<16xi1>, vector<16xf32>
    %add3A_925 = arith.addf %add3A_900, %select_n3A_924 : vector<16xf32>
    %eq3A_926 = arith.cmpi eq, %add3A_903, %select_n3A_544 : vector<16xi32>
    %select_n3A_927 = arith.select %eq3A_926, %add3A_922, %broadcast_in_dim3A_714 : vector<16xi1>, vector<16xf32>
    %add3A_928 = arith.addf %add3A_925, %select_n3A_927 : vector<16xf32>
    %eq3A_929 = arith.cmpi eq, %add3A_903, %select_n3A_665 : vector<16xi32>
    %select_n3A_930 = arith.select %eq3A_929, %add3A_922, %broadcast_in_dim3A_714 : vector<16xi1>, vector<16xf32>
    %add3A_931 = arith.addf %add3A_928, %select_n3A_930 : vector<16xf32>
    %add3A_932 = arith.constant 112 : i32
    %add3A_933 = vector.broadcast %add3A_932 : i32 to vector<16xi32>
    %add3A_934 = arith.addi %iota3A, %add3A_933 : vector<16xi32>
    %get3A_935 = arith.constant 112 : index
    %get3A_936 = tpu.vector_load %arg8[%get3A_935] {strides = array<i32>} : memref<1280xf32, #tpu.memory_space<vmem>>, vector<16xf32>,
    %get3A_937 = vector.shape_cast %get3A_936 : vector<16xf32> to vector<16xf32>
    %get3A_938 = arith.constant 368 : index
    %get3A_939 = tpu.vector_load %arg8[%get3A_938] {strides = array<i32>} : memref<1280xf32, #tpu.memory_space<vmem>>, vector<16xf32>,
    %get3A_940 = vector.shape_cast %get3A_939 : vector<16xf32> to vector<16xf32>
    %add3A_941 = arith.addf %get3A_937, %get3A_940 : vector<16xf32>
    %get3A_942 = arith.constant 624 : index
    %get3A_943 = tpu.vector_load %arg8[%get3A_942] {strides = array<i32>} : memref<1280xf32, #tpu.memory_space<vmem>>, vector<16xf32>,
    %get3A_944 = vector.shape_cast %get3A_943 : vector<16xf32> to vector<16xf32>
    %add3A_945 = arith.addf %add3A_941, %get3A_944 : vector<16xf32>
    %get3A_946 = arith.constant 880 : index
    %get3A_947 = tpu.vector_load %arg8[%get3A_946] {strides = array<i32>} : memref<1280xf32, #tpu.memory_space<vmem>>, vector<16xf32>,
    %get3A_948 = vector.shape_cast %get3A_947 : vector<16xf32> to vector<16xf32>
    %add3A_949 = arith.addf %add3A_945, %get3A_948 : vector<16xf32>
    %get3A_950 = arith.constant 1136 : index
    %get3A_951 = tpu.vector_load %arg8[%get3A_950] {strides = array<i32>} : memref<1280xf32, #tpu.memory_space<vmem>>, vector<16xf32>,
    %get3A_952 = vector.shape_cast %get3A_951 : vector<16xf32> to vector<16xf32>
    %add3A_953 = arith.addf %add3A_949, %get3A_952 : vector<16xf32>
    %eq3A_954 = arith.cmpi eq, %add3A_934, %select_n3A_423 : vector<16xi32>
    %select_n3A_955 = arith.select %eq3A_954, %add3A_953, %broadcast_in_dim3A_714 : vector<16xi1>, vector<16xf32>
    %add3A_956 = arith.addf %add3A_931, %select_n3A_955 : vector<16xf32>
    %eq3A_957 = arith.cmpi eq, %add3A_934, %select_n3A_544 : vector<16xi32>
    %select_n3A_958 = arith.select %eq3A_957, %add3A_953, %broadcast_in_dim3A_714 : vector<16xi1>, vector<16xf32>
    %add3A_959 = arith.addf %add3A_956, %select_n3A_958 : vector<16xf32>
    %eq3A_960 = arith.cmpi eq, %add3A_934, %select_n3A_665 : vector<16xi32>
    %select_n3A_961 = arith.select %eq3A_960, %add3A_953, %broadcast_in_dim3A_714 : vector<16xi1>, vector<16xf32>
    %add3A_962 = arith.addf %add3A_959, %select_n3A_961 : vector<16xf32>
    %add3A_963 = arith.constant 128 : i32
    %add3A_964 = vector.broadcast %add3A_963 : i32 to vector<16xi32>
    %add3A_965 = arith.addi %iota3A, %add3A_964 : vector<16xi32>
    %get3A_966 = arith.constant 128 : index
    %get3A_967 = tpu.vector_load %arg8[%get3A_966] {strides = array<i32>} : memref<1280xf32, #tpu.memory_space<vmem>>, vector<16xf32>,
    %get3A_968 = vector.shape_cast %get3A_967 : vector<16xf32> to vector<16xf32>
    %get3A_969 = arith.constant 384 : index
    %get3A_970 = tpu.vector_load %arg8[%get3A_969] {strides = array<i32>} : memref<1280xf32, #tpu.memory_space<vmem>>, vector<16xf32>,
    %get3A_971 = vector.shape_cast %get3A_970 : vector<16xf32> to vector<16xf32>
    %add3A_972 = arith.addf %get3A_968, %get3A_971 : vector<16xf32>
    %get3A_973 = arith.constant 640 : index
    %get3A_974 = tpu.vector_load %arg8[%get3A_973] {strides = array<i32>} : memref<1280xf32, #tpu.memory_space<vmem>>, vector<16xf32>,
    %get3A_975 = vector.shape_cast %get3A_974 : vector<16xf32> to vector<16xf32>
    %add3A_976 = arith.addf %add3A_972, %get3A_975 : vector<16xf32>
    %get3A_977 = arith.constant 896 : index
    %get3A_978 = tpu.vector_load %arg8[%get3A_977] {strides = array<i32>} : memref<1280xf32, #tpu.memory_space<vmem>>, vector<16xf32>,
    %get3A_979 = vector.shape_cast %get3A_978 : vector<16xf32> to vector<16xf32>
    %add3A_980 = arith.addf %add3A_976, %get3A_979 : vector<16xf32>
    %get3A_981 = arith.constant 1152 : index
    %get3A_982 = tpu.vector_load %arg8[%get3A_981] {strides = array<i32>} : memref<1280xf32, #tpu.memory_space<vmem>>, vector<16xf32>,
    %get3A_983 = vector.shape_cast %get3A_982 : vector<16xf32> to vector<16xf32>
    %add3A_984 = arith.addf %add3A_980, %get3A_983 : vector<16xf32>
    %eq3A_985 = arith.cmpi eq, %add3A_965, %select_n3A_423 : vector<16xi32>
    %select_n3A_986 = arith.select %eq3A_985, %add3A_984, %broadcast_in_dim3A_714 : vector<16xi1>, vector<16xf32>
    %add3A_987 = arith.addf %add3A_962, %select_n3A_986 : vector<16xf32>
    %eq3A_988 = arith.cmpi eq, %add3A_965, %select_n3A_544 : vector<16xi32>
    %select_n3A_989 = arith.select %eq3A_988, %add3A_984, %broadcast_in_dim3A_714 : vector<16xi1>, vector<16xf32>
    %add3A_990 = arith.addf %add3A_987, %select_n3A_989 : vector<16xf32>
    %eq3A_991 = arith.cmpi eq, %add3A_965, %select_n3A_665 : vector<16xi32>
    %select_n3A_992 = arith.select %eq3A_991, %add3A_984, %broadcast_in_dim3A_714 : vector<16xi1>, vector<16xf32>
    %add3A_993 = arith.addf %add3A_990, %select_n3A_992 : vector<16xf32>
    %add3A_994 = arith.constant 144 : i32
    %add3A_995 = vector.broadcast %add3A_994 : i32 to vector<16xi32>
    %add3A_996 = arith.addi %iota3A, %add3A_995 : vector<16xi32>
    %get3A_997 = arith.constant 144 : index
    %get3A_998 = tpu.vector_load %arg8[%get3A_997] {strides = array<i32>} : memref<1280xf32, #tpu.memory_space<vmem>>, vector<16xf32>,
    %get3A_999 = vector.shape_cast %get3A_998 : vector<16xf32> to vector<16xf32>
    %get3A_1000 = arith.constant 400 : index
    %get3A_1001 = tpu.vector_load %arg8[%get3A_1000] {strides = array<i32>} : memref<1280xf32, #tpu.memory_space<vmem>>, vector<16xf32>,
    %get3A_1002 = vector.shape_cast %get3A_1001 : vector<16xf32> to vector<16xf32>
    %add3A_1003 = arith.addf %get3A_999, %get3A_1002 : vector<16xf32>
    %get3A_1004 = arith.constant 656 : index
    %get3A_1005 = tpu.vector_load %arg8[%get3A_1004] {strides = array<i32>} : memref<1280xf32, #tpu.memory_space<vmem>>, vector<16xf32>,
    %get3A_1006 = vector.shape_cast %get3A_1005 : vector<16xf32> to vector<16xf32>
    %add3A_1007 = arith.addf %add3A_1003, %get3A_1006 : vector<16xf32>
    %get3A_1008 = arith.constant 912 : index
    %get3A_1009 = tpu.vector_load %arg8[%get3A_1008] {strides = array<i32>} : memref<1280xf32, #tpu.memory_space<vmem>>, vector<16xf32>,
    %get3A_1010 = vector.shape_cast %get3A_1009 : vector<16xf32> to vector<16xf32>
    %add3A_1011 = arith.addf %add3A_1007, %get3A_1010 : vector<16xf32>
    %get3A_1012 = arith.constant 1168 : index
    %get3A_1013 = tpu.vector_load %arg8[%get3A_1012] {strides = array<i32>} : memref<1280xf32, #tpu.memory_space<vmem>>, vector<16xf32>,
    %get3A_1014 = vector.shape_cast %get3A_1013 : vector<16xf32> to vector<16xf32>
    %add3A_1015 = arith.addf %add3A_1011, %get3A_1014 : vector<16xf32>
    %eq3A_1016 = arith.cmpi eq, %add3A_996, %select_n3A_423 : vector<16xi32>
    %select_n3A_1017 = arith.select %eq3A_1016, %add3A_1015, %broadcast_in_dim3A_714 : vector<16xi1>, vector<16xf32>
    %add3A_1018 = arith.addf %add3A_993, %select_n3A_1017 : vector<16xf32>
    %eq3A_1019 = arith.cmpi eq, %add3A_996, %select_n3A_544 : vector<16xi32>
    %select_n3A_1020 = arith.select %eq3A_1019, %add3A_1015, %broadcast_in_dim3A_714 : vector<16xi1>, vector<16xf32>
    %add3A_1021 = arith.addf %add3A_1018, %select_n3A_1020 : vector<16xf32>
    %eq3A_1022 = arith.cmpi eq, %add3A_996, %select_n3A_665 : vector<16xi32>
    %select_n3A_1023 = arith.select %eq3A_1022, %add3A_1015, %broadcast_in_dim3A_714 : vector<16xi1>, vector<16xf32>
    %add3A_1024 = arith.addf %add3A_1021, %select_n3A_1023 : vector<16xf32>
    %add3A_1025 = arith.constant 160 : i32
    %add3A_1026 = vector.broadcast %add3A_1025 : i32 to vector<16xi32>
    %add3A_1027 = arith.addi %iota3A, %add3A_1026 : vector<16xi32>
    %get3A_1028 = arith.constant 160 : index
    %get3A_1029 = tpu.vector_load %arg8[%get3A_1028] {strides = array<i32>} : memref<1280xf32, #tpu.memory_space<vmem>>, vector<16xf32>,
    %get3A_1030 = vector.shape_cast %get3A_1029 : vector<16xf32> to vector<16xf32>
    %get3A_1031 = arith.constant 416 : index
    %get3A_1032 = tpu.vector_load %arg8[%get3A_1031] {strides = array<i32>} : memref<1280xf32, #tpu.memory_space<vmem>>, vector<16xf32>,
    %get3A_1033 = vector.shape_cast %get3A_1032 : vector<16xf32> to vector<16xf32>
    %add3A_1034 = arith.addf %get3A_1030, %get3A_1033 : vector<16xf32>
    %get3A_1035 = arith.constant 672 : index
    %get3A_1036 = tpu.vector_load %arg8[%get3A_1035] {strides = array<i32>} : memref<1280xf32, #tpu.memory_space<vmem>>, vector<16xf32>,
    %get3A_1037 = vector.shape_cast %get3A_1036 : vector<16xf32> to vector<16xf32>
    %add3A_1038 = arith.addf %add3A_1034, %get3A_1037 : vector<16xf32>
    %get3A_1039 = arith.constant 928 : index
    %get3A_1040 = tpu.vector_load %arg8[%get3A_1039] {strides = array<i32>} : memref<1280xf32, #tpu.memory_space<vmem>>, vector<16xf32>,
    %get3A_1041 = vector.shape_cast %get3A_1040 : vector<16xf32> to vector<16xf32>
    %add3A_1042 = arith.addf %add3A_1038, %get3A_1041 : vector<16xf32>
    %get3A_1043 = arith.constant 1184 : index
    %get3A_1044 = tpu.vector_load %arg8[%get3A_1043] {strides = array<i32>} : memref<1280xf32, #tpu.memory_space<vmem>>, vector<16xf32>,
    %get3A_1045 = vector.shape_cast %get3A_1044 : vector<16xf32> to vector<16xf32>
    %add3A_1046 = arith.addf %add3A_1042, %get3A_1045 : vector<16xf32>
    %eq3A_1047 = arith.cmpi eq, %add3A_1027, %select_n3A_423 : vector<16xi32>
    %select_n3A_1048 = arith.select %eq3A_1047, %add3A_1046, %broadcast_in_dim3A_714 : vector<16xi1>, vector<16xf32>
    %add3A_1049 = arith.addf %add3A_1024, %select_n3A_1048 : vector<16xf32>
    %eq3A_1050 = arith.cmpi eq, %add3A_1027, %select_n3A_544 : vector<16xi32>
    %select_n3A_1051 = arith.select %eq3A_1050, %add3A_1046, %broadcast_in_dim3A_714 : vector<16xi1>, vector<16xf32>
    %add3A_1052 = arith.addf %add3A_1049, %select_n3A_1051 : vector<16xf32>
    %eq3A_1053 = arith.cmpi eq, %add3A_1027, %select_n3A_665 : vector<16xi32>
    %select_n3A_1054 = arith.select %eq3A_1053, %add3A_1046, %broadcast_in_dim3A_714 : vector<16xi1>, vector<16xf32>
    %add3A_1055 = arith.addf %add3A_1052, %select_n3A_1054 : vector<16xf32>
    %add3A_1056 = arith.constant 176 : i32
    %add3A_1057 = vector.broadcast %add3A_1056 : i32 to vector<16xi32>
    %add3A_1058 = arith.addi %iota3A, %add3A_1057 : vector<16xi32>
    %get3A_1059 = arith.constant 176 : index
    %get3A_1060 = tpu.vector_load %arg8[%get3A_1059] {strides = array<i32>} : memref<1280xf32, #tpu.memory_space<vmem>>, vector<16xf32>,
    %get3A_1061 = vector.shape_cast %get3A_1060 : vector<16xf32> to vector<16xf32>
    %get3A_1062 = arith.constant 432 : index
    %get3A_1063 = tpu.vector_load %arg8[%get3A_1062] {strides = array<i32>} : memref<1280xf32, #tpu.memory_space<vmem>>, vector<16xf32>,
    %get3A_1064 = vector.shape_cast %get3A_1063 : vector<16xf32> to vector<16xf32>
    %add3A_1065 = arith.addf %get3A_1061, %get3A_1064 : vector<16xf32>
    %get3A_1066 = arith.constant 688 : index
    %get3A_1067 = tpu.vector_load %arg8[%get3A_1066] {strides = array<i32>} : memref<1280xf32, #tpu.memory_space<vmem>>, vector<16xf32>,
    %get3A_1068 = vector.shape_cast %get3A_1067 : vector<16xf32> to vector<16xf32>
    %add3A_1069 = arith.addf %add3A_1065, %get3A_1068 : vector<16xf32>
    %get3A_1070 = arith.constant 944 : index
    %get3A_1071 = tpu.vector_load %arg8[%get3A_1070] {strides = array<i32>} : memref<1280xf32, #tpu.memory_space<vmem>>, vector<16xf32>,
    %get3A_1072 = vector.shape_cast %get3A_1071 : vector<16xf32> to vector<16xf32>
    %add3A_1073 = arith.addf %add3A_1069, %get3A_1072 : vector<16xf32>
    %get3A_1074 = arith.constant 1200 : index
    %get3A_1075 = tpu.vector_load %arg8[%get3A_1074] {strides = array<i32>} : memref<1280xf32, #tpu.memory_space<vmem>>, vector<16xf32>,
    %get3A_1076 = vector.shape_cast %get3A_1075 : vector<16xf32> to vector<16xf32>
    %add3A_1077 = arith.addf %add3A_1073, %get3A_1076 : vector<16xf32>
    %eq3A_1078 = arith.cmpi eq, %add3A_1058, %select_n3A_423 : vector<16xi32>
    %select_n3A_1079 = arith.select %eq3A_1078, %add3A_1077, %broadcast_in_dim3A_714 : vector<16xi1>, vector<16xf32>
    %add3A_1080 = arith.addf %add3A_1055, %select_n3A_1079 : vector<16xf32>
    %eq3A_1081 = arith.cmpi eq, %add3A_1058, %select_n3A_544 : vector<16xi32>
    %select_n3A_1082 = arith.select %eq3A_1081, %add3A_1077, %broadcast_in_dim3A_714 : vector<16xi1>, vector<16xf32>
    %add3A_1083 = arith.addf %add3A_1080, %select_n3A_1082 : vector<16xf32>
    %eq3A_1084 = arith.cmpi eq, %add3A_1058, %select_n3A_665 : vector<16xi32>
    %select_n3A_1085 = arith.select %eq3A_1084, %add3A_1077, %broadcast_in_dim3A_714 : vector<16xi1>, vector<16xf32>
    %add3A_1086 = arith.addf %add3A_1083, %select_n3A_1085 : vector<16xf32>
    %add3A_1087 = arith.constant 192 : i32
    %add3A_1088 = vector.broadcast %add3A_1087 : i32 to vector<16xi32>
    %add3A_1089 = arith.addi %iota3A, %add3A_1088 : vector<16xi32>
    %get3A_1090 = arith.constant 192 : index
    %get3A_1091 = tpu.vector_load %arg8[%get3A_1090] {strides = array<i32>} : memref<1280xf32, #tpu.memory_space<vmem>>, vector<16xf32>,
    %get3A_1092 = vector.shape_cast %get3A_1091 : vector<16xf32> to vector<16xf32>
    %get3A_1093 = arith.constant 448 : index
    %get3A_1094 = tpu.vector_load %arg8[%get3A_1093] {strides = array<i32>} : memref<1280xf32, #tpu.memory_space<vmem>>, vector<16xf32>,
    %get3A_1095 = vector.shape_cast %get3A_1094 : vector<16xf32> to vector<16xf32>
    %add3A_1096 = arith.addf %get3A_1092, %get3A_1095 : vector<16xf32>
    %get3A_1097 = arith.constant 704 : index
    %get3A_1098 = tpu.vector_load %arg8[%get3A_1097] {strides = array<i32>} : memref<1280xf32, #tpu.memory_space<vmem>>, vector<16xf32>,
    %get3A_1099 = vector.shape_cast %get3A_1098 : vector<16xf32> to vector<16xf32>
    %add3A_1100 = arith.addf %add3A_1096, %get3A_1099 : vector<16xf32>
    %get3A_1101 = arith.constant 960 : index
    %get3A_1102 = tpu.vector_load %arg8[%get3A_1101] {strides = array<i32>} : memref<1280xf32, #tpu.memory_space<vmem>>, vector<16xf32>,
    %get3A_1103 = vector.shape_cast %get3A_1102 : vector<16xf32> to vector<16xf32>
    %add3A_1104 = arith.addf %add3A_1100, %get3A_1103 : vector<16xf32>
    %get3A_1105 = arith.constant 1216 : index
    %get3A_1106 = tpu.vector_load %arg8[%get3A_1105] {strides = array<i32>} : memref<1280xf32, #tpu.memory_space<vmem>>, vector<16xf32>,
    %get3A_1107 = vector.shape_cast %get3A_1106 : vector<16xf32> to vector<16xf32>
    %add3A_1108 = arith.addf %add3A_1104, %get3A_1107 : vector<16xf32>
    %eq3A_1109 = arith.cmpi eq, %add3A_1089, %select_n3A_423 : vector<16xi32>
    %select_n3A_1110 = arith.select %eq3A_1109, %add3A_1108, %broadcast_in_dim3A_714 : vector<16xi1>, vector<16xf32>
    %add3A_1111 = arith.addf %add3A_1086, %select_n3A_1110 : vector<16xf32>
    %eq3A_1112 = arith.cmpi eq, %add3A_1089, %select_n3A_544 : vector<16xi32>
    %select_n3A_1113 = arith.select %eq3A_1112, %add3A_1108, %broadcast_in_dim3A_714 : vector<16xi1>, vector<16xf32>
    %add3A_1114 = arith.addf %add3A_1111, %select_n3A_1113 : vector<16xf32>
    %eq3A_1115 = arith.cmpi eq, %add3A_1089, %select_n3A_665 : vector<16xi32>
    %select_n3A_1116 = arith.select %eq3A_1115, %add3A_1108, %broadcast_in_dim3A_714 : vector<16xi1>, vector<16xf32>
    %add3A_1117 = arith.addf %add3A_1114, %select_n3A_1116 : vector<16xf32>
    %add3A_1118 = arith.constant 208 : i32
    %add3A_1119 = vector.broadcast %add3A_1118 : i32 to vector<16xi32>
    %add3A_1120 = arith.addi %iota3A, %add3A_1119 : vector<16xi32>
    %get3A_1121 = arith.constant 208 : index
    %get3A_1122 = tpu.vector_load %arg8[%get3A_1121] {strides = array<i32>} : memref<1280xf32, #tpu.memory_space<vmem>>, vector<16xf32>,
    %get3A_1123 = vector.shape_cast %get3A_1122 : vector<16xf32> to vector<16xf32>
    %get3A_1124 = arith.constant 464 : index
    %get3A_1125 = tpu.vector_load %arg8[%get3A_1124] {strides = array<i32>} : memref<1280xf32, #tpu.memory_space<vmem>>, vector<16xf32>,
    %get3A_1126 = vector.shape_cast %get3A_1125 : vector<16xf32> to vector<16xf32>
    %add3A_1127 = arith.addf %get3A_1123, %get3A_1126 : vector<16xf32>
    %get3A_1128 = arith.constant 720 : index
    %get3A_1129 = tpu.vector_load %arg8[%get3A_1128] {strides = array<i32>} : memref<1280xf32, #tpu.memory_space<vmem>>, vector<16xf32>,
    %get3A_1130 = vector.shape_cast %get3A_1129 : vector<16xf32> to vector<16xf32>
    %add3A_1131 = arith.addf %add3A_1127, %get3A_1130 : vector<16xf32>
    %get3A_1132 = arith.constant 976 : index
    %get3A_1133 = tpu.vector_load %arg8[%get3A_1132] {strides = array<i32>} : memref<1280xf32, #tpu.memory_space<vmem>>, vector<16xf32>,
    %get3A_1134 = vector.shape_cast %get3A_1133 : vector<16xf32> to vector<16xf32>
    %add3A_1135 = arith.addf %add3A_1131, %get3A_1134 : vector<16xf32>
    %get3A_1136 = arith.constant 1232 : index
    %get3A_1137 = tpu.vector_load %arg8[%get3A_1136] {strides = array<i32>} : memref<1280xf32, #tpu.memory_space<vmem>>, vector<16xf32>,
    %get3A_1138 = vector.shape_cast %get3A_1137 : vector<16xf32> to vector<16xf32>
    %add3A_1139 = arith.addf %add3A_1135, %get3A_1138 : vector<16xf32>
    %eq3A_1140 = arith.cmpi eq, %add3A_1120, %select_n3A_423 : vector<16xi32>
    %select_n3A_1141 = arith.select %eq3A_1140, %add3A_1139, %broadcast_in_dim3A_714 : vector<16xi1>, vector<16xf32>
    %add3A_1142 = arith.addf %add3A_1117, %select_n3A_1141 : vector<16xf32>
    %eq3A_1143 = arith.cmpi eq, %add3A_1120, %select_n3A_544 : vector<16xi32>
    %select_n3A_1144 = arith.select %eq3A_1143, %add3A_1139, %broadcast_in_dim3A_714 : vector<16xi1>, vector<16xf32>
    %add3A_1145 = arith.addf %add3A_1142, %select_n3A_1144 : vector<16xf32>
    %eq3A_1146 = arith.cmpi eq, %add3A_1120, %select_n3A_665 : vector<16xi32>
    %select_n3A_1147 = arith.select %eq3A_1146, %add3A_1139, %broadcast_in_dim3A_714 : vector<16xi1>, vector<16xf32>
    %add3A_1148 = arith.addf %add3A_1145, %select_n3A_1147 : vector<16xf32>
    %add3A_1149 = arith.constant 224 : i32
    %add3A_1150 = vector.broadcast %add3A_1149 : i32 to vector<16xi32>
    %add3A_1151 = arith.addi %iota3A, %add3A_1150 : vector<16xi32>
    %get3A_1152 = arith.constant 224 : index
    %get3A_1153 = tpu.vector_load %arg8[%get3A_1152] {strides = array<i32>} : memref<1280xf32, #tpu.memory_space<vmem>>, vector<16xf32>,
    %get3A_1154 = vector.shape_cast %get3A_1153 : vector<16xf32> to vector<16xf32>
    %get3A_1155 = arith.constant 480 : index
    %get3A_1156 = tpu.vector_load %arg8[%get3A_1155] {strides = array<i32>} : memref<1280xf32, #tpu.memory_space<vmem>>, vector<16xf32>,
    %get3A_1157 = vector.shape_cast %get3A_1156 : vector<16xf32> to vector<16xf32>
    %add3A_1158 = arith.addf %get3A_1154, %get3A_1157 : vector<16xf32>
    %get3A_1159 = arith.constant 736 : index
    %get3A_1160 = tpu.vector_load %arg8[%get3A_1159] {strides = array<i32>} : memref<1280xf32, #tpu.memory_space<vmem>>, vector<16xf32>,
    %get3A_1161 = vector.shape_cast %get3A_1160 : vector<16xf32> to vector<16xf32>
    %add3A_1162 = arith.addf %add3A_1158, %get3A_1161 : vector<16xf32>
    %get3A_1163 = arith.constant 992 : index
    %get3A_1164 = tpu.vector_load %arg8[%get3A_1163] {strides = array<i32>} : memref<1280xf32, #tpu.memory_space<vmem>>, vector<16xf32>,
    %get3A_1165 = vector.shape_cast %get3A_1164 : vector<16xf32> to vector<16xf32>
    %add3A_1166 = arith.addf %add3A_1162, %get3A_1165 : vector<16xf32>
    %get3A_1167 = arith.constant 1248 : index
    %get3A_1168 = tpu.vector_load %arg8[%get3A_1167] {strides = array<i32>} : memref<1280xf32, #tpu.memory_space<vmem>>, vector<16xf32>,
    %get3A_1169 = vector.shape_cast %get3A_1168 : vector<16xf32> to vector<16xf32>
    %add3A_1170 = arith.addf %add3A_1166, %get3A_1169 : vector<16xf32>
    %eq3A_1171 = arith.cmpi eq, %add3A_1151, %select_n3A_423 : vector<16xi32>
    %select_n3A_1172 = arith.select %eq3A_1171, %add3A_1170, %broadcast_in_dim3A_714 : vector<16xi1>, vector<16xf32>
    %add3A_1173 = arith.addf %add3A_1148, %select_n3A_1172 : vector<16xf32>
    %eq3A_1174 = arith.cmpi eq, %add3A_1151, %select_n3A_544 : vector<16xi32>
    %select_n3A_1175 = arith.select %eq3A_1174, %add3A_1170, %broadcast_in_dim3A_714 : vector<16xi1>, vector<16xf32>
    %add3A_1176 = arith.addf %add3A_1173, %select_n3A_1175 : vector<16xf32>
    %eq3A_1177 = arith.cmpi eq, %add3A_1151, %select_n3A_665 : vector<16xi32>
    %select_n3A_1178 = arith.select %eq3A_1177, %add3A_1170, %broadcast_in_dim3A_714 : vector<16xi1>, vector<16xf32>
    %add3A_1179 = arith.addf %add3A_1176, %select_n3A_1178 : vector<16xf32>
    %add3A_1180 = arith.constant 240 : i32
    %add3A_1181 = vector.broadcast %add3A_1180 : i32 to vector<16xi32>
    %add3A_1182 = arith.addi %iota3A, %add3A_1181 : vector<16xi32>
    %get3A_1183 = arith.constant 240 : index
    %get3A_1184 = tpu.vector_load %arg8[%get3A_1183] {strides = array<i32>} : memref<1280xf32, #tpu.memory_space<vmem>>, vector<16xf32>,
    %get3A_1185 = vector.shape_cast %get3A_1184 : vector<16xf32> to vector<16xf32>
    %get3A_1186 = arith.constant 496 : index
    %get3A_1187 = tpu.vector_load %arg8[%get3A_1186] {strides = array<i32>} : memref<1280xf32, #tpu.memory_space<vmem>>, vector<16xf32>,
    %get3A_1188 = vector.shape_cast %get3A_1187 : vector<16xf32> to vector<16xf32>
    %add3A_1189 = arith.addf %get3A_1185, %get3A_1188 : vector<16xf32>
    %get3A_1190 = arith.constant 752 : index
    %get3A_1191 = tpu.vector_load %arg8[%get3A_1190] {strides = array<i32>} : memref<1280xf32, #tpu.memory_space<vmem>>, vector<16xf32>,
    %get3A_1192 = vector.shape_cast %get3A_1191 : vector<16xf32> to vector<16xf32>
    %add3A_1193 = arith.addf %add3A_1189, %get3A_1192 : vector<16xf32>
    %get3A_1194 = arith.constant 1008 : index
    %get3A_1195 = tpu.vector_load %arg8[%get3A_1194] {strides = array<i32>} : memref<1280xf32, #tpu.memory_space<vmem>>, vector<16xf32>,
    %get3A_1196 = vector.shape_cast %get3A_1195 : vector<16xf32> to vector<16xf32>
    %add3A_1197 = arith.addf %add3A_1193, %get3A_1196 : vector<16xf32>
    %get3A_1198 = arith.constant 1264 : index
    %get3A_1199 = tpu.vector_load %arg8[%get3A_1198] {strides = array<i32>} : memref<1280xf32, #tpu.memory_space<vmem>>, vector<16xf32>,
    %get3A_1200 = vector.shape_cast %get3A_1199 : vector<16xf32> to vector<16xf32>
    %add3A_1201 = arith.addf %add3A_1197, %get3A_1200 : vector<16xf32>
    %eq3A_1202 = arith.cmpi eq, %add3A_1182, %select_n3A_423 : vector<16xi32>
    %select_n3A_1203 = arith.select %eq3A_1202, %add3A_1201, %broadcast_in_dim3A_714 : vector<16xi1>, vector<16xf32>
    %add3A_1204 = arith.addf %add3A_1179, %select_n3A_1203 : vector<16xf32>
    %eq3A_1205 = arith.cmpi eq, %add3A_1182, %select_n3A_544 : vector<16xi32>
    %select_n3A_1206 = arith.select %eq3A_1205, %add3A_1201, %broadcast_in_dim3A_714 : vector<16xi1>, vector<16xf32>
    %add3A_1207 = arith.addf %add3A_1204, %select_n3A_1206 : vector<16xf32>
    %eq3A_1208 = arith.cmpi eq, %add3A_1182, %select_n3A_665 : vector<16xi32>
    %select_n3A_1209 = arith.select %eq3A_1208, %add3A_1201, %broadcast_in_dim3A_714 : vector<16xi1>, vector<16xf32>
    %add3A_1210 = arith.addf %add3A_1207, %select_n3A_1209 : vector<16xf32>
    %swap3A_1211 = arith.constant 0 : index
    %swap3A_1212 = tpu.vector_load %arg14[%swap3A_1211] {strides = array<i32>} : memref<16xf32, #tpu.memory_space<vmem>>, vector<16xf32>,
    %swap3A_1213 = vector.shape_cast %swap3A_1212 : vector<16xf32> to vector<16xf32>
    %swap3A_1214 = vector.shape_cast %add3A_1210 : vector<16xf32> to vector<16xf32>
    tpu.vector_store %arg14[%swap3A_1211], %swap3A_1214 {strides = array<i32>} : memref<16xf32, #tpu.memory_space<vmem>>, vector<16xf32>,
    %mul3A_1215 = arith.constant 16 : i32
    %mul3A_1216 = arith.muli %add3A, %mul3A_1215 : i32
    "tpu.region"() ({
      %run_scoped3A = tpu.sem_alloc : memref<!tpu.dma_semaphore, #tpu.memory_space<semaphore_mem>>
      %dma_start3A_1272 = tpu.memref_slice %arg6[%mul3A_1216] : memref<512xf32, #tpu.memory_space<hbm>> -> memref<16xf32, #tpu.memory_space<hbm>>
      %dma_start3A_1273 = tpu.memref_slice %arg6[%mul3A_1216] : memref<512xf32, #tpu.memory_space<hbm>> -> memref<16xf32, #tpu.memory_space<hbm>>
      tpu.enqueue_dma source(%arg14 : memref<16xf32, #tpu.memory_space<vmem>>) target(%dma_start3A_1273 : memref<16xf32, #tpu.memory_space<hbm>>) target_semaphore(%run_scoped3A : memref<!tpu.dma_semaphore, #tpu.memory_space<semaphore_mem>>)
      %dma_wait3A_1274 = tpu.memref_slice %arg6[%mul3A_1216] : memref<512xf32, #tpu.memory_space<hbm>> -> memref<16xf32, #tpu.memory_space<hbm>>
      %dma_wait3A_1275 = tpu.memref_slice %arg6[%mul3A_1216] : memref<512xf32, #tpu.memory_space<hbm>> -> memref<16xf32, #tpu.memory_space<hbm>>
      tpu.wait_dma2 semaphore(%run_scoped3A : memref<!tpu.dma_semaphore, #tpu.memory_space<semaphore_mem>>) src(%arg14 : memref<16xf32, #tpu.memory_space<vmem>>) dst(%dma_wait3A_1275 : memref<16xf32, #tpu.memory_space<hbm>>)
      tpu.yield
    }) : () -> ()
    %mul3A_1217 = arith.constant 5 : i32
    %mul3A_1218 = arith.muli %add3A_3, %mul3A_1217 : i32
    %add3A_1219 = vector.broadcast %mul3A_1218 : i32 to vector<16xi32>
    %add3A_1220 = arith.addi %add3A_1219, %select_n3A_699 : vector<16xi32>
    %mul3A_1221 = arith.constant 256 : i32
    %mul3A_1222 = vector.broadcast %mul3A_1221 : i32 to vector<16xi32>
    %mul3A_1223 = arith.muli %add3A_1220, %mul3A_1222 : vector<16xi32>
    %add3A_1224 = arith.addi %mul3A_1223, %select_n3A_710 : vector<16xi32>
    %swap3A_1225 = arith.constant 0 : index
    %swap3A_1226 = tpu.vector_load %arg9[%swap3A_1225] {strides = array<i32>} : memref<16xi32, #tpu.memory_space<vmem>>, vector<16xi32>,
    %swap3A_1227 = vector.shape_cast %swap3A_1226 : vector<16xi32> to vector<16xi32>
    %swap3A_1228 = vector.shape_cast %add3A_1224 : vector<16xi32> to vector<16xi32>
    tpu.vector_store %arg9[%swap3A_1225], %swap3A_1228 {strides = array<i32>} : memref<16xi32, #tpu.memory_space<vmem>>, vector<16xi32>,
    %dma_start3A = arith.constant 0 : i32
    %dma_start3A_1229 = arith.constant 0 : i32
    %dma_start3A_1230 = tpu.memref_slice %arg4[%dma_start3A, %dma_start3A_1229] : memref<81920x1024xf32, #tpu.memory_space<hbm>> -> memref<81920x1024xf32, #tpu.memory_space<hbm>>
    tpu.enqueue_indirect_dma source(%dma_start3A_1230 : memref<81920x1024xf32, #tpu.memory_space<hbm>>) target(%arg12 : memref<16x1024xf32, #tpu.memory_space<vmem>>) offsets(%arg9 : memref<16xi32, #tpu.memory_space<vmem>>) semaphore(%arg15 : memref<!tpu.dma_semaphore, #tpu.memory_space<semaphore_mem>>)
    %dma_wait3A = arith.constant 0 : i32
    %dma_wait3A_1231 = arith.constant 0 : i32
    %dma_wait3A_1232 = tpu.memref_slice %arg4[%dma_wait3A, %dma_wait3A_1231] : memref<81920x1024xf32, #tpu.memory_space<hbm>> -> memref<81920x1024xf32, #tpu.memory_space<hbm>>
    tpu.wait_indirect_dma semaphore(%arg15 : memref<!tpu.dma_semaphore, #tpu.memory_space<semaphore_mem>>) src(%dma_wait3A_1232 : memref<81920x1024xf32, #tpu.memory_space<hbm>>) dst(%arg12 : memref<16x1024xf32, #tpu.memory_space<vmem>>)
    %broadcast_in_dim3A_1233 = arith.constant 0.000000e+00 : f32
    %broadcast_in_dim3A_1234 = vector.broadcast %broadcast_in_dim3A_1233 : f32 to vector<16xf32>
    %broadcast_in_dim3A_1235 = arith.constant 0.000000e+00 : f32
    %broadcast_in_dim3A_1236 = vector.broadcast %broadcast_in_dim3A_1235 : f32 to vector<16xf32>
    %broadcast_in_dim3A_1237 = arith.constant 0.000000e+00 : f32
    %broadcast_in_dim3A_1238 = vector.broadcast %broadcast_in_dim3A_1237 : f32 to vector<16xf32>
    %broadcast_in_dim3A_1239 = arith.constant 0.000000e+00 : f32
    %broadcast_in_dim3A_1240 = vector.broadcast %broadcast_in_dim3A_1239 : f32 to vector<16xf32>
    %broadcast_in_dim3A_1241 = arith.constant 0.000000e+00 : f32
    %broadcast_in_dim3A_1242 = vector.broadcast %broadcast_in_dim3A_1241 : f32 to vector<16xf32>
    %scan3A = arith.constant 0 : i32
    %scan3A_1243 = arith.constant 64 : i32
    %scan3A_1244 = arith.addi %scan3A, %scan3A_1243 : i32
    %scan3A_1245 = arith.constant 1 : i32
    %scan3A_1246:5 = scf.for %scan3A_1272 = %scan3A to %scan3A_1244 step %scan3A_1245 iter_args(%scan3A_1273 = %broadcast_in_dim3A_1234, %scan3A_1274 = %broadcast_in_dim3A_1236, %scan3A_1275 = %broadcast_in_dim3A_1238, %scan3A_1276 = %broadcast_in_dim3A_1240, %scan3A_1277 = %broadcast_in_dim3A_1242) -> (vector<16xf32>, vector<16xf32>, vector<16xf32>, vector<16xf32>, vector<16xf32>)  : i32 {
      %mul3A_1278 = arith.constant 16 : i32
      %mul3A_1279 = arith.muli %scan3A_1272, %mul3A_1278 : i32
      %get3A_1280 = arith.constant 0 : i32
      %get3A_1281 = arith.index_cast %get3A_1280 : i32 to index
      %get3A_1282 = arith.index_cast %mul3A_1279 : i32 to index
      %get3A_1283 = tpu.vector_load %arg12[%get3A_1281, %get3A_1282] {strides = array<i32>} : memref<16x1024xf32, #tpu.memory_space<vmem>>, vector<1x16xf32>,
      %get3A_1284 = vector.shape_cast %get3A_1283 : vector<1x16xf32> to vector<16xf32>
      %mul3A_1285 = arith.constant 16 : i32
      %mul3A_1286 = arith.muli %scan3A_1272, %mul3A_1285 : i32
      %get3A_1287 = arith.constant 1 : i32
      %get3A_1288 = arith.index_cast %get3A_1287 : i32 to index
      %get3A_1289 = arith.index_cast %mul3A_1286 : i32 to index
      %get3A_1290 = tpu.vector_load %arg12[%get3A_1288, %get3A_1289] {strides = array<i32>} : memref<16x1024xf32, #tpu.memory_space<vmem>>, vector<1x16xf32>,
      %get3A_1291 = vector.shape_cast %get3A_1290 : vector<1x16xf32> to vector<16xf32>
      %add3A_1292 = arith.addf %get3A_1284, %get3A_1291 : vector<16xf32>
      %mul3A_1293 = arith.constant 16 : i32
      %mul3A_1294 = arith.muli %scan3A_1272, %mul3A_1293 : i32
      %get3A_1295 = arith.constant 2 : i32
      %get3A_1296 = arith.index_cast %get3A_1295 : i32 to index
      %get3A_1297 = arith.index_cast %mul3A_1294 : i32 to index
      %get3A_1298 = tpu.vector_load %arg12[%get3A_1296, %get3A_1297] {strides = array<i32>} : memref<16x1024xf32, #tpu.memory_space<vmem>>, vector<1x16xf32>,
      %get3A_1299 = vector.shape_cast %get3A_1298 : vector<1x16xf32> to vector<16xf32>
      %add3A_1300 = arith.addf %add3A_1292, %get3A_1299 : vector<16xf32>
      %mul3A_1301 = arith.mulf %add3A_1300, %add3A_1300 : vector<16xf32>
      %add3A_1302 = arith.addf %scan3A_1273, %mul3A_1301 : vector<16xf32>
      %mul3A_1303 = arith.constant 16 : i32
      %mul3A_1304 = arith.muli %scan3A_1272, %mul3A_1303 : i32
      %get3A_1305 = arith.constant 3 : i32
      %get3A_1306 = arith.index_cast %get3A_1305 : i32 to index
      %get3A_1307 = arith.index_cast %mul3A_1304 : i32 to index
      %get3A_1308 = tpu.vector_load %arg12[%get3A_1306, %get3A_1307] {strides = array<i32>} : memref<16x1024xf32, #tpu.memory_space<vmem>>, vector<1x16xf32>,
      %get3A_1309 = vector.shape_cast %get3A_1308 : vector<1x16xf32> to vector<16xf32>
      %mul3A_1310 = arith.constant 16 : i32
      %mul3A_1311 = arith.muli %scan3A_1272, %mul3A_1310 : i32
      %get3A_1312 = arith.constant 4 : i32
      %get3A_1313 = arith.index_cast %get3A_1312 : i32 to index
      %get3A_1314 = arith.index_cast %mul3A_1311 : i32 to index
      %get3A_1315 = tpu.vector_load %arg12[%get3A_1313, %get3A_1314] {strides = array<i32>} : memref<16x1024xf32, #tpu.memory_space<vmem>>, vector<1x16xf32>,
      %get3A_1316 = vector.shape_cast %get3A_1315 : vector<1x16xf32> to vector<16xf32>
      %add3A_1317 = arith.addf %get3A_1309, %get3A_1316 : vector<16xf32>
      %mul3A_1318 = arith.constant 16 : i32
      %mul3A_1319 = arith.muli %scan3A_1272, %mul3A_1318 : i32
      %get3A_1320 = arith.constant 5 : i32
      %get3A_1321 = arith.index_cast %get3A_1320 : i32 to index
      %get3A_1322 = arith.index_cast %mul3A_1319 : i32 to index
      %get3A_1323 = tpu.vector_load %arg12[%get3A_1321, %get3A_1322] {strides = array<i32>} : memref<16x1024xf32, #tpu.memory_space<vmem>>, vector<1x16xf32>,
      %get3A_1324 = vector.shape_cast %get3A_1323 : vector<1x16xf32> to vector<16xf32>
      %add3A_1325 = arith.addf %add3A_1317, %get3A_1324 : vector<16xf32>
      %mul3A_1326 = arith.mulf %add3A_1325, %add3A_1325 : vector<16xf32>
      %add3A_1327 = arith.addf %scan3A_1274, %mul3A_1326 : vector<16xf32>
      %mul3A_1328 = arith.constant 16 : i32
      %mul3A_1329 = arith.muli %scan3A_1272, %mul3A_1328 : i32
      %get3A_1330 = arith.constant 6 : i32
      %get3A_1331 = arith.index_cast %get3A_1330 : i32 to index
      %get3A_1332 = arith.index_cast %mul3A_1329 : i32 to index
      %get3A_1333 = tpu.vector_load %arg12[%get3A_1331, %get3A_1332] {strides = array<i32>} : memref<16x1024xf32, #tpu.memory_space<vmem>>, vector<1x16xf32>,
      %get3A_1334 = vector.shape_cast %get3A_1333 : vector<1x16xf32> to vector<16xf32>
      %mul3A_1335 = arith.constant 16 : i32
      %mul3A_1336 = arith.muli %scan3A_1272, %mul3A_1335 : i32
      %get3A_1337 = arith.constant 7 : i32
      %get3A_1338 = arith.index_cast %get3A_1337 : i32 to index
      %get3A_1339 = arith.index_cast %mul3A_1336 : i32 to index
      %get3A_1340 = tpu.vector_load %arg12[%get3A_1338, %get3A_1339] {strides = array<i32>} : memref<16x1024xf32, #tpu.memory_space<vmem>>, vector<1x16xf32>,
      %get3A_1341 = vector.shape_cast %get3A_1340 : vector<1x16xf32> to vector<16xf32>
      %add3A_1342 = arith.addf %get3A_1334, %get3A_1341 : vector<16xf32>
      %mul3A_1343 = arith.constant 16 : i32
      %mul3A_1344 = arith.muli %scan3A_1272, %mul3A_1343 : i32
      %get3A_1345 = arith.constant 8 : i32
      %get3A_1346 = arith.index_cast %get3A_1345 : i32 to index
      %get3A_1347 = arith.index_cast %mul3A_1344 : i32 to index
      %get3A_1348 = tpu.vector_load %arg12[%get3A_1346, %get3A_1347] {strides = array<i32>} : memref<16x1024xf32, #tpu.memory_space<vmem>>, vector<1x16xf32>,
      %get3A_1349 = vector.shape_cast %get3A_1348 : vector<1x16xf32> to vector<16xf32>
      %add3A_1350 = arith.addf %add3A_1342, %get3A_1349 : vector<16xf32>
      %mul3A_1351 = arith.mulf %add3A_1350, %add3A_1350 : vector<16xf32>
      %add3A_1352 = arith.addf %scan3A_1275, %mul3A_1351 : vector<16xf32>
      %mul3A_1353 = arith.constant 16 : i32
      %mul3A_1354 = arith.muli %scan3A_1272, %mul3A_1353 : i32
      %get3A_1355 = arith.constant 9 : i32
      %get3A_1356 = arith.index_cast %get3A_1355 : i32 to index
      %get3A_1357 = arith.index_cast %mul3A_1354 : i32 to index
      %get3A_1358 = tpu.vector_load %arg12[%get3A_1356, %get3A_1357] {strides = array<i32>} : memref<16x1024xf32, #tpu.memory_space<vmem>>, vector<1x16xf32>,
      %get3A_1359 = vector.shape_cast %get3A_1358 : vector<1x16xf32> to vector<16xf32>
      %mul3A_1360 = arith.constant 16 : i32
      %mul3A_1361 = arith.muli %scan3A_1272, %mul3A_1360 : i32
      %get3A_1362 = arith.constant 10 : i32
      %get3A_1363 = arith.index_cast %get3A_1362 : i32 to index
      %get3A_1364 = arith.index_cast %mul3A_1361 : i32 to index
      %get3A_1365 = tpu.vector_load %arg12[%get3A_1363, %get3A_1364] {strides = array<i32>} : memref<16x1024xf32, #tpu.memory_space<vmem>>, vector<1x16xf32>,
      %get3A_1366 = vector.shape_cast %get3A_1365 : vector<1x16xf32> to vector<16xf32>
      %add3A_1367 = arith.addf %get3A_1359, %get3A_1366 : vector<16xf32>
      %mul3A_1368 = arith.constant 16 : i32
      %mul3A_1369 = arith.muli %scan3A_1272, %mul3A_1368 : i32
      %get3A_1370 = arith.constant 11 : i32
      %get3A_1371 = arith.index_cast %get3A_1370 : i32 to index
      %get3A_1372 = arith.index_cast %mul3A_1369 : i32 to index
      %get3A_1373 = tpu.vector_load %arg12[%get3A_1371, %get3A_1372] {strides = array<i32>} : memref<16x1024xf32, #tpu.memory_space<vmem>>, vector<1x16xf32>,
      %get3A_1374 = vector.shape_cast %get3A_1373 : vector<1x16xf32> to vector<16xf32>
      %add3A_1375 = arith.addf %add3A_1367, %get3A_1374 : vector<16xf32>
      %mul3A_1376 = arith.mulf %add3A_1375, %add3A_1375 : vector<16xf32>
      %add3A_1377 = arith.addf %scan3A_1276, %mul3A_1376 : vector<16xf32>
      %mul3A_1378 = arith.constant 16 : i32
      %mul3A_1379 = arith.muli %scan3A_1272, %mul3A_1378 : i32
      %get3A_1380 = arith.constant 12 : i32
      %get3A_1381 = arith.index_cast %get3A_1380 : i32 to index
      %get3A_1382 = arith.index_cast %mul3A_1379 : i32 to index
      %get3A_1383 = tpu.vector_load %arg12[%get3A_1381, %get3A_1382] {strides = array<i32>} : memref<16x1024xf32, #tpu.memory_space<vmem>>, vector<1x16xf32>,
      %get3A_1384 = vector.shape_cast %get3A_1383 : vector<1x16xf32> to vector<16xf32>
      %mul3A_1385 = arith.constant 16 : i32
      %mul3A_1386 = arith.muli %scan3A_1272, %mul3A_1385 : i32
      %get3A_1387 = arith.constant 13 : i32
      %get3A_1388 = arith.index_cast %get3A_1387 : i32 to index
      %get3A_1389 = arith.index_cast %mul3A_1386 : i32 to index
      %get3A_1390 = tpu.vector_load %arg12[%get3A_1388, %get3A_1389] {strides = array<i32>} : memref<16x1024xf32, #tpu.memory_space<vmem>>, vector<1x16xf32>,
      %get3A_1391 = vector.shape_cast %get3A_1390 : vector<1x16xf32> to vector<16xf32>
      %add3A_1392 = arith.addf %get3A_1384, %get3A_1391 : vector<16xf32>
      %mul3A_1393 = arith.constant 16 : i32
      %mul3A_1394 = arith.muli %scan3A_1272, %mul3A_1393 : i32
      %get3A_1395 = arith.constant 14 : i32
      %get3A_1396 = arith.index_cast %get3A_1395 : i32 to index
      %get3A_1397 = arith.index_cast %mul3A_1394 : i32 to index
      %get3A_1398 = tpu.vector_load %arg12[%get3A_1396, %get3A_1397] {strides = array<i32>} : memref<16x1024xf32, #tpu.memory_space<vmem>>, vector<1x16xf32>,
      %get3A_1399 = vector.shape_cast %get3A_1398 : vector<1x16xf32> to vector<16xf32>
      %add3A_1400 = arith.addf %add3A_1392, %get3A_1399 : vector<16xf32>
      %mul3A_1401 = arith.mulf %add3A_1400, %add3A_1400 : vector<16xf32>
      %add3A_1402 = arith.addf %scan3A_1277, %mul3A_1401 : vector<16xf32>
      scf.yield %add3A_1302, %add3A_1327, %add3A_1352, %add3A_1377, %add3A_1402 : vector<16xf32>, vector<16xf32>, vector<16xf32>, vector<16xf32>, vector<16xf32>
    }
    %scan3A_1247 = arith.constant 64 : i32
    %swap3A_1248 = arith.constant 0 : index
    %swap3A_1249 = tpu.vector_load %arg13[%swap3A_1248] {strides = array<i32>} : memref<80xf32, #tpu.memory_space<vmem>>, vector<16xf32>,
    %swap3A_1250 = vector.shape_cast %swap3A_1249 : vector<16xf32> to vector<16xf32>
    %swap3A_1251 = vector.shape_cast %scan3A_1246#0 : vector<16xf32> to vector<16xf32>
    tpu.vector_store %arg13[%swap3A_1248], %swap3A_1251 {strides = array<i32>} : memref<80xf32, #tpu.memory_space<vmem>>, vector<16xf32>,
    %swap3A_1252 = arith.constant 16 : index
    %swap3A_1253 = tpu.vector_load %arg13[%swap3A_1252] {strides = array<i32>} : memref<80xf32, #tpu.memory_space<vmem>>, vector<16xf32>,
    %swap3A_1254 = vector.shape_cast %swap3A_1253 : vector<16xf32> to vector<16xf32>
    %swap3A_1255 = vector.shape_cast %scan3A_1246#1 : vector<16xf32> to vector<16xf32>
    tpu.vector_store %arg13[%swap3A_1252], %swap3A_1255 {strides = array<i32>} : memref<80xf32, #tpu.memory_space<vmem>>, vector<16xf32>,
    %swap3A_1256 = arith.constant 32 : index
    %swap3A_1257 = tpu.vector_load %arg13[%swap3A_1256] {strides = array<i32>} : memref<80xf32, #tpu.memory_space<vmem>>, vector<16xf32>,
    %swap3A_1258 = vector.shape_cast %swap3A_1257 : vector<16xf32> to vector<16xf32>
    %swap3A_1259 = vector.shape_cast %scan3A_1246#2 : vector<16xf32> to vector<16xf32>
    tpu.vector_store %arg13[%swap3A_1256], %swap3A_1259 {strides = array<i32>} : memref<80xf32, #tpu.memory_space<vmem>>, vector<16xf32>,
    %swap3A_1260 = arith.constant 48 : index
    %swap3A_1261 = tpu.vector_load %arg13[%swap3A_1260] {strides = array<i32>} : memref<80xf32, #tpu.memory_space<vmem>>, vector<16xf32>,
    %swap3A_1262 = vector.shape_cast %swap3A_1261 : vector<16xf32> to vector<16xf32>
    %swap3A_1263 = vector.shape_cast %scan3A_1246#3 : vector<16xf32> to vector<16xf32>
    tpu.vector_store %arg13[%swap3A_1260], %swap3A_1263 {strides = array<i32>} : memref<80xf32, #tpu.memory_space<vmem>>, vector<16xf32>,
    %swap3A_1264 = arith.constant 64 : index
    %swap3A_1265 = tpu.vector_load %arg13[%swap3A_1264] {strides = array<i32>} : memref<80xf32, #tpu.memory_space<vmem>>, vector<16xf32>,
    %swap3A_1266 = vector.shape_cast %swap3A_1265 : vector<16xf32> to vector<16xf32>
    %swap3A_1267 = vector.shape_cast %scan3A_1246#4 : vector<16xf32> to vector<16xf32>
    tpu.vector_store %arg13[%swap3A_1264], %swap3A_1267 {strides = array<i32>} : memref<80xf32, #tpu.memory_space<vmem>>, vector<16xf32>,
    %mul3A_1268 = arith.constant 5 : i32
    %mul3A_1269 = arith.muli %add3A, %mul3A_1268 : i32
    %mul3A_1270 = arith.constant 16 : i32
    %mul3A_1271 = arith.muli %mul3A_1269, %mul3A_1270 : i32
    "tpu.region"() ({
      %run_scoped3A = tpu.sem_alloc : memref<!tpu.dma_semaphore, #tpu.memory_space<semaphore_mem>>
      %dma_start3A_1272 = tpu.memref_slice %arg5[%mul3A_1271] : memref<2560xf32, #tpu.memory_space<hbm>> -> memref<80xf32, #tpu.memory_space<hbm>>
      %dma_start3A_1273 = tpu.memref_slice %arg5[%mul3A_1271] : memref<2560xf32, #tpu.memory_space<hbm>> -> memref<80xf32, #tpu.memory_space<hbm>>
      tpu.enqueue_dma source(%arg13 : memref<80xf32, #tpu.memory_space<vmem>>) target(%dma_start3A_1273 : memref<80xf32, #tpu.memory_space<hbm>>) target_semaphore(%run_scoped3A : memref<!tpu.dma_semaphore, #tpu.memory_space<semaphore_mem>>)
      %dma_wait3A_1274 = tpu.memref_slice %arg5[%mul3A_1271] : memref<2560xf32, #tpu.memory_space<hbm>> -> memref<80xf32, #tpu.memory_space<hbm>>
      %dma_wait3A_1275 = tpu.memref_slice %arg5[%mul3A_1271] : memref<2560xf32, #tpu.memory_space<hbm>> -> memref<80xf32, #tpu.memory_space<hbm>>
      tpu.wait_dma2 semaphore(%run_scoped3A : memref<!tpu.dma_semaphore, #tpu.memory_space<semaphore_mem>>) src(%arg13 : memref<80xf32, #tpu.memory_space<vmem>>) dst(%dma_wait3A_1275 : memref<80xf32, #tpu.memory_space<hbm>>)
      tpu.yield
    }) : () -> ()
    return
  }
}

#map = affine_map<(d0, d1) -> (0)>
#map1 = affine_map<(d0, d1) -> (0, 0)>
module attributes {stable_mosaic.version = 14 : i64} {
  func.func @_sc_topk_gather(%arg0: i32, %arg1: i32, %arg2: memref<8192xf32, #tpu.memory_space<hbm>>, %arg3: memref<81920xf32, #tpu.memory_space<hbm>>, %arg4: memref<81920x1024xf32, #tpu.memory_space<hbm>>, %arg5: memref<2560xf32, #tpu.memory_space<hbm>>, %arg6: memref<512xf32, #tpu.memory_space<hbm>>, %arg7: memref<256xf32, #tpu.memory_space<vmem>>, %arg8: memref<1280xf32, #tpu.memory_space<vmem>>, %arg9: memref<16xi32, #tpu.memory_space<vmem>>, %arg10: memref<32xf32, #tpu.memory_space<vmem>>, %arg11: memref<32xi32, #tpu.memory_space<vmem>>, %arg12: memref<16x1024xf32, #tpu.memory_space<vmem>>, %arg13: memref<80xf32, #tpu.memory_space<vmem>>, %arg14: memref<16xf32, #tpu.memory_space<vmem>>, %arg15: memref<!tpu.dma_semaphore, #tpu.memory_space<semaphore_mem>>) attributes {dimension_semantics = [#tpu.dimension_semantics<core_parallel>, #tpu.dimension_semantics<subcore_parallel>], iteration_bounds = array<i64: 2, 16>, scalar_prefetch = 0 : i64, scratch_operands = 9 : i64, tpu.core_type = #tpu.core_type<sc_vector_subcore>, window_params = [{transform_indices = #map}, {transform_indices = #map}, {transform_indices = #map1}, {transform_indices = #map}, {transform_indices = #map}]} {
    %mul3A = arith.constant 2 : i32
    %mul3A_0 = arith.muli %arg1, %mul3A : i32
    %add3A = arith.addi %mul3A_0, %arg0 : i32
    %iota3A = tpu.iota {dimensions = array<i32: 0>} : vector<16xi32>
    %broadcast_in_dim3A = arith.constant 0 : i32
    %broadcast_in_dim3A_1 = vector.broadcast %broadcast_in_dim3A : i32 to vector<16xi32>
    %add3A_2 = arith.constant 32 : i32
    %add3A_3 = arith.addi %add3A, %add3A_2 : i32
    %mul3A_4 = arith.constant 256 : i32
    %mul3A_5 = arith.muli %add3A, %mul3A_4 : i32
    "tpu.region"() ({
      %run_scoped3A = tpu.sem_alloc : memref<!tpu.dma_semaphore, #tpu.memory_space<semaphore_mem>>
      %dma_start3A_1272 = tpu.memref_slice %arg2[%mul3A_5] : memref<8192xf32, #tpu.memory_space<hbm>> -> memref<256xf32, #tpu.memory_space<hbm>>
      %dma_start3A_1273 = tpu.memref_slice %arg2[%mul3A_5] : memref<8192xf32, #tpu.memory_space<hbm>> -> memref<256xf32, #tpu.memory_space<hbm>>
      tpu.enqueue_dma source(%dma_start3A_1273 : memref<256xf32, #tpu.memory_space<hbm>>) target(%arg7 : memref<256xf32, #tpu.memory_space<vmem>>) target_semaphore(%run_scoped3A : memref<!tpu.dma_semaphore, #tpu.memory_space<semaphore_mem>>)
      %dma_wait3A_1274 = tpu.memref_slice %arg2[%mul3A_5] : memref<8192xf32, #tpu.memory_space<hbm>> -> memref<256xf32, #tpu.memory_space<hbm>>
      %dma_wait3A_1275 = tpu.memref_slice %arg2[%mul3A_5] : memref<8192xf32, #tpu.memory_space<hbm>> -> memref<256xf32, #tpu.memory_space<hbm>>
      tpu.wait_dma2 semaphore(%run_scoped3A : memref<!tpu.dma_semaphore, #tpu.memory_space<semaphore_mem>>) src(%dma_wait3A_1275 : memref<256xf32, #tpu.memory_space<hbm>>) dst(%arg7 : memref<256xf32, #tpu.memory_space<vmem>>)
      tpu.yield
    }) : () -> ()
    %mul3A_6 = arith.constant 5 : i32
    %mul3A_7 = arith.muli %add3A_3, %mul3A_6 : i32
    %mul3A_8 = arith.constant 256 : i32
    %mul3A_9 = arith.muli %mul3A_7, %mul3A_8 : i32
    "tpu.region"() ({
      %run_scoped3A = tpu.sem_alloc : memref<!tpu.dma_semaphore, #tpu.memory_space<semaphore_mem>>
      %dma_start3A_1272 = tpu.memref_slice %arg3[%mul3A_9] : memref<81920xf32, #tpu.memory_space<hbm>> -> memref<1280xf32, #tpu.memory_space<hbm>>
      %dma_start3A_1273 = tpu.memref_slice %arg3[%mul3A_9] : memref<81920xf32, #tpu.memory_space<hbm>> -> memref<1280xf32, #tpu.memory_space<hbm>>
      tpu.enqueue_dma source(%dma_start3A_1273 : memref<1280xf32, #tpu.memory_space<hbm>>) target(%arg8 : memref<1280xf32, #tpu.memory_space<vmem>>) target_semaphore(%run_scoped3A : memref<!tpu.dma_semaphore, #tpu.memory_space<semaphore_mem>>)
      %dma_wait3A_1274 = tpu.memref_slice %arg3[%mul3A_9] : memref<81920xf32, #tpu.memory_space<hbm>> -> memref<1280xf32, #tpu.memory_space<hbm>>
      %dma_wait3A_1275 = tpu.memref_slice %arg3[%mul3A_9] : memref<81920xf32, #tpu.memory_space<hbm>> -> memref<1280xf32, #tpu.memory_space<hbm>>
      tpu.wait_dma2 semaphore(%run_scoped3A : memref<!tpu.dma_semaphore, #tpu.memory_space<semaphore_mem>>) src(%dma_wait3A_1275 : memref<1280xf32, #tpu.memory_space<hbm>>) dst(%arg8 : memref<1280xf32, #tpu.memory_space<vmem>>)
      tpu.yield
    }) : () -> ()
    %broadcast_in_dim3A_10 = arith.constant 0xFF800000 : f32
    %broadcast_in_dim3A_11 = vector.broadcast %broadcast_in_dim3A_10 : f32 to vector<16xf32>
    %get3A = arith.constant 0 : index
    %get3A_12 = tpu.vector_load %arg7[%get3A] {strides = array<i32>} : memref<256xf32, #tpu.memory_space<vmem>>, vector<16xf32>,
    %get3A_13 = vector.shape_cast %get3A_12 : vector<16xf32> to vector<16xf32>
    %add3A_14 = arith.constant 0 : i32
    %add3A_15 = vector.broadcast %add3A_14 : i32 to vector<16xi32>
    %add3A_16 = arith.addi %iota3A, %add3A_15 : vector<16xi32>
    %gt3A = arith.cmpf ogt, %get3A_13, %broadcast_in_dim3A_11 : vector<16xf32>
    %gt3A_17 = arith.cmpf ogt, %get3A_13, %broadcast_in_dim3A_11 : vector<16xf32>
    %gt3A_18 = arith.cmpf ogt, %get3A_13, %broadcast_in_dim3A_11 : vector<16xf32>
    %select_n3A = arith.select %gt3A, %get3A_13, %broadcast_in_dim3A_11 : vector<16xi1>, vector<16xf32>
    %select_n3A_19 = arith.select %gt3A, %add3A_16, %broadcast_in_dim3A_1 : vector<16xi1>, vector<16xi32>
    %select_n3A_20 = arith.select %gt3A_17, %get3A_13, %broadcast_in_dim3A_11 : vector<16xi1>, vector<16xf32>
    %select_n3A_21 = arith.select %gt3A, %broadcast_in_dim3A_11, %select_n3A_20 : vector<16xi1>, vector<16xf32>
    %select_n3A_22 = arith.select %gt3A_17, %add3A_16, %broadcast_in_dim3A_1 : vector<16xi1>, vector<16xi32>
    %select_n3A_23 = arith.select %gt3A, %broadcast_in_dim3A_1, %select_n3A_22 : vector<16xi1>, vector<16xi32>
    %select_n3A_24 = arith.select %gt3A_18, %get3A_13, %broadcast_in_dim3A_11 : vector<16xi1>, vector<16xf32>
    %select_n3A_25 = arith.select %gt3A_17, %broadcast_in_dim3A_11, %select_n3A_24 : vector<16xi1>, vector<16xf32>
    %select_n3A_26 = arith.select %gt3A_18, %add3A_16, %broadcast_in_dim3A_1 : vector<16xi1>, vector<16xi32>
    %select_n3A_27 = arith.select %gt3A_17, %broadcast_in_dim3A_1, %select_n3A_26 : vector<16xi1>, vector<16xi32>
    %get3A_28 = arith.constant 16 : index
    %get3A_29 = tpu.vector_load %arg7[%get3A_28] {strides = array<i32>} : memref<256xf32, #tpu.memory_space<vmem>>, vector<16xf32>,
    %get3A_30 = vector.shape_cast %get3A_29 : vector<16xf32> to vector<16xf32>
    %add3A_31 = arith.constant 16 : i32
    %add3A_32 = vector.broadcast %add3A_31 : i32 to vector<16xi32>
    %add3A_33 = arith.addi %iota3A, %add3A_32 : vector<16xi32>
    %gt3A_34 = arith.cmpf ogt, %get3A_30, %select_n3A : vector<16xf32>
    %gt3A_35 = arith.cmpf ogt, %get3A_30, %select_n3A_21 : vector<16xf32>
    %gt3A_36 = arith.cmpf ogt, %get3A_30, %select_n3A_25 : vector<16xf32>
    %select_n3A_37 = arith.select %gt3A_34, %get3A_30, %select_n3A : vector<16xi1>, vector<16xf32>
    %select_n3A_38 = arith.select %gt3A_34, %add3A_33, %select_n3A_19 : vector<16xi1>, vector<16xi32>
    %select_n3A_39 = arith.select %gt3A_35, %get3A_30, %select_n3A_21 : vector<16xi1>, vector<16xf32>
    %select_n3A_40 = arith.select %gt3A_34, %select_n3A, %select_n3A_39 : vector<16xi1>, vector<16xf32>
    %select_n3A_41 = arith.select %gt3A_35, %add3A_33, %select_n3A_23 : vector<16xi1>, vector<16xi32>
    %select_n3A_42 = arith.select %gt3A_34, %select_n3A_19, %select_n3A_41 : vector<16xi1>, vector<16xi32>
    %select_n3A_43 = arith.select %gt3A_36, %get3A_30, %select_n3A_25 : vector<16xi1>, vector<16xf32>
    %select_n3A_44 = arith.select %gt3A_35, %select_n3A_21, %select_n3A_43 : vector<16xi1>, vector<16xf32>
    %select_n3A_45 = arith.select %gt3A_36, %add3A_33, %select_n3A_27 : vector<16xi1>, vector<16xi32>
    %select_n3A_46 = arith.select %gt3A_35, %select_n3A_23, %select_n3A_45 : vector<16xi1>, vector<16xi32>
    %get3A_47 = arith.constant 32 : index
    %get3A_48 = tpu.vector_load %arg7[%get3A_47] {strides = array<i32>} : memref<256xf32, #tpu.memory_space<vmem>>, vector<16xf32>,
    %get3A_49 = vector.shape_cast %get3A_48 : vector<16xf32> to vector<16xf32>
    %add3A_50 = arith.constant 32 : i32
    %add3A_51 = vector.broadcast %add3A_50 : i32 to vector<16xi32>
    %add3A_52 = arith.addi %iota3A, %add3A_51 : vector<16xi32>
    %gt3A_53 = arith.cmpf ogt, %get3A_49, %select_n3A_37 : vector<16xf32>
    %gt3A_54 = arith.cmpf ogt, %get3A_49, %select_n3A_40 : vector<16xf32>
    %gt3A_55 = arith.cmpf ogt, %get3A_49, %select_n3A_44 : vector<16xf32>
    %select_n3A_56 = arith.select %gt3A_53, %get3A_49, %select_n3A_37 : vector<16xi1>, vector<16xf32>
    %select_n3A_57 = arith.select %gt3A_53, %add3A_52, %select_n3A_38 : vector<16xi1>, vector<16xi32>
    %select_n3A_58 = arith.select %gt3A_54, %get3A_49, %select_n3A_40 : vector<16xi1>, vector<16xf32>
    %select_n3A_59 = arith.select %gt3A_53, %select_n3A_37, %select_n3A_58 : vector<16xi1>, vector<16xf32>
    %select_n3A_60 = arith.select %gt3A_54, %add3A_52, %select_n3A_42 : vector<16xi1>, vector<16xi32>
    %select_n3A_61 = arith.select %gt3A_53, %select_n3A_38, %select_n3A_60 : vector<16xi1>, vector<16xi32>
    %select_n3A_62 = arith.select %gt3A_55, %get3A_49, %select_n3A_44 : vector<16xi1>, vector<16xf32>
    %select_n3A_63 = arith.select %gt3A_54, %select_n3A_40, %select_n3A_62 : vector<16xi1>, vector<16xf32>
    %select_n3A_64 = arith.select %gt3A_55, %add3A_52, %select_n3A_46 : vector<16xi1>, vector<16xi32>
    %select_n3A_65 = arith.select %gt3A_54, %select_n3A_42, %select_n3A_64 : vector<16xi1>, vector<16xi32>
    %get3A_66 = arith.constant 48 : index
    %get3A_67 = tpu.vector_load %arg7[%get3A_66] {strides = array<i32>} : memref<256xf32, #tpu.memory_space<vmem>>, vector<16xf32>,
    %get3A_68 = vector.shape_cast %get3A_67 : vector<16xf32> to vector<16xf32>
    %add3A_69 = arith.constant 48 : i32
    %add3A_70 = vector.broadcast %add3A_69 : i32 to vector<16xi32>
    %add3A_71 = arith.addi %iota3A, %add3A_70 : vector<16xi32>
    %gt3A_72 = arith.cmpf ogt, %get3A_68, %select_n3A_56 : vector<16xf32>
    %gt3A_73 = arith.cmpf ogt, %get3A_68, %select_n3A_59 : vector<16xf32>
    %gt3A_74 = arith.cmpf ogt, %get3A_68, %select_n3A_63 : vector<16xf32>
    %select_n3A_75 = arith.select %gt3A_72, %get3A_68, %select_n3A_56 : vector<16xi1>, vector<16xf32>
    %select_n3A_76 = arith.select %gt3A_72, %add3A_71, %select_n3A_57 : vector<16xi1>, vector<16xi32>
    %select_n3A_77 = arith.select %gt3A_73, %get3A_68, %select_n3A_59 : vector<16xi1>, vector<16xf32>
    %select_n3A_78 = arith.select %gt3A_72, %select_n3A_56, %select_n3A_77 : vector<16xi1>, vector<16xf32>
    %select_n3A_79 = arith.select %gt3A_73, %add3A_71, %select_n3A_61 : vector<16xi1>, vector<16xi32>
    %select_n3A_80 = arith.select %gt3A_72, %select_n3A_57, %select_n3A_79 : vector<16xi1>, vector<16xi32>
    %select_n3A_81 = arith.select %gt3A_74, %get3A_68, %select_n3A_63 : vector<16xi1>, vector<16xf32>
    %select_n3A_82 = arith.select %gt3A_73, %select_n3A_59, %select_n3A_81 : vector<16xi1>, vector<16xf32>
    %select_n3A_83 = arith.select %gt3A_74, %add3A_71, %select_n3A_65 : vector<16xi1>, vector<16xi32>
    %select_n3A_84 = arith.select %gt3A_73, %select_n3A_61, %select_n3A_83 : vector<16xi1>, vector<16xi32>
    %get3A_85 = arith.constant 64 : index
    %get3A_86 = tpu.vector_load %arg7[%get3A_85] {strides = array<i32>} : memref<256xf32, #tpu.memory_space<vmem>>, vector<16xf32>,
    %get3A_87 = vector.shape_cast %get3A_86 : vector<16xf32> to vector<16xf32>
    %add3A_88 = arith.constant 64 : i32
    %add3A_89 = vector.broadcast %add3A_88 : i32 to vector<16xi32>
    %add3A_90 = arith.addi %iota3A, %add3A_89 : vector<16xi32>
    %gt3A_91 = arith.cmpf ogt, %get3A_87, %select_n3A_75 : vector<16xf32>
    %gt3A_92 = arith.cmpf ogt, %get3A_87, %select_n3A_78 : vector<16xf32>
    %gt3A_93 = arith.cmpf ogt, %get3A_87, %select_n3A_82 : vector<16xf32>
    %select_n3A_94 = arith.select %gt3A_91, %get3A_87, %select_n3A_75 : vector<16xi1>, vector<16xf32>
    %select_n3A_95 = arith.select %gt3A_91, %add3A_90, %select_n3A_76 : vector<16xi1>, vector<16xi32>
    %select_n3A_96 = arith.select %gt3A_92, %get3A_87, %select_n3A_78 : vector<16xi1>, vector<16xf32>
    %select_n3A_97 = arith.select %gt3A_91, %select_n3A_75, %select_n3A_96 : vector<16xi1>, vector<16xf32>
    %select_n3A_98 = arith.select %gt3A_92, %add3A_90, %select_n3A_80 : vector<16xi1>, vector<16xi32>
    %select_n3A_99 = arith.select %gt3A_91, %select_n3A_76, %select_n3A_98 : vector<16xi1>, vector<16xi32>
    %select_n3A_100 = arith.select %gt3A_93, %get3A_87, %select_n3A_82 : vector<16xi1>, vector<16xf32>
    %select_n3A_101 = arith.select %gt3A_92, %select_n3A_78, %select_n3A_100 : vector<16xi1>, vector<16xf32>
    %select_n3A_102 = arith.select %gt3A_93, %add3A_90, %select_n3A_84 : vector<16xi1>, vector<16xi32>
    %select_n3A_103 = arith.select %gt3A_92, %select_n3A_80, %select_n3A_102 : vector<16xi1>, vector<16xi32>
    %get3A_104 = arith.constant 80 : index
    %get3A_105 = tpu.vector_load %arg7[%get3A_104] {strides = array<i32>} : memref<256xf32, #tpu.memory_space<vmem>>, vector<16xf32>,
    %get3A_106 = vector.shape_cast %get3A_105 : vector<16xf32> to vector<16xf32>
    %add3A_107 = arith.constant 80 : i32
    %add3A_108 = vector.broadcast %add3A_107 : i32 to vector<16xi32>
    %add3A_109 = arith.addi %iota3A, %add3A_108 : vector<16xi32>
    %gt3A_110 = arith.cmpf ogt, %get3A_106, %select_n3A_94 : vector<16xf32>
    %gt3A_111 = arith.cmpf ogt, %get3A_106, %select_n3A_97 : vector<16xf32>
    %gt3A_112 = arith.cmpf ogt, %get3A_106, %select_n3A_101 : vector<16xf32>
    %select_n3A_113 = arith.select %gt3A_110, %get3A_106, %select_n3A_94 : vector<16xi1>, vector<16xf32>
    %select_n3A_114 = arith.select %gt3A_110, %add3A_109, %select_n3A_95 : vector<16xi1>, vector<16xi32>
    %select_n3A_115 = arith.select %gt3A_111, %get3A_106, %select_n3A_97 : vector<16xi1>, vector<16xf32>
    %select_n3A_116 = arith.select %gt3A_110, %select_n3A_94, %select_n3A_115 : vector<16xi1>, vector<16xf32>
    %select_n3A_117 = arith.select %gt3A_111, %add3A_109, %select_n3A_99 : vector<16xi1>, vector<16xi32>
    %select_n3A_118 = arith.select %gt3A_110, %select_n3A_95, %select_n3A_117 : vector<16xi1>, vector<16xi32>
    %select_n3A_119 = arith.select %gt3A_112, %get3A_106, %select_n3A_101 : vector<16xi1>, vector<16xf32>
    %select_n3A_120 = arith.select %gt3A_111, %select_n3A_97, %select_n3A_119 : vector<16xi1>, vector<16xf32>
    %select_n3A_121 = arith.select %gt3A_112, %add3A_109, %select_n3A_103 : vector<16xi1>, vector<16xi32>
    %select_n3A_122 = arith.select %gt3A_111, %select_n3A_99, %select_n3A_121 : vector<16xi1>, vector<16xi32>
    %get3A_123 = arith.constant 96 : index
    %get3A_124 = tpu.vector_load %arg7[%get3A_123] {strides = array<i32>} : memref<256xf32, #tpu.memory_space<vmem>>, vector<16xf32>,
    %get3A_125 = vector.shape_cast %get3A_124 : vector<16xf32> to vector<16xf32>
    %add3A_126 = arith.constant 96 : i32
    %add3A_127 = vector.broadcast %add3A_126 : i32 to vector<16xi32>
    %add3A_128 = arith.addi %iota3A, %add3A_127 : vector<16xi32>
    %gt3A_129 = arith.cmpf ogt, %get3A_125, %select_n3A_113 : vector<16xf32>
    %gt3A_130 = arith.cmpf ogt, %get3A_125, %select_n3A_116 : vector<16xf32>
    %gt3A_131 = arith.cmpf ogt, %get3A_125, %select_n3A_120 : vector<16xf32>
    %select_n3A_132 = arith.select %gt3A_129, %get3A_125, %select_n3A_113 : vector<16xi1>, vector<16xf32>
    %select_n3A_133 = arith.select %gt3A_129, %add3A_128, %select_n3A_114 : vector<16xi1>, vector<16xi32>
    %select_n3A_134 = arith.select %gt3A_130, %get3A_125, %select_n3A_116 : vector<16xi1>, vector<16xf32>
    %select_n3A_135 = arith.select %gt3A_129, %select_n3A_113, %select_n3A_134 : vector<16xi1>, vector<16xf32>
    %select_n3A_136 = arith.select %gt3A_130, %add3A_128, %select_n3A_118 : vector<16xi1>, vector<16xi32>
    %select_n3A_137 = arith.select %gt3A_129, %select_n3A_114, %select_n3A_136 : vector<16xi1>, vector<16xi32>
    %select_n3A_138 = arith.select %gt3A_131, %get3A_125, %select_n3A_120 : vector<16xi1>, vector<16xf32>
    %select_n3A_139 = arith.select %gt3A_130, %select_n3A_116, %select_n3A_138 : vector<16xi1>, vector<16xf32>
    %select_n3A_140 = arith.select %gt3A_131, %add3A_128, %select_n3A_122 : vector<16xi1>, vector<16xi32>
    %select_n3A_141 = arith.select %gt3A_130, %select_n3A_118, %select_n3A_140 : vector<16xi1>, vector<16xi32>
    %get3A_142 = arith.constant 112 : index
    %get3A_143 = tpu.vector_load %arg7[%get3A_142] {strides = array<i32>} : memref<256xf32, #tpu.memory_space<vmem>>, vector<16xf32>,
    %get3A_144 = vector.shape_cast %get3A_143 : vector<16xf32> to vector<16xf32>
    %add3A_145 = arith.constant 112 : i32
    %add3A_146 = vector.broadcast %add3A_145 : i32 to vector<16xi32>
    %add3A_147 = arith.addi %iota3A, %add3A_146 : vector<16xi32>
    %gt3A_148 = arith.cmpf ogt, %get3A_144, %select_n3A_132 : vector<16xf32>
    %gt3A_149 = arith.cmpf ogt, %get3A_144, %select_n3A_135 : vector<16xf32>
    %gt3A_150 = arith.cmpf ogt, %get3A_144, %select_n3A_139 : vector<16xf32>
    %select_n3A_151 = arith.select %gt3A_148, %get3A_144, %select_n3A_132 : vector<16xi1>, vector<16xf32>
    %select_n3A_152 = arith.select %gt3A_148, %add3A_147, %select_n3A_133 : vector<16xi1>, vector<16xi32>
    %select_n3A_153 = arith.select %gt3A_149, %get3A_144, %select_n3A_135 : vector<16xi1>, vector<16xf32>
    %select_n3A_154 = arith.select %gt3A_148, %select_n3A_132, %select_n3A_153 : vector<16xi1>, vector<16xf32>
    %select_n3A_155 = arith.select %gt3A_149, %add3A_147, %select_n3A_137 : vector<16xi1>, vector<16xi32>
    %select_n3A_156 = arith.select %gt3A_148, %select_n3A_133, %select_n3A_155 : vector<16xi1>, vector<16xi32>
    %select_n3A_157 = arith.select %gt3A_150, %get3A_144, %select_n3A_139 : vector<16xi1>, vector<16xf32>
    %select_n3A_158 = arith.select %gt3A_149, %select_n3A_135, %select_n3A_157 : vector<16xi1>, vector<16xf32>
    %select_n3A_159 = arith.select %gt3A_150, %add3A_147, %select_n3A_141 : vector<16xi1>, vector<16xi32>
    %select_n3A_160 = arith.select %gt3A_149, %select_n3A_137, %select_n3A_159 : vector<16xi1>, vector<16xi32>
    %get3A_161 = arith.constant 128 : index
    %get3A_162 = tpu.vector_load %arg7[%get3A_161] {strides = array<i32>} : memref<256xf32, #tpu.memory_space<vmem>>, vector<16xf32>,
    %get3A_163 = vector.shape_cast %get3A_162 : vector<16xf32> to vector<16xf32>
    %add3A_164 = arith.constant 128 : i32
    %add3A_165 = vector.broadcast %add3A_164 : i32 to vector<16xi32>
    %add3A_166 = arith.addi %iota3A, %add3A_165 : vector<16xi32>
    %gt3A_167 = arith.cmpf ogt, %get3A_163, %select_n3A_151 : vector<16xf32>
    %gt3A_168 = arith.cmpf ogt, %get3A_163, %select_n3A_154 : vector<16xf32>
    %gt3A_169 = arith.cmpf ogt, %get3A_163, %select_n3A_158 : vector<16xf32>
    %select_n3A_170 = arith.select %gt3A_167, %get3A_163, %select_n3A_151 : vector<16xi1>, vector<16xf32>
    %select_n3A_171 = arith.select %gt3A_167, %add3A_166, %select_n3A_152 : vector<16xi1>, vector<16xi32>
    %select_n3A_172 = arith.select %gt3A_168, %get3A_163, %select_n3A_154 : vector<16xi1>, vector<16xf32>
    %select_n3A_173 = arith.select %gt3A_167, %select_n3A_151, %select_n3A_172 : vector<16xi1>, vector<16xf32>
    %select_n3A_174 = arith.select %gt3A_168, %add3A_166, %select_n3A_156 : vector<16xi1>, vector<16xi32>
    %select_n3A_175 = arith.select %gt3A_167, %select_n3A_152, %select_n3A_174 : vector<16xi1>, vector<16xi32>
    %select_n3A_176 = arith.select %gt3A_169, %get3A_163, %select_n3A_158 : vector<16xi1>, vector<16xf32>
    %select_n3A_177 = arith.select %gt3A_168, %select_n3A_154, %select_n3A_176 : vector<16xi1>, vector<16xf32>
    %select_n3A_178 = arith.select %gt3A_169, %add3A_166, %select_n3A_160 : vector<16xi1>, vector<16xi32>
    %select_n3A_179 = arith.select %gt3A_168, %select_n3A_156, %select_n3A_178 : vector<16xi1>, vector<16xi32>
    %get3A_180 = arith.constant 144 : index
    %get3A_181 = tpu.vector_load %arg7[%get3A_180] {strides = array<i32>} : memref<256xf32, #tpu.memory_space<vmem>>, vector<16xf32>,
    %get3A_182 = vector.shape_cast %get3A_181 : vector<16xf32> to vector<16xf32>
    %add3A_183 = arith.constant 144 : i32
    %add3A_184 = vector.broadcast %add3A_183 : i32 to vector<16xi32>
    %add3A_185 = arith.addi %iota3A, %add3A_184 : vector<16xi32>
    %gt3A_186 = arith.cmpf ogt, %get3A_182, %select_n3A_170 : vector<16xf32>
    %gt3A_187 = arith.cmpf ogt, %get3A_182, %select_n3A_173 : vector<16xf32>
    %gt3A_188 = arith.cmpf ogt, %get3A_182, %select_n3A_177 : vector<16xf32>
    %select_n3A_189 = arith.select %gt3A_186, %get3A_182, %select_n3A_170 : vector<16xi1>, vector<16xf32>
    %select_n3A_190 = arith.select %gt3A_186, %add3A_185, %select_n3A_171 : vector<16xi1>, vector<16xi32>
    %select_n3A_191 = arith.select %gt3A_187, %get3A_182, %select_n3A_173 : vector<16xi1>, vector<16xf32>
    %select_n3A_192 = arith.select %gt3A_186, %select_n3A_170, %select_n3A_191 : vector<16xi1>, vector<16xf32>
    %select_n3A_193 = arith.select %gt3A_187, %add3A_185, %select_n3A_175 : vector<16xi1>, vector<16xi32>
    %select_n3A_194 = arith.select %gt3A_186, %select_n3A_171, %select_n3A_193 : vector<16xi1>, vector<16xi32>
    %select_n3A_195 = arith.select %gt3A_188, %get3A_182, %select_n3A_177 : vector<16xi1>, vector<16xf32>
    %select_n3A_196 = arith.select %gt3A_187, %select_n3A_173, %select_n3A_195 : vector<16xi1>, vector<16xf32>
    %select_n3A_197 = arith.select %gt3A_188, %add3A_185, %select_n3A_179 : vector<16xi1>, vector<16xi32>
    %select_n3A_198 = arith.select %gt3A_187, %select_n3A_175, %select_n3A_197 : vector<16xi1>, vector<16xi32>
    %get3A_199 = arith.constant 160 : index
    %get3A_200 = tpu.vector_load %arg7[%get3A_199] {strides = array<i32>} : memref<256xf32, #tpu.memory_space<vmem>>, vector<16xf32>,
    %get3A_201 = vector.shape_cast %get3A_200 : vector<16xf32> to vector<16xf32>
    %add3A_202 = arith.constant 160 : i32
    %add3A_203 = vector.broadcast %add3A_202 : i32 to vector<16xi32>
    %add3A_204 = arith.addi %iota3A, %add3A_203 : vector<16xi32>
    %gt3A_205 = arith.cmpf ogt, %get3A_201, %select_n3A_189 : vector<16xf32>
    %gt3A_206 = arith.cmpf ogt, %get3A_201, %select_n3A_192 : vector<16xf32>
    %gt3A_207 = arith.cmpf ogt, %get3A_201, %select_n3A_196 : vector<16xf32>
    %select_n3A_208 = arith.select %gt3A_205, %get3A_201, %select_n3A_189 : vector<16xi1>, vector<16xf32>
    %select_n3A_209 = arith.select %gt3A_205, %add3A_204, %select_n3A_190 : vector<16xi1>, vector<16xi32>
    %select_n3A_210 = arith.select %gt3A_206, %get3A_201, %select_n3A_192 : vector<16xi1>, vector<16xf32>
    %select_n3A_211 = arith.select %gt3A_205, %select_n3A_189, %select_n3A_210 : vector<16xi1>, vector<16xf32>
    %select_n3A_212 = arith.select %gt3A_206, %add3A_204, %select_n3A_194 : vector<16xi1>, vector<16xi32>
    %select_n3A_213 = arith.select %gt3A_205, %select_n3A_190, %select_n3A_212 : vector<16xi1>, vector<16xi32>
    %select_n3A_214 = arith.select %gt3A_207, %get3A_201, %select_n3A_196 : vector<16xi1>, vector<16xf32>
    %select_n3A_215 = arith.select %gt3A_206, %select_n3A_192, %select_n3A_214 : vector<16xi1>, vector<16xf32>
    %select_n3A_216 = arith.select %gt3A_207, %add3A_204, %select_n3A_198 : vector<16xi1>, vector<16xi32>
    %select_n3A_217 = arith.select %gt3A_206, %select_n3A_194, %select_n3A_216 : vector<16xi1>, vector<16xi32>
    %get3A_218 = arith.constant 176 : index
    %get3A_219 = tpu.vector_load %arg7[%get3A_218] {strides = array<i32>} : memref<256xf32, #tpu.memory_space<vmem>>, vector<16xf32>,
    %get3A_220 = vector.shape_cast %get3A_219 : vector<16xf32> to vector<16xf32>
    %add3A_221 = arith.constant 176 : i32
    %add3A_222 = vector.broadcast %add3A_221 : i32 to vector<16xi32>
    %add3A_223 = arith.addi %iota3A, %add3A_222 : vector<16xi32>
    %gt3A_224 = arith.cmpf ogt, %get3A_220, %select_n3A_208 : vector<16xf32>
    %gt3A_225 = arith.cmpf ogt, %get3A_220, %select_n3A_211 : vector<16xf32>
    %gt3A_226 = arith.cmpf ogt, %get3A_220, %select_n3A_215 : vector<16xf32>
    %select_n3A_227 = arith.select %gt3A_224, %get3A_220, %select_n3A_208 : vector<16xi1>, vector<16xf32>
    %select_n3A_228 = arith.select %gt3A_224, %add3A_223, %select_n3A_209 : vector<16xi1>, vector<16xi32>
    %select_n3A_229 = arith.select %gt3A_225, %get3A_220, %select_n3A_211 : vector<16xi1>, vector<16xf32>
    %select_n3A_230 = arith.select %gt3A_224, %select_n3A_208, %select_n3A_229 : vector<16xi1>, vector<16xf32>
    %select_n3A_231 = arith.select %gt3A_225, %add3A_223, %select_n3A_213 : vector<16xi1>, vector<16xi32>
    %select_n3A_232 = arith.select %gt3A_224, %select_n3A_209, %select_n3A_231 : vector<16xi1>, vector<16xi32>
    %select_n3A_233 = arith.select %gt3A_226, %get3A_220, %select_n3A_215 : vector<16xi1>, vector<16xf32>
    %select_n3A_234 = arith.select %gt3A_225, %select_n3A_211, %select_n3A_233 : vector<16xi1>, vector<16xf32>
    %select_n3A_235 = arith.select %gt3A_226, %add3A_223, %select_n3A_217 : vector<16xi1>, vector<16xi32>
    %select_n3A_236 = arith.select %gt3A_225, %select_n3A_213, %select_n3A_235 : vector<16xi1>, vector<16xi32>
    %get3A_237 = arith.constant 192 : index
    %get3A_238 = tpu.vector_load %arg7[%get3A_237] {strides = array<i32>} : memref<256xf32, #tpu.memory_space<vmem>>, vector<16xf32>,
    %get3A_239 = vector.shape_cast %get3A_238 : vector<16xf32> to vector<16xf32>
    %add3A_240 = arith.constant 192 : i32
    %add3A_241 = vector.broadcast %add3A_240 : i32 to vector<16xi32>
    %add3A_242 = arith.addi %iota3A, %add3A_241 : vector<16xi32>
    %gt3A_243 = arith.cmpf ogt, %get3A_239, %select_n3A_227 : vector<16xf32>
    %gt3A_244 = arith.cmpf ogt, %get3A_239, %select_n3A_230 : vector<16xf32>
    %gt3A_245 = arith.cmpf ogt, %get3A_239, %select_n3A_234 : vector<16xf32>
    %select_n3A_246 = arith.select %gt3A_243, %get3A_239, %select_n3A_227 : vector<16xi1>, vector<16xf32>
    %select_n3A_247 = arith.select %gt3A_243, %add3A_242, %select_n3A_228 : vector<16xi1>, vector<16xi32>
    %select_n3A_248 = arith.select %gt3A_244, %get3A_239, %select_n3A_230 : vector<16xi1>, vector<16xf32>
    %select_n3A_249 = arith.select %gt3A_243, %select_n3A_227, %select_n3A_248 : vector<16xi1>, vector<16xf32>
    %select_n3A_250 = arith.select %gt3A_244, %add3A_242, %select_n3A_232 : vector<16xi1>, vector<16xi32>
    %select_n3A_251 = arith.select %gt3A_243, %select_n3A_228, %select_n3A_250 : vector<16xi1>, vector<16xi32>
    %select_n3A_252 = arith.select %gt3A_245, %get3A_239, %select_n3A_234 : vector<16xi1>, vector<16xf32>
    %select_n3A_253 = arith.select %gt3A_244, %select_n3A_230, %select_n3A_252 : vector<16xi1>, vector<16xf32>
    %select_n3A_254 = arith.select %gt3A_245, %add3A_242, %select_n3A_236 : vector<16xi1>, vector<16xi32>
    %select_n3A_255 = arith.select %gt3A_244, %select_n3A_232, %select_n3A_254 : vector<16xi1>, vector<16xi32>
    %get3A_256 = arith.constant 208 : index
    %get3A_257 = tpu.vector_load %arg7[%get3A_256] {strides = array<i32>} : memref<256xf32, #tpu.memory_space<vmem>>, vector<16xf32>,
    %get3A_258 = vector.shape_cast %get3A_257 : vector<16xf32> to vector<16xf32>
    %add3A_259 = arith.constant 208 : i32
    %add3A_260 = vector.broadcast %add3A_259 : i32 to vector<16xi32>
    %add3A_261 = arith.addi %iota3A, %add3A_260 : vector<16xi32>
    %gt3A_262 = arith.cmpf ogt, %get3A_258, %select_n3A_246 : vector<16xf32>
    %gt3A_263 = arith.cmpf ogt, %get3A_258, %select_n3A_249 : vector<16xf32>
    %gt3A_264 = arith.cmpf ogt, %get3A_258, %select_n3A_253 : vector<16xf32>
    %select_n3A_265 = arith.select %gt3A_262, %get3A_258, %select_n3A_246 : vector<16xi1>, vector<16xf32>
    %select_n3A_266 = arith.select %gt3A_262, %add3A_261, %select_n3A_247 : vector<16xi1>, vector<16xi32>
    %select_n3A_267 = arith.select %gt3A_263, %get3A_258, %select_n3A_249 : vector<16xi1>, vector<16xf32>
    %select_n3A_268 = arith.select %gt3A_262, %select_n3A_246, %select_n3A_267 : vector<16xi1>, vector<16xf32>
    %select_n3A_269 = arith.select %gt3A_263, %add3A_261, %select_n3A_251 : vector<16xi1>, vector<16xi32>
    %select_n3A_270 = arith.select %gt3A_262, %select_n3A_247, %select_n3A_269 : vector<16xi1>, vector<16xi32>
    %select_n3A_271 = arith.select %gt3A_264, %get3A_258, %select_n3A_253 : vector<16xi1>, vector<16xf32>
    %select_n3A_272 = arith.select %gt3A_263, %select_n3A_249, %select_n3A_271 : vector<16xi1>, vector<16xf32>
    %select_n3A_273 = arith.select %gt3A_264, %add3A_261, %select_n3A_255 : vector<16xi1>, vector<16xi32>
    %select_n3A_274 = arith.select %gt3A_263, %select_n3A_251, %select_n3A_273 : vector<16xi1>, vector<16xi32>
    %get3A_275 = arith.constant 224 : index
    %get3A_276 = tpu.vector_load %arg7[%get3A_275] {strides = array<i32>} : memref<256xf32, #tpu.memory_space<vmem>>, vector<16xf32>,
    %get3A_277 = vector.shape_cast %get3A_276 : vector<16xf32> to vector<16xf32>
    %add3A_278 = arith.constant 224 : i32
    %add3A_279 = vector.broadcast %add3A_278 : i32 to vector<16xi32>
    %add3A_280 = arith.addi %iota3A, %add3A_279 : vector<16xi32>
    %gt3A_281 = arith.cmpf ogt, %get3A_277, %select_n3A_265 : vector<16xf32>
    %gt3A_282 = arith.cmpf ogt, %get3A_277, %select_n3A_268 : vector<16xf32>
    %gt3A_283 = arith.cmpf ogt, %get3A_277, %select_n3A_272 : vector<16xf32>
    %select_n3A_284 = arith.select %gt3A_281, %get3A_277, %select_n3A_265 : vector<16xi1>, vector<16xf32>
    %select_n3A_285 = arith.select %gt3A_281, %add3A_280, %select_n3A_266 : vector<16xi1>, vector<16xi32>
    %select_n3A_286 = arith.select %gt3A_282, %get3A_277, %select_n3A_268 : vector<16xi1>, vector<16xf32>
    %select_n3A_287 = arith.select %gt3A_281, %select_n3A_265, %select_n3A_286 : vector<16xi1>, vector<16xf32>
    %select_n3A_288 = arith.select %gt3A_282, %add3A_280, %select_n3A_270 : vector<16xi1>, vector<16xi32>
    %select_n3A_289 = arith.select %gt3A_281, %select_n3A_266, %select_n3A_288 : vector<16xi1>, vector<16xi32>
    %select_n3A_290 = arith.select %gt3A_283, %get3A_277, %select_n3A_272 : vector<16xi1>, vector<16xf32>
    %select_n3A_291 = arith.select %gt3A_282, %select_n3A_268, %select_n3A_290 : vector<16xi1>, vector<16xf32>
    %select_n3A_292 = arith.select %gt3A_283, %add3A_280, %select_n3A_274 : vector<16xi1>, vector<16xi32>
    %select_n3A_293 = arith.select %gt3A_282, %select_n3A_270, %select_n3A_292 : vector<16xi1>, vector<16xi32>
    %get3A_294 = arith.constant 240 : index
    %get3A_295 = tpu.vector_load %arg7[%get3A_294] {strides = array<i32>} : memref<256xf32, #tpu.memory_space<vmem>>, vector<16xf32>,
    %get3A_296 = vector.shape_cast %get3A_295 : vector<16xf32> to vector<16xf32>
    %add3A_297 = arith.constant 240 : i32
    %add3A_298 = vector.broadcast %add3A_297 : i32 to vector<16xi32>
    %add3A_299 = arith.addi %iota3A, %add3A_298 : vector<16xi32>
    %gt3A_300 = arith.cmpf ogt, %get3A_296, %select_n3A_284 : vector<16xf32>
    %gt3A_301 = arith.cmpf ogt, %get3A_296, %select_n3A_287 : vector<16xf32>
    %gt3A_302 = arith.cmpf ogt, %get3A_296, %select_n3A_291 : vector<16xf32>
    %select_n3A_303 = arith.select %gt3A_300, %get3A_296, %select_n3A_284 : vector<16xi1>, vector<16xf32>
    %select_n3A_304 = arith.select %gt3A_300, %add3A_299, %select_n3A_285 : vector<16xi1>, vector<16xi32>
    %select_n3A_305 = arith.select %gt3A_301, %get3A_296, %select_n3A_287 : vector<16xi1>, vector<16xf32>
    %select_n3A_306 = arith.select %gt3A_300, %select_n3A_284, %select_n3A_305 : vector<16xi1>, vector<16xf32>
    %select_n3A_307 = arith.select %gt3A_301, %add3A_299, %select_n3A_289 : vector<16xi1>, vector<16xi32>
    %select_n3A_308 = arith.select %gt3A_300, %select_n3A_285, %select_n3A_307 : vector<16xi1>, vector<16xi32>
    %select_n3A_309 = arith.select %gt3A_302, %get3A_296, %select_n3A_291 : vector<16xi1>, vector<16xf32>
    %select_n3A_310 = arith.select %gt3A_301, %select_n3A_287, %select_n3A_309 : vector<16xi1>, vector<16xf32>
    %select_n3A_311 = arith.select %gt3A_302, %add3A_299, %select_n3A_293 : vector<16xi1>, vector<16xi32>
    %select_n3A_312 = arith.select %gt3A_301, %select_n3A_289, %select_n3A_311 : vector<16xi1>, vector<16xi32>
    %swap3A = arith.constant 0 : index
    %swap3A_313 = tpu.vector_load %arg10[%swap3A] {strides = array<i32>} : memref<32xf32, #tpu.memory_space<vmem>>, vector<16xf32>,
    %swap3A_314 = vector.shape_cast %swap3A_313 : vector<16xf32> to vector<16xf32>
    %swap3A_315 = vector.shape_cast %select_n3A_303 : vector<16xf32> to vector<16xf32>
    tpu.vector_store %arg10[%swap3A], %swap3A_315 {strides = array<i32>} : memref<32xf32, #tpu.memory_space<vmem>>, vector<16xf32>,
    %swap3A_316 = arith.constant 16 : index
    %swap3A_317 = tpu.vector_load %arg10[%swap3A_316] {strides = array<i32>} : memref<32xf32, #tpu.memory_space<vmem>>, vector<16xf32>,
    %swap3A_318 = vector.shape_cast %swap3A_317 : vector<16xf32> to vector<16xf32>
    %swap3A_319 = vector.shape_cast %select_n3A_303 : vector<16xf32> to vector<16xf32>
    tpu.vector_store %arg10[%swap3A_316], %swap3A_319 {strides = array<i32>} : memref<32xf32, #tpu.memory_space<vmem>>, vector<16xf32>,
    %swap3A_320 = arith.constant 0 : index
    %swap3A_321 = tpu.vector_load %arg11[%swap3A_320] {strides = array<i32>} : memref<32xi32, #tpu.memory_space<vmem>>, vector<16xi32>,
    %swap3A_322 = vector.shape_cast %swap3A_321 : vector<16xi32> to vector<16xi32>
    %swap3A_323 = vector.shape_cast %select_n3A_304 : vector<16xi32> to vector<16xi32>
    tpu.vector_store %arg11[%swap3A_320], %swap3A_323 {strides = array<i32>} : memref<32xi32, #tpu.memory_space<vmem>>, vector<16xi32>,
    %swap3A_324 = arith.constant 16 : index
    %swap3A_325 = tpu.vector_load %arg11[%swap3A_324] {strides = array<i32>} : memref<32xi32, #tpu.memory_space<vmem>>, vector<16xi32>,
    %swap3A_326 = vector.shape_cast %swap3A_325 : vector<16xi32> to vector<16xi32>
    %swap3A_327 = vector.shape_cast %select_n3A_304 : vector<16xi32> to vector<16xi32>
    tpu.vector_store %arg11[%swap3A_324], %swap3A_327 {strides = array<i32>} : memref<32xi32, #tpu.memory_space<vmem>>, vector<16xi32>,
    %get3A_328 = arith.constant 1 : index
    %get3A_329 = tpu.vector_load %arg10[%get3A_328] {strides = array<i32>} : memref<32xf32, #tpu.memory_space<vmem>>, vector<16xf32>,
    %get3A_330 = vector.shape_cast %get3A_329 : vector<16xf32> to vector<16xf32>
    %get3A_331 = arith.constant 1 : index
    %get3A_332 = tpu.vector_load %arg11[%get3A_331] {strides = array<i32>} : memref<32xi32, #tpu.memory_space<vmem>>, vector<16xi32>,
    %get3A_333 = vector.shape_cast %get3A_332 : vector<16xi32> to vector<16xi32>
    %gt3A_334 = arith.cmpf ogt, %get3A_330, %select_n3A_303 : vector<16xf32>
    %eq3A = arith.cmpf oeq, %get3A_330, %select_n3A_303 : vector<16xf32>
    %lt3A = arith.cmpi slt, %get3A_333, %select_n3A_304 : vector<16xi32>
    %and3A = arith.andi %eq3A, %lt3A : vector<16xi1>
    %or3A = arith.ori %gt3A_334, %and3A : vector<16xi1>
    %select_n3A_335 = arith.select %or3A, %get3A_330, %select_n3A_303 : vector<16xi1>, vector<16xf32>
    %select_n3A_336 = arith.select %or3A, %get3A_333, %select_n3A_304 : vector<16xi1>, vector<16xi32>
    %swap3A_337 = arith.constant 0 : index
    %swap3A_338 = tpu.vector_load %arg10[%swap3A_337] {strides = array<i32>} : memref<32xf32, #tpu.memory_space<vmem>>, vector<16xf32>,
    %swap3A_339 = vector.shape_cast %swap3A_338 : vector<16xf32> to vector<16xf32>
    %swap3A_340 = vector.shape_cast %select_n3A_335 : vector<16xf32> to vector<16xf32>
    tpu.vector_store %arg10[%swap3A_337], %swap3A_340 {strides = array<i32>} : memref<32xf32, #tpu.memory_space<vmem>>, vector<16xf32>,
    %swap3A_341 = arith.constant 16 : index
    %swap3A_342 = tpu.vector_load %arg10[%swap3A_341] {strides = array<i32>} : memref<32xf32, #tpu.memory_space<vmem>>, vector<16xf32>,
    %swap3A_343 = vector.shape_cast %swap3A_342 : vector<16xf32> to vector<16xf32>
    %swap3A_344 = vector.shape_cast %select_n3A_335 : vector<16xf32> to vector<16xf32>
    tpu.vector_store %arg10[%swap3A_341], %swap3A_344 {strides = array<i32>} : memref<32xf32, #tpu.memory_space<vmem>>, vector<16xf32>,
    %swap3A_345 = arith.constant 0 : index
    %swap3A_346 = tpu.vector_load %arg11[%swap3A_345] {strides = array<i32>} : memref<32xi32, #tpu.memory_space<vmem>>, vector<16xi32>,
    %swap3A_347 = vector.shape_cast %swap3A_346 : vector<16xi32> to vector<16xi32>
    %swap3A_348 = vector.shape_cast %select_n3A_336 : vector<16xi32> to vector<16xi32>
    tpu.vector_store %arg11[%swap3A_345], %swap3A_348 {strides = array<i32>} : memref<32xi32, #tpu.memory_space<vmem>>, vector<16xi32>,
    %swap3A_349 = arith.constant 16 : index
    %swap3A_350 = tpu.vector_load %arg11[%swap3A_349] {strides = array<i32>} : memref<32xi32, #tpu.memory_space<vmem>>, vector<16xi32>,
    %swap3A_351 = vector.shape_cast %swap3A_350 : vector<16xi32> to vector<16xi32>
    %swap3A_352 = vector.shape_cast %select_n3A_336 : vector<16xi32> to vector<16xi32>
    tpu.vector_store %arg11[%swap3A_349], %swap3A_352 {strides = array<i32>} : memref<32xi32, #tpu.memory_space<vmem>>, vector<16xi32>,
    %get3A_353 = arith.constant 2 : index
    %get3A_354 = tpu.vector_load %arg10[%get3A_353] {strides = array<i32>} : memref<32xf32, #tpu.memory_space<vmem>>, vector<16xf32>,
    %get3A_355 = vector.shape_cast %get3A_354 : vector<16xf32> to vector<16xf32>
    %get3A_356 = arith.constant 2 : index
    %get3A_357 = tpu.vector_load %arg11[%get3A_356] {strides = array<i32>} : memref<32xi32, #tpu.memory_space<vmem>>, vector<16xi32>,
    %get3A_358 = vector.shape_cast %get3A_357 : vector<16xi32> to vector<16xi32>
    %gt3A_359 = arith.cmpf ogt, %get3A_355, %select_n3A_335 : vector<16xf32>
    %eq3A_360 = arith.cmpf oeq, %get3A_355, %select_n3A_335 : vector<16xf32>
    %lt3A_361 = arith.cmpi slt, %get3A_358, %select_n3A_336 : vector<16xi32>
    %and3A_362 = arith.andi %eq3A_360, %lt3A_361 : vector<16xi1>
    %or3A_363 = arith.ori %gt3A_359, %and3A_362 : vector<16xi1>
    %select_n3A_364 = arith.select %or3A_363, %get3A_355, %select_n3A_335 : vector<16xi1>, vector<16xf32>
    %select_n3A_365 = arith.select %or3A_363, %get3A_358, %select_n3A_336 : vector<16xi1>, vector<16xi32>
    %swap3A_366 = arith.constant 0 : index
    %swap3A_367 = tpu.vector_load %arg10[%swap3A_366] {strides = array<i32>} : memref<32xf32, #tpu.memory_space<vmem>>, vector<16xf32>,
    %swap3A_368 = vector.shape_cast %swap3A_367 : vector<16xf32> to vector<16xf32>
    %swap3A_369 = vector.shape_cast %select_n3A_364 : vector<16xf32> to vector<16xf32>
    tpu.vector_store %arg10[%swap3A_366], %swap3A_369 {strides = array<i32>} : memref<32xf32, #tpu.memory_space<vmem>>, vector<16xf32>,
    %swap3A_370 = arith.constant 16 : index
    %swap3A_371 = tpu.vector_load %arg10[%swap3A_370] {strides = array<i32>} : memref<32xf32, #tpu.memory_space<vmem>>, vector<16xf32>,
    %swap3A_372 = vector.shape_cast %swap3A_371 : vector<16xf32> to vector<16xf32>
    %swap3A_373 = vector.shape_cast %select_n3A_364 : vector<16xf32> to vector<16xf32>
    tpu.vector_store %arg10[%swap3A_370], %swap3A_373 {strides = array<i32>} : memref<32xf32, #tpu.memory_space<vmem>>, vector<16xf32>,
    %swap3A_374 = arith.constant 0 : index
    %swap3A_375 = tpu.vector_load %arg11[%swap3A_374] {strides = array<i32>} : memref<32xi32, #tpu.memory_space<vmem>>, vector<16xi32>,
    %swap3A_376 = vector.shape_cast %swap3A_375 : vector<16xi32> to vector<16xi32>
    %swap3A_377 = vector.shape_cast %select_n3A_365 : vector<16xi32> to vector<16xi32>
    tpu.vector_store %arg11[%swap3A_374], %swap3A_377 {strides = array<i32>} : memref<32xi32, #tpu.memory_space<vmem>>, vector<16xi32>,
    %swap3A_378 = arith.constant 16 : index
    %swap3A_379 = tpu.vector_load %arg11[%swap3A_378] {strides = array<i32>} : memref<32xi32, #tpu.memory_space<vmem>>, vector<16xi32>,
    %swap3A_380 = vector.shape_cast %swap3A_379 : vector<16xi32> to vector<16xi32>
    %swap3A_381 = vector.shape_cast %select_n3A_365 : vector<16xi32> to vector<16xi32>
    tpu.vector_store %arg11[%swap3A_378], %swap3A_381 {strides = array<i32>} : memref<32xi32, #tpu.memory_space<vmem>>, vector<16xi32>,
    %get3A_382 = arith.constant 4 : index
    %get3A_383 = tpu.vector_load %arg10[%get3A_382] {strides = array<i32>} : memref<32xf32, #tpu.memory_space<vmem>>, vector<16xf32>,
    %get3A_384 = vector.shape_cast %get3A_383 : vector<16xf32> to vector<16xf32>
    %get3A_385 = arith.constant 4 : index
    %get3A_386 = tpu.vector_load %arg11[%get3A_385] {strides = array<i32>} : memref<32xi32, #tpu.memory_space<vmem>>, vector<16xi32>,
    %get3A_387 = vector.shape_cast %get3A_386 : vector<16xi32> to vector<16xi32>
    %gt3A_388 = arith.cmpf ogt, %get3A_384, %select_n3A_364 : vector<16xf32>
    %eq3A_389 = arith.cmpf oeq, %get3A_384, %select_n3A_364 : vector<16xf32>
    %lt3A_390 = arith.cmpi slt, %get3A_387, %select_n3A_365 : vector<16xi32>
    %and3A_391 = arith.andi %eq3A_389, %lt3A_390 : vector<16xi1>
    %or3A_392 = arith.ori %gt3A_388, %and3A_391 : vector<16xi1>
    %select_n3A_393 = arith.select %or3A_392, %get3A_384, %select_n3A_364 : vector<16xi1>, vector<16xf32>
    %select_n3A_394 = arith.select %or3A_392, %get3A_387, %select_n3A_365 : vector<16xi1>, vector<16xi32>
    %swap3A_395 = arith.constant 0 : index
    %swap3A_396 = tpu.vector_load %arg10[%swap3A_395] {strides = array<i32>} : memref<32xf32, #tpu.memory_space<vmem>>, vector<16xf32>,
    %swap3A_397 = vector.shape_cast %swap3A_396 : vector<16xf32> to vector<16xf32>
    %swap3A_398 = vector.shape_cast %select_n3A_393 : vector<16xf32> to vector<16xf32>
    tpu.vector_store %arg10[%swap3A_395], %swap3A_398 {strides = array<i32>} : memref<32xf32, #tpu.memory_space<vmem>>, vector<16xf32>,
    %swap3A_399 = arith.constant 16 : index
    %swap3A_400 = tpu.vector_load %arg10[%swap3A_399] {strides = array<i32>} : memref<32xf32, #tpu.memory_space<vmem>>, vector<16xf32>,
    %swap3A_401 = vector.shape_cast %swap3A_400 : vector<16xf32> to vector<16xf32>
    %swap3A_402 = vector.shape_cast %select_n3A_393 : vector<16xf32> to vector<16xf32>
    tpu.vector_store %arg10[%swap3A_399], %swap3A_402 {strides = array<i32>} : memref<32xf32, #tpu.memory_space<vmem>>, vector<16xf32>,
    %swap3A_403 = arith.constant 0 : index
    %swap3A_404 = tpu.vector_load %arg11[%swap3A_403] {strides = array<i32>} : memref<32xi32, #tpu.memory_space<vmem>>, vector<16xi32>,
    %swap3A_405 = vector.shape_cast %swap3A_404 : vector<16xi32> to vector<16xi32>
    %swap3A_406 = vector.shape_cast %select_n3A_394 : vector<16xi32> to vector<16xi32>
    tpu.vector_store %arg11[%swap3A_403], %swap3A_406 {strides = array<i32>} : memref<32xi32, #tpu.memory_space<vmem>>, vector<16xi32>,
    %swap3A_407 = arith.constant 16 : index
    %swap3A_408 = tpu.vector_load %arg11[%swap3A_407] {strides = array<i32>} : memref<32xi32, #tpu.memory_space<vmem>>, vector<16xi32>,
    %swap3A_409 = vector.shape_cast %swap3A_408 : vector<16xi32> to vector<16xi32>
    %swap3A_410 = vector.shape_cast %select_n3A_394 : vector<16xi32> to vector<16xi32>
    tpu.vector_store %arg11[%swap3A_407], %swap3A_410 {strides = array<i32>} : memref<32xi32, #tpu.memory_space<vmem>>, vector<16xi32>,
    %get3A_411 = arith.constant 8 : index
    %get3A_412 = tpu.vector_load %arg10[%get3A_411] {strides = array<i32>} : memref<32xf32, #tpu.memory_space<vmem>>, vector<16xf32>,
    %get3A_413 = vector.shape_cast %get3A_412 : vector<16xf32> to vector<16xf32>
    %get3A_414 = arith.constant 8 : index
    %get3A_415 = tpu.vector_load %arg11[%get3A_414] {strides = array<i32>} : memref<32xi32, #tpu.memory_space<vmem>>, vector<16xi32>,
    %get3A_416 = vector.shape_cast %get3A_415 : vector<16xi32> to vector<16xi32>
    %gt3A_417 = arith.cmpf ogt, %get3A_413, %select_n3A_393 : vector<16xf32>
    %eq3A_418 = arith.cmpf oeq, %get3A_413, %select_n3A_393 : vector<16xf32>
    %lt3A_419 = arith.cmpi slt, %get3A_416, %select_n3A_394 : vector<16xi32>
    %and3A_420 = arith.andi %eq3A_418, %lt3A_419 : vector<16xi1>
    %or3A_421 = arith.ori %gt3A_417, %and3A_420 : vector<16xi1>
    %select_n3A_422 = arith.select %or3A_421, %get3A_413, %select_n3A_393 : vector<16xi1>, vector<16xf32>
    %select_n3A_423 = arith.select %or3A_421, %get3A_416, %select_n3A_394 : vector<16xi1>, vector<16xi32>
    %eq3A_424 = arith.cmpi eq, %select_n3A_304, %select_n3A_423 : vector<16xi32>
    %select_n3A_425 = arith.select %eq3A_424, %select_n3A_306, %select_n3A_303 : vector<16xi1>, vector<16xf32>
    %select_n3A_426 = arith.select %eq3A_424, %select_n3A_308, %select_n3A_304 : vector<16xi1>, vector<16xi32>
    %select_n3A_427 = arith.select %eq3A_424, %select_n3A_310, %select_n3A_306 : vector<16xi1>, vector<16xf32>
    %select_n3A_428 = arith.select %eq3A_424, %select_n3A_312, %select_n3A_308 : vector<16xi1>, vector<16xi32>
    %swap3A_429 = arith.constant 0 : index
    %swap3A_430 = tpu.vector_load %arg10[%swap3A_429] {strides = array<i32>} : memref<32xf32, #tpu.memory_space<vmem>>, vector<16xf32>,
    %swap3A_431 = vector.shape_cast %swap3A_430 : vector<16xf32> to vector<16xf32>
    %swap3A_432 = vector.shape_cast %select_n3A_425 : vector<16xf32> to vector<16xf32>
    tpu.vector_store %arg10[%swap3A_429], %swap3A_432 {strides = array<i32>} : memref<32xf32, #tpu.memory_space<vmem>>, vector<16xf32>,
    %swap3A_433 = arith.constant 16 : index
    %swap3A_434 = tpu.vector_load %arg10[%swap3A_433] {strides = array<i32>} : memref<32xf32, #tpu.memory_space<vmem>>, vector<16xf32>,
    %swap3A_435 = vector.shape_cast %swap3A_434 : vector<16xf32> to vector<16xf32>
    %swap3A_436 = vector.shape_cast %select_n3A_425 : vector<16xf32> to vector<16xf32>
    tpu.vector_store %arg10[%swap3A_433], %swap3A_436 {strides = array<i32>} : memref<32xf32, #tpu.memory_space<vmem>>, vector<16xf32>,
    %swap3A_437 = arith.constant 0 : index
    %swap3A_438 = tpu.vector_load %arg11[%swap3A_437] {strides = array<i32>} : memref<32xi32, #tpu.memory_space<vmem>>, vector<16xi32>,
    %swap3A_439 = vector.shape_cast %swap3A_438 : vector<16xi32> to vector<16xi32>
    %swap3A_440 = vector.shape_cast %select_n3A_426 : vector<16xi32> to vector<16xi32>
    tpu.vector_store %arg11[%swap3A_437], %swap3A_440 {strides = array<i32>} : memref<32xi32, #tpu.memory_space<vmem>>, vector<16xi32>,
    %swap3A_441 = arith.constant 16 : index
    %swap3A_442 = tpu.vector_load %arg11[%swap3A_441] {strides = array<i32>} : memref<32xi32, #tpu.memory_space<vmem>>, vector<16xi32>,
    %swap3A_443 = vector.shape_cast %swap3A_442 : vector<16xi32> to vector<16xi32>
    %swap3A_444 = vector.shape_cast %select_n3A_426 : vector<16xi32> to vector<16xi32>
    tpu.vector_store %arg11[%swap3A_441], %swap3A_444 {strides = array<i32>} : memref<32xi32, #tpu.memory_space<vmem>>, vector<16xi32>,
    %get3A_445 = arith.constant 1 : index
    %get3A_446 = tpu.vector_load %arg10[%get3A_445] {strides = array<i32>} : memref<32xf32, #tpu.memory_space<vmem>>, vector<16xf32>,
    %get3A_447 = vector.shape_cast %get3A_446 : vector<16xf32> to vector<16xf32>
    %get3A_448 = arith.constant 1 : index
    %get3A_449 = tpu.vector_load %arg11[%get3A_448] {strides = array<i32>} : memref<32xi32, #tpu.memory_space<vmem>>, vector<16xi32>,
    %get3A_450 = vector.shape_cast %get3A_449 : vector<16xi32> to vector<16xi32>
    %gt3A_451 = arith.cmpf ogt, %get3A_447, %select_n3A_425 : vector<16xf32>
    %eq3A_452 = arith.cmpf oeq, %get3A_447, %select_n3A_425 : vector<16xf32>
    %lt3A_453 = arith.cmpi slt, %get3A_450, %select_n3A_426 : vector<16xi32>
    %and3A_454 = arith.andi %eq3A_452, %lt3A_453 : vector<16xi1>
    %or3A_455 = arith.ori %gt3A_451, %and3A_454 : vector<16xi1>
    %select_n3A_456 = arith.select %or3A_455, %get3A_447, %select_n3A_425 : vector<16xi1>, vector<16xf32>
    %select_n3A_457 = arith.select %or3A_455, %get3A_450, %select_n3A_426 : vector<16xi1>, vector<16xi32>
    %swap3A_458 = arith.constant 0 : index
    %swap3A_459 = tpu.vector_load %arg10[%swap3A_458] {strides = array<i32>} : memref<32xf32, #tpu.memory_space<vmem>>, vector<16xf32>,
    %swap3A_460 = vector.shape_cast %swap3A_459 : vector<16xf32> to vector<16xf32>
    %swap3A_461 = vector.shape_cast %select_n3A_456 : vector<16xf32> to vector<16xf32>
    tpu.vector_store %arg10[%swap3A_458], %swap3A_461 {strides = array<i32>} : memref<32xf32, #tpu.memory_space<vmem>>, vector<16xf32>,
    %swap3A_462 = arith.constant 16 : index
    %swap3A_463 = tpu.vector_load %arg10[%swap3A_462] {strides = array<i32>} : memref<32xf32, #tpu.memory_space<vmem>>, vector<16xf32>,
    %swap3A_464 = vector.shape_cast %swap3A_463 : vector<16xf32> to vector<16xf32>
    %swap3A_465 = vector.shape_cast %select_n3A_456 : vector<16xf32> to vector<16xf32>
    tpu.vector_store %arg10[%swap3A_462], %swap3A_465 {strides = array<i32>} : memref<32xf32, #tpu.memory_space<vmem>>, vector<16xf32>,
    %swap3A_466 = arith.constant 0 : index
    %swap3A_467 = tpu.vector_load %arg11[%swap3A_466] {strides = array<i32>} : memref<32xi32, #tpu.memory_space<vmem>>, vector<16xi32>,
    %swap3A_468 = vector.shape_cast %swap3A_467 : vector<16xi32> to vector<16xi32>
    %swap3A_469 = vector.shape_cast %select_n3A_457 : vector<16xi32> to vector<16xi32>
    tpu.vector_store %arg11[%swap3A_466], %swap3A_469 {strides = array<i32>} : memref<32xi32, #tpu.memory_space<vmem>>, vector<16xi32>,
    %swap3A_470 = arith.constant 16 : index
    %swap3A_471 = tpu.vector_load %arg11[%swap3A_470] {strides = array<i32>} : memref<32xi32, #tpu.memory_space<vmem>>, vector<16xi32>,
    %swap3A_472 = vector.shape_cast %swap3A_471 : vector<16xi32> to vector<16xi32>
    %swap3A_473 = vector.shape_cast %select_n3A_457 : vector<16xi32> to vector<16xi32>
    tpu.vector_store %arg11[%swap3A_470], %swap3A_473 {strides = array<i32>} : memref<32xi32, #tpu.memory_space<vmem>>, vector<16xi32>,
    %get3A_474 = arith.constant 2 : index
    %get3A_475 = tpu.vector_load %arg10[%get3A_474] {strides = array<i32>} : memref<32xf32, #tpu.memory_space<vmem>>, vector<16xf32>,
    %get3A_476 = vector.shape_cast %get3A_475 : vector<16xf32> to vector<16xf32>
    %get3A_477 = arith.constant 2 : index
    %get3A_478 = tpu.vector_load %arg11[%get3A_477] {strides = array<i32>} : memref<32xi32, #tpu.memory_space<vmem>>, vector<16xi32>,
    %get3A_479 = vector.shape_cast %get3A_478 : vector<16xi32> to vector<16xi32>
    %gt3A_480 = arith.cmpf ogt, %get3A_476, %select_n3A_456 : vector<16xf32>
    %eq3A_481 = arith.cmpf oeq, %get3A_476, %select_n3A_456 : vector<16xf32>
    %lt3A_482 = arith.cmpi slt, %get3A_479, %select_n3A_457 : vector<16xi32>
    %and3A_483 = arith.andi %eq3A_481, %lt3A_482 : vector<16xi1>
    %or3A_484 = arith.ori %gt3A_480, %and3A_483 : vector<16xi1>
    %select_n3A_485 = arith.select %or3A_484, %get3A_476, %select_n3A_456 : vector<16xi1>, vector<16xf32>
    %select_n3A_486 = arith.select %or3A_484, %get3A_479, %select_n3A_457 : vector<16xi1>, vector<16xi32>
    %swap3A_487 = arith.constant 0 : index
    %swap3A_488 = tpu.vector_load %arg10[%swap3A_487] {strides = array<i32>} : memref<32xf32, #tpu.memory_space<vmem>>, vector<16xf32>,
    %swap3A_489 = vector.shape_cast %swap3A_488 : vector<16xf32> to vector<16xf32>
    %swap3A_490 = vector.shape_cast %select_n3A_485 : vector<16xf32> to vector<16xf32>
    tpu.vector_store %arg10[%swap3A_487], %swap3A_490 {strides = array<i32>} : memref<32xf32, #tpu.memory_space<vmem>>, vector<16xf32>,
    %swap3A_491 = arith.constant 16 : index
    %swap3A_492 = tpu.vector_load %arg10[%swap3A_491] {strides = array<i32>} : memref<32xf32, #tpu.memory_space<vmem>>, vector<16xf32>,
    %swap3A_493 = vector.shape_cast %swap3A_492 : vector<16xf32> to vector<16xf32>
    %swap3A_494 = vector.shape_cast %select_n3A_485 : vector<16xf32> to vector<16xf32>
    tpu.vector_store %arg10[%swap3A_491], %swap3A_494 {strides = array<i32>} : memref<32xf32, #tpu.memory_space<vmem>>, vector<16xf32>,
    %swap3A_495 = arith.constant 0 : index
    %swap3A_496 = tpu.vector_load %arg11[%swap3A_495] {strides = array<i32>} : memref<32xi32, #tpu.memory_space<vmem>>, vector<16xi32>,
    %swap3A_497 = vector.shape_cast %swap3A_496 : vector<16xi32> to vector<16xi32>
    %swap3A_498 = vector.shape_cast %select_n3A_486 : vector<16xi32> to vector<16xi32>
    tpu.vector_store %arg11[%swap3A_495], %swap3A_498 {strides = array<i32>} : memref<32xi32, #tpu.memory_space<vmem>>, vector<16xi32>,
    %swap3A_499 = arith.constant 16 : index
    %swap3A_500 = tpu.vector_load %arg11[%swap3A_499] {strides = array<i32>} : memref<32xi32, #tpu.memory_space<vmem>>, vector<16xi32>,
    %swap3A_501 = vector.shape_cast %swap3A_500 : vector<16xi32> to vector<16xi32>
    %swap3A_502 = vector.shape_cast %select_n3A_486 : vector<16xi32> to vector<16xi32>
    tpu.vector_store %arg11[%swap3A_499], %swap3A_502 {strides = array<i32>} : memref<32xi32, #tpu.memory_space<vmem>>, vector<16xi32>,
    %get3A_503 = arith.constant 4 : index
    %get3A_504 = tpu.vector_load %arg10[%get3A_503] {strides = array<i32>} : memref<32xf32, #tpu.memory_space<vmem>>, vector<16xf32>,
    %get3A_505 = vector.shape_cast %get3A_504 : vector<16xf32> to vector<16xf32>
    %get3A_506 = arith.constant 4 : index
    %get3A_507 = tpu.vector_load %arg11[%get3A_506] {strides = array<i32>} : memref<32xi32, #tpu.memory_space<vmem>>, vector<16xi32>,
    %get3A_508 = vector.shape_cast %get3A_507 : vector<16xi32> to vector<16xi32>
    %gt3A_509 = arith.cmpf ogt, %get3A_505, %select_n3A_485 : vector<16xf32>
    %eq3A_510 = arith.cmpf oeq, %get3A_505, %select_n3A_485 : vector<16xf32>
    %lt3A_511 = arith.cmpi slt, %get3A_508, %select_n3A_486 : vector<16xi32>
    %and3A_512 = arith.andi %eq3A_510, %lt3A_511 : vector<16xi1>
    %or3A_513 = arith.ori %gt3A_509, %and3A_512 : vector<16xi1>
    %select_n3A_514 = arith.select %or3A_513, %get3A_505, %select_n3A_485 : vector<16xi1>, vector<16xf32>
    %select_n3A_515 = arith.select %or3A_513, %get3A_508, %select_n3A_486 : vector<16xi1>, vector<16xi32>
    %swap3A_516 = arith.constant 0 : index
    %swap3A_517 = tpu.vector_load %arg10[%swap3A_516] {strides = array<i32>} : memref<32xf32, #tpu.memory_space<vmem>>, vector<16xf32>,
    %swap3A_518 = vector.shape_cast %swap3A_517 : vector<16xf32> to vector<16xf32>
    %swap3A_519 = vector.shape_cast %select_n3A_514 : vector<16xf32> to vector<16xf32>
    tpu.vector_store %arg10[%swap3A_516], %swap3A_519 {strides = array<i32>} : memref<32xf32, #tpu.memory_space<vmem>>, vector<16xf32>,
    %swap3A_520 = arith.constant 16 : index
    %swap3A_521 = tpu.vector_load %arg10[%swap3A_520] {strides = array<i32>} : memref<32xf32, #tpu.memory_space<vmem>>, vector<16xf32>,
    %swap3A_522 = vector.shape_cast %swap3A_521 : vector<16xf32> to vector<16xf32>
    %swap3A_523 = vector.shape_cast %select_n3A_514 : vector<16xf32> to vector<16xf32>
    tpu.vector_store %arg10[%swap3A_520], %swap3A_523 {strides = array<i32>} : memref<32xf32, #tpu.memory_space<vmem>>, vector<16xf32>,
    %swap3A_524 = arith.constant 0 : index
    %swap3A_525 = tpu.vector_load %arg11[%swap3A_524] {strides = array<i32>} : memref<32xi32, #tpu.memory_space<vmem>>, vector<16xi32>,
    %swap3A_526 = vector.shape_cast %swap3A_525 : vector<16xi32> to vector<16xi32>
    %swap3A_527 = vector.shape_cast %select_n3A_515 : vector<16xi32> to vector<16xi32>
    tpu.vector_store %arg11[%swap3A_524], %swap3A_527 {strides = array<i32>} : memref<32xi32, #tpu.memory_space<vmem>>, vector<16xi32>,
    %swap3A_528 = arith.constant 16 : index
    %swap3A_529 = tpu.vector_load %arg11[%swap3A_528] {strides = array<i32>} : memref<32xi32, #tpu.memory_space<vmem>>, vector<16xi32>,
    %swap3A_530 = vector.shape_cast %swap3A_529 : vector<16xi32> to vector<16xi32>
    %swap3A_531 = vector.shape_cast %select_n3A_515 : vector<16xi32> to vector<16xi32>
    tpu.vector_store %arg11[%swap3A_528], %swap3A_531 {strides = array<i32>} : memref<32xi32, #tpu.memory_space<vmem>>, vector<16xi32>,
    %get3A_532 = arith.constant 8 : index
    %get3A_533 = tpu.vector_load %arg10[%get3A_532] {strides = array<i32>} : memref<32xf32, #tpu.memory_space<vmem>>, vector<16xf32>,
    %get3A_534 = vector.shape_cast %get3A_533 : vector<16xf32> to vector<16xf32>
    %get3A_535 = arith.constant 8 : index
    %get3A_536 = tpu.vector_load %arg11[%get3A_535] {strides = array<i32>} : memref<32xi32, #tpu.memory_space<vmem>>, vector<16xi32>,
    %get3A_537 = vector.shape_cast %get3A_536 : vector<16xi32> to vector<16xi32>
    %gt3A_538 = arith.cmpf ogt, %get3A_534, %select_n3A_514 : vector<16xf32>
    %eq3A_539 = arith.cmpf oeq, %get3A_534, %select_n3A_514 : vector<16xf32>
    %lt3A_540 = arith.cmpi slt, %get3A_537, %select_n3A_515 : vector<16xi32>
    %and3A_541 = arith.andi %eq3A_539, %lt3A_540 : vector<16xi1>
    %or3A_542 = arith.ori %gt3A_538, %and3A_541 : vector<16xi1>
    %select_n3A_543 = arith.select %or3A_542, %get3A_534, %select_n3A_514 : vector<16xi1>, vector<16xf32>
    %select_n3A_544 = arith.select %or3A_542, %get3A_537, %select_n3A_515 : vector<16xi1>, vector<16xi32>
    %eq3A_545 = arith.cmpi eq, %select_n3A_426, %select_n3A_544 : vector<16xi32>
    %select_n3A_546 = arith.select %eq3A_545, %select_n3A_427, %select_n3A_425 : vector<16xi1>, vector<16xf32>
    %select_n3A_547 = arith.select %eq3A_545, %select_n3A_428, %select_n3A_426 : vector<16xi1>, vector<16xi32>
    %select_n3A_548 = arith.select %eq3A_545, %select_n3A_310, %select_n3A_427 : vector<16xi1>, vector<16xf32>
    %select_n3A_549 = arith.select %eq3A_545, %select_n3A_312, %select_n3A_428 : vector<16xi1>, vector<16xi32>
    %swap3A_550 = arith.constant 0 : index
    %swap3A_551 = tpu.vector_load %arg10[%swap3A_550] {strides = array<i32>} : memref<32xf32, #tpu.memory_space<vmem>>, vector<16xf32>,
    %swap3A_552 = vector.shape_cast %swap3A_551 : vector<16xf32> to vector<16xf32>
    %swap3A_553 = vector.shape_cast %select_n3A_546 : vector<16xf32> to vector<16xf32>
    tpu.vector_store %arg10[%swap3A_550], %swap3A_553 {strides = array<i32>} : memref<32xf32, #tpu.memory_space<vmem>>, vector<16xf32>,
    %swap3A_554 = arith.constant 16 : index
    %swap3A_555 = tpu.vector_load %arg10[%swap3A_554] {strides = array<i32>} : memref<32xf32, #tpu.memory_space<vmem>>, vector<16xf32>,
    %swap3A_556 = vector.shape_cast %swap3A_555 : vector<16xf32> to vector<16xf32>
    %swap3A_557 = vector.shape_cast %select_n3A_546 : vector<16xf32> to vector<16xf32>
    tpu.vector_store %arg10[%swap3A_554], %swap3A_557 {strides = array<i32>} : memref<32xf32, #tpu.memory_space<vmem>>, vector<16xf32>,
    %swap3A_558 = arith.constant 0 : index
    %swap3A_559 = tpu.vector_load %arg11[%swap3A_558] {strides = array<i32>} : memref<32xi32, #tpu.memory_space<vmem>>, vector<16xi32>,
    %swap3A_560 = vector.shape_cast %swap3A_559 : vector<16xi32> to vector<16xi32>
    %swap3A_561 = vector.shape_cast %select_n3A_547 : vector<16xi32> to vector<16xi32>
    tpu.vector_store %arg11[%swap3A_558], %swap3A_561 {strides = array<i32>} : memref<32xi32, #tpu.memory_space<vmem>>, vector<16xi32>,
    %swap3A_562 = arith.constant 16 : index
    %swap3A_563 = tpu.vector_load %arg11[%swap3A_562] {strides = array<i32>} : memref<32xi32, #tpu.memory_space<vmem>>, vector<16xi32>,
    %swap3A_564 = vector.shape_cast %swap3A_563 : vector<16xi32> to vector<16xi32>
    %swap3A_565 = vector.shape_cast %select_n3A_547 : vector<16xi32> to vector<16xi32>
    tpu.vector_store %arg11[%swap3A_562], %swap3A_565 {strides = array<i32>} : memref<32xi32, #tpu.memory_space<vmem>>, vector<16xi32>,
    %get3A_566 = arith.constant 1 : index
    %get3A_567 = tpu.vector_load %arg10[%get3A_566] {strides = array<i32>} : memref<32xf32, #tpu.memory_space<vmem>>, vector<16xf32>,
    %get3A_568 = vector.shape_cast %get3A_567 : vector<16xf32> to vector<16xf32>
    %get3A_569 = arith.constant 1 : index
    %get3A_570 = tpu.vector_load %arg11[%get3A_569] {strides = array<i32>} : memref<32xi32, #tpu.memory_space<vmem>>, vector<16xi32>,
    %get3A_571 = vector.shape_cast %get3A_570 : vector<16xi32> to vector<16xi32>
    %gt3A_572 = arith.cmpf ogt, %get3A_568, %select_n3A_546 : vector<16xf32>
    %eq3A_573 = arith.cmpf oeq, %get3A_568, %select_n3A_546 : vector<16xf32>
    %lt3A_574 = arith.cmpi slt, %get3A_571, %select_n3A_547 : vector<16xi32>
    %and3A_575 = arith.andi %eq3A_573, %lt3A_574 : vector<16xi1>
    %or3A_576 = arith.ori %gt3A_572, %and3A_575 : vector<16xi1>
    %select_n3A_577 = arith.select %or3A_576, %get3A_568, %select_n3A_546 : vector<16xi1>, vector<16xf32>
    %select_n3A_578 = arith.select %or3A_576, %get3A_571, %select_n3A_547 : vector<16xi1>, vector<16xi32>
    %swap3A_579 = arith.constant 0 : index
    %swap3A_580 = tpu.vector_load %arg10[%swap3A_579] {strides = array<i32>} : memref<32xf32, #tpu.memory_space<vmem>>, vector<16xf32>,
    %swap3A_581 = vector.shape_cast %swap3A_580 : vector<16xf32> to vector<16xf32>
    %swap3A_582 = vector.shape_cast %select_n3A_577 : vector<16xf32> to vector<16xf32>
    tpu.vector_store %arg10[%swap3A_579], %swap3A_582 {strides = array<i32>} : memref<32xf32, #tpu.memory_space<vmem>>, vector<16xf32>,
    %swap3A_583 = arith.constant 16 : index
    %swap3A_584 = tpu.vector_load %arg10[%swap3A_583] {strides = array<i32>} : memref<32xf32, #tpu.memory_space<vmem>>, vector<16xf32>,
    %swap3A_585 = vector.shape_cast %swap3A_584 : vector<16xf32> to vector<16xf32>
    %swap3A_586 = vector.shape_cast %select_n3A_577 : vector<16xf32> to vector<16xf32>
    tpu.vector_store %arg10[%swap3A_583], %swap3A_586 {strides = array<i32>} : memref<32xf32, #tpu.memory_space<vmem>>, vector<16xf32>,
    %swap3A_587 = arith.constant 0 : index
    %swap3A_588 = tpu.vector_load %arg11[%swap3A_587] {strides = array<i32>} : memref<32xi32, #tpu.memory_space<vmem>>, vector<16xi32>,
    %swap3A_589 = vector.shape_cast %swap3A_588 : vector<16xi32> to vector<16xi32>
    %swap3A_590 = vector.shape_cast %select_n3A_578 : vector<16xi32> to vector<16xi32>
    tpu.vector_store %arg11[%swap3A_587], %swap3A_590 {strides = array<i32>} : memref<32xi32, #tpu.memory_space<vmem>>, vector<16xi32>,
    %swap3A_591 = arith.constant 16 : index
    %swap3A_592 = tpu.vector_load %arg11[%swap3A_591] {strides = array<i32>} : memref<32xi32, #tpu.memory_space<vmem>>, vector<16xi32>,
    %swap3A_593 = vector.shape_cast %swap3A_592 : vector<16xi32> to vector<16xi32>
    %swap3A_594 = vector.shape_cast %select_n3A_578 : vector<16xi32> to vector<16xi32>
    tpu.vector_store %arg11[%swap3A_591], %swap3A_594 {strides = array<i32>} : memref<32xi32, #tpu.memory_space<vmem>>, vector<16xi32>,
    %get3A_595 = arith.constant 2 : index
    %get3A_596 = tpu.vector_load %arg10[%get3A_595] {strides = array<i32>} : memref<32xf32, #tpu.memory_space<vmem>>, vector<16xf32>,
    %get3A_597 = vector.shape_cast %get3A_596 : vector<16xf32> to vector<16xf32>
    %get3A_598 = arith.constant 2 : index
    %get3A_599 = tpu.vector_load %arg11[%get3A_598] {strides = array<i32>} : memref<32xi32, #tpu.memory_space<vmem>>, vector<16xi32>,
    %get3A_600 = vector.shape_cast %get3A_599 : vector<16xi32> to vector<16xi32>
    %gt3A_601 = arith.cmpf ogt, %get3A_597, %select_n3A_577 : vector<16xf32>
    %eq3A_602 = arith.cmpf oeq, %get3A_597, %select_n3A_577 : vector<16xf32>
    %lt3A_603 = arith.cmpi slt, %get3A_600, %select_n3A_578 : vector<16xi32>
    %and3A_604 = arith.andi %eq3A_602, %lt3A_603 : vector<16xi1>
    %or3A_605 = arith.ori %gt3A_601, %and3A_604 : vector<16xi1>
    %select_n3A_606 = arith.select %or3A_605, %get3A_597, %select_n3A_577 : vector<16xi1>, vector<16xf32>
    %select_n3A_607 = arith.select %or3A_605, %get3A_600, %select_n3A_578 : vector<16xi1>, vector<16xi32>
    %swap3A_608 = arith.constant 0 : index
    %swap3A_609 = tpu.vector_load %arg10[%swap3A_608] {strides = array<i32>} : memref<32xf32, #tpu.memory_space<vmem>>, vector<16xf32>,
    %swap3A_610 = vector.shape_cast %swap3A_609 : vector<16xf32> to vector<16xf32>
    %swap3A_611 = vector.shape_cast %select_n3A_606 : vector<16xf32> to vector<16xf32>
    tpu.vector_store %arg10[%swap3A_608], %swap3A_611 {strides = array<i32>} : memref<32xf32, #tpu.memory_space<vmem>>, vector<16xf32>,
    %swap3A_612 = arith.constant 16 : index
    %swap3A_613 = tpu.vector_load %arg10[%swap3A_612] {strides = array<i32>} : memref<32xf32, #tpu.memory_space<vmem>>, vector<16xf32>,
    %swap3A_614 = vector.shape_cast %swap3A_613 : vector<16xf32> to vector<16xf32>
    %swap3A_615 = vector.shape_cast %select_n3A_606 : vector<16xf32> to vector<16xf32>
    tpu.vector_store %arg10[%swap3A_612], %swap3A_615 {strides = array<i32>} : memref<32xf32, #tpu.memory_space<vmem>>, vector<16xf32>,
    %swap3A_616 = arith.constant 0 : index
    %swap3A_617 = tpu.vector_load %arg11[%swap3A_616] {strides = array<i32>} : memref<32xi32, #tpu.memory_space<vmem>>, vector<16xi32>,
    %swap3A_618 = vector.shape_cast %swap3A_617 : vector<16xi32> to vector<16xi32>
    %swap3A_619 = vector.shape_cast %select_n3A_607 : vector<16xi32> to vector<16xi32>
    tpu.vector_store %arg11[%swap3A_616], %swap3A_619 {strides = array<i32>} : memref<32xi32, #tpu.memory_space<vmem>>, vector<16xi32>,
    %swap3A_620 = arith.constant 16 : index
    %swap3A_621 = tpu.vector_load %arg11[%swap3A_620] {strides = array<i32>} : memref<32xi32, #tpu.memory_space<vmem>>, vector<16xi32>,
    %swap3A_622 = vector.shape_cast %swap3A_621 : vector<16xi32> to vector<16xi32>
    %swap3A_623 = vector.shape_cast %select_n3A_607 : vector<16xi32> to vector<16xi32>
    tpu.vector_store %arg11[%swap3A_620], %swap3A_623 {strides = array<i32>} : memref<32xi32, #tpu.memory_space<vmem>>, vector<16xi32>,
    %get3A_624 = arith.constant 4 : index
    %get3A_625 = tpu.vector_load %arg10[%get3A_624] {strides = array<i32>} : memref<32xf32, #tpu.memory_space<vmem>>, vector<16xf32>,
    %get3A_626 = vector.shape_cast %get3A_625 : vector<16xf32> to vector<16xf32>
    %get3A_627 = arith.constant 4 : index
    %get3A_628 = tpu.vector_load %arg11[%get3A_627] {strides = array<i32>} : memref<32xi32, #tpu.memory_space<vmem>>, vector<16xi32>,
    %get3A_629 = vector.shape_cast %get3A_628 : vector<16xi32> to vector<16xi32>
    %gt3A_630 = arith.cmpf ogt, %get3A_626, %select_n3A_606 : vector<16xf32>
    %eq3A_631 = arith.cmpf oeq, %get3A_626, %select_n3A_606 : vector<16xf32>
    %lt3A_632 = arith.cmpi slt, %get3A_629, %select_n3A_607 : vector<16xi32>
    %and3A_633 = arith.andi %eq3A_631, %lt3A_632 : vector<16xi1>
    %or3A_634 = arith.ori %gt3A_630, %and3A_633 : vector<16xi1>
    %select_n3A_635 = arith.select %or3A_634, %get3A_626, %select_n3A_606 : vector<16xi1>, vector<16xf32>
    %select_n3A_636 = arith.select %or3A_634, %get3A_629, %select_n3A_607 : vector<16xi1>, vector<16xi32>
    %swap3A_637 = arith.constant 0 : index
    %swap3A_638 = tpu.vector_load %arg10[%swap3A_637] {strides = array<i32>} : memref<32xf32, #tpu.memory_space<vmem>>, vector<16xf32>,
    %swap3A_639 = vector.shape_cast %swap3A_638 : vector<16xf32> to vector<16xf32>
    %swap3A_640 = vector.shape_cast %select_n3A_635 : vector<16xf32> to vector<16xf32>
    tpu.vector_store %arg10[%swap3A_637], %swap3A_640 {strides = array<i32>} : memref<32xf32, #tpu.memory_space<vmem>>, vector<16xf32>,
    %swap3A_641 = arith.constant 16 : index
    %swap3A_642 = tpu.vector_load %arg10[%swap3A_641] {strides = array<i32>} : memref<32xf32, #tpu.memory_space<vmem>>, vector<16xf32>,
    %swap3A_643 = vector.shape_cast %swap3A_642 : vector<16xf32> to vector<16xf32>
    %swap3A_644 = vector.shape_cast %select_n3A_635 : vector<16xf32> to vector<16xf32>
    tpu.vector_store %arg10[%swap3A_641], %swap3A_644 {strides = array<i32>} : memref<32xf32, #tpu.memory_space<vmem>>, vector<16xf32>,
    %swap3A_645 = arith.constant 0 : index
    %swap3A_646 = tpu.vector_load %arg11[%swap3A_645] {strides = array<i32>} : memref<32xi32, #tpu.memory_space<vmem>>, vector<16xi32>,
    %swap3A_647 = vector.shape_cast %swap3A_646 : vector<16xi32> to vector<16xi32>
    %swap3A_648 = vector.shape_cast %select_n3A_636 : vector<16xi32> to vector<16xi32>
    tpu.vector_store %arg11[%swap3A_645], %swap3A_648 {strides = array<i32>} : memref<32xi32, #tpu.memory_space<vmem>>, vector<16xi32>,
    %swap3A_649 = arith.constant 16 : index
    %swap3A_650 = tpu.vector_load %arg11[%swap3A_649] {strides = array<i32>} : memref<32xi32, #tpu.memory_space<vmem>>, vector<16xi32>,
    %swap3A_651 = vector.shape_cast %swap3A_650 : vector<16xi32> to vector<16xi32>
    %swap3A_652 = vector.shape_cast %select_n3A_636 : vector<16xi32> to vector<16xi32>
    tpu.vector_store %arg11[%swap3A_649], %swap3A_652 {strides = array<i32>} : memref<32xi32, #tpu.memory_space<vmem>>, vector<16xi32>,
    %get3A_653 = arith.constant 8 : index
    %get3A_654 = tpu.vector_load %arg10[%get3A_653] {strides = array<i32>} : memref<32xf32, #tpu.memory_space<vmem>>, vector<16xf32>,
    %get3A_655 = vector.shape_cast %get3A_654 : vector<16xf32> to vector<16xf32>
    %get3A_656 = arith.constant 8 : index
    %get3A_657 = tpu.vector_load %arg11[%get3A_656] {strides = array<i32>} : memref<32xi32, #tpu.memory_space<vmem>>, vector<16xi32>,
    %get3A_658 = vector.shape_cast %get3A_657 : vector<16xi32> to vector<16xi32>
    %gt3A_659 = arith.cmpf ogt, %get3A_655, %select_n3A_635 : vector<16xf32>
    %eq3A_660 = arith.cmpf oeq, %get3A_655, %select_n3A_635 : vector<16xf32>
    %lt3A_661 = arith.cmpi slt, %get3A_658, %select_n3A_636 : vector<16xi32>
    %and3A_662 = arith.andi %eq3A_660, %lt3A_661 : vector<16xi1>
    %or3A_663 = arith.ori %gt3A_659, %and3A_662 : vector<16xi1>
    %select_n3A_664 = arith.select %or3A_663, %get3A_655, %select_n3A_635 : vector<16xi1>, vector<16xf32>
    %select_n3A_665 = arith.select %or3A_663, %get3A_658, %select_n3A_636 : vector<16xi1>, vector<16xi32>
    %eq3A_666 = arith.cmpi eq, %select_n3A_547, %select_n3A_665 : vector<16xi32>
    %select_n3A_667 = arith.select %eq3A_666, %select_n3A_548, %select_n3A_546 : vector<16xi1>, vector<16xf32>
    %select_n3A_668 = arith.select %eq3A_666, %select_n3A_549, %select_n3A_547 : vector<16xi1>, vector<16xi32>
    %select_n3A_669 = arith.select %eq3A_666, %select_n3A_310, %select_n3A_548 : vector<16xi1>, vector<16xf32>
    %select_n3A_670 = arith.select %eq3A_666, %select_n3A_312, %select_n3A_549 : vector<16xi1>, vector<16xi32>
    %broadcast_in_dim3A_671 = arith.constant 0 : i32
    %broadcast_in_dim3A_672 = vector.broadcast %broadcast_in_dim3A_671 : i32 to vector<16xi32>
    %ge3A = arith.constant 3 : i32
    %ge3A_673 = vector.broadcast %ge3A : i32 to vector<16xi32>
    %ge3A_674 = arith.cmpi sge, %iota3A, %ge3A_673 : vector<16xi32>
    %add3A_675 = arith.constant 1 : i32
    %add3A_676 = vector.broadcast %add3A_675 : i32 to vector<16xi32>
    %add3A_677 = arith.addi %broadcast_in_dim3A_672, %add3A_676 : vector<16xi32>
    %select_n3A_678 = arith.select %ge3A_674, %add3A_677, %broadcast_in_dim3A_672 : vector<16xi1>, vector<16xi32>
    %ge3A_679 = arith.constant 6 : i32
    %ge3A_680 = vector.broadcast %ge3A_679 : i32 to vector<16xi32>
    %ge3A_681 = arith.cmpi sge, %iota3A, %ge3A_680 : vector<16xi32>
    %add3A_682 = arith.constant 1 : i32
    %add3A_683 = vector.broadcast %add3A_682 : i32 to vector<16xi32>
    %add3A_684 = arith.addi %select_n3A_678, %add3A_683 : vector<16xi32>
    %select_n3A_685 = arith.select %ge3A_681, %add3A_684, %select_n3A_678 : vector<16xi1>, vector<16xi32>
    %ge3A_686 = arith.constant 9 : i32
    %ge3A_687 = vector.broadcast %ge3A_686 : i32 to vector<16xi32>
    %ge3A_688 = arith.cmpi sge, %iota3A, %ge3A_687 : vector<16xi32>
    %add3A_689 = arith.constant 1 : i32
    %add3A_690 = vector.broadcast %add3A_689 : i32 to vector<16xi32>
    %add3A_691 = arith.addi %select_n3A_685, %add3A_690 : vector<16xi32>
    %select_n3A_692 = arith.select %ge3A_688, %add3A_691, %select_n3A_685 : vector<16xi1>, vector<16xi32>
    %ge3A_693 = arith.constant 12 : i32
    %ge3A_694 = vector.broadcast %ge3A_693 : i32 to vector<16xi32>
    %ge3A_695 = arith.cmpi sge, %iota3A, %ge3A_694 : vector<16xi32>
    %add3A_696 = arith.constant 1 : i32
    %add3A_697 = vector.broadcast %add3A_696 : i32 to vector<16xi32>
    %add3A_698 = arith.addi %select_n3A_692, %add3A_697 : vector<16xi32>
    %select_n3A_699 = arith.select %ge3A_695, %add3A_698, %select_n3A_692 : vector<16xi1>, vector<16xi32>
    %mul3A_700 = arith.constant 3 : i32
    %mul3A_701 = vector.broadcast %mul3A_700 : i32 to vector<16xi32>
    %mul3A_702 = arith.muli %select_n3A_699, %mul3A_701 : vector<16xi32>
    %sub3A = arith.subi %iota3A, %mul3A_702 : vector<16xi32>
    %eq3A_703 = arith.constant 0 : i32
    %eq3A_704 = vector.broadcast %eq3A_703 : i32 to vector<16xi32>
    %eq3A_705 = arith.cmpi eq, %sub3A, %eq3A_704 : vector<16xi32>
    %eq3A_706 = arith.constant 1 : i32
    %eq3A_707 = vector.broadcast %eq3A_706 : i32 to vector<16xi32>
    %eq3A_708 = arith.cmpi eq, %sub3A, %eq3A_707 : vector<16xi32>
    %select_n3A_709 = arith.select %eq3A_708, %select_n3A_544, %select_n3A_665 : vector<16xi1>, vector<16xi32>
    %select_n3A_710 = arith.select %eq3A_705, %select_n3A_423, %select_n3A_709 : vector<16xi1>, vector<16xi32>
    %broadcast_in_dim3A_711 = arith.constant 0.000000e+00 : f32
    %broadcast_in_dim3A_712 = vector.broadcast %broadcast_in_dim3A_711 : f32 to vector<16xf32>
    %broadcast_in_dim3A_713 = arith.constant 0.000000e+00 : f32
    %broadcast_in_dim3A_714 = vector.broadcast %broadcast_in_dim3A_713 : f32 to vector<16xf32>
    %add3A_715 = arith.constant 0 : i32
    %add3A_716 = vector.broadcast %add3A_715 : i32 to vector<16xi32>
    %add3A_717 = arith.addi %iota3A, %add3A_716 : vector<16xi32>
    %get3A_718 = arith.constant 0 : index
    %get3A_719 = tpu.vector_load %arg8[%get3A_718] {strides = array<i32>} : memref<1280xf32, #tpu.memory_space<vmem>>, vector<16xf32>,
    %get3A_720 = vector.shape_cast %get3A_719 : vector<16xf32> to vector<16xf32>
    %get3A_721 = arith.constant 256 : index
    %get3A_722 = tpu.vector_load %arg8[%get3A_721] {strides = array<i32>} : memref<1280xf32, #tpu.memory_space<vmem>>, vector<16xf32>,
    %get3A_723 = vector.shape_cast %get3A_722 : vector<16xf32> to vector<16xf32>
    %add3A_724 = arith.addf %get3A_720, %get3A_723 : vector<16xf32>
    %get3A_725 = arith.constant 512 : index
    %get3A_726 = tpu.vector_load %arg8[%get3A_725] {strides = array<i32>} : memref<1280xf32, #tpu.memory_space<vmem>>, vector<16xf32>,
    %get3A_727 = vector.shape_cast %get3A_726 : vector<16xf32> to vector<16xf32>
    %add3A_728 = arith.addf %add3A_724, %get3A_727 : vector<16xf32>
    %get3A_729 = arith.constant 768 : index
    %get3A_730 = tpu.vector_load %arg8[%get3A_729] {strides = array<i32>} : memref<1280xf32, #tpu.memory_space<vmem>>, vector<16xf32>,
    %get3A_731 = vector.shape_cast %get3A_730 : vector<16xf32> to vector<16xf32>
    %add3A_732 = arith.addf %add3A_728, %get3A_731 : vector<16xf32>
    %get3A_733 = arith.constant 1024 : index
    %get3A_734 = tpu.vector_load %arg8[%get3A_733] {strides = array<i32>} : memref<1280xf32, #tpu.memory_space<vmem>>, vector<16xf32>,
    %get3A_735 = vector.shape_cast %get3A_734 : vector<16xf32> to vector<16xf32>
    %add3A_736 = arith.addf %add3A_732, %get3A_735 : vector<16xf32>
    %eq3A_737 = arith.cmpi eq, %add3A_717, %select_n3A_423 : vector<16xi32>
    %select_n3A_738 = arith.select %eq3A_737, %add3A_736, %broadcast_in_dim3A_714 : vector<16xi1>, vector<16xf32>
    %add3A_739 = arith.addf %broadcast_in_dim3A_712, %select_n3A_738 : vector<16xf32>
    %eq3A_740 = arith.cmpi eq, %add3A_717, %select_n3A_544 : vector<16xi32>
    %select_n3A_741 = arith.select %eq3A_740, %add3A_736, %broadcast_in_dim3A_714 : vector<16xi1>, vector<16xf32>
    %add3A_742 = arith.addf %add3A_739, %select_n3A_741 : vector<16xf32>
    %eq3A_743 = arith.cmpi eq, %add3A_717, %select_n3A_665 : vector<16xi32>
    %select_n3A_744 = arith.select %eq3A_743, %add3A_736, %broadcast_in_dim3A_714 : vector<16xi1>, vector<16xf32>
    %add3A_745 = arith.addf %add3A_742, %select_n3A_744 : vector<16xf32>
    %add3A_746 = arith.constant 16 : i32
    %add3A_747 = vector.broadcast %add3A_746 : i32 to vector<16xi32>
    %add3A_748 = arith.addi %iota3A, %add3A_747 : vector<16xi32>
    %get3A_749 = arith.constant 16 : index
    %get3A_750 = tpu.vector_load %arg8[%get3A_749] {strides = array<i32>} : memref<1280xf32, #tpu.memory_space<vmem>>, vector<16xf32>,
    %get3A_751 = vector.shape_cast %get3A_750 : vector<16xf32> to vector<16xf32>
    %get3A_752 = arith.constant 272 : index
    %get3A_753 = tpu.vector_load %arg8[%get3A_752] {strides = array<i32>} : memref<1280xf32, #tpu.memory_space<vmem>>, vector<16xf32>,
    %get3A_754 = vector.shape_cast %get3A_753 : vector<16xf32> to vector<16xf32>
    %add3A_755 = arith.addf %get3A_751, %get3A_754 : vector<16xf32>
    %get3A_756 = arith.constant 528 : index
    %get3A_757 = tpu.vector_load %arg8[%get3A_756] {strides = array<i32>} : memref<1280xf32, #tpu.memory_space<vmem>>, vector<16xf32>,
    %get3A_758 = vector.shape_cast %get3A_757 : vector<16xf32> to vector<16xf32>
    %add3A_759 = arith.addf %add3A_755, %get3A_758 : vector<16xf32>
    %get3A_760 = arith.constant 784 : index
    %get3A_761 = tpu.vector_load %arg8[%get3A_760] {strides = array<i32>} : memref<1280xf32, #tpu.memory_space<vmem>>, vector<16xf32>,
    %get3A_762 = vector.shape_cast %get3A_761 : vector<16xf32> to vector<16xf32>
    %add3A_763 = arith.addf %add3A_759, %get3A_762 : vector<16xf32>
    %get3A_764 = arith.constant 1040 : index
    %get3A_765 = tpu.vector_load %arg8[%get3A_764] {strides = array<i32>} : memref<1280xf32, #tpu.memory_space<vmem>>, vector<16xf32>,
    %get3A_766 = vector.shape_cast %get3A_765 : vector<16xf32> to vector<16xf32>
    %add3A_767 = arith.addf %add3A_763, %get3A_766 : vector<16xf32>
    %eq3A_768 = arith.cmpi eq, %add3A_748, %select_n3A_423 : vector<16xi32>
    %select_n3A_769 = arith.select %eq3A_768, %add3A_767, %broadcast_in_dim3A_714 : vector<16xi1>, vector<16xf32>
    %add3A_770 = arith.addf %add3A_745, %select_n3A_769 : vector<16xf32>
    %eq3A_771 = arith.cmpi eq, %add3A_748, %select_n3A_544 : vector<16xi32>
    %select_n3A_772 = arith.select %eq3A_771, %add3A_767, %broadcast_in_dim3A_714 : vector<16xi1>, vector<16xf32>
    %add3A_773 = arith.addf %add3A_770, %select_n3A_772 : vector<16xf32>
    %eq3A_774 = arith.cmpi eq, %add3A_748, %select_n3A_665 : vector<16xi32>
    %select_n3A_775 = arith.select %eq3A_774, %add3A_767, %broadcast_in_dim3A_714 : vector<16xi1>, vector<16xf32>
    %add3A_776 = arith.addf %add3A_773, %select_n3A_775 : vector<16xf32>
    %add3A_777 = arith.constant 32 : i32
    %add3A_778 = vector.broadcast %add3A_777 : i32 to vector<16xi32>
    %add3A_779 = arith.addi %iota3A, %add3A_778 : vector<16xi32>
    %get3A_780 = arith.constant 32 : index
    %get3A_781 = tpu.vector_load %arg8[%get3A_780] {strides = array<i32>} : memref<1280xf32, #tpu.memory_space<vmem>>, vector<16xf32>,
    %get3A_782 = vector.shape_cast %get3A_781 : vector<16xf32> to vector<16xf32>
    %get3A_783 = arith.constant 288 : index
    %get3A_784 = tpu.vector_load %arg8[%get3A_783] {strides = array<i32>} : memref<1280xf32, #tpu.memory_space<vmem>>, vector<16xf32>,
    %get3A_785 = vector.shape_cast %get3A_784 : vector<16xf32> to vector<16xf32>
    %add3A_786 = arith.addf %get3A_782, %get3A_785 : vector<16xf32>
    %get3A_787 = arith.constant 544 : index
    %get3A_788 = tpu.vector_load %arg8[%get3A_787] {strides = array<i32>} : memref<1280xf32, #tpu.memory_space<vmem>>, vector<16xf32>,
    %get3A_789 = vector.shape_cast %get3A_788 : vector<16xf32> to vector<16xf32>
    %add3A_790 = arith.addf %add3A_786, %get3A_789 : vector<16xf32>
    %get3A_791 = arith.constant 800 : index
    %get3A_792 = tpu.vector_load %arg8[%get3A_791] {strides = array<i32>} : memref<1280xf32, #tpu.memory_space<vmem>>, vector<16xf32>,
    %get3A_793 = vector.shape_cast %get3A_792 : vector<16xf32> to vector<16xf32>
    %add3A_794 = arith.addf %add3A_790, %get3A_793 : vector<16xf32>
    %get3A_795 = arith.constant 1056 : index
    %get3A_796 = tpu.vector_load %arg8[%get3A_795] {strides = array<i32>} : memref<1280xf32, #tpu.memory_space<vmem>>, vector<16xf32>,
    %get3A_797 = vector.shape_cast %get3A_796 : vector<16xf32> to vector<16xf32>
    %add3A_798 = arith.addf %add3A_794, %get3A_797 : vector<16xf32>
    %eq3A_799 = arith.cmpi eq, %add3A_779, %select_n3A_423 : vector<16xi32>
    %select_n3A_800 = arith.select %eq3A_799, %add3A_798, %broadcast_in_dim3A_714 : vector<16xi1>, vector<16xf32>
    %add3A_801 = arith.addf %add3A_776, %select_n3A_800 : vector<16xf32>
    %eq3A_802 = arith.cmpi eq, %add3A_779, %select_n3A_544 : vector<16xi32>
    %select_n3A_803 = arith.select %eq3A_802, %add3A_798, %broadcast_in_dim3A_714 : vector<16xi1>, vector<16xf32>
    %add3A_804 = arith.addf %add3A_801, %select_n3A_803 : vector<16xf32>
    %eq3A_805 = arith.cmpi eq, %add3A_779, %select_n3A_665 : vector<16xi32>
    %select_n3A_806 = arith.select %eq3A_805, %add3A_798, %broadcast_in_dim3A_714 : vector<16xi1>, vector<16xf32>
    %add3A_807 = arith.addf %add3A_804, %select_n3A_806 : vector<16xf32>
    %add3A_808 = arith.constant 48 : i32
    %add3A_809 = vector.broadcast %add3A_808 : i32 to vector<16xi32>
    %add3A_810 = arith.addi %iota3A, %add3A_809 : vector<16xi32>
    %get3A_811 = arith.constant 48 : index
    %get3A_812 = tpu.vector_load %arg8[%get3A_811] {strides = array<i32>} : memref<1280xf32, #tpu.memory_space<vmem>>, vector<16xf32>,
    %get3A_813 = vector.shape_cast %get3A_812 : vector<16xf32> to vector<16xf32>
    %get3A_814 = arith.constant 304 : index
    %get3A_815 = tpu.vector_load %arg8[%get3A_814] {strides = array<i32>} : memref<1280xf32, #tpu.memory_space<vmem>>, vector<16xf32>,
    %get3A_816 = vector.shape_cast %get3A_815 : vector<16xf32> to vector<16xf32>
    %add3A_817 = arith.addf %get3A_813, %get3A_816 : vector<16xf32>
    %get3A_818 = arith.constant 560 : index
    %get3A_819 = tpu.vector_load %arg8[%get3A_818] {strides = array<i32>} : memref<1280xf32, #tpu.memory_space<vmem>>, vector<16xf32>,
    %get3A_820 = vector.shape_cast %get3A_819 : vector<16xf32> to vector<16xf32>
    %add3A_821 = arith.addf %add3A_817, %get3A_820 : vector<16xf32>
    %get3A_822 = arith.constant 816 : index
    %get3A_823 = tpu.vector_load %arg8[%get3A_822] {strides = array<i32>} : memref<1280xf32, #tpu.memory_space<vmem>>, vector<16xf32>,
    %get3A_824 = vector.shape_cast %get3A_823 : vector<16xf32> to vector<16xf32>
    %add3A_825 = arith.addf %add3A_821, %get3A_824 : vector<16xf32>
    %get3A_826 = arith.constant 1072 : index
    %get3A_827 = tpu.vector_load %arg8[%get3A_826] {strides = array<i32>} : memref<1280xf32, #tpu.memory_space<vmem>>, vector<16xf32>,
    %get3A_828 = vector.shape_cast %get3A_827 : vector<16xf32> to vector<16xf32>
    %add3A_829 = arith.addf %add3A_825, %get3A_828 : vector<16xf32>
    %eq3A_830 = arith.cmpi eq, %add3A_810, %select_n3A_423 : vector<16xi32>
    %select_n3A_831 = arith.select %eq3A_830, %add3A_829, %broadcast_in_dim3A_714 : vector<16xi1>, vector<16xf32>
    %add3A_832 = arith.addf %add3A_807, %select_n3A_831 : vector<16xf32>
    %eq3A_833 = arith.cmpi eq, %add3A_810, %select_n3A_544 : vector<16xi32>
    %select_n3A_834 = arith.select %eq3A_833, %add3A_829, %broadcast_in_dim3A_714 : vector<16xi1>, vector<16xf32>
    %add3A_835 = arith.addf %add3A_832, %select_n3A_834 : vector<16xf32>
    %eq3A_836 = arith.cmpi eq, %add3A_810, %select_n3A_665 : vector<16xi32>
    %select_n3A_837 = arith.select %eq3A_836, %add3A_829, %broadcast_in_dim3A_714 : vector<16xi1>, vector<16xf32>
    %add3A_838 = arith.addf %add3A_835, %select_n3A_837 : vector<16xf32>
    %add3A_839 = arith.constant 64 : i32
    %add3A_840 = vector.broadcast %add3A_839 : i32 to vector<16xi32>
    %add3A_841 = arith.addi %iota3A, %add3A_840 : vector<16xi32>
    %get3A_842 = arith.constant 64 : index
    %get3A_843 = tpu.vector_load %arg8[%get3A_842] {strides = array<i32>} : memref<1280xf32, #tpu.memory_space<vmem>>, vector<16xf32>,
    %get3A_844 = vector.shape_cast %get3A_843 : vector<16xf32> to vector<16xf32>
    %get3A_845 = arith.constant 320 : index
    %get3A_846 = tpu.vector_load %arg8[%get3A_845] {strides = array<i32>} : memref<1280xf32, #tpu.memory_space<vmem>>, vector<16xf32>,
    %get3A_847 = vector.shape_cast %get3A_846 : vector<16xf32> to vector<16xf32>
    %add3A_848 = arith.addf %get3A_844, %get3A_847 : vector<16xf32>
    %get3A_849 = arith.constant 576 : index
    %get3A_850 = tpu.vector_load %arg8[%get3A_849] {strides = array<i32>} : memref<1280xf32, #tpu.memory_space<vmem>>, vector<16xf32>,
    %get3A_851 = vector.shape_cast %get3A_850 : vector<16xf32> to vector<16xf32>
    %add3A_852 = arith.addf %add3A_848, %get3A_851 : vector<16xf32>
    %get3A_853 = arith.constant 832 : index
    %get3A_854 = tpu.vector_load %arg8[%get3A_853] {strides = array<i32>} : memref<1280xf32, #tpu.memory_space<vmem>>, vector<16xf32>,
    %get3A_855 = vector.shape_cast %get3A_854 : vector<16xf32> to vector<16xf32>
    %add3A_856 = arith.addf %add3A_852, %get3A_855 : vector<16xf32>
    %get3A_857 = arith.constant 1088 : index
    %get3A_858 = tpu.vector_load %arg8[%get3A_857] {strides = array<i32>} : memref<1280xf32, #tpu.memory_space<vmem>>, vector<16xf32>,
    %get3A_859 = vector.shape_cast %get3A_858 : vector<16xf32> to vector<16xf32>
    %add3A_860 = arith.addf %add3A_856, %get3A_859 : vector<16xf32>
    %eq3A_861 = arith.cmpi eq, %add3A_841, %select_n3A_423 : vector<16xi32>
    %select_n3A_862 = arith.select %eq3A_861, %add3A_860, %broadcast_in_dim3A_714 : vector<16xi1>, vector<16xf32>
    %add3A_863 = arith.addf %add3A_838, %select_n3A_862 : vector<16xf32>
    %eq3A_864 = arith.cmpi eq, %add3A_841, %select_n3A_544 : vector<16xi32>
    %select_n3A_865 = arith.select %eq3A_864, %add3A_860, %broadcast_in_dim3A_714 : vector<16xi1>, vector<16xf32>
    %add3A_866 = arith.addf %add3A_863, %select_n3A_865 : vector<16xf32>
    %eq3A_867 = arith.cmpi eq, %add3A_841, %select_n3A_665 : vector<16xi32>
    %select_n3A_868 = arith.select %eq3A_867, %add3A_860, %broadcast_in_dim3A_714 : vector<16xi1>, vector<16xf32>
    %add3A_869 = arith.addf %add3A_866, %select_n3A_868 : vector<16xf32>
    %add3A_870 = arith.constant 80 : i32
    %add3A_871 = vector.broadcast %add3A_870 : i32 to vector<16xi32>
    %add3A_872 = arith.addi %iota3A, %add3A_871 : vector<16xi32>
    %get3A_873 = arith.constant 80 : index
    %get3A_874 = tpu.vector_load %arg8[%get3A_873] {strides = array<i32>} : memref<1280xf32, #tpu.memory_space<vmem>>, vector<16xf32>,
    %get3A_875 = vector.shape_cast %get3A_874 : vector<16xf32> to vector<16xf32>
    %get3A_876 = arith.constant 336 : index
    %get3A_877 = tpu.vector_load %arg8[%get3A_876] {strides = array<i32>} : memref<1280xf32, #tpu.memory_space<vmem>>, vector<16xf32>,
    %get3A_878 = vector.shape_cast %get3A_877 : vector<16xf32> to vector<16xf32>
    %add3A_879 = arith.addf %get3A_875, %get3A_878 : vector<16xf32>
    %get3A_880 = arith.constant 592 : index
    %get3A_881 = tpu.vector_load %arg8[%get3A_880] {strides = array<i32>} : memref<1280xf32, #tpu.memory_space<vmem>>, vector<16xf32>,
    %get3A_882 = vector.shape_cast %get3A_881 : vector<16xf32> to vector<16xf32>
    %add3A_883 = arith.addf %add3A_879, %get3A_882 : vector<16xf32>
    %get3A_884 = arith.constant 848 : index
    %get3A_885 = tpu.vector_load %arg8[%get3A_884] {strides = array<i32>} : memref<1280xf32, #tpu.memory_space<vmem>>, vector<16xf32>,
    %get3A_886 = vector.shape_cast %get3A_885 : vector<16xf32> to vector<16xf32>
    %add3A_887 = arith.addf %add3A_883, %get3A_886 : vector<16xf32>
    %get3A_888 = arith.constant 1104 : index
    %get3A_889 = tpu.vector_load %arg8[%get3A_888] {strides = array<i32>} : memref<1280xf32, #tpu.memory_space<vmem>>, vector<16xf32>,
    %get3A_890 = vector.shape_cast %get3A_889 : vector<16xf32> to vector<16xf32>
    %add3A_891 = arith.addf %add3A_887, %get3A_890 : vector<16xf32>
    %eq3A_892 = arith.cmpi eq, %add3A_872, %select_n3A_423 : vector<16xi32>
    %select_n3A_893 = arith.select %eq3A_892, %add3A_891, %broadcast_in_dim3A_714 : vector<16xi1>, vector<16xf32>
    %add3A_894 = arith.addf %add3A_869, %select_n3A_893 : vector<16xf32>
    %eq3A_895 = arith.cmpi eq, %add3A_872, %select_n3A_544 : vector<16xi32>
    %select_n3A_896 = arith.select %eq3A_895, %add3A_891, %broadcast_in_dim3A_714 : vector<16xi1>, vector<16xf32>
    %add3A_897 = arith.addf %add3A_894, %select_n3A_896 : vector<16xf32>
    %eq3A_898 = arith.cmpi eq, %add3A_872, %select_n3A_665 : vector<16xi32>
    %select_n3A_899 = arith.select %eq3A_898, %add3A_891, %broadcast_in_dim3A_714 : vector<16xi1>, vector<16xf32>
    %add3A_900 = arith.addf %add3A_897, %select_n3A_899 : vector<16xf32>
    %add3A_901 = arith.constant 96 : i32
    %add3A_902 = vector.broadcast %add3A_901 : i32 to vector<16xi32>
    %add3A_903 = arith.addi %iota3A, %add3A_902 : vector<16xi32>
    %get3A_904 = arith.constant 96 : index
    %get3A_905 = tpu.vector_load %arg8[%get3A_904] {strides = array<i32>} : memref<1280xf32, #tpu.memory_space<vmem>>, vector<16xf32>,
    %get3A_906 = vector.shape_cast %get3A_905 : vector<16xf32> to vector<16xf32>
    %get3A_907 = arith.constant 352 : index
    %get3A_908 = tpu.vector_load %arg8[%get3A_907] {strides = array<i32>} : memref<1280xf32, #tpu.memory_space<vmem>>, vector<16xf32>,
    %get3A_909 = vector.shape_cast %get3A_908 : vector<16xf32> to vector<16xf32>
    %add3A_910 = arith.addf %get3A_906, %get3A_909 : vector<16xf32>
    %get3A_911 = arith.constant 608 : index
    %get3A_912 = tpu.vector_load %arg8[%get3A_911] {strides = array<i32>} : memref<1280xf32, #tpu.memory_space<vmem>>, vector<16xf32>,
    %get3A_913 = vector.shape_cast %get3A_912 : vector<16xf32> to vector<16xf32>
    %add3A_914 = arith.addf %add3A_910, %get3A_913 : vector<16xf32>
    %get3A_915 = arith.constant 864 : index
    %get3A_916 = tpu.vector_load %arg8[%get3A_915] {strides = array<i32>} : memref<1280xf32, #tpu.memory_space<vmem>>, vector<16xf32>,
    %get3A_917 = vector.shape_cast %get3A_916 : vector<16xf32> to vector<16xf32>
    %add3A_918 = arith.addf %add3A_914, %get3A_917 : vector<16xf32>
    %get3A_919 = arith.constant 1120 : index
    %get3A_920 = tpu.vector_load %arg8[%get3A_919] {strides = array<i32>} : memref<1280xf32, #tpu.memory_space<vmem>>, vector<16xf32>,
    %get3A_921 = vector.shape_cast %get3A_920 : vector<16xf32> to vector<16xf32>
    %add3A_922 = arith.addf %add3A_918, %get3A_921 : vector<16xf32>
    %eq3A_923 = arith.cmpi eq, %add3A_903, %select_n3A_423 : vector<16xi32>
    %select_n3A_924 = arith.select %eq3A_923, %add3A_922, %broadcast_in_dim3A_714 : vector<16xi1>, vector<16xf32>
    %add3A_925 = arith.addf %add3A_900, %select_n3A_924 : vector<16xf32>
    %eq3A_926 = arith.cmpi eq, %add3A_903, %select_n3A_544 : vector<16xi32>
    %select_n3A_927 = arith.select %eq3A_926, %add3A_922, %broadcast_in_dim3A_714 : vector<16xi1>, vector<16xf32>
    %add3A_928 = arith.addf %add3A_925, %select_n3A_927 : vector<16xf32>
    %eq3A_929 = arith.cmpi eq, %add3A_903, %select_n3A_665 : vector<16xi32>
    %select_n3A_930 = arith.select %eq3A_929, %add3A_922, %broadcast_in_dim3A_714 : vector<16xi1>, vector<16xf32>
    %add3A_931 = arith.addf %add3A_928, %select_n3A_930 : vector<16xf32>
    %add3A_932 = arith.constant 112 : i32
    %add3A_933 = vector.broadcast %add3A_932 : i32 to vector<16xi32>
    %add3A_934 = arith.addi %iota3A, %add3A_933 : vector<16xi32>
    %get3A_935 = arith.constant 112 : index
    %get3A_936 = tpu.vector_load %arg8[%get3A_935] {strides = array<i32>} : memref<1280xf32, #tpu.memory_space<vmem>>, vector<16xf32>,
    %get3A_937 = vector.shape_cast %get3A_936 : vector<16xf32> to vector<16xf32>
    %get3A_938 = arith.constant 368 : index
    %get3A_939 = tpu.vector_load %arg8[%get3A_938] {strides = array<i32>} : memref<1280xf32, #tpu.memory_space<vmem>>, vector<16xf32>,
    %get3A_940 = vector.shape_cast %get3A_939 : vector<16xf32> to vector<16xf32>
    %add3A_941 = arith.addf %get3A_937, %get3A_940 : vector<16xf32>
    %get3A_942 = arith.constant 624 : index
    %get3A_943 = tpu.vector_load %arg8[%get3A_942] {strides = array<i32>} : memref<1280xf32, #tpu.memory_space<vmem>>, vector<16xf32>,
    %get3A_944 = vector.shape_cast %get3A_943 : vector<16xf32> to vector<16xf32>
    %add3A_945 = arith.addf %add3A_941, %get3A_944 : vector<16xf32>
    %get3A_946 = arith.constant 880 : index
    %get3A_947 = tpu.vector_load %arg8[%get3A_946] {strides = array<i32>} : memref<1280xf32, #tpu.memory_space<vmem>>, vector<16xf32>,
    %get3A_948 = vector.shape_cast %get3A_947 : vector<16xf32> to vector<16xf32>
    %add3A_949 = arith.addf %add3A_945, %get3A_948 : vector<16xf32>
    %get3A_950 = arith.constant 1136 : index
    %get3A_951 = tpu.vector_load %arg8[%get3A_950] {strides = array<i32>} : memref<1280xf32, #tpu.memory_space<vmem>>, vector<16xf32>,
    %get3A_952 = vector.shape_cast %get3A_951 : vector<16xf32> to vector<16xf32>
    %add3A_953 = arith.addf %add3A_949, %get3A_952 : vector<16xf32>
    %eq3A_954 = arith.cmpi eq, %add3A_934, %select_n3A_423 : vector<16xi32>
    %select_n3A_955 = arith.select %eq3A_954, %add3A_953, %broadcast_in_dim3A_714 : vector<16xi1>, vector<16xf32>
    %add3A_956 = arith.addf %add3A_931, %select_n3A_955 : vector<16xf32>
    %eq3A_957 = arith.cmpi eq, %add3A_934, %select_n3A_544 : vector<16xi32>
    %select_n3A_958 = arith.select %eq3A_957, %add3A_953, %broadcast_in_dim3A_714 : vector<16xi1>, vector<16xf32>
    %add3A_959 = arith.addf %add3A_956, %select_n3A_958 : vector<16xf32>
    %eq3A_960 = arith.cmpi eq, %add3A_934, %select_n3A_665 : vector<16xi32>
    %select_n3A_961 = arith.select %eq3A_960, %add3A_953, %broadcast_in_dim3A_714 : vector<16xi1>, vector<16xf32>
    %add3A_962 = arith.addf %add3A_959, %select_n3A_961 : vector<16xf32>
    %add3A_963 = arith.constant 128 : i32
    %add3A_964 = vector.broadcast %add3A_963 : i32 to vector<16xi32>
    %add3A_965 = arith.addi %iota3A, %add3A_964 : vector<16xi32>
    %get3A_966 = arith.constant 128 : index
    %get3A_967 = tpu.vector_load %arg8[%get3A_966] {strides = array<i32>} : memref<1280xf32, #tpu.memory_space<vmem>>, vector<16xf32>,
    %get3A_968 = vector.shape_cast %get3A_967 : vector<16xf32> to vector<16xf32>
    %get3A_969 = arith.constant 384 : index
    %get3A_970 = tpu.vector_load %arg8[%get3A_969] {strides = array<i32>} : memref<1280xf32, #tpu.memory_space<vmem>>, vector<16xf32>,
    %get3A_971 = vector.shape_cast %get3A_970 : vector<16xf32> to vector<16xf32>
    %add3A_972 = arith.addf %get3A_968, %get3A_971 : vector<16xf32>
    %get3A_973 = arith.constant 640 : index
    %get3A_974 = tpu.vector_load %arg8[%get3A_973] {strides = array<i32>} : memref<1280xf32, #tpu.memory_space<vmem>>, vector<16xf32>,
    %get3A_975 = vector.shape_cast %get3A_974 : vector<16xf32> to vector<16xf32>
    %add3A_976 = arith.addf %add3A_972, %get3A_975 : vector<16xf32>
    %get3A_977 = arith.constant 896 : index
    %get3A_978 = tpu.vector_load %arg8[%get3A_977] {strides = array<i32>} : memref<1280xf32, #tpu.memory_space<vmem>>, vector<16xf32>,
    %get3A_979 = vector.shape_cast %get3A_978 : vector<16xf32> to vector<16xf32>
    %add3A_980 = arith.addf %add3A_976, %get3A_979 : vector<16xf32>
    %get3A_981 = arith.constant 1152 : index
    %get3A_982 = tpu.vector_load %arg8[%get3A_981] {strides = array<i32>} : memref<1280xf32, #tpu.memory_space<vmem>>, vector<16xf32>,
    %get3A_983 = vector.shape_cast %get3A_982 : vector<16xf32> to vector<16xf32>
    %add3A_984 = arith.addf %add3A_980, %get3A_983 : vector<16xf32>
    %eq3A_985 = arith.cmpi eq, %add3A_965, %select_n3A_423 : vector<16xi32>
    %select_n3A_986 = arith.select %eq3A_985, %add3A_984, %broadcast_in_dim3A_714 : vector<16xi1>, vector<16xf32>
    %add3A_987 = arith.addf %add3A_962, %select_n3A_986 : vector<16xf32>
    %eq3A_988 = arith.cmpi eq, %add3A_965, %select_n3A_544 : vector<16xi32>
    %select_n3A_989 = arith.select %eq3A_988, %add3A_984, %broadcast_in_dim3A_714 : vector<16xi1>, vector<16xf32>
    %add3A_990 = arith.addf %add3A_987, %select_n3A_989 : vector<16xf32>
    %eq3A_991 = arith.cmpi eq, %add3A_965, %select_n3A_665 : vector<16xi32>
    %select_n3A_992 = arith.select %eq3A_991, %add3A_984, %broadcast_in_dim3A_714 : vector<16xi1>, vector<16xf32>
    %add3A_993 = arith.addf %add3A_990, %select_n3A_992 : vector<16xf32>
    %add3A_994 = arith.constant 144 : i32
    %add3A_995 = vector.broadcast %add3A_994 : i32 to vector<16xi32>
    %add3A_996 = arith.addi %iota3A, %add3A_995 : vector<16xi32>
    %get3A_997 = arith.constant 144 : index
    %get3A_998 = tpu.vector_load %arg8[%get3A_997] {strides = array<i32>} : memref<1280xf32, #tpu.memory_space<vmem>>, vector<16xf32>,
    %get3A_999 = vector.shape_cast %get3A_998 : vector<16xf32> to vector<16xf32>
    %get3A_1000 = arith.constant 400 : index
    %get3A_1001 = tpu.vector_load %arg8[%get3A_1000] {strides = array<i32>} : memref<1280xf32, #tpu.memory_space<vmem>>, vector<16xf32>,
    %get3A_1002 = vector.shape_cast %get3A_1001 : vector<16xf32> to vector<16xf32>
    %add3A_1003 = arith.addf %get3A_999, %get3A_1002 : vector<16xf32>
    %get3A_1004 = arith.constant 656 : index
    %get3A_1005 = tpu.vector_load %arg8[%get3A_1004] {strides = array<i32>} : memref<1280xf32, #tpu.memory_space<vmem>>, vector<16xf32>,
    %get3A_1006 = vector.shape_cast %get3A_1005 : vector<16xf32> to vector<16xf32>
    %add3A_1007 = arith.addf %add3A_1003, %get3A_1006 : vector<16xf32>
    %get3A_1008 = arith.constant 912 : index
    %get3A_1009 = tpu.vector_load %arg8[%get3A_1008] {strides = array<i32>} : memref<1280xf32, #tpu.memory_space<vmem>>, vector<16xf32>,
    %get3A_1010 = vector.shape_cast %get3A_1009 : vector<16xf32> to vector<16xf32>
    %add3A_1011 = arith.addf %add3A_1007, %get3A_1010 : vector<16xf32>
    %get3A_1012 = arith.constant 1168 : index
    %get3A_1013 = tpu.vector_load %arg8[%get3A_1012] {strides = array<i32>} : memref<1280xf32, #tpu.memory_space<vmem>>, vector<16xf32>,
    %get3A_1014 = vector.shape_cast %get3A_1013 : vector<16xf32> to vector<16xf32>
    %add3A_1015 = arith.addf %add3A_1011, %get3A_1014 : vector<16xf32>
    %eq3A_1016 = arith.cmpi eq, %add3A_996, %select_n3A_423 : vector<16xi32>
    %select_n3A_1017 = arith.select %eq3A_1016, %add3A_1015, %broadcast_in_dim3A_714 : vector<16xi1>, vector<16xf32>
    %add3A_1018 = arith.addf %add3A_993, %select_n3A_1017 : vector<16xf32>
    %eq3A_1019 = arith.cmpi eq, %add3A_996, %select_n3A_544 : vector<16xi32>
    %select_n3A_1020 = arith.select %eq3A_1019, %add3A_1015, %broadcast_in_dim3A_714 : vector<16xi1>, vector<16xf32>
    %add3A_1021 = arith.addf %add3A_1018, %select_n3A_1020 : vector<16xf32>
    %eq3A_1022 = arith.cmpi eq, %add3A_996, %select_n3A_665 : vector<16xi32>
    %select_n3A_1023 = arith.select %eq3A_1022, %add3A_1015, %broadcast_in_dim3A_714 : vector<16xi1>, vector<16xf32>
    %add3A_1024 = arith.addf %add3A_1021, %select_n3A_1023 : vector<16xf32>
    %add3A_1025 = arith.constant 160 : i32
    %add3A_1026 = vector.broadcast %add3A_1025 : i32 to vector<16xi32>
    %add3A_1027 = arith.addi %iota3A, %add3A_1026 : vector<16xi32>
    %get3A_1028 = arith.constant 160 : index
    %get3A_1029 = tpu.vector_load %arg8[%get3A_1028] {strides = array<i32>} : memref<1280xf32, #tpu.memory_space<vmem>>, vector<16xf32>,
    %get3A_1030 = vector.shape_cast %get3A_1029 : vector<16xf32> to vector<16xf32>
    %get3A_1031 = arith.constant 416 : index
    %get3A_1032 = tpu.vector_load %arg8[%get3A_1031] {strides = array<i32>} : memref<1280xf32, #tpu.memory_space<vmem>>, vector<16xf32>,
    %get3A_1033 = vector.shape_cast %get3A_1032 : vector<16xf32> to vector<16xf32>
    %add3A_1034 = arith.addf %get3A_1030, %get3A_1033 : vector<16xf32>
    %get3A_1035 = arith.constant 672 : index
    %get3A_1036 = tpu.vector_load %arg8[%get3A_1035] {strides = array<i32>} : memref<1280xf32, #tpu.memory_space<vmem>>, vector<16xf32>,
    %get3A_1037 = vector.shape_cast %get3A_1036 : vector<16xf32> to vector<16xf32>
    %add3A_1038 = arith.addf %add3A_1034, %get3A_1037 : vector<16xf32>
    %get3A_1039 = arith.constant 928 : index
    %get3A_1040 = tpu.vector_load %arg8[%get3A_1039] {strides = array<i32>} : memref<1280xf32, #tpu.memory_space<vmem>>, vector<16xf32>,
    %get3A_1041 = vector.shape_cast %get3A_1040 : vector<16xf32> to vector<16xf32>
    %add3A_1042 = arith.addf %add3A_1038, %get3A_1041 : vector<16xf32>
    %get3A_1043 = arith.constant 1184 : index
    %get3A_1044 = tpu.vector_load %arg8[%get3A_1043] {strides = array<i32>} : memref<1280xf32, #tpu.memory_space<vmem>>, vector<16xf32>,
    %get3A_1045 = vector.shape_cast %get3A_1044 : vector<16xf32> to vector<16xf32>
    %add3A_1046 = arith.addf %add3A_1042, %get3A_1045 : vector<16xf32>
    %eq3A_1047 = arith.cmpi eq, %add3A_1027, %select_n3A_423 : vector<16xi32>
    %select_n3A_1048 = arith.select %eq3A_1047, %add3A_1046, %broadcast_in_dim3A_714 : vector<16xi1>, vector<16xf32>
    %add3A_1049 = arith.addf %add3A_1024, %select_n3A_1048 : vector<16xf32>
    %eq3A_1050 = arith.cmpi eq, %add3A_1027, %select_n3A_544 : vector<16xi32>
    %select_n3A_1051 = arith.select %eq3A_1050, %add3A_1046, %broadcast_in_dim3A_714 : vector<16xi1>, vector<16xf32>
    %add3A_1052 = arith.addf %add3A_1049, %select_n3A_1051 : vector<16xf32>
    %eq3A_1053 = arith.cmpi eq, %add3A_1027, %select_n3A_665 : vector<16xi32>
    %select_n3A_1054 = arith.select %eq3A_1053, %add3A_1046, %broadcast_in_dim3A_714 : vector<16xi1>, vector<16xf32>
    %add3A_1055 = arith.addf %add3A_1052, %select_n3A_1054 : vector<16xf32>
    %add3A_1056 = arith.constant 176 : i32
    %add3A_1057 = vector.broadcast %add3A_1056 : i32 to vector<16xi32>
    %add3A_1058 = arith.addi %iota3A, %add3A_1057 : vector<16xi32>
    %get3A_1059 = arith.constant 176 : index
    %get3A_1060 = tpu.vector_load %arg8[%get3A_1059] {strides = array<i32>} : memref<1280xf32, #tpu.memory_space<vmem>>, vector<16xf32>,
    %get3A_1061 = vector.shape_cast %get3A_1060 : vector<16xf32> to vector<16xf32>
    %get3A_1062 = arith.constant 432 : index
    %get3A_1063 = tpu.vector_load %arg8[%get3A_1062] {strides = array<i32>} : memref<1280xf32, #tpu.memory_space<vmem>>, vector<16xf32>,
    %get3A_1064 = vector.shape_cast %get3A_1063 : vector<16xf32> to vector<16xf32>
    %add3A_1065 = arith.addf %get3A_1061, %get3A_1064 : vector<16xf32>
    %get3A_1066 = arith.constant 688 : index
    %get3A_1067 = tpu.vector_load %arg8[%get3A_1066] {strides = array<i32>} : memref<1280xf32, #tpu.memory_space<vmem>>, vector<16xf32>,
    %get3A_1068 = vector.shape_cast %get3A_1067 : vector<16xf32> to vector<16xf32>
    %add3A_1069 = arith.addf %add3A_1065, %get3A_1068 : vector<16xf32>
    %get3A_1070 = arith.constant 944 : index
    %get3A_1071 = tpu.vector_load %arg8[%get3A_1070] {strides = array<i32>} : memref<1280xf32, #tpu.memory_space<vmem>>, vector<16xf32>,
    %get3A_1072 = vector.shape_cast %get3A_1071 : vector<16xf32> to vector<16xf32>
    %add3A_1073 = arith.addf %add3A_1069, %get3A_1072 : vector<16xf32>
    %get3A_1074 = arith.constant 1200 : index
    %get3A_1075 = tpu.vector_load %arg8[%get3A_1074] {strides = array<i32>} : memref<1280xf32, #tpu.memory_space<vmem>>, vector<16xf32>,
    %get3A_1076 = vector.shape_cast %get3A_1075 : vector<16xf32> to vector<16xf32>
    %add3A_1077 = arith.addf %add3A_1073, %get3A_1076 : vector<16xf32>
    %eq3A_1078 = arith.cmpi eq, %add3A_1058, %select_n3A_423 : vector<16xi32>
    %select_n3A_1079 = arith.select %eq3A_1078, %add3A_1077, %broadcast_in_dim3A_714 : vector<16xi1>, vector<16xf32>
    %add3A_1080 = arith.addf %add3A_1055, %select_n3A_1079 : vector<16xf32>
    %eq3A_1081 = arith.cmpi eq, %add3A_1058, %select_n3A_544 : vector<16xi32>
    %select_n3A_1082 = arith.select %eq3A_1081, %add3A_1077, %broadcast_in_dim3A_714 : vector<16xi1>, vector<16xf32>
    %add3A_1083 = arith.addf %add3A_1080, %select_n3A_1082 : vector<16xf32>
    %eq3A_1084 = arith.cmpi eq, %add3A_1058, %select_n3A_665 : vector<16xi32>
    %select_n3A_1085 = arith.select %eq3A_1084, %add3A_1077, %broadcast_in_dim3A_714 : vector<16xi1>, vector<16xf32>
    %add3A_1086 = arith.addf %add3A_1083, %select_n3A_1085 : vector<16xf32>
    %add3A_1087 = arith.constant 192 : i32
    %add3A_1088 = vector.broadcast %add3A_1087 : i32 to vector<16xi32>
    %add3A_1089 = arith.addi %iota3A, %add3A_1088 : vector<16xi32>
    %get3A_1090 = arith.constant 192 : index
    %get3A_1091 = tpu.vector_load %arg8[%get3A_1090] {strides = array<i32>} : memref<1280xf32, #tpu.memory_space<vmem>>, vector<16xf32>,
    %get3A_1092 = vector.shape_cast %get3A_1091 : vector<16xf32> to vector<16xf32>
    %get3A_1093 = arith.constant 448 : index
    %get3A_1094 = tpu.vector_load %arg8[%get3A_1093] {strides = array<i32>} : memref<1280xf32, #tpu.memory_space<vmem>>, vector<16xf32>,
    %get3A_1095 = vector.shape_cast %get3A_1094 : vector<16xf32> to vector<16xf32>
    %add3A_1096 = arith.addf %get3A_1092, %get3A_1095 : vector<16xf32>
    %get3A_1097 = arith.constant 704 : index
    %get3A_1098 = tpu.vector_load %arg8[%get3A_1097] {strides = array<i32>} : memref<1280xf32, #tpu.memory_space<vmem>>, vector<16xf32>,
    %get3A_1099 = vector.shape_cast %get3A_1098 : vector<16xf32> to vector<16xf32>
    %add3A_1100 = arith.addf %add3A_1096, %get3A_1099 : vector<16xf32>
    %get3A_1101 = arith.constant 960 : index
    %get3A_1102 = tpu.vector_load %arg8[%get3A_1101] {strides = array<i32>} : memref<1280xf32, #tpu.memory_space<vmem>>, vector<16xf32>,
    %get3A_1103 = vector.shape_cast %get3A_1102 : vector<16xf32> to vector<16xf32>
    %add3A_1104 = arith.addf %add3A_1100, %get3A_1103 : vector<16xf32>
    %get3A_1105 = arith.constant 1216 : index
    %get3A_1106 = tpu.vector_load %arg8[%get3A_1105] {strides = array<i32>} : memref<1280xf32, #tpu.memory_space<vmem>>, vector<16xf32>,
    %get3A_1107 = vector.shape_cast %get3A_1106 : vector<16xf32> to vector<16xf32>
    %add3A_1108 = arith.addf %add3A_1104, %get3A_1107 : vector<16xf32>
    %eq3A_1109 = arith.cmpi eq, %add3A_1089, %select_n3A_423 : vector<16xi32>
    %select_n3A_1110 = arith.select %eq3A_1109, %add3A_1108, %broadcast_in_dim3A_714 : vector<16xi1>, vector<16xf32>
    %add3A_1111 = arith.addf %add3A_1086, %select_n3A_1110 : vector<16xf32>
    %eq3A_1112 = arith.cmpi eq, %add3A_1089, %select_n3A_544 : vector<16xi32>
    %select_n3A_1113 = arith.select %eq3A_1112, %add3A_1108, %broadcast_in_dim3A_714 : vector<16xi1>, vector<16xf32>
    %add3A_1114 = arith.addf %add3A_1111, %select_n3A_1113 : vector<16xf32>
    %eq3A_1115 = arith.cmpi eq, %add3A_1089, %select_n3A_665 : vector<16xi32>
    %select_n3A_1116 = arith.select %eq3A_1115, %add3A_1108, %broadcast_in_dim3A_714 : vector<16xi1>, vector<16xf32>
    %add3A_1117 = arith.addf %add3A_1114, %select_n3A_1116 : vector<16xf32>
    %add3A_1118 = arith.constant 208 : i32
    %add3A_1119 = vector.broadcast %add3A_1118 : i32 to vector<16xi32>
    %add3A_1120 = arith.addi %iota3A, %add3A_1119 : vector<16xi32>
    %get3A_1121 = arith.constant 208 : index
    %get3A_1122 = tpu.vector_load %arg8[%get3A_1121] {strides = array<i32>} : memref<1280xf32, #tpu.memory_space<vmem>>, vector<16xf32>,
    %get3A_1123 = vector.shape_cast %get3A_1122 : vector<16xf32> to vector<16xf32>
    %get3A_1124 = arith.constant 464 : index
    %get3A_1125 = tpu.vector_load %arg8[%get3A_1124] {strides = array<i32>} : memref<1280xf32, #tpu.memory_space<vmem>>, vector<16xf32>,
    %get3A_1126 = vector.shape_cast %get3A_1125 : vector<16xf32> to vector<16xf32>
    %add3A_1127 = arith.addf %get3A_1123, %get3A_1126 : vector<16xf32>
    %get3A_1128 = arith.constant 720 : index
    %get3A_1129 = tpu.vector_load %arg8[%get3A_1128] {strides = array<i32>} : memref<1280xf32, #tpu.memory_space<vmem>>, vector<16xf32>,
    %get3A_1130 = vector.shape_cast %get3A_1129 : vector<16xf32> to vector<16xf32>
    %add3A_1131 = arith.addf %add3A_1127, %get3A_1130 : vector<16xf32>
    %get3A_1132 = arith.constant 976 : index
    %get3A_1133 = tpu.vector_load %arg8[%get3A_1132] {strides = array<i32>} : memref<1280xf32, #tpu.memory_space<vmem>>, vector<16xf32>,
    %get3A_1134 = vector.shape_cast %get3A_1133 : vector<16xf32> to vector<16xf32>
    %add3A_1135 = arith.addf %add3A_1131, %get3A_1134 : vector<16xf32>
    %get3A_1136 = arith.constant 1232 : index
    %get3A_1137 = tpu.vector_load %arg8[%get3A_1136] {strides = array<i32>} : memref<1280xf32, #tpu.memory_space<vmem>>, vector<16xf32>,
    %get3A_1138 = vector.shape_cast %get3A_1137 : vector<16xf32> to vector<16xf32>
    %add3A_1139 = arith.addf %add3A_1135, %get3A_1138 : vector<16xf32>
    %eq3A_1140 = arith.cmpi eq, %add3A_1120, %select_n3A_423 : vector<16xi32>
    %select_n3A_1141 = arith.select %eq3A_1140, %add3A_1139, %broadcast_in_dim3A_714 : vector<16xi1>, vector<16xf32>
    %add3A_1142 = arith.addf %add3A_1117, %select_n3A_1141 : vector<16xf32>
    %eq3A_1143 = arith.cmpi eq, %add3A_1120, %select_n3A_544 : vector<16xi32>
    %select_n3A_1144 = arith.select %eq3A_1143, %add3A_1139, %broadcast_in_dim3A_714 : vector<16xi1>, vector<16xf32>
    %add3A_1145 = arith.addf %add3A_1142, %select_n3A_1144 : vector<16xf32>
    %eq3A_1146 = arith.cmpi eq, %add3A_1120, %select_n3A_665 : vector<16xi32>
    %select_n3A_1147 = arith.select %eq3A_1146, %add3A_1139, %broadcast_in_dim3A_714 : vector<16xi1>, vector<16xf32>
    %add3A_1148 = arith.addf %add3A_1145, %select_n3A_1147 : vector<16xf32>
    %add3A_1149 = arith.constant 224 : i32
    %add3A_1150 = vector.broadcast %add3A_1149 : i32 to vector<16xi32>
    %add3A_1151 = arith.addi %iota3A, %add3A_1150 : vector<16xi32>
    %get3A_1152 = arith.constant 224 : index
    %get3A_1153 = tpu.vector_load %arg8[%get3A_1152] {strides = array<i32>} : memref<1280xf32, #tpu.memory_space<vmem>>, vector<16xf32>,
    %get3A_1154 = vector.shape_cast %get3A_1153 : vector<16xf32> to vector<16xf32>
    %get3A_1155 = arith.constant 480 : index
    %get3A_1156 = tpu.vector_load %arg8[%get3A_1155] {strides = array<i32>} : memref<1280xf32, #tpu.memory_space<vmem>>, vector<16xf32>,
    %get3A_1157 = vector.shape_cast %get3A_1156 : vector<16xf32> to vector<16xf32>
    %add3A_1158 = arith.addf %get3A_1154, %get3A_1157 : vector<16xf32>
    %get3A_1159 = arith.constant 736 : index
    %get3A_1160 = tpu.vector_load %arg8[%get3A_1159] {strides = array<i32>} : memref<1280xf32, #tpu.memory_space<vmem>>, vector<16xf32>,
    %get3A_1161 = vector.shape_cast %get3A_1160 : vector<16xf32> to vector<16xf32>
    %add3A_1162 = arith.addf %add3A_1158, %get3A_1161 : vector<16xf32>
    %get3A_1163 = arith.constant 992 : index
    %get3A_1164 = tpu.vector_load %arg8[%get3A_1163] {strides = array<i32>} : memref<1280xf32, #tpu.memory_space<vmem>>, vector<16xf32>,
    %get3A_1165 = vector.shape_cast %get3A_1164 : vector<16xf32> to vector<16xf32>
    %add3A_1166 = arith.addf %add3A_1162, %get3A_1165 : vector<16xf32>
    %get3A_1167 = arith.constant 1248 : index
    %get3A_1168 = tpu.vector_load %arg8[%get3A_1167] {strides = array<i32>} : memref<1280xf32, #tpu.memory_space<vmem>>, vector<16xf32>,
    %get3A_1169 = vector.shape_cast %get3A_1168 : vector<16xf32> to vector<16xf32>
    %add3A_1170 = arith.addf %add3A_1166, %get3A_1169 : vector<16xf32>
    %eq3A_1171 = arith.cmpi eq, %add3A_1151, %select_n3A_423 : vector<16xi32>
    %select_n3A_1172 = arith.select %eq3A_1171, %add3A_1170, %broadcast_in_dim3A_714 : vector<16xi1>, vector<16xf32>
    %add3A_1173 = arith.addf %add3A_1148, %select_n3A_1172 : vector<16xf32>
    %eq3A_1174 = arith.cmpi eq, %add3A_1151, %select_n3A_544 : vector<16xi32>
    %select_n3A_1175 = arith.select %eq3A_1174, %add3A_1170, %broadcast_in_dim3A_714 : vector<16xi1>, vector<16xf32>
    %add3A_1176 = arith.addf %add3A_1173, %select_n3A_1175 : vector<16xf32>
    %eq3A_1177 = arith.cmpi eq, %add3A_1151, %select_n3A_665 : vector<16xi32>
    %select_n3A_1178 = arith.select %eq3A_1177, %add3A_1170, %broadcast_in_dim3A_714 : vector<16xi1>, vector<16xf32>
    %add3A_1179 = arith.addf %add3A_1176, %select_n3A_1178 : vector<16xf32>
    %add3A_1180 = arith.constant 240 : i32
    %add3A_1181 = vector.broadcast %add3A_1180 : i32 to vector<16xi32>
    %add3A_1182 = arith.addi %iota3A, %add3A_1181 : vector<16xi32>
    %get3A_1183 = arith.constant 240 : index
    %get3A_1184 = tpu.vector_load %arg8[%get3A_1183] {strides = array<i32>} : memref<1280xf32, #tpu.memory_space<vmem>>, vector<16xf32>,
    %get3A_1185 = vector.shape_cast %get3A_1184 : vector<16xf32> to vector<16xf32>
    %get3A_1186 = arith.constant 496 : index
    %get3A_1187 = tpu.vector_load %arg8[%get3A_1186] {strides = array<i32>} : memref<1280xf32, #tpu.memory_space<vmem>>, vector<16xf32>,
    %get3A_1188 = vector.shape_cast %get3A_1187 : vector<16xf32> to vector<16xf32>
    %add3A_1189 = arith.addf %get3A_1185, %get3A_1188 : vector<16xf32>
    %get3A_1190 = arith.constant 752 : index
    %get3A_1191 = tpu.vector_load %arg8[%get3A_1190] {strides = array<i32>} : memref<1280xf32, #tpu.memory_space<vmem>>, vector<16xf32>,
    %get3A_1192 = vector.shape_cast %get3A_1191 : vector<16xf32> to vector<16xf32>
    %add3A_1193 = arith.addf %add3A_1189, %get3A_1192 : vector<16xf32>
    %get3A_1194 = arith.constant 1008 : index
    %get3A_1195 = tpu.vector_load %arg8[%get3A_1194] {strides = array<i32>} : memref<1280xf32, #tpu.memory_space<vmem>>, vector<16xf32>,
    %get3A_1196 = vector.shape_cast %get3A_1195 : vector<16xf32> to vector<16xf32>
    %add3A_1197 = arith.addf %add3A_1193, %get3A_1196 : vector<16xf32>
    %get3A_1198 = arith.constant 1264 : index
    %get3A_1199 = tpu.vector_load %arg8[%get3A_1198] {strides = array<i32>} : memref<1280xf32, #tpu.memory_space<vmem>>, vector<16xf32>,
    %get3A_1200 = vector.shape_cast %get3A_1199 : vector<16xf32> to vector<16xf32>
    %add3A_1201 = arith.addf %add3A_1197, %get3A_1200 : vector<16xf32>
    %eq3A_1202 = arith.cmpi eq, %add3A_1182, %select_n3A_423 : vector<16xi32>
    %select_n3A_1203 = arith.select %eq3A_1202, %add3A_1201, %broadcast_in_dim3A_714 : vector<16xi1>, vector<16xf32>
    %add3A_1204 = arith.addf %add3A_1179, %select_n3A_1203 : vector<16xf32>
    %eq3A_1205 = arith.cmpi eq, %add3A_1182, %select_n3A_544 : vector<16xi32>
    %select_n3A_1206 = arith.select %eq3A_1205, %add3A_1201, %broadcast_in_dim3A_714 : vector<16xi1>, vector<16xf32>
    %add3A_1207 = arith.addf %add3A_1204, %select_n3A_1206 : vector<16xf32>
    %eq3A_1208 = arith.cmpi eq, %add3A_1182, %select_n3A_665 : vector<16xi32>
    %select_n3A_1209 = arith.select %eq3A_1208, %add3A_1201, %broadcast_in_dim3A_714 : vector<16xi1>, vector<16xf32>
    %add3A_1210 = arith.addf %add3A_1207, %select_n3A_1209 : vector<16xf32>
    %swap3A_1211 = arith.constant 0 : index
    %swap3A_1212 = tpu.vector_load %arg14[%swap3A_1211] {strides = array<i32>} : memref<16xf32, #tpu.memory_space<vmem>>, vector<16xf32>,
    %swap3A_1213 = vector.shape_cast %swap3A_1212 : vector<16xf32> to vector<16xf32>
    %swap3A_1214 = vector.shape_cast %add3A_1210 : vector<16xf32> to vector<16xf32>
    tpu.vector_store %arg14[%swap3A_1211], %swap3A_1214 {strides = array<i32>} : memref<16xf32, #tpu.memory_space<vmem>>, vector<16xf32>,
    %mul3A_1215 = arith.constant 16 : i32
    %mul3A_1216 = arith.muli %add3A, %mul3A_1215 : i32
    "tpu.region"() ({
      %run_scoped3A = tpu.sem_alloc : memref<!tpu.dma_semaphore, #tpu.memory_space<semaphore_mem>>
      %dma_start3A_1272 = tpu.memref_slice %arg6[%mul3A_1216] : memref<512xf32, #tpu.memory_space<hbm>> -> memref<16xf32, #tpu.memory_space<hbm>>
      %dma_start3A_1273 = tpu.memref_slice %arg6[%mul3A_1216] : memref<512xf32, #tpu.memory_space<hbm>> -> memref<16xf32, #tpu.memory_space<hbm>>
      tpu.enqueue_dma source(%arg14 : memref<16xf32, #tpu.memory_space<vmem>>) target(%dma_start3A_1273 : memref<16xf32, #tpu.memory_space<hbm>>) target_semaphore(%run_scoped3A : memref<!tpu.dma_semaphore, #tpu.memory_space<semaphore_mem>>)
      %dma_wait3A_1274 = tpu.memref_slice %arg6[%mul3A_1216] : memref<512xf32, #tpu.memory_space<hbm>> -> memref<16xf32, #tpu.memory_space<hbm>>
      %dma_wait3A_1275 = tpu.memref_slice %arg6[%mul3A_1216] : memref<512xf32, #tpu.memory_space<hbm>> -> memref<16xf32, #tpu.memory_space<hbm>>
      tpu.wait_dma2 semaphore(%run_scoped3A : memref<!tpu.dma_semaphore, #tpu.memory_space<semaphore_mem>>) src(%arg14 : memref<16xf32, #tpu.memory_space<vmem>>) dst(%dma_wait3A_1275 : memref<16xf32, #tpu.memory_space<hbm>>)
      tpu.yield
    }) : () -> ()
    %mul3A_1217 = arith.constant 5 : i32
    %mul3A_1218 = arith.muli %add3A_3, %mul3A_1217 : i32
    %add3A_1219 = vector.broadcast %mul3A_1218 : i32 to vector<16xi32>
    %add3A_1220 = arith.addi %add3A_1219, %select_n3A_699 : vector<16xi32>
    %mul3A_1221 = arith.constant 256 : i32
    %mul3A_1222 = vector.broadcast %mul3A_1221 : i32 to vector<16xi32>
    %mul3A_1223 = arith.muli %add3A_1220, %mul3A_1222 : vector<16xi32>
    %add3A_1224 = arith.addi %mul3A_1223, %select_n3A_710 : vector<16xi32>
    %swap3A_1225 = arith.constant 0 : index
    %swap3A_1226 = tpu.vector_load %arg9[%swap3A_1225] {strides = array<i32>} : memref<16xi32, #tpu.memory_space<vmem>>, vector<16xi32>,
    %swap3A_1227 = vector.shape_cast %swap3A_1226 : vector<16xi32> to vector<16xi32>
    %swap3A_1228 = vector.shape_cast %add3A_1224 : vector<16xi32> to vector<16xi32>
    tpu.vector_store %arg9[%swap3A_1225], %swap3A_1228 {strides = array<i32>} : memref<16xi32, #tpu.memory_space<vmem>>, vector<16xi32>,
    %dma_start3A = arith.constant 0 : i32
    %dma_start3A_1229 = arith.constant 0 : i32
    %dma_start3A_1230 = tpu.memref_slice %arg4[%dma_start3A, %dma_start3A_1229] : memref<81920x1024xf32, #tpu.memory_space<hbm>> -> memref<81920x1024xf32, #tpu.memory_space<hbm>>
    tpu.enqueue_indirect_dma source(%dma_start3A_1230 : memref<81920x1024xf32, #tpu.memory_space<hbm>>) target(%arg12 : memref<16x1024xf32, #tpu.memory_space<vmem>>) offsets(%arg9 : memref<16xi32, #tpu.memory_space<vmem>>) semaphore(%arg15 : memref<!tpu.dma_semaphore, #tpu.memory_space<semaphore_mem>>)
    %dma_wait3A = arith.constant 0 : i32
    %dma_wait3A_1231 = arith.constant 0 : i32
    %dma_wait3A_1232 = tpu.memref_slice %arg4[%dma_wait3A, %dma_wait3A_1231] : memref<81920x1024xf32, #tpu.memory_space<hbm>> -> memref<81920x1024xf32, #tpu.memory_space<hbm>>
    tpu.wait_indirect_dma semaphore(%arg15 : memref<!tpu.dma_semaphore, #tpu.memory_space<semaphore_mem>>) src(%dma_wait3A_1232 : memref<81920x1024xf32, #tpu.memory_space<hbm>>) dst(%arg12 : memref<16x1024xf32, #tpu.memory_space<vmem>>)
    %broadcast_in_dim3A_1233 = arith.constant 0.000000e+00 : f32
    %broadcast_in_dim3A_1234 = vector.broadcast %broadcast_in_dim3A_1233 : f32 to vector<16xf32>
    %broadcast_in_dim3A_1235 = arith.constant 0.000000e+00 : f32
    %broadcast_in_dim3A_1236 = vector.broadcast %broadcast_in_dim3A_1235 : f32 to vector<16xf32>
    %broadcast_in_dim3A_1237 = arith.constant 0.000000e+00 : f32
    %broadcast_in_dim3A_1238 = vector.broadcast %broadcast_in_dim3A_1237 : f32 to vector<16xf32>
    %broadcast_in_dim3A_1239 = arith.constant 0.000000e+00 : f32
    %broadcast_in_dim3A_1240 = vector.broadcast %broadcast_in_dim3A_1239 : f32 to vector<16xf32>
    %broadcast_in_dim3A_1241 = arith.constant 0.000000e+00 : f32
    %broadcast_in_dim3A_1242 = vector.broadcast %broadcast_in_dim3A_1241 : f32 to vector<16xf32>
    %scan3A = arith.constant 0 : i32
    %scan3A_1243 = arith.constant 64 : i32
    %scan3A_1244 = arith.addi %scan3A, %scan3A_1243 : i32
    %scan3A_1245 = arith.constant 1 : i32
    %scan3A_1246:5 = scf.for %scan3A_1272 = %scan3A to %scan3A_1244 step %scan3A_1245 iter_args(%scan3A_1273 = %broadcast_in_dim3A_1234, %scan3A_1274 = %broadcast_in_dim3A_1236, %scan3A_1275 = %broadcast_in_dim3A_1238, %scan3A_1276 = %broadcast_in_dim3A_1240, %scan3A_1277 = %broadcast_in_dim3A_1242) -> (vector<16xf32>, vector<16xf32>, vector<16xf32>, vector<16xf32>, vector<16xf32>)  : i32 {
      %mul3A_1278 = arith.constant 16 : i32
      %mul3A_1279 = arith.muli %scan3A_1272, %mul3A_1278 : i32
      %get3A_1280 = arith.constant 0 : i32
      %get3A_1281 = arith.index_cast %get3A_1280 : i32 to index
      %get3A_1282 = arith.index_cast %mul3A_1279 : i32 to index
      %get3A_1283 = tpu.vector_load %arg12[%get3A_1281, %get3A_1282] {strides = array<i32>} : memref<16x1024xf32, #tpu.memory_space<vmem>>, vector<1x16xf32>,
      %get3A_1284 = vector.shape_cast %get3A_1283 : vector<1x16xf32> to vector<16xf32>
      %mul3A_1285 = arith.constant 16 : i32
      %mul3A_1286 = arith.muli %scan3A_1272, %mul3A_1285 : i32
      %get3A_1287 = arith.constant 1 : i32
      %get3A_1288 = arith.index_cast %get3A_1287 : i32 to index
      %get3A_1289 = arith.index_cast %mul3A_1286 : i32 to index
      %get3A_1290 = tpu.vector_load %arg12[%get3A_1288, %get3A_1289] {strides = array<i32>} : memref<16x1024xf32, #tpu.memory_space<vmem>>, vector<1x16xf32>,
      %get3A_1291 = vector.shape_cast %get3A_1290 : vector<1x16xf32> to vector<16xf32>
      %add3A_1292 = arith.addf %get3A_1284, %get3A_1291 : vector<16xf32>
      %mul3A_1293 = arith.constant 16 : i32
      %mul3A_1294 = arith.muli %scan3A_1272, %mul3A_1293 : i32
      %get3A_1295 = arith.constant 2 : i32
      %get3A_1296 = arith.index_cast %get3A_1295 : i32 to index
      %get3A_1297 = arith.index_cast %mul3A_1294 : i32 to index
      %get3A_1298 = tpu.vector_load %arg12[%get3A_1296, %get3A_1297] {strides = array<i32>} : memref<16x1024xf32, #tpu.memory_space<vmem>>, vector<1x16xf32>,
      %get3A_1299 = vector.shape_cast %get3A_1298 : vector<1x16xf32> to vector<16xf32>
      %add3A_1300 = arith.addf %add3A_1292, %get3A_1299 : vector<16xf32>
      %mul3A_1301 = arith.mulf %add3A_1300, %add3A_1300 : vector<16xf32>
      %add3A_1302 = arith.addf %scan3A_1273, %mul3A_1301 : vector<16xf32>
      %mul3A_1303 = arith.constant 16 : i32
      %mul3A_1304 = arith.muli %scan3A_1272, %mul3A_1303 : i32
      %get3A_1305 = arith.constant 3 : i32
      %get3A_1306 = arith.index_cast %get3A_1305 : i32 to index
      %get3A_1307 = arith.index_cast %mul3A_1304 : i32 to index
      %get3A_1308 = tpu.vector_load %arg12[%get3A_1306, %get3A_1307] {strides = array<i32>} : memref<16x1024xf32, #tpu.memory_space<vmem>>, vector<1x16xf32>,
      %get3A_1309 = vector.shape_cast %get3A_1308 : vector<1x16xf32> to vector<16xf32>
      %mul3A_1310 = arith.constant 16 : i32
      %mul3A_1311 = arith.muli %scan3A_1272, %mul3A_1310 : i32
      %get3A_1312 = arith.constant 4 : i32
      %get3A_1313 = arith.index_cast %get3A_1312 : i32 to index
      %get3A_1314 = arith.index_cast %mul3A_1311 : i32 to index
      %get3A_1315 = tpu.vector_load %arg12[%get3A_1313, %get3A_1314] {strides = array<i32>} : memref<16x1024xf32, #tpu.memory_space<vmem>>, vector<1x16xf32>,
      %get3A_1316 = vector.shape_cast %get3A_1315 : vector<1x16xf32> to vector<16xf32>
      %add3A_1317 = arith.addf %get3A_1309, %get3A_1316 : vector<16xf32>
      %mul3A_1318 = arith.constant 16 : i32
      %mul3A_1319 = arith.muli %scan3A_1272, %mul3A_1318 : i32
      %get3A_1320 = arith.constant 5 : i32
      %get3A_1321 = arith.index_cast %get3A_1320 : i32 to index
      %get3A_1322 = arith.index_cast %mul3A_1319 : i32 to index
      %get3A_1323 = tpu.vector_load %arg12[%get3A_1321, %get3A_1322] {strides = array<i32>} : memref<16x1024xf32, #tpu.memory_space<vmem>>, vector<1x16xf32>,
      %get3A_1324 = vector.shape_cast %get3A_1323 : vector<1x16xf32> to vector<16xf32>
      %add3A_1325 = arith.addf %add3A_1317, %get3A_1324 : vector<16xf32>
      %mul3A_1326 = arith.mulf %add3A_1325, %add3A_1325 : vector<16xf32>
      %add3A_1327 = arith.addf %scan3A_1274, %mul3A_1326 : vector<16xf32>
      %mul3A_1328 = arith.constant 16 : i32
      %mul3A_1329 = arith.muli %scan3A_1272, %mul3A_1328 : i32
      %get3A_1330 = arith.constant 6 : i32
      %get3A_1331 = arith.index_cast %get3A_1330 : i32 to index
      %get3A_1332 = arith.index_cast %mul3A_1329 : i32 to index
      %get3A_1333 = tpu.vector_load %arg12[%get3A_1331, %get3A_1332] {strides = array<i32>} : memref<16x1024xf32, #tpu.memory_space<vmem>>, vector<1x16xf32>,
      %get3A_1334 = vector.shape_cast %get3A_1333 : vector<1x16xf32> to vector<16xf32>
      %mul3A_1335 = arith.constant 16 : i32
      %mul3A_1336 = arith.muli %scan3A_1272, %mul3A_1335 : i32
      %get3A_1337 = arith.constant 7 : i32
      %get3A_1338 = arith.index_cast %get3A_1337 : i32 to index
      %get3A_1339 = arith.index_cast %mul3A_1336 : i32 to index
      %get3A_1340 = tpu.vector_load %arg12[%get3A_1338, %get3A_1339] {strides = array<i32>} : memref<16x1024xf32, #tpu.memory_space<vmem>>, vector<1x16xf32>,
      %get3A_1341 = vector.shape_cast %get3A_1340 : vector<1x16xf32> to vector<16xf32>
      %add3A_1342 = arith.addf %get3A_1334, %get3A_1341 : vector<16xf32>
      %mul3A_1343 = arith.constant 16 : i32
      %mul3A_1344 = arith.muli %scan3A_1272, %mul3A_1343 : i32
      %get3A_1345 = arith.constant 8 : i32
      %get3A_1346 = arith.index_cast %get3A_1345 : i32 to index
      %get3A_1347 = arith.index_cast %mul3A_1344 : i32 to index
      %get3A_1348 = tpu.vector_load %arg12[%get3A_1346, %get3A_1347] {strides = array<i32>} : memref<16x1024xf32, #tpu.memory_space<vmem>>, vector<1x16xf32>,
      %get3A_1349 = vector.shape_cast %get3A_1348 : vector<1x16xf32> to vector<16xf32>
      %add3A_1350 = arith.addf %add3A_1342, %get3A_1349 : vector<16xf32>
      %mul3A_1351 = arith.mulf %add3A_1350, %add3A_1350 : vector<16xf32>
      %add3A_1352 = arith.addf %scan3A_1275, %mul3A_1351 : vector<16xf32>
      %mul3A_1353 = arith.constant 16 : i32
      %mul3A_1354 = arith.muli %scan3A_1272, %mul3A_1353 : i32
      %get3A_1355 = arith.constant 9 : i32
      %get3A_1356 = arith.index_cast %get3A_1355 : i32 to index
      %get3A_1357 = arith.index_cast %mul3A_1354 : i32 to index
      %get3A_1358 = tpu.vector_load %arg12[%get3A_1356, %get3A_1357] {strides = array<i32>} : memref<16x1024xf32, #tpu.memory_space<vmem>>, vector<1x16xf32>,
      %get3A_1359 = vector.shape_cast %get3A_1358 : vector<1x16xf32> to vector<16xf32>
      %mul3A_1360 = arith.constant 16 : i32
      %mul3A_1361 = arith.muli %scan3A_1272, %mul3A_1360 : i32
      %get3A_1362 = arith.constant 10 : i32
      %get3A_1363 = arith.index_cast %get3A_1362 : i32 to index
      %get3A_1364 = arith.index_cast %mul3A_1361 : i32 to index
      %get3A_1365 = tpu.vector_load %arg12[%get3A_1363, %get3A_1364] {strides = array<i32>} : memref<16x1024xf32, #tpu.memory_space<vmem>>, vector<1x16xf32>,
      %get3A_1366 = vector.shape_cast %get3A_1365 : vector<1x16xf32> to vector<16xf32>
      %add3A_1367 = arith.addf %get3A_1359, %get3A_1366 : vector<16xf32>
      %mul3A_1368 = arith.constant 16 : i32
      %mul3A_1369 = arith.muli %scan3A_1272, %mul3A_1368 : i32
      %get3A_1370 = arith.constant 11 : i32
      %get3A_1371 = arith.index_cast %get3A_1370 : i32 to index
      %get3A_1372 = arith.index_cast %mul3A_1369 : i32 to index
      %get3A_1373 = tpu.vector_load %arg12[%get3A_1371, %get3A_1372] {strides = array<i32>} : memref<16x1024xf32, #tpu.memory_space<vmem>>, vector<1x16xf32>,
      %get3A_1374 = vector.shape_cast %get3A_1373 : vector<1x16xf32> to vector<16xf32>
      %add3A_1375 = arith.addf %add3A_1367, %get3A_1374 : vector<16xf32>
      %mul3A_1376 = arith.mulf %add3A_1375, %add3A_1375 : vector<16xf32>
      %add3A_1377 = arith.addf %scan3A_1276, %mul3A_1376 : vector<16xf32>
      %mul3A_1378 = arith.constant 16 : i32
      %mul3A_1379 = arith.muli %scan3A_1272, %mul3A_1378 : i32
      %get3A_1380 = arith.constant 12 : i32
      %get3A_1381 = arith.index_cast %get3A_1380 : i32 to index
      %get3A_1382 = arith.index_cast %mul3A_1379 : i32 to index
      %get3A_1383 = tpu.vector_load %arg12[%get3A_1381, %get3A_1382] {strides = array<i32>} : memref<16x1024xf32, #tpu.memory_space<vmem>>, vector<1x16xf32>,
      %get3A_1384 = vector.shape_cast %get3A_1383 : vector<1x16xf32> to vector<16xf32>
      %mul3A_1385 = arith.constant 16 : i32
      %mul3A_1386 = arith.muli %scan3A_1272, %mul3A_1385 : i32
      %get3A_1387 = arith.constant 13 : i32
      %get3A_1388 = arith.index_cast %get3A_1387 : i32 to index
      %get3A_1389 = arith.index_cast %mul3A_1386 : i32 to index
      %get3A_1390 = tpu.vector_load %arg12[%get3A_1388, %get3A_1389] {strides = array<i32>} : memref<16x1024xf32, #tpu.memory_space<vmem>>, vector<1x16xf32>,
      %get3A_1391 = vector.shape_cast %get3A_1390 : vector<1x16xf32> to vector<16xf32>
      %add3A_1392 = arith.addf %get3A_1384, %get3A_1391 : vector<16xf32>
      %mul3A_1393 = arith.constant 16 : i32
      %mul3A_1394 = arith.muli %scan3A_1272, %mul3A_1393 : i32
      %get3A_1395 = arith.constant 14 : i32
      %get3A_1396 = arith.index_cast %get3A_1395 : i32 to index
      %get3A_1397 = arith.index_cast %mul3A_1394 : i32 to index
      %get3A_1398 = tpu.vector_load %arg12[%get3A_1396, %get3A_1397] {strides = array<i32>} : memref<16x1024xf32, #tpu.memory_space<vmem>>, vector<1x16xf32>,
      %get3A_1399 = vector.shape_cast %get3A_1398 : vector<1x16xf32> to vector<16xf32>
      %add3A_1400 = arith.addf %add3A_1392, %get3A_1399 : vector<16xf32>
      %mul3A_1401 = arith.mulf %add3A_1400, %add3A_1400 : vector<16xf32>
      %add3A_1402 = arith.addf %scan3A_1277, %mul3A_1401 : vector<16xf32>
      scf.yield %add3A_1302, %add3A_1327, %add3A_1352, %add3A_1377, %add3A_1402 : vector<16xf32>, vector<16xf32>, vector<16xf32>, vector<16xf32>, vector<16xf32>
    }
    %scan3A_1247 = arith.constant 64 : i32
    %swap3A_1248 = arith.constant 0 : index
    %swap3A_1249 = tpu.vector_load %arg13[%swap3A_1248] {strides = array<i32>} : memref<80xf32, #tpu.memory_space<vmem>>, vector<16xf32>,
    %swap3A_1250 = vector.shape_cast %swap3A_1249 : vector<16xf32> to vector<16xf32>
    %swap3A_1251 = vector.shape_cast %scan3A_1246#0 : vector<16xf32> to vector<16xf32>
    tpu.vector_store %arg13[%swap3A_1248], %swap3A_1251 {strides = array<i32>} : memref<80xf32, #tpu.memory_space<vmem>>, vector<16xf32>,
    %swap3A_1252 = arith.constant 16 : index
    %swap3A_1253 = tpu.vector_load %arg13[%swap3A_1252] {strides = array<i32>} : memref<80xf32, #tpu.memory_space<vmem>>, vector<16xf32>,
    %swap3A_1254 = vector.shape_cast %swap3A_1253 : vector<16xf32> to vector<16xf32>
    %swap3A_1255 = vector.shape_cast %scan3A_1246#1 : vector<16xf32> to vector<16xf32>
    tpu.vector_store %arg13[%swap3A_1252], %swap3A_1255 {strides = array<i32>} : memref<80xf32, #tpu.memory_space<vmem>>, vector<16xf32>,
    %swap3A_1256 = arith.constant 32 : index
    %swap3A_1257 = tpu.vector_load %arg13[%swap3A_1256] {strides = array<i32>} : memref<80xf32, #tpu.memory_space<vmem>>, vector<16xf32>,
    %swap3A_1258 = vector.shape_cast %swap3A_1257 : vector<16xf32> to vector<16xf32>
    %swap3A_1259 = vector.shape_cast %scan3A_1246#2 : vector<16xf32> to vector<16xf32>
    tpu.vector_store %arg13[%swap3A_1256], %swap3A_1259 {strides = array<i32>} : memref<80xf32, #tpu.memory_space<vmem>>, vector<16xf32>,
    %swap3A_1260 = arith.constant 48 : index
    %swap3A_1261 = tpu.vector_load %arg13[%swap3A_1260] {strides = array<i32>} : memref<80xf32, #tpu.memory_space<vmem>>, vector<16xf32>,
    %swap3A_1262 = vector.shape_cast %swap3A_1261 : vector<16xf32> to vector<16xf32>
    %swap3A_1263 = vector.shape_cast %scan3A_1246#3 : vector<16xf32> to vector<16xf32>
    tpu.vector_store %arg13[%swap3A_1260], %swap3A_1263 {strides = array<i32>} : memref<80xf32, #tpu.memory_space<vmem>>, vector<16xf32>,
    %swap3A_1264 = arith.constant 64 : index
    %swap3A_1265 = tpu.vector_load %arg13[%swap3A_1264] {strides = array<i32>} : memref<80xf32, #tpu.memory_space<vmem>>, vector<16xf32>,
    %swap3A_1266 = vector.shape_cast %swap3A_1265 : vector<16xf32> to vector<16xf32>
    %swap3A_1267 = vector.shape_cast %scan3A_1246#4 : vector<16xf32> to vector<16xf32>
    tpu.vector_store %arg13[%swap3A_1264], %swap3A_1267 {strides = array<i32>} : memref<80xf32, #tpu.memory_space<vmem>>, vector<16xf32>,
    %mul3A_1268 = arith.constant 5 : i32
    %mul3A_1269 = arith.muli %add3A, %mul3A_1268 : i32
    %mul3A_1270 = arith.constant 16 : i32
    %mul3A_1271 = arith.muli %mul3A_1269, %mul3A_1270 : i32
    "tpu.region"() ({
      %run_scoped3A = tpu.sem_alloc : memref<!tpu.dma_semaphore, #tpu.memory_space<semaphore_mem>>
      %dma_start3A_1272 = tpu.memref_slice %arg5[%mul3A_1271] : memref<2560xf32, #tpu.memory_space<hbm>> -> memref<80xf32, #tpu.memory_space<hbm>>
      %dma_start3A_1273 = tpu.memref_slice %arg5[%mul3A_1271] : memref<2560xf32, #tpu.memory_space<hbm>> -> memref<80xf32, #tpu.memory_space<hbm>>
      tpu.enqueue_dma source(%arg13 : memref<80xf32, #tpu.memory_space<vmem>>) target(%dma_start3A_1273 : memref<80xf32, #tpu.memory_space<hbm>>) target_semaphore(%run_scoped3A : memref<!tpu.dma_semaphore, #tpu.memory_space<semaphore_mem>>)
      %dma_wait3A_1274 = tpu.memref_slice %arg5[%mul3A_1271] : memref<2560xf32, #tpu.memory_space<hbm>> -> memref<80xf32, #tpu.memory_space<hbm>>
      %dma_wait3A_1275 = tpu.memref_slice %arg5[%mul3A_1271] : memref<2560xf32, #tpu.memory_space<hbm>> -> memref<80xf32, #tpu.memory_space<hbm>>
      tpu.wait_dma2 semaphore(%run_scoped3A : memref<!tpu.dma_semaphore, #tpu.memory_space<semaphore_mem>>) src(%arg13 : memref<80xf32, #tpu.memory_space<vmem>>) dst(%dma_wait3A_1275 : memref<80xf32, #tpu.memory_space<hbm>>)
      tpu.yield
    }) : () -> ()
    return
  }
}

module attributes {stable_mosaic.version = 14 : i64} {
  func.func @_mag_body(%arg0: i32, %arg1: memref<1x1280x1024xf32, #tpu.memory_space<vmem>>, %arg2: memref<1x1x256xf32, #tpu.memory_space<vmem>>) attributes {dimension_semantics = [#tpu.dimension_semantics<arbitrary>], iteration_bounds = array<i64: 32>, scalar_prefetch = 0 : i64, scratch_operands = 0 : i64, tpu.core_type = #tpu.core_type<tc>, window_params = [{transform_indices = @transform_0, window_bounds = array<i64: 1, 1280, 1024>}, {transform_indices = @transform_1, window_bounds = array<i64: 1, 1, 256>}]} {
    %get3A = arith.constant 0 : index
    %get3A_0 = arith.constant 0 : index
    %get3A_1 = arith.constant 0 : index
    %get3A_2 = vector.load %arg1[%get3A, %get3A_0, %get3A_1] : memref<1x1280x1024xf32, #tpu.memory_space<vmem>>, vector<1x1280x1024xf32>
    %get3A_3 = vector.shape_cast %get3A_2 : vector<1x1280x1024xf32> to vector<1280x1024xf32>
    %mul3A = arith.mulf %get3A_3, %get3A_3 : vector<1280x1024xf32>
    %reduce_sum3A = arith.constant dense<0.000000e+00> : vector<1280xf32>
    %reduce_sum3A_4 = vector.multi_reduction <add>, %mul3A, %reduce_sum3A [1] : vector<1280x1024xf32> to vector<1280xf32>
    %broadcast_in_dim3A = vector.shape_cast %reduce_sum3A_4 : vector<1280xf32> to vector<1280x1xf32>
    %sqrt3A = math.sqrt %broadcast_in_dim3A : vector<1280x1xf32>
    %mul3A_5 = arith.constant 2.000000e-01 : f32
    %mul3A_6 = vector.broadcast %mul3A_5 : f32 to vector<1280x1xf32>
    %mul3A_7 = arith.mulf %sqrt3A, %mul3A_6 : vector<1280x1xf32>
    %slice3A = vector.extract_strided_slice %mul3A_7 {offsets = [0, 0], sizes = [256, 1], strides = [1, 1]} : vector<1280x1xf32> to vector<256x1xf32>
    %slice3A_8 = vector.extract_strided_slice %mul3A_7 {offsets = [256, 0], sizes = [256, 1], strides = [1, 1]} : vector<1280x1xf32> to vector<256x1xf32>
    %add3A = arith.addf %slice3A, %slice3A_8 : vector<256x1xf32>
    %slice3A_9 = vector.extract_strided_slice %mul3A_7 {offsets = [512, 0], sizes = [256, 1], strides = [1, 1]} : vector<1280x1xf32> to vector<256x1xf32>
    %add3A_10 = arith.addf %add3A, %slice3A_9 : vector<256x1xf32>
    %slice3A_11 = vector.extract_strided_slice %mul3A_7 {offsets = [768, 0], sizes = [256, 1], strides = [1, 1]} : vector<1280x1xf32> to vector<256x1xf32>
    %add3A_12 = arith.addf %add3A_10, %slice3A_11 : vector<256x1xf32>
    %slice3A_13 = vector.extract_strided_slice %mul3A_7 {offsets = [1024, 0], sizes = [256, 1], strides = [1, 1]} : vector<1280x1xf32> to vector<256x1xf32>
    %add3A_14 = arith.addf %add3A_12, %slice3A_13 : vector<256x1xf32>
    %squeeze3A = vector.shape_cast %add3A_14 : vector<256x1xf32> to vector<256xf32>
    %swap3A = arith.constant 0 : index
    %swap3A_15 = arith.constant 0 : index
    %swap3A_16 = arith.constant 0 : index
    %swap3A_17 = vector.load %arg2[%swap3A, %swap3A_15, %swap3A_16] : memref<1x1x256xf32, #tpu.memory_space<vmem>>, vector<1x1x256xf32>
    %swap3A_18 = vector.shape_cast %swap3A_17 : vector<1x1x256xf32> to vector<256xf32>
    %swap3A_19 = vector.shape_cast %squeeze3A : vector<256xf32> to vector<1x1x256xf32>
    tpu.vector_store %arg2[%swap3A, %swap3A_15, %swap3A_16], %swap3A_19 {strides = array<i32>} : memref<1x1x256xf32, #tpu.memory_space<vmem>>, vector<1x1x256xf32>,
    return
  }
  func.func @transform_0(%arg0: i32) -> (i32, i32, i32) {
    %add3A = arith.constant 0 : i32
    %add3A_0 = arith.addi %arg0, %add3A : i32
    %c0_i32 = arith.constant 0 : i32
    %c0_i32_1 = arith.constant 0 : i32
    %c0_i32_2 = arith.constant 0 : i32
    return %add3A_0, %c0_i32, %c0_i32_1 : i32, i32, i32
  }
  func.func @transform_1(%arg0: i32) -> (i32, i32, i32) {
    %c0_i32 = arith.constant 0 : i32
    %c0_i32_0 = arith.constant 0 : i32
    %c0_i32_1 = arith.constant 0 : i32
    return %arg0, %c0_i32, %c0_i32_0 : i32, i32, i32
  }
}

module attributes {stable_mosaic.version = 14 : i64} {
  func.func @_mag_body(%arg0: i32, %arg1: memref<1x1280x1024xf32, #tpu.memory_space<vmem>>, %arg2: memref<1x1x256xf32, #tpu.memory_space<vmem>>) attributes {dimension_semantics = [#tpu.dimension_semantics<arbitrary>], iteration_bounds = array<i64: 32>, scalar_prefetch = 0 : i64, scratch_operands = 0 : i64, tpu.core_type = #tpu.core_type<tc>, window_params = [{transform_indices = @transform_0, window_bounds = array<i64: 1, 1280, 1024>}, {transform_indices = @transform_1, window_bounds = array<i64: 1, 1, 256>}]} {
    %get3A = arith.constant 0 : index
    %get3A_0 = arith.constant 0 : index
    %get3A_1 = arith.constant 0 : index
    %get3A_2 = vector.load %arg1[%get3A, %get3A_0, %get3A_1] : memref<1x1280x1024xf32, #tpu.memory_space<vmem>>, vector<1x1280x1024xf32>
    %get3A_3 = vector.shape_cast %get3A_2 : vector<1x1280x1024xf32> to vector<1280x1024xf32>
    %mul3A = arith.mulf %get3A_3, %get3A_3 : vector<1280x1024xf32>
    %reduce_sum3A = arith.constant dense<0.000000e+00> : vector<1280xf32>
    %reduce_sum3A_4 = vector.multi_reduction <add>, %mul3A, %reduce_sum3A [1] : vector<1280x1024xf32> to vector<1280xf32>
    %broadcast_in_dim3A = vector.shape_cast %reduce_sum3A_4 : vector<1280xf32> to vector<1280x1xf32>
    %sqrt3A = math.sqrt %broadcast_in_dim3A : vector<1280x1xf32>
    %mul3A_5 = arith.constant 2.000000e-01 : f32
    %mul3A_6 = vector.broadcast %mul3A_5 : f32 to vector<1280x1xf32>
    %mul3A_7 = arith.mulf %sqrt3A, %mul3A_6 : vector<1280x1xf32>
    %slice3A = vector.extract_strided_slice %mul3A_7 {offsets = [0, 0], sizes = [256, 1], strides = [1, 1]} : vector<1280x1xf32> to vector<256x1xf32>
    %slice3A_8 = vector.extract_strided_slice %mul3A_7 {offsets = [256, 0], sizes = [256, 1], strides = [1, 1]} : vector<1280x1xf32> to vector<256x1xf32>
    %add3A = arith.addf %slice3A, %slice3A_8 : vector<256x1xf32>
    %slice3A_9 = vector.extract_strided_slice %mul3A_7 {offsets = [512, 0], sizes = [256, 1], strides = [1, 1]} : vector<1280x1xf32> to vector<256x1xf32>
    %add3A_10 = arith.addf %add3A, %slice3A_9 : vector<256x1xf32>
    %slice3A_11 = vector.extract_strided_slice %mul3A_7 {offsets = [768, 0], sizes = [256, 1], strides = [1, 1]} : vector<1280x1xf32> to vector<256x1xf32>
    %add3A_12 = arith.addf %add3A_10, %slice3A_11 : vector<256x1xf32>
    %slice3A_13 = vector.extract_strided_slice %mul3A_7 {offsets = [1024, 0], sizes = [256, 1], strides = [1, 1]} : vector<1280x1xf32> to vector<256x1xf32>
    %add3A_14 = arith.addf %add3A_12, %slice3A_13 : vector<256x1xf32>
    %squeeze3A = vector.shape_cast %add3A_14 : vector<256x1xf32> to vector<256xf32>
    %swap3A = arith.constant 0 : index
    %swap3A_15 = arith.constant 0 : index
    %swap3A_16 = arith.constant 0 : index
    %swap3A_17 = vector.load %arg2[%swap3A, %swap3A_15, %swap3A_16] : memref<1x1x256xf32, #tpu.memory_space<vmem>>, vector<1x1x256xf32>
    %swap3A_18 = vector.shape_cast %swap3A_17 : vector<1x1x256xf32> to vector<256xf32>
    %swap3A_19 = vector.shape_cast %squeeze3A : vector<256xf32> to vector<1x1x256xf32>
    tpu.vector_store %arg2[%swap3A, %swap3A_15, %swap3A_16], %swap3A_19 {strides = array<i32>} : memref<1x1x256xf32, #tpu.memory_space<vmem>>, vector<1x1x256xf32>,
    return
  }
  func.func @transform_0(%arg0: i32) -> (i32, i32, i32) {
    %add3A = arith.constant 32 : i32
    %add3A_0 = arith.addi %arg0, %add3A : i32
    %c0_i32 = arith.constant 0 : i32
    %c0_i32_1 = arith.constant 0 : i32
    %c0_i32_2 = arith.constant 0 : i32
    return %add3A_0, %c0_i32, %c0_i32_1 : i32, i32, i32
  }
  func.func @transform_1(%arg0: i32) -> (i32, i32, i32) {
    %c0_i32 = arith.constant 0 : i32
    %c0_i32_0 = arith.constant 0 : i32
    %c0_i32_1 = arith.constant 0 : i32
    return %arg0, %c0_i32, %c0_i32_0 : i32, i32, i32
  }
}

module attributes {stable_mosaic.version = 14 : i64} {
  func.func @_loss_body(%arg0: memref<320x16xf32, #tpu.memory_space<vmem>>, %arg1: memref<64x16xf32, #tpu.memory_space<vmem>>, %arg2: memref<1x64xf32, #tpu.memory_space<vmem>>, %arg3: memref<1x2xf32, #tpu.memory_space<vmem>>) attributes {dimension_semantics = [], scalar_prefetch = 0 : i64, scratch_operands = 0 : i64, tpu.core_type = #tpu.core_type<tc>} {
    %get3A = arith.constant 0 : index
    %get3A_0 = arith.constant 0 : index
    %get3A_1 = vector.load %arg0[%get3A, %get3A_0] : memref<320x16xf32, #tpu.memory_space<vmem>>, vector<320x16xf32>
    %reduce_sum3A = arith.constant dense<0.000000e+00> : vector<320xf32>
    %reduce_sum3A_2 = vector.multi_reduction <add>, %get3A_1, %reduce_sum3A [1] : vector<320x16xf32> to vector<320xf32>
    %mul3A = arith.constant 0.111111112 : f32
    %mul3A_3 = vector.broadcast %mul3A : f32 to vector<320xf32>
    %mul3A_4 = arith.mulf %reduce_sum3A_2, %mul3A_3 : vector<320xf32>
    %sqrt3A = math.sqrt %mul3A_4 : vector<320xf32>
    %slice3A = vector.extract_strided_slice %sqrt3A {offsets = [0], sizes = [160], strides = [1]} : vector<320xf32> to vector<160xf32>
    %sub3A = arith.constant 1.000000e+02 : f32
    %sub3A_5 = vector.broadcast %sub3A : f32 to vector<160xf32>
    %sub3A_6 = arith.subf %sub3A_5, %slice3A : vector<160xf32>
    %abs3A = math.absf %sub3A_6 : vector<160xf32>
    %slice3A_7 = vector.extract_strided_slice %sqrt3A {offsets = [160], sizes = [160], strides = [1]} : vector<320xf32> to vector<160xf32>
    %add3A = arith.addf %abs3A, %slice3A_7 : vector<160xf32>
    %integer_pow3A = arith.mulf %add3A, %add3A : vector<160xf32>
    %reduce_sum3A_8 = vector.shape_cast %integer_pow3A : vector<160xf32> to vector<1x160xf32>
    %reduce_sum3A_9 = arith.constant dense<0.000000e+00> : vector<1xf32>
    %reduce_sum3A_10 = vector.multi_reduction <add>, %reduce_sum3A_8, %reduce_sum3A_9 [1] : vector<1x160xf32> to vector<1xf32>
    %reduce_sum3A_11 = vector.shape_cast %reduce_sum3A_10 : vector<1xf32> to vector<1x1xf32>
    %reduce_sum3A_12 = vector.extract %reduce_sum3A_11[0, 0] : f32 from vector<1x1xf32>
    %div3A = arith.constant 1.600000e+02 : f32
    %div3A_13 = arith.divf %reduce_sum3A_12, %div3A : f32
    %get3A_14 = arith.constant 0 : index
    %get3A_15 = arith.constant 0 : index
    %get3A_16 = vector.load %arg1[%get3A_14, %get3A_15] : memref<64x16xf32, #tpu.memory_space<vmem>>, vector<64x16xf32>
    %reduce_sum3A_17 = arith.constant dense<0.000000e+00> : vector<64xf32>
    %reduce_sum3A_18 = vector.multi_reduction <add>, %get3A_16, %reduce_sum3A_17 [1] : vector<64x16xf32> to vector<64xf32>
    %mul3A_19 = arith.constant 0.0666666701 : f32
    %mul3A_20 = vector.broadcast %mul3A_19 : f32 to vector<64xf32>
    %mul3A_21 = arith.mulf %reduce_sum3A_18, %mul3A_20 : vector<64xf32>
    %get3A_22 = arith.constant 0 : index
    %get3A_23 = arith.constant 0 : index
    %get3A_24 = vector.load %arg2[%get3A_22, %get3A_23] : memref<1x64xf32, #tpu.memory_space<vmem>>, vector<1x64xf32>
    %get3A_25 = vector.shape_cast %get3A_24 : vector<1x64xf32> to vector<64xf32>
    %max3A = arith.constant 0.000000e+00 : f32
    %max3A_26 = vector.broadcast %max3A : f32 to vector<64xf32>
    %max3A_27 = arith.maximumf %mul3A_21, %max3A_26 : vector<64xf32>
    %abs3A_28 = math.absf %mul3A_21 : vector<64xf32>
    %neg3A = arith.constant 0.000000e+00 : f32
    %neg3A_29 = vector.broadcast %neg3A : f32 to vector<64xf32>
    %neg3A_30 = arith.subf %neg3A_29, %abs3A_28 : vector<64xf32>
    %exp3A = math.exp %neg3A_30 : vector<64xf32>
    %log1p3A = math.log1p %exp3A : vector<64xf32>
    %add3A_31 = arith.addf %max3A_27, %log1p3A : vector<64xf32>
    %mul3A_32 = arith.mulf %mul3A_21, %get3A_25 : vector<64xf32>
    %sub3A_33 = arith.subf %add3A_31, %mul3A_32 : vector<64xf32>
    %reduce_sum3A_34 = vector.shape_cast %sub3A_33 : vector<64xf32> to vector<1x64xf32>
    %reduce_sum3A_35 = arith.constant dense<0.000000e+00> : vector<1xf32>
    %reduce_sum3A_36 = vector.multi_reduction <add>, %reduce_sum3A_34, %reduce_sum3A_35 [1] : vector<1x64xf32> to vector<1xf32>
    %reduce_sum3A_37 = vector.shape_cast %reduce_sum3A_36 : vector<1xf32> to vector<1x1xf32>
    %reduce_sum3A_38 = vector.extract %reduce_sum3A_37[0, 0] : f32 from vector<1x1xf32>
    %div3A_39 = arith.constant 6.400000e+01 : f32
    %div3A_40 = arith.divf %reduce_sum3A_38, %div3A_39 : f32
    %mul3A_41 = arith.constant 9.99999974E-5 : f32
    %mul3A_42 = arith.mulf %mul3A_41, %div3A_13 : f32
    %stack3A = vector.broadcast %mul3A_42 : f32 to vector<1xf32>
    %stack3A_43 = vector.broadcast %div3A_40 : f32 to vector<1xf32>
    %stack3A_44 = tpu.concatenate %stack3A, %stack3A_43 in 0 : vector<1xf32>, vector<1xf32> -> vector<2xf32>
    %reshape3A = vector.shape_cast %stack3A_44 : vector<2xf32> to vector<1x2xf32>
    %swap3A = arith.constant 0 : index
    %swap3A_45 = arith.constant 0 : index
    %swap3A_46 = vector.load %arg3[%swap3A, %swap3A_45] : memref<1x2xf32, #tpu.memory_space<vmem>>, vector<1x2xf32>
    tpu.vector_store %arg3[%swap3A, %swap3A_45], %reshape3A {strides = array<i32>} : memref<1x2xf32, #tpu.memory_space<vmem>>, vector<1x2xf32>,
    return
  }
}

</mosaic_0001>

<sc_bundles>
// kernel: kernel.10.cloned.1.call-start
scs
__scs_entry_jumppad:
0x0: {  	(pc) =	sbr.rel $0x88, $3  }
0x1: {  	(tag) =	ssettag $0x0;
	lr =	simm.s32 $0x1  }
0x2: {  	[smem:$0x3F9E] =	sst lr;
	_ =	strace $0xD0000000  }
0x3: {  	_ = 	snop  }
0x4: {  	_ = 	snop  }
0x5: {  	_ = 	snop  }
0x6: {  	_ = 	snop  }
0x7: {  	_ = 	snop  }
__scs_overlays_trampoline_lowered:
0x8: {  	[smem:$0x3FAD] =	sst s0  }
0x9: {  	[smem:$0x3FAE] =	sst s1  }
0xa: {  	[smem:$0x3FAF] =	sst s2  }
0xb: {  	[smem:$0x3FB0] =	sst s3  }
0xc: {  	[smem:$0x3FB1] =	sst s4  }
0xd: {  	[smem:$0x3FB2] =	sst s5  }
0xe: {  	[smem:$0x3FB3] =	sst s6  }
0xf: {  	[smem:$0x3FB4] =	sst s7  }
0x10: {  	[smem:$0x3FB5] =	sst s8  }
0x11: {  	[smem:$0x3FB6] =	sst s9;
	s0 =	simm.s32 @!p0 $0x0  }
0x12: {  	s1 =	sld [smem:$0x3F9C];
	s0 =	simm.s32 @p0 $0x1  }
0x13: {  	[smem:$0x3FB7] =	sst s0;
	s0 =	simm.s32 @!p1 $0x0  }
0x14: {  	s2 =	sld [smem:$0x3F9B];
	s0 =	simm.s32 @p1 $0x1  }
0x15: {  	[smem:$0x3FB8] =	sst s0;
	s0 =	simm.s32 @!p2 $0x0  }
0x16: {  	s3 =	sld [smem:$0x3FDB];
	s0 =	simm.s32 @p2 $0x1  }
0x17: {  	s4 =	simm.s32 $0x1BF5;
	[smem:$0x3FBA] =	sst s0  }
0x18: {  	s0 =	sld [smem:$0x3F9D];
	_ =	swait.ge [sflag:s4], $0x0  }
0x19: {  	s7 =	sld [smem:$0x3F9E]  }
0x1a: {  	s8 =	sadd.s32 $0xFFFFE003, lr  }
0x1b: {  	s9 =	sadd.s32 $0xFFFFFEF7, lr;
	s5 =	simm.s32 $0xFFFFFFFF;
	p2 =	slt.u32 s8, $0xFFFFF086  }
0x1c: {  	p1 =	slt.u32 s9, $0xF7A;
	s5 =	simm.s32 @!p2 $0x0  }
0x1d: {  	s5 =	simm.s32 @p1 $0x1;
	p0 =	seq.s32 s7, s2  }
0x1e: {  	s7 =	smul.u32 @!p0 $0xF7A, s2;
	p2 =	seq.s32 @!p0 s5, $0x0  }
0x1f: {  	s9 =	smul.u32 $0xF7A, s1;
	s8 =	simm.s32 @!p0 $0x1BF5;
	p2 =	por !p2, p0  }
0x20: {  	[sflag:s8] =	ssyncset.s32 @!p0 $0xFFFFF086;
	s6 =	sadd.s32 @!p0 s3, s7;
	s7 =	simm.s32 @!p0 $0x108  }
0x21: {  	s3 =	sadd.s32 s3, s9;
	s6 =	sadd.s32 @!p0 $0x88, s6;
	s7 =	simm.s32 @p2 $0x1082  }
0x22: {  	[simem:s7], [sflag:s8] =	dma.local @!p0 [hbm:s6], $0xF7A  }
0x23: {  	s9 =	sor.u32 $0xD0000000, s2;
	s6 =	simm.s32 $0x108;
	_ =	swait.ge @!p0 [sflag:s8], $0x0  }
0x24: {  	s3 =	sadd.s32 $0x88, s3;
	s6 =	simm.s32 @!p1 $0x1082;
	[sflag:s4] =	ssyncset.s32 $0xFFFFF086  }
0x25: {  	[simem:s6], [sflag:s4] =	dma.local [hbm:s3], $0xF7A  }
0x26: {  	[smem:$0x3F9E] =	sst s1;
	(tag) =	ssettag s2;
	_ =	strace s9  }
0x27: {  	s1 =	sld [smem:$0x3FAE]  }
0x28: {  	s2 =	sld [smem:$0x3FAF]  }
0x29: {  	s4 =	sld [smem:$0x3FB1]  }
0x2a: {  	p0 =	seq.s32 s5, $0x0;
	s5 =	sld [smem:$0x3FB2]  }
0x2b: {  	s6 =	sld [smem:$0x3FB3]  }
0x2c: {  	s7 =	sld [smem:$0x3FB4]  }
0x2d: {  	s3 =	simm.s32 $0x108;
	s8 =	sld [smem:$0x3FB5]  }
0x2e: {  	s3 =	simm.s32 @!p0 $0x1082;
	s9 =	sld [smem:$0x3FB6]  }
0x2f: {  	lr =	sadd.s32 s0, s3;
	s0 =	sld [smem:$0x3FAD]  }
0x30: {  	s3 =	sld [smem:$0x3FB0]  }
0x31: {  	[smem:$0x3FB9] =	sst s10  }
0x32: {  	s10 =	sld [smem:$0x3FB7];
	_ =	sdelay $0x3  }
0x33: {  	p0 =	seq.s32 s10, $0x1;
	s10 =	sld [smem:$0x3FB9];
	_ =	sdelay $0x3  }
0x34: {  	[smem:$0x3FB9] =	sst s10  }
0x35: {  	s10 =	sld [smem:$0x3FB8];
	_ =	sdelay $0x3  }
0x36: {  	p1 =	seq.s32 s10, $0x1;
	s10 =	sld [smem:$0x3FB9];
	_ =	sdelay $0x3  }
0x37: {  	[smem:$0x3FB9] =	sst s10  }
0x38: {  	s10 =	sld [smem:$0x3FBA]  }
0x39: {  	_ = 	snop;
	(pc) =	sbr.ind lr, $3  }
0x3a: {  	_ = 	snop  }
0x3b: {  	_ = 	snop  }
0x3c: {  	p2 =	seq.s32 s10, $0x1;
	s10 =	sld [smem:$0x3FB9]  }
0x3d: {  	_ =	shalt  }
0x3e: {  	_ =	shalt  }
0x3f: {  	_ =	shalt  }
0x40: {  	_ =	shalt  }
0x41: {  	_ =	shalt  }
0x42: {  	_ =	shalt  }
0x43: {  	_ =	shalt  }
0x44: {  	_ =	shalt  }
0x45: {  	_ =	shalt  }
0x46: {  	_ =	shalt  }
0x47: {  	_ =	shalt  }
0x48: {  	_ =	shalt  }
0x49: {  	_ =	shalt  }
0x4a: {  	_ =	shalt  }
0x4b: {  	_ =	shalt  }
0x4c: {  	_ =	shalt  }
0x4d: {  	_ =	shalt  }
0x4e: {  	_ =	shalt  }
0x4f: {  	_ =	shalt  }
0x50: {  	_ =	shalt  }
0x51: {  	_ =	shalt  }
0x52: {  	_ =	shalt  }
0x53: {  	_ =	shalt  }
0x54: {  	_ =	shalt  }
0x55: {  	_ =	shalt  }
0x56: {  	_ =	shalt  }
0x57: {  	_ =	shalt  }
0x58: {  	_ =	shalt  }
0x59: {  	_ =	shalt  }
0x5a: {  	_ =	shalt  }
0x5b: {  	_ =	shalt  }
0x5c: {  	_ =	shalt  }
0x5d: {  	_ =	shalt  }
0x5e: {  	_ =	shalt  }
0x5f: {  	_ =	shalt  }
0x60: {  	_ =	shalt  }
0x61: {  	_ =	shalt  }
0x62: {  	_ =	shalt  }
0x63: {  	_ =	shalt  }
0x64: {  	_ =	shalt  }
0x65: {  	_ =	shalt  }
0x66: {  	_ =	shalt  }
0x67: {  	_ =	shalt  }
0x68: {  	_ =	shalt  }
0x69: {  	_ =	shalt  }
0x6a: {  	_ =	shalt  }
0x6b: {  	_ =	shalt  }
0x6c: {  	_ =	shalt  }
0x6d: {  	_ =	shalt  }
0x6e: {  	_ =	shalt  }
0x6f: {  	_ =	shalt  }
0x70: {  	_ =	shalt  }
0x71: {  	_ =	shalt  }
0x72: {  	_ =	shalt  }
0x73: {  	_ =	shalt  }
0x74: {  	_ =	shalt  }
0x75: {  	_ =	shalt  }
0x76: {  	_ =	shalt  }
0x77: {  	_ =	shalt  }
0x78: {  	_ =	shalt  }
0x79: {  	_ =	shalt  }
0x7a: {  	_ =	shalt  }
0x7b: {  	_ =	shalt  }
0x7c: {  	_ =	shalt  }
0x7d: {  	_ =	shalt  }
0x7e: {  	_ =	shalt  }
0x7f: {  	_ =	shalt  }
0x80: {  	_ =	shalt  }
0x81: {  	_ =	shalt  }
0x82: {  	_ =	shalt  }
0x83: {  	_ =	shalt  }
0x84: {  	_ =	shalt  }
0x85: {  	_ =	shalt  }
0x86: {  	_ =	shalt  }
0x87: {  	_ =	shalt  }
.Lfunc_end0:
.L_simem_size_0:
called_computation.1_lowered:
.L_overlay_start_0:
0x88: {  	s2 =	sld [smem:$0x3FD9]  }
0x89: {  	s3 =	sld [smem:$0x3FFE];
	_ =	sdelay $0x1  }
0x8a: {  	s1 =	srdreg.scid  }
0x8b: {  	s0 =	sand.u32 $0x1, s1  }
0x8c: {  	s17 =	sshll.u32 s0, $0xA;
	s2 =	sadd.s32 s3, s2  }
0x8d: {  	s2 =	sadd.s32 s2, s17  }
0x8e: {  	[smem:$0x3FC5] =	sst s2  }
0x8f: {  	_ = 	snop  }
0x90: {  	s18 =	sld [smem:$0x3FC9]  }
0x91: {  	s4 =	sld [smem:$0x3FC8];
	(tm) =	ssettm $0x1  }
0x92: {  	s19 =	sld [smem:$0x3FFB];
	_ =	sdelay $0x3  }
0x93: {  	_ =	strace s19  }
0x94: {  	s2 =	sld [smem:$0x3FFC];
	_ =	sdelay $0x3  }
0x95: {  	_ =	strace s2  }
0x96: {  	s2 =	sld [smem:$0x3FFD];
	_ =	sdelay $0x3  }
0x97: {  	_ =	strace s2  }
0x98: {  	_ =	strace $0x8FFFFFFF  }
0x99: {  	s20 =	sld [smem:$0x3FDB];
	_ =	sdelay $0x1  }
0x9a: {  	s5 =	simm.s32 $_scs_section_size  }
0x9b: {  	s6 =	simm.s32 $_size__tile_overlayer_lowered;
	s7 =	simm.s32 $_tile_overlayer_lowered  }
0x9c: {  	s8 =	simm.s32 $0x1BFF;
	s21 =	sshll.u32 s7, $0x1;
	s5 =	sadd.s32 s5, s20  }
0x9d: {  	s22 =	simm.s32 $0x0;
	s6 =	sshll.u32 s6, $0x1;
	s7 =	sadd.s32 s21, s5  }
0x9e: {  	[timem:s22], [sflag:s8] =	dma.local [hbm:s7], s6  }
0x9f: {  	_ =	swait.ge [sflag:s8], s6  }
0xa0: {  	s6 =	ssub.s32 $0x0, s6;
	[sflag:s8] =	ssyncset.done $0x0  }
0xa1: {  	[sflag:s8] =	ssyncadd.s32 s6;
	_ =	sdelay $0x1  }
0xa2: {  	s23 =	simm.s32 $0x1B8B  }
0xa3: {  	_ =	swait.ge [sflag:s23], $0x1  }
0xa4: {  	[sflag:s23] =	ssyncset.done $0x0  }
0xa5: {  	[sflag:s23] =	ssyncadd.s32 $0xFFFFFFFF  }
0xa6: {  	s6 =	sld [smem:$0x0]  }
0xa7: {  	s7 =	sand.u32 $0xFFFFFFFE, s1  }
0xa8: {  	p0 =	sne.s32 s1, s7  }
0xa9: {  	s7 =	sshll.u32 @p0 s7, $0xE  }
0xaa: {  	s7 =	sadd.s32 @p0 $0x11B8D, s7;
	s8 =	sshll.u32 @p0 s6, $0x11  }
0xab: {  	s7 =	sor.u32 @p0 s8, s7  }
0xac: {  	[sflag:s7] =	ssyncadd.remote.s32 @p0 $0x1;
	_ =	sdelay $0x1  }
0xad: {  	s7 =	simm.s32 @p0 $0x1B8D  }
0xae: {  	_ =	swait.eq @p0 [sflag:s7], $0x1  }
0xaf: {  	[sflag:s7] =	ssyncadd.s32 @p0 $0xFFFFFFFF  }
0xb0: {  	s8 =	sshll.u32 @!p0 s1, $0xE  }
0xb1: {  	s8 =	sor.u32 @!p0 $0x4000, s8;
	s7 =	simm.s32 @!p0 $0x1B8D  }
0xb2: {  	s6 =	sshll.u32 @!p0 s6, $0x11;
	s8 =	sadd.s32 @!p0 $0x11B8D, s8;
	_ =	swait.eq @!p0 [sflag:s7], $0x1  }
0xb3: {  	s6 =	sor.u32 @!p0 s6, s8;
	[sflag:s7] =	ssyncadd.s32 @!p0 $0xFFFFFFFF  }
0xb4: {  	s25 =	simm.s32 $0x1B8E;
	s24 =	sld [smem:$0x3FFE];
	[sflag:s6] =	ssyncadd.remote.s32 @!p0 $0x1  }
0xb5: {  	s26 =	simm.s32 $execute0_lowered;
	[smem:$0x3FD2] =	sst s25  }
0xb6: {  	s7 =	sshll.u32 s26, $0x1;
	_ =	strace $0x80000049;
	[dreg:$0x1] =	wrdreg $0xFFFFFFFF  }
0xb7: {  	s28 =	simm.s32 $_size_execute0_lowered;
	s5 =	sadd.s32 s5, s7;
	[dreg:$0x0] =	wrdreg $0x0  }
0xb8: {  	s7 =	sshll.u32 s28, $0x1;
	[dreg:$0x2] =	wrdreg s5  }
0xb9: {  	[dreg:$0x3] =	wrdreg s7  }
0xba: {  	[dreg:$0x4] =	wrdreg $0xC0  }
0xbb: {  	_ =	task [dreg:s22], $0x5FFFF  }
0xbc: {  	[dreg:$0x1] =	wrdreg $0xFFFFFFFF  }
0xbd: {  	[dreg:$0x0] =	wrdreg $0x60  }
0xbe: {  	[dreg:$0x2] =	wrdreg s24  }
0xbf: {  	[dreg:$0x3] =	wrdreg s4  }
0xc0: {  	[dreg:$0x4] =	wrdreg s18  }
0xc1: {  	[dreg:$0x5] =	wrdreg $0xA  }
0xc2: {  	_ =	task.clear_ibuf [dreg:s22], $0x6FFFF;
	_ =	strace $0x90000049  }
0xc3: {  	s29 =	simm.s32 $0xA;
	_ =	strace $0x8000004B  }
0xc4: {  	_ =	swait.ge [sflag:s29], $0x1  }
0xc5: {  	[sflag:s29] =	ssyncadd.s32 $0xFFFFFFFF  }
0xc6: {  	_ =	strace $0x9000004B  }
0xc7: {  	_ =	sfence  }
0xc8: {  	s30 =	sld [smem:$0x0];
	_ =	sdelay $0x2  }
0xc9: {  	s31 =	sshll.u32 s1, $0xD;
	s1 =	sshrl.u32 s1, $0x2  }
0xca: {  	s4 =	sand.u32 $0x4000, s31;
	s1 =	sadd.s32 s1, s30  }
0xcb: {  	s0 =	sor.u32 s4, s0;
	s1 =	sshll.u32 s1, $0x11  }
0xcc: {  	s0 =	sor.u32 s1, s0  }
0xcd: {  	s0 =	sadd.s32 $0x8F2B, s0  }
0xce: {  	[sflag:s0] =	ssyncadd.remote.s32 $0x1  }
0xcf: {  	_ =	sfence.sel $0xFFFF  }
0xd0: {  	[dreg:$0x0] =	wrdreg $0xFFFFFFFF;
	(pc) =	sbr.abs _section_cstart, $3  }
0xd1: {  	[dreg:$0x1] =	wrdreg $0xFFFFFFFF  }
0xd2: {  	_ =	task.clear_ibuf [dreg:s22], $0x2FFFF;
	_ =	strace $0x9FFFFFFF  }
0xd3: {  	(tm) =	ssettm $0x7FFFFFFF  }
tec
execute0_lowered:
.L_overlay_start_1:
0x0: {  	(tag) =	ssettag $0x1  }
0x1: {  	s1 =	srdreg.scid;
	s0 =	stileid.u32  }
0x2: {  	s4 =	sand.u32 $0x1, s1;
	s29 =	sshll.u32 s0, $0x1  }
0x3: {  	v0 =	vimm.s32 $0x400;
	v43 =	vlaneseq.u32;
	s5 =	sor.u32 s4, s29  }
0x4: {  	vm0 =	vcmask $0xB00;
	vm15 =	vcmask $0x170C;
	v44 =	vor.u32 $0x10, v43;
	s6 =	sor.u32 $0x20, s5  }
0x5: {  	vm4 =	vcmask $0x2318;
	v0 =	vsel vm0, $0x0, v0;
	v45 =	vor.u32 $0x20, v43;
	[tilespmem:$0x1FEB0] =	vst v44;
	s30 =	smul.u32 $0x5, s6  }
0x6: {  	vm5 =	vcmask $0x2F24;
	v46 =	vor.u32 $0x30, v43;
	v0 =	vsel vm15, $0x100, v0;
	[tilespmem:$0x1FEC0] =	vst v45  }
0x7: {  	v47 =	vor.u32 $0x40, v43;
	[tilespmem:$0x1FED0] =	vst v46;
	v0 =	vsel vm4, $0x200, v0;
	v1 =	vmov s30  }
0x8: {  	s7 =	rddreg [dreg:$0x0];
	v48 =	vor.u32 $0x50, v43;
	[tilespmem:$0x1FEE0] =	vst v47;
	v2 =	vsel vm5, $0x300, v0;
	v1 =	vshll.u32 v1, $0x8  }
0x9: {  	s8 =	rddreg [dreg:$0x1];
	s3 =	simm.s32 $0x0;
	[tilespmem:$0x1FEF0] =	vst v48;
	v1 =	vadd.s32 v2, v1  }
0xa: {  	[smem:$0x7FF] =	sst s3;
	v49 =	vor.u32 $0x60, v43;
	[tilespmem:$0x1FEA0] =	vst v1  }
0xb: {  	s2 =	rddreg [dreg:$0x2];
	v50 =	vor.u32 $0x70, v43;
	_ =	strace $0x8000004A;
	[tilespmem:$0x1FF00] =	vst v49  }
0xc: {  	vm6 =	vcmask $0x1714;
	vm1 =	vcmask $0xB08;
	v51 =	vor.u32 $0x80, v43;
	[tilespmem:$0x1FF10] =	vst v50  }
0xd: {  	vm7 =	vcmask $0x2320;
	v52 =	vor.u32 $0x90, v43;
	vm0 =	vmor vm1, vm6;
	[tilespmem:$0x1FF20] =	vst v51  }
0xe: {  	vm8 =	vcmask $0x2F2C;
	v53 =	vor.u32 $0xA0, v43;
	vm0 =	vmor vm0, vm7;
	[tilespmem:$0x1FF30] =	vst v52  }
0xf: {  	vm9 =	vcmask $0x3F38;
	v54 =	vor.u32 $0xB0, v43;
	vm0 =	vmor vm0, vm8;
	[tilespmem:$0x1FF40] =	vst v53  }
0x10: {  	v56 =	vimm.s32 $0x0;
	s13 =	simm.s32 $0x100;
	s14 =	simm.s32 $0x4800;
	v55 =	vor.u32 $0xC0, v43;
	vm0 =	vmor vm0, vm9;
	[tilespmem:$0x1FF50] =	vst v54  }
0x11: {  	vm10 =	vcmask $0xF0C;
	s15 =	simm.s32 $0x780;
	s16 =	simm.s32 $0xF80;
	s17 =	simm.s32 $0x1780;
	v1 =	vsel vm0, $0xFFFFFFFF, v56;
	[tilespmem:$0x1FF60] =	vst v55  }
0x12: {  	vm11 =	vcmask $0x300;
	s18 =	simm.s32 $0x1F80;
	s19 =	simm.s32 $0x2780;
	s20 =	simm.s32 $0x2F80;
	v57 =	vor.u32 $0xD0, v43;
	[tilespmem:$0x1FF70] =	vst v1  }
0x13: {  	vm12 =	vcmask $0x1B18;
	vm13 =	vcmask $0x2724;
	s21 =	simm.s32 $0x3780;
	s22 =	simm.s32 $0x3F80;
	s23 =	simm.s32 $0x1;
	v58 =	vor.u32 $0xE0, v43;
	[tilespmem:$0x1FF80] =	vst v57  }
0x14: {  	s24 =	simm.s32 $0x4780;
	s25 =	simm.s32 $0x0;
	v59 =	vor.u32 $0xF0, v43;
	v18 =	vshrl.u32 v43, $0x3;
	s4 =	ssub.s32 $0x2, s4;
	vm0 =	vmor vm11, vm10;
	[tilespmem:$0x1FF90] =	vst v58  }
0x15: {  	v61 =	vand.u32 $0x7, v43;
	v62 =	vmul.u32 $0x8, v18;
	s9 =	smul.u32 $0xA, s5;
	s10 =	sshll.u32 s5, $0x5;
	s5 =	sshll.u32 s5, $0x1;
	vm0 =	vmor vm0, vm12;
	[tilespmem:$0x1FFA0] =	vst v59  }
0x16: {  	vm14 =	vcmask $0x3330;
	s31 =	sshrl.u32 s4, $0x1;
	s10 =	sadd.s32 s10, s7;
	s6 =	smul.u32 $0xA0, s6;
	[tilespmem:$0x1FFC0] =	vst v61;
	vm0 =	vmor vm0, vm13  }
0x17: {  	v60 =	vimm.s32 $0x0;
	s12 =	ssub.s32 s4, s31;
	v0 =	vor.u32 $0x8, v43;
	s11 =	sadd.s32 s9, s7;
	s7 =	sadd.s32 s5, s7;
	[tilespmem:$0x1FFD0] =	vst v62;
	vm0 =	vmor vm0, vm14  }
0x18: {  	v63 =	vimm.s32 $0x0;
	vm15 =	vmmov $0xffff;
	s4 =	sadd.s32 $0x1E00, s10;
	s9 =	sadd.s32 $0x300, s2;
	s5 =	sadd.s32 s8, s6;
	[tilespmem:$0x1FFF0] =	vst v0;
	v1 =	vsel vm0, $0xFFFFFFFF, v60  }
0x19: {  	s6 =	sadd.s32 $0x2400, s7;
	s7 =	sadd.s32 $0x100, s2;
	s8 =	sadd.s32 $0x200, s2;
	[tilespmem:$0x1FFB0] =	vst v1;
	v1 =	vsel vm15, $0xFFFFFFFF, v63  }
0x1a: {  	s10 =	sadd.s32 $0x2200, s11;
	s11 =	smax.u32 s12, $0x1;
	s12 =	simm.s32 $0x2;
	[tilespmem:$0x1FFE0] =	vst v1  }
.LBB2_1:
0x1b: {  	[tilespmem:s3], [sflag:$0x2] =	stream.linear.gather [hbm4b:s4+s3], $0x100, $0x38;
	[tilespmem:$0x4880] =	vst v63  }
0x1c: {  	_ =	swait.ge [sflag:s12], $0x100  }
0x1d: {  	[sflag:s12] =	ssyncset.done $0x0  }
0x1e: {  	[sflag:s12] =	ssyncadd.s32 $0xFFFFFF00  }
0x1f: {  	[tilespmem:s13], [sflag:$0x2] =	stream.linear.gather [hbm4b:s5+s3], $0x500, $0x38;
	[tilespmem:$0x4880] =	vst v63  }
0x20: {  	_ =	swait.ge [sflag:s12], $0x500  }
0x21: {  	[sflag:s12] =	ssyncset.done $0x0  }
0x22: {  	[sflag:s12] =	ssyncadd.s32 $0xFFFFFB00  }
0x23: {  	v20 =	vld [tilespmem:$0x0];
	_ =	sdelay $0x2  }
0x24: {  	v35 =	vld [tilespmem:$0x10];
	_ =	sdelay $0x1  }
0x25: {  	v34 =	vld [tilespmem:$0x20];
	vm0 =	vlt.f32 v20, $-Inf;
	vm1 =	vgt.f32 v20, $-Inf  }
0x26: {  	vm2 =	vmor vm1, vm0  }
0x27: {  	v33 =	vld [tilespmem:$0x30];
	v20 =	vnsel vm2, $0xFF800000, v20  }
0x28: {  	vm6 =	vgt.f32 v35, v20  }
0x29: {  	v32 =	vld [tilespmem:$0x40];
	v36 =	vsel vm6, v35, v20  }
0x2a: {  	vm8 =	vgt.f32 v34, v36  }
0x2b: {  	v31 =	vld [tilespmem:$0x50];
	v37 =	vsel vm8, v34, v36  }
0x2c: {  	vm9 =	vgt.f32 v33, v37  }
0x2d: {  	v30 =	vld [tilespmem:$0x60];
	v38 =	vsel vm9, v33, v37  }
0x2e: {  	vm10 =	vgt.f32 v32, v38  }
0x2f: {  	v29 =	vld [tilespmem:$0x70];
	v39 =	vsel vm10, v32, v38  }
0x30: {  	vm11 =	vgt.f32 v31, v39  }
0x31: {  	v28 =	vld [tilespmem:$0x80];
	v40 =	vsel vm11, v31, v39  }
0x32: {  	v50 =	vld [tilespmem:$0x1FEB0];
	vm12 =	vgt.f32 v30, v40  }
0x33: {  	v27 =	vld [tilespmem:$0x90];
	v49 =	vsel vm12, v30, v40  }
0x34: {  	v14 =	vld [tilespmem:$0x1FEC0];
	vm13 =	vgt.f32 v29, v49  }
0x35: {  	v26 =	vld [tilespmem:$0xA0];
	v53 =	vsel vm13, v29, v49  }
0x36: {  	v16 =	vld [tilespmem:$0x1FED0];
	vm14 =	vgt.f32 v28, v53  }
0x37: {  	v25 =	vld [tilespmem:$0xB0];
	v56 =	vsel vm14, v28, v53  }
0x38: {  	v1 =	vld [tilespmem:$0x1FEE0];
	vm15 =	vgt.f32 v27, v56  }
0x39: {  	v24 =	vld [tilespmem:$0xC0];
	v58 =	vsel vm15, v27, v56  }
0x3a: {  	v3 =	vld [tilespmem:$0x1FEF0];
	vm1 =	vgt.f32 v26, v58  }
0x3b: {  	v0 =	vlaneseq.u32;
	v42 =	vimm.s32 $0x0;
	v7 =	vld [tilespmem:$0x1FF00];
	v61 =	vsel vm1, v26, v58  }
0x3c: {  	v44 =	vimm.s32 $0x0;
	v46 =	vimm.s32 $0x0;
	v8 =	vld [tilespmem:$0x1FF10];
	vm3 =	vgt.f32 v25, v61  }
0x3d: {  	v11 =	vld [tilespmem:$0x1FF30];
	v43 =	vnsel vm2, $0x0, v0;
	v0 =	vsel vm1, $0xFFFFFFFF, v42;
	v63 =	vsel vm3, v25, v61  }
0x3e: {  	v23 =	vld [tilespmem:$0xD0];
	v45 =	vsel vm6, v50, v43;
	[tilespmem:$0x1FDC0] =	vst v0;
	v0 =	vsel vm3, $0xFFFFFFFF, v44;
	vm7 =	vgt.f32 v24, v63  }
0x3f: {  	v13 =	vld [tilespmem:$0x1FF40];
	v47 =	vsel vm8, v14, v45;
	[tilespmem:$0x1FDD0] =	vst v0;
	v0 =	vsel vm7, $0xFFFFFFFF, v46  }
0x40: {  	v51 =	vsel vm9, v16, v47;
	[tilespmem:$0x1FDE0] =	vst v0;
	v0 =	vld [tilespmem:$0x1FF20]  }
0x41: {  	v22 =	vld [tilespmem:$0xE0];
	v55 =	vsel vm10, v1, v51  }
0x42: {  	v48 =	vld [tilespmem:$0x1FF50];
	v62 =	vsel vm11, v3, v55;
	v19 =	vsel vm7, v24, v63  }
0x43: {  	v2 =	vimm.s32 $0x0;
	v5 =	vld [tilespmem:$0x1FF60];
	v9 =	vsel vm12, v7, v62;
	vm4 =	vgt.f32 v23, v19  }
0x44: {  	v21 =	vld [tilespmem:$0xF0];
	v17 =	vsel vm13, v8, v9;
	v2 =	vsel vm4, $0xFFFFFFFF, v2  }
0x45: {  	[tilespmem:$0x1FDF0] =	vst v2;
	v2 =	vsel vm4, v23, v19;
	v18 =	vsel vm14, v0, v17  }
0x46: {  	v4 =	vimm.s32 $0x0;
	v52 =	vld [tilespmem:$0x1FF80];
	vm5 =	vgt.f32 v22, v2;
	v10 =	vsel vm15, v11, v18  }
0x47: {  	v15 =	vld [tilespmem:$0x1FF90];
	v4 =	vsel vm5, $0xFFFFFFFF, v4;
	v12 =	vsel vm1, v13, v10  }
0x48: {  	v42 =	vld [tilespmem:$0x1FFA0];
	v41 =	vsel vm5, v22, v2;
	[tilespmem:$0x1FE00] =	vst v4;
	v4 =	vsel vm3, v48, v12  }
0x49: {  	v6 =	vimm.s32 $0x0;
	v5 =	vsel vm7, v5, v4;
	vm7 =	vgt.f32 v21, v41  }
0x4a: {  	v6 =	vsel vm7, $0xFFFFFFFF, v6  }
0x4b: {  	v59 =	vsel vm7, v21, v41;
	[tilespmem:$0x1FE10] =	vst v6;
	v6 =	vsel vm4, v52, v5  }
0x4c: {  	[tilespmem:$0x680] =	vst v59;
	v57 =	vsel vm5, v15, v6  }
0x4d: {  	[tilespmem:$0x690] =	vst v59;
	v60 =	vsel vm7, v42, v57  }
0x4e: {  	[tilespmem:$0x700] =	vst v60  }
0x4f: {  	v44 =	vld [tilespmem:$0x681];
	[tilespmem:$0x710] =	vst v60  }
0x50: {  	v46 =	vld [tilespmem:$0x701];
	_ =	sdelay $0x3  }
0x51: {  	vm4 =	vgt.f32 v35, $-Inf  }
0x52: {  	vm7 =	vlt.f32 v35, $-Inf;
	vm5 =	veq.f32 v44, v59;
	vm0 =	vlt.s32 v46, v60  }
0x53: {  	vm2 =	vmor vm4, vm7;
	vm7 =	vgt.f32 v44, v59;
	vm0 =	vmand vm5, vm0  }
0x54: {  	v35 =	vnsel vm2, $0xFF800000, v35;
	vm0 =	vmor vm7, vm0  }
0x55: {  	v42 =	vsel vm6, v20, v35;
	v20 =	vsel vm0, v44, v59  }
0x56: {  	vm3 =	vgt.f32 v34, v42;
	[tilespmem:$0x680] =	vst v20  }
0x57: {  	v54 =	vsel vm3, v34, v42;
	v35 =	vsel vm0, v46, v60;
	[tilespmem:$0x690] =	vst v20  }
0x58: {  	v44 =	vsel vm8, v36, v54;
	[tilespmem:$0x700] =	vst v35  }
0x59: {  	[tilespmem:$0x710] =	vst v35;
	vm4 =	vgt.f32 v33, v44;
	v36 =	vld [tilespmem:$0x682]  }
0x5a: {  	v48 =	vsel vm4, v33, v44;
	v54 =	vld [tilespmem:$0x702]  }
0x5b: {  	v46 =	vsel vm9, v37, v48  }
0x5c: {  	vm5 =	vgt.f32 v32, v46  }
0x5d: {  	v37 =	vsel vm5, v32, v46  }
0x5e: {  	v48 =	vsel vm10, v38, v37  }
0x5f: {  	vm7 =	vgt.f32 v31, v48;
	vm0 =	veq.f32 v36, v20;
	vm1 =	vlt.s32 v54, v35  }
0x60: {  	v52 =	vimm.s32 $0x0;
	vm0 =	vmand vm0, vm1;
	v37 =	vsel vm7, v31, v48  }
0x61: {  	v38 =	vsel vm7, $0xFFFFFFFF, v52;
	v52 =	vnsel vm2, $0x0, v50;
	vm1 =	vgt.f32 v36, v20  }
0x62: {  	v50 =	vsel vm11, v39, v37;
	v52 =	vsel vm6, v43, v52;
	vm0 =	vmor vm1, vm0  }
0x63: {  	vm1 =	vgt.f32 v30, v50;
	v37 =	vsel vm3, v14, v52;
	v20 =	vsel vm0, v36, v20  }
0x64: {  	[tilespmem:$0x1FE40] =	vst v52;
	v52 =	vimm.s32 $0x0;
	v35 =	vsel vm0, v54, v35;
	v43 =	vsel vm1, v30, v50  }
0x65: {  	[tilespmem:$0x1FE20] =	vst v38;
	v38 =	vsel vm1, $0xFFFFFFFF, v52;
	v45 =	vsel vm8, v45, v37;
	v52 =	vsel vm12, v40, v43  }
0x66: {  	vm8 =	vmmov vm4;
	v40 =	vsel vm4, v16, v45;
	vm4 =	vgt.f32 v29, v52  }
0x67: {  	v54 =	vimm.s32 $0x0;
	v47 =	vsel vm9, v47, v40;
	v43 =	vsel vm4, v29, v52  }
0x68: {  	[tilespmem:$0x680] =	vst v20;
	v37 =	vsel vm4, $0xFFFFFFFF, v54;
	v1 =	vsel vm5, v1, v47;
	v54 =	vsel vm13, v49, v43  }
0x69: {  	[tilespmem:$0x690] =	vst v20;
	vm9 =	vmmov vm4;
	v49 =	vsel vm10, v51, v1;
	vm4 =	vgt.f32 v28, v54  }
0x6a: {  	[tilespmem:$0x700] =	vst v35;
	v51 =	vimm.s32 $0x0;
	v40 =	vsel vm7, v3, v49;
	v43 =	vsel vm4, v28, v54  }
0x6b: {  	[tilespmem:$0x1FE50] =	vst v37;
	v37 =	vld [tilespmem:$0x1FDC0];
	v1 =	vsel vm4, $0xFFFFFFFF, v51;
	v51 =	vsel vm11, v55, v40;
	v55 =	vsel vm14, v53, v43  }
0x6c: {  	vm6 =	vmmov vm3;
	vm3 =	vmmov vm5;
	[tilespmem:$0x710] =	vst v35;
	vm5 =	vgt.f32 v27, v55  }
0x6d: {  	[tilespmem:$0x1FE30] =	vst v38;
	v36 =	vsel vm1, v7, v51;
	v43 =	vimm.s32 $0x0;
	v40 =	vsel vm5, v27, v55  }
0x6e: {  	v38 =	vld [tilespmem:$0x684];
	[tilespmem:$0x1FE60] =	vst v1;
	v53 =	vsel vm12, v62, v36;
	v1 =	vsel vm5, $0xFFFFFFFF, v43;
	v36 =	vsel vm15, v56, v40  }
0x6f: {  	v39 =	vld [tilespmem:$0x704];
	v62 =	vsel vm9, v8, v53;
	v8 =	vimm.s32 $0x0;
	vm2 =	vgt.f32 v26, v36  }
0x70: {  	vm11 =	vnez.u8 v37;
	[tilespmem:$0x1FE70] =	vst v1;
	v7 =	vsel vm2, v26, v36;
	v1 =	vsel vm2, $0xFFFFFFFF, v8  }
0x71: {  	[tilespmem:$0x1FE80] =	vst v1;
	v1 =	vsel vm13, v9, v62;
	v37 =	vsel vm11, v58, v7  }
0x72: {  	v8 =	vld [tilespmem:$0x1FDD0];
	v62 =	vimm.s32 $0x0;
	v43 =	vsel vm4, v0, v1;
	vm9 =	vgt.f32 v25, v37  }
0x73: {  	v9 =	vmov v0;
	v17 =	vsel vm14, v17, v43;
	v0 =	vsel vm9, $0xFFFFFFFF, v62  }
0x74: {  	vm7 =	vlt.s32 v39, v35;
	vm12 =	veq.f32 v38, v20;
	v7 =	vsel vm5, v11, v17  }
0x75: {  	vm10 =	vgt.f32 v38, v20;
	vm0 =	vmand vm12, vm7;
	v18 =	vsel vm15, v18, v7  }
0x76: {  	vm0 =	vmor vm10, vm0;
	[tilespmem:$0x1FE90] =	vst v0;
	v0 =	vmov v11;
	v11 =	vsel vm2, v13, v18  }
0x77: {  	v56 =	vsel vm9, v25, v37;
	vm10 =	vnez.u8 v8;
	v43 =	vsel vm11, v10, v11;
	v11 =	vld [tilespmem:$0x1FF50]  }
0x78: {  	v20 =	vsel vm0, v38, v20;
	v38 =	vsel vm10, v61, v56;
	v61 =	vld [tilespmem:$0x1FDE0];
	_ =	sdelay $0x3  }
0x79: {  	v58 =	vsel vm0, v39, v35;
	v35 =	vsel vm9, v11, v43  }
0x7a: {  	vm11 =	vnez.u8 v61;
	v61 =	vsel vm10, v12, v35;
	v12 =	vld [tilespmem:$0x1FDF0];
	_ =	sdelay $0x4  }
0x7b: {  	vm4 =	vnez.u8 v12;
	v12 =	vld [tilespmem:$0x1FF60]  }
0x7c: {  	[tilespmem:$0x680] =	vst v20  }
0x7d: {  	[tilespmem:$0x700] =	vst v58;
	vm14 =	vgt.f32 v24, v38  }
0x7e: {  	[tilespmem:$0x710] =	vst v58;
	v7 =	vmov v13;
	v13 =	vsel vm14, v24, v38  }
0x7f: {  	[tilespmem:$0x690] =	vst v20;
	v62 =	vld [tilespmem:$0x708];
	v39 =	vsel vm11, v63, v13  }
0x80: {  	v56 =	vld [tilespmem:$0x688];
	vm12 =	vgt.f32 v23, v39;
	v13 =	vsel vm14, v12, v61  }
0x81: {  	v63 =	vsel vm12, v23, v39;
	v3 =	vsel vm11, v4, v13;
	v13 =	vld [tilespmem:$0x1FF80]  }
0x82: {  	v40 =	vsel vm4, v19, v63;
	v63 =	vld [tilespmem:$0x1FE00];
	_ =	sdelay $0x2  }
0x83: {  	vm5 =	vgt.f32 v56, v20;
	vm9 =	veq.f32 v56, v20;
	vm10 =	vlt.s32 v62, v58  }
0x84: {  	vm0 =	vmand vm9, vm10;
	vm13 =	vgt.f32 v22, v40;
	v4 =	vsel vm12, v13, v3  }
0x85: {  	v35 =	vsel vm13, v22, v40;
	vm11 =	vnez.u8 v63;
	v56 =	vsel vm4, v5, v4  }
0x86: {  	vm0 =	vmor vm5, vm0;
	v35 =	vsel vm11, v2, v35;
	v2 =	vsel vm13, v15, v56  }
0x87: {  	v20 =	vsel vm0, v62, v58;
	v58 =	vsel vm11, v6, v2;
	v6 =	vld [tilespmem:$0x1FE10];
	_ =	sdelay $0x1  }
0x88: {  	v62 =	vmov v15;
	v15 =	vld [tilespmem:$0x1FFA0];
	_ =	sdelay $0x1  }
0x89: {  	vm15 =	vgt.f32 v21, v35  }
0x8a: {  	v4 =	vsel vm15, v21, v35;
	vm7 =	vnez.u8 v6  }
0x8b: {  	vm11 =	veq.s32 v60, v20;
	v2 =	vsel vm7, v41, v4  }
0x8c: {  	v8 =	vsel vm15, v15, v58;
	v5 =	vsel vm11, v2, v59  }
0x8d: {  	v4 =	vsel vm7, v57, v8;
	[tilespmem:$0x680] =	vst v5  }
0x8e: {  	v6 =	vsel vm11, v4, v60;
	[tilespmem:$0x690] =	vst v5  }
0x8f: {  	[tilespmem:$0x700] =	vst v6  }
0x90: {  	[tilespmem:$0x710] =	vst v6;
	v19 =	vld [tilespmem:$0x681]  }
0x91: {  	v10 =	vld [tilespmem:$0x701]  }
0x92: {  	vm1 =	vgt.f32 v34, $-Inf;
	vm0 =	vlt.f32 v34, $-Inf  }
0x93: {  	vm2 =	vmor vm1, vm0  }
0x94: {  	v34 =	vnsel vm2, $0xFF800000, v34  }
0x95: {  	v34 =	vsel vm6, v42, v34  }
0x96: {  	vm4 =	vgt.f32 v33, v34;
	vm10 =	veq.f32 v19, v5;
	vm9 =	vlt.s32 v10, v6  }
0x97: {  	v33 =	vsel vm4, v33, v34;
	vm10 =	vmand vm10, vm9;
	vm9 =	vgt.f32 v19, v5  }
0x98: {  	v33 =	vsel vm8, v44, v33;
	vm1 =	vmor vm9, vm10  }
0x99: {  	v19 =	vsel vm1, v19, v5;
	v41 =	vsel vm1, v10, v6;
	vm1 =	vgt.f32 v32, v33  }
0x9a: {  	v32 =	vsel vm1, v32, v33  }
0x9b: {  	[tilespmem:$0x680] =	vst v19;
	v32 =	vsel vm3, v46, v32;
	v46 =	vld [tilespmem:$0x1FE20]  }
0x9c: {  	[tilespmem:$0x690] =	vst v19  }
0x9d: {  	[tilespmem:$0x700] =	vst v41  }
0x9e: {  	[tilespmem:$0x710] =	vst v41;
	v42 =	vld [tilespmem:$0x682]  }
0x9f: {  	v44 =	vld [tilespmem:$0x702];
	vm5 =	vgt.f32 v31, v32  }
0xa0: {  	vm9 =	vmmov vm3;
	v31 =	vsel vm5, v31, v32;
	vm3 =	vnez.u8 v46  }
0xa1: {  	v31 =	vsel vm3, v48, v31;
	v48 =	vld [tilespmem:$0x1FE30]  }
0xa2: {  	v57 =	vld [tilespmem:$0x1FE40];
	_ =	sdelay $0x1  }
0xa3: {  	vm7 =	vmmov vm8;
	vm0 =	veq.f32 v42, v19;
	vm8 =	vlt.s32 v44, v41  }
0xa4: {  	vm10 =	vmmov vm6;
	vm0 =	vmand vm0, vm8;
	vm6 =	vgt.f32 v30, v31  }
0xa5: {  	v59 =	vld [tilespmem:$0x1FE50];
	v30 =	vsel vm6, v30, v31;
	v31 =	vnsel vm2, $0x0, v14;
	vm8 =	vnez.u8 v48  }
0xa6: {  	v10 =	vld [tilespmem:$0x1FEE0];
	vm2 =	vgt.f32 v42, v19;
	v31 =	vsel vm10, v57, v31;
	v30 =	vsel vm8, v50, v30  }
0xa7: {  	v60 =	vld [tilespmem:$0x1FE60];
	vm0 =	vmor vm2, vm0;
	v31 =	vsel vm4, v16, v31;
	vm2 =	vgt.f32 v29, v30  }
0xa8: {  	v29 =	vsel vm2, v29, v30;
	v30 =	vsel vm7, v45, v31;
	v31 =	vsel vm0, v44, v41;
	v41 =	vld [tilespmem:$0x1FEF0];
	_ =	sdelay $0x1  }
0xa9: {  	v34 =	vld [tilespmem:$0x1FF00];
	vm4 =	vnez.u8 v59  }
0xaa: {  	v33 =	vld [tilespmem:$0x1FE70];
	v29 =	vsel vm4, v52, v29;
	v30 =	vsel vm1, v10, v30  }
0xab: {  	v8 =	vld [tilespmem:$0x1FF10];
	vm10 =	vgt.f32 v28, v29;
	v30 =	vsel vm9, v47, v30  }
0xac: {  	vm7 =	vnez.u8 v60;
	v28 =	vsel vm10, v28, v29;
	v29 =	vsel vm5, v41, v30  }
0xad: {  	v28 =	vsel vm7, v54, v28;
	v29 =	vsel vm3, v49, v29  }
0xae: {  	vm1 =	vgt.f32 v27, v28;
	v29 =	vsel vm6, v34, v29  }
0xaf: {  	vm5 =	vnez.u8 v33;
	v27 =	vsel vm1, v27, v28;
	v28 =	vsel vm8, v51, v29  }
0xb0: {  	v19 =	vsel vm0, v42, v19;
	v27 =	vsel vm5, v55, v27;
	v28 =	vsel vm2, v8, v28  }
0xb1: {  	[tilespmem:$0x680] =	vst v19;
	vm2 =	vgt.f32 v26, v27;
	v28 =	vsel vm4, v53, v28  }
0xb2: {  	[tilespmem:$0x700] =	vst v31;
	v26 =	vsel vm2, v26, v27;
	v27 =	vsel vm10, v9, v28;
	v28 =	vld [tilespmem:$0x1FE80]  }
0xb3: {  	[tilespmem:$0x710] =	vst v31  }
0xb4: {  	[tilespmem:$0x690] =	vst v19;
	v63 =	vld [tilespmem:$0x704]  }
0xb5: {  	v30 =	vld [tilespmem:$0x684];
	_ =	sdelay $0x1  }
0xb6: {  	vm4 =	vnez.u8 v28  }
0xb7: {  	v26 =	vsel vm4, v36, v26;
	v36 =	vld [tilespmem:$0x1FE90];
	_ =	sdelay $0x1  }
0xb8: {  	vm9 =	veq.f32 v30, v19;
	vm10 =	vlt.s32 v63, v31  }
0xb9: {  	vm6 =	vgt.f32 v30, v19;
	vm0 =	vmand vm9, vm10  }
0xba: {  	v1 =	vsel vm7, v1, v27;
	vm0 =	vmor vm6, vm0;
	vm8 =	vgt.f32 v25, v26  }
0xbb: {  	v19 =	vsel vm0, v30, v19;
	v25 =	vsel vm8, v25, v26;
	vm9 =	vnez.u8 v36  }
0xbc: {  	v1 =	vsel vm1, v0, v1;
	[tilespmem:$0x680] =	vst v19;
	v37 =	vsel vm9, v37, v25  }
0xbd: {  	v1 =	vsel vm5, v17, v1;
	[tilespmem:$0x690] =	vst v19;
	v25 =	vsel vm0, v63, v31;
	vm10 =	vgt.f32 v24, v37  }
0xbe: {  	v1 =	vsel vm2, v7, v1;
	[tilespmem:$0x700] =	vst v25;
	v17 =	vsel vm10, v24, v37  }
0xbf: {  	v1 =	vsel vm4, v18, v1;
	v18 =	vld [tilespmem:$0x688];
	[tilespmem:$0x710] =	vst v25;
	v17 =	vsel vm14, v38, v17  }
0xc0: {  	v1 =	vsel vm8, v11, v1;
	v38 =	vld [tilespmem:$0x708];
	vm5 =	vgt.f32 v23, v17  }
0xc1: {  	v33 =	vmov v0;
	v0 =	vsel vm9, v43, v1;
	v17 =	vsel vm5, v23, v17  }
0xc2: {  	v0 =	vsel vm10, v12, v0;
	v17 =	vsel vm12, v39, v17  }
0xc3: {  	v0 =	vsel vm14, v61, v0;
	vm6 =	vgt.f32 v22, v17  }
0xc4: {  	vm7 =	veq.f32 v18, v19;
	v0 =	vsel vm5, v13, v0;
	v42 =	vsel vm6, v22, v17  }
0xc5: {  	v0 =	vsel vm12, v3, v0;
	vm8 =	vlt.s32 v38, v25;
	v3 =	vsel vm13, v40, v42  }
0xc6: {  	vm9 =	vgt.f32 v18, v19;
	vm1 =	vmand vm7, vm8;
	vm10 =	vgt.f32 v21, v3  }
0xc7: {  	v0 =	vsel vm6, v62, v0;
	vm12 =	vmor vm9, vm1;
	v3 =	vsel vm10, v21, v3  }
0xc8: {  	v0 =	vsel vm13, v56, v0;
	v21 =	vsel vm12, v38, v25;
	v3 =	vsel vm15, v35, v3  }
0xc9: {  	v0 =	vsel vm10, v15, v0;
	vm0 =	veq.s32 v6, v21;
	v43 =	vsel vm11, v3, v2  }
0xca: {  	v0 =	vsel vm15, v58, v0;
	v1 =	vsel vm0, v43, v5  }
0xcb: {  	v0 =	vsel vm11, v0, v4;
	[tilespmem:$0x680] =	vst v1  }
0xcc: {  	v0 =	vsel vm0, v0, v6;
	[tilespmem:$0x690] =	vst v1  }
0xcd: {  	[tilespmem:$0x700] =	vst v0  }
0xce: {  	[tilespmem:$0x710] =	vst v0;
	v44 =	vld [tilespmem:$0x681]  }
0xcf: {  	v45 =	vld [tilespmem:$0x701];
	_ =	sdelay $0x4  }
0xd0: {  	vm13 =	veq.f32 v44, v1;
	vm14 =	vlt.s32 v45, v0  }
0xd1: {  	vm15 =	vgt.f32 v44, v1;
	vm0 =	vmand vm13, vm14  }
0xd2: {  	vm0 =	vmor vm15, vm0  }
0xd3: {  	v1 =	vsel vm0, v44, v1  }
0xd4: {  	[tilespmem:$0x680] =	vst v1  }
0xd5: {  	v0 =	vsel vm0, v45, v0;
	[tilespmem:$0x690] =	vst v1  }
0xd6: {  	[tilespmem:$0x700] =	vst v0  }
0xd7: {  	[tilespmem:$0x710] =	vst v0;
	v46 =	vld [tilespmem:$0x682]  }
0xd8: {  	v47 =	vld [tilespmem:$0x702];
	_ =	sdelay $0x4  }
0xd9: {  	vm4 =	veq.f32 v46, v1;
	vm5 =	vlt.s32 v47, v0  }
0xda: {  	vm6 =	vgt.f32 v46, v1;
	vm0 =	vmand vm4, vm5  }
0xdb: {  	vm0 =	vmor vm6, vm0  }
0xdc: {  	v1 =	vsel vm0, v46, v1  }
0xdd: {  	[tilespmem:$0x680] =	vst v1  }
0xde: {  	v0 =	vsel vm0, v47, v0;
	[tilespmem:$0x690] =	vst v1  }
0xdf: {  	[tilespmem:$0x700] =	vst v0  }
0xe0: {  	[tilespmem:$0x710] =	vst v0;
	v48 =	vld [tilespmem:$0x684]  }
0xe1: {  	v49 =	vld [tilespmem:$0x704];
	_ =	sdelay $0x2  }
0xe2: {  	v57 =	vld [tilespmem:$0x310]  }
0xe3: {  	v52 =	vld [tilespmem:$0x200]  }
0xe4: {  	v54 =	vld [tilespmem:$0x300];
	vm7 =	veq.f32 v48, v1;
	vm8 =	vlt.s32 v49, v0  }
0xe5: {  	v51 =	vld [tilespmem:$0x100];
	vm9 =	vgt.f32 v48, v1;
	vm0 =	vmand vm7, vm8  }
0xe6: {  	v55 =	vld [tilespmem:$0x400];
	vm0 =	vmor vm9, vm0  }
0xe7: {  	v19 =	vld [tilespmem:$0x210];
	v1 =	vsel vm0, v48, v1  }
0xe8: {  	v56 =	vld [tilespmem:$0x110];
	[tilespmem:$0x680] =	vst v1  }
0xe9: {  	v18 =	vld [tilespmem:$0x500];
	v0 =	vsel vm0, v49, v0;
	[tilespmem:$0x690] =	vst v1  }
0xea: {  	v58 =	vld [tilespmem:$0x410];
	v3 =	vadd.f32 v52, v51;
	[tilespmem:$0x700] =	vst v0  }
0xeb: {  	[tilespmem:$0x710] =	vst v0;
	v50 =	vld [tilespmem:$0x688]  }
0xec: {  	v3 =	vadd.f32 v54, v3;
	v53 =	vld [tilespmem:$0x708]  }
0xed: {  	v4 =	vadd.f32 v19, v56  }
0xee: {  	v3 =	vadd.f32 v55, v3  }
0xef: {  	v59 =	vld [tilespmem:$0x220];
	v4 =	vadd.f32 v57, v4  }
0xf0: {  	v63 =	vlaneseq.u32;
	v61 =	vlaneseq.u32;
	v23 =	vld [tilespmem:$0x510];
	v3 =	vadd.f32 v18, v3  }
0xf1: {  	v4 =	vadd.f32 v58, v4;
	v18 =	vld [tilespmem:$0x120];
	vm10 =	veq.f32 v50, v1;
	vm11 =	vlt.s32 v53, v0  }
0xf2: {  	v39 =	vld [tilespmem:$0x1FEB0];
	v60 =	vadd.f32 $0.0e+00, v3;
	vm12 =	vgt.f32 v50, v1;
	vm0 =	vmand vm10, vm11  }
0xf3: {  	v32 =	vld [tilespmem:$0x320];
	vm13 =	veq.s32 v20, v61;
	vm14 =	veq.s32 v21, v61;
	vm0 =	vmor vm12, vm0  }
0xf4: {  	v36 =	vld [tilespmem:$0x420];
	v2 =	vnsel vm13, $0x0, v60;
	v35 =	vnsel vm14, $0x0, v3;
	v22 =	vsel vm0, v53, v0  }
0xf5: {  	v37 =	vld [tilespmem:$0x520];
	v2 =	vadd.f32 v2, v35;
	vm15 =	veq.s32 v22, v63  }
0xf6: {  	v40 =	vld [tilespmem:$0x230];
	v4 =	vadd.f32 v23, v4;
	v1 =	vadd.f32 v59, v18;
	v3 =	vnsel vm15, $0x0, v3  }
0xf7: {  	v38 =	vld [tilespmem:$0x130];
	vm4 =	veq.s32 v20, v39;
	v2 =	vadd.f32 v2, v3  }
0xf8: {  	v18 =	vnsel vm4, $0x0, v4;
	v0 =	vadd.f32 v32, v1  }
0xf9: {  	v43 =	vld [tilespmem:$0x330];
	vm5 =	veq.s32 v21, v39;
	v42 =	vadd.f32 v18, v2  }
0xfa: {  	v44 =	vld [tilespmem:$0x430];
	v0 =	vadd.f32 v36, v0;
	v18 =	vnsel vm5, $0x0, v4  }
0xfb: {  	v45 =	vld [tilespmem:$0x140];
	vm6 =	veq.s32 v22, v39;
	v1 =	vadd.f32 v42, v18  }
0xfc: {  	v46 =	vld [tilespmem:$0x240];
	v3 =	vadd.f32 v40, v38;
	v0 =	vadd.f32 v37, v0;
	v4 =	vnsel vm6, $0x0, v4  }
0xfd: {  	vm7 =	veq.s32 v20, v14;
	v18 =	vld [tilespmem:$0x530];
	v1 =	vadd.f32 v1, v4  }
0xfe: {  	v2 =	vadd.f32 v43, v3;
	v47 =	vnsel vm7, $0x0, v0  }
0xff: {  	vm8 =	veq.s32 v21, v14;
	v48 =	vld [tilespmem:$0x340];
	v1 =	vadd.f32 v47, v1  }
0x100: {  	v51 =	vld [tilespmem:$0x540];
	v49 =	vnsel vm8, $0x0, v0;
	v2 =	vadd.f32 v44, v2  }
0x101: {  	v50 =	vld [tilespmem:$0x440];
	vm9 =	veq.s32 v22, v14;
	v1 =	vadd.f32 v1, v49  }
0x102: {  	v52 =	vld [tilespmem:$0x150];
	v0 =	vnsel vm9, $0x0, v0;
	v4 =	vadd.f32 v46, v45;
	v2 =	vadd.f32 v18, v2  }
0x103: {  	vm10 =	veq.s32 v20, v16;
	v53 =	vld [tilespmem:$0x250];
	v0 =	vadd.f32 v1, v0  }
0x104: {  	v3 =	vadd.f32 v48, v4;
	v18 =	vnsel vm10, $0x0, v2  }
0x105: {  	v54 =	vld [tilespmem:$0x350];
	vm11 =	veq.s32 v21, v16;
	v0 =	vadd.f32 v18, v0  }
0x106: {  	v56 =	vld [tilespmem:$0x160];
	v3 =	vadd.f32 v50, v3;
	v18 =	vnsel vm11, $0x0, v2  }
0x107: {  	v55 =	vld [tilespmem:$0x450];
	vm12 =	veq.s32 v22, v16;
	v0 =	vadd.f32 v0, v18  }
0x108: {  	v57 =	vld [tilespmem:$0x260];
	v3 =	vadd.f32 v51, v3;
	v1 =	vadd.f32 v53, v52;
	v2 =	vnsel vm12, $0x0, v2  }
0x109: {  	vm13 =	veq.s32 v20, v10;
	v18 =	vld [tilespmem:$0x550];
	v0 =	vadd.f32 v0, v2  }
0x10a: {  	v17 =	vnsel vm13, $0x0, v3;
	v1 =	vadd.f32 v54, v1  }
0x10b: {  	v58 =	vld [tilespmem:$0x360];
	vm14 =	veq.s32 v21, v10;
	v0 =	vadd.f32 v17, v0  }
0x10c: {  	v61 =	vld [tilespmem:$0x560];
	v59 =	vnsel vm14, $0x0, v3;
	v1 =	vadd.f32 v55, v1  }
0x10d: {  	v60 =	vld [tilespmem:$0x460];
	vm15 =	veq.s32 v22, v10;
	v0 =	vadd.f32 v0, v59  }
0x10e: {  	v63 =	vld [tilespmem:$0x170];
	v3 =	vnsel vm15, $0x0, v3;
	v2 =	vadd.f32 v57, v56;
	v1 =	vadd.f32 v18, v1  }
0x10f: {  	vm4 =	veq.s32 v20, v41;
	v10 =	vld [tilespmem:$0x270];
	v0 =	vadd.f32 v0, v3  }
0x110: {  	v2 =	vadd.f32 v58, v2;
	v18 =	vnsel vm4, $0x0, v1  }
0x111: {  	v14 =	vld [tilespmem:$0x370];
	vm5 =	veq.s32 v21, v41;
	v0 =	vadd.f32 v18, v0  }
0x112: {  	v35 =	vld [tilespmem:$0x180];
	v2 =	vadd.f32 v60, v2;
	v18 =	vnsel vm5, $0x0, v1  }
0x113: {  	v32 =	vld [tilespmem:$0x470];
	vm6 =	veq.s32 v22, v41;
	v0 =	vadd.f32 v0, v18  }
0x114: {  	v36 =	vld [tilespmem:$0x280];
	v2 =	vadd.f32 v61, v2;
	v3 =	vadd.f32 v10, v63;
	v1 =	vnsel vm6, $0x0, v1  }
0x115: {  	vm7 =	veq.s32 v20, v34;
	v18 =	vld [tilespmem:$0x570];
	v0 =	vadd.f32 v0, v1  }
0x116: {  	v17 =	vnsel vm7, $0x0, v2;
	v3 =	vadd.f32 v14, v3  }
0x117: {  	v37 =	vld [tilespmem:$0x380];
	vm8 =	veq.s32 v21, v34;
	v0 =	vadd.f32 v17, v0  }
0x118: {  	v39 =	vld [tilespmem:$0x480];
	v38 =	vnsel vm8, $0x0, v2;
	v3 =	vadd.f32 v32, v3  }
0x119: {  	v40 =	vld [tilespmem:$0x580];
	vm9 =	veq.s32 v22, v34;
	v0 =	vadd.f32 v0, v38  }
0x11a: {  	v41 =	vld [tilespmem:$0x190];
	v2 =	vnsel vm9, $0x0, v2;
	v1 =	vadd.f32 v36, v35;
	v3 =	vadd.f32 v18, v3  }
0x11b: {  	v42 =	vld [tilespmem:$0x290];
	vm10 =	veq.s32 v20, v8;
	v0 =	vadd.f32 v0, v2  }
0x11c: {  	v1 =	vadd.f32 v37, v1;
	v18 =	vnsel vm10, $0x0, v3  }
0x11d: {  	v43 =	vld [tilespmem:$0x390];
	vm11 =	veq.s32 v21, v8;
	v0 =	vadd.f32 v18, v0  }
0x11e: {  	v44 =	vld [tilespmem:$0x490];
	v1 =	vadd.f32 v39, v1;
	v18 =	vnsel vm11, $0x0, v3  }
0x11f: {  	v45 =	vld [tilespmem:$0x1A0];
	vm12 =	veq.s32 v22, v8;
	v0 =	vadd.f32 v0, v18  }
0x120: {  	v46 =	vld [tilespmem:$0x2A0];
	v1 =	vadd.f32 v40, v1;
	v2 =	vadd.f32 v42, v41;
	v3 =	vnsel vm12, $0x0, v3  }
0x121: {  	vm13 =	veq.s32 v20, v9;
	v18 =	vld [tilespmem:$0x590];
	v0 =	vadd.f32 v0, v3  }
0x122: {  	v17 =	vnsel vm13, $0x0, v1;
	v2 =	vadd.f32 v43, v2  }
0x123: {  	v47 =	vld [tilespmem:$0x3A0];
	vm14 =	veq.s32 v21, v9;
	v0 =	vadd.f32 v17, v0  }
0x124: {  	v49 =	vld [tilespmem:$0x4A0];
	v48 =	vnsel vm14, $0x0, v1;
	v2 =	vadd.f32 v44, v2  }
0x125: {  	v50 =	vld [tilespmem:$0x5A0];
	vm15 =	veq.s32 v22, v9;
	v0 =	vadd.f32 v0, v48  }
0x126: {  	v51 =	vld [tilespmem:$0x1B0];
	v1 =	vnsel vm15, $0x0, v1;
	v3 =	vadd.f32 v46, v45;
	v2 =	vadd.f32 v18, v2  }
0x127: {  	v52 =	vld [tilespmem:$0x2B0];
	vm4 =	veq.s32 v20, v33;
	v0 =	vadd.f32 v0, v1  }
0x128: {  	v3 =	vadd.f32 v47, v3;
	v18 =	vnsel vm4, $0x0, v2  }
0x129: {  	v53 =	vld [tilespmem:$0x3B0];
	vm5 =	veq.s32 v21, v33;
	v0 =	vadd.f32 v18, v0  }
0x12a: {  	v54 =	vld [tilespmem:$0x4B0];
	v3 =	vadd.f32 v49, v3;
	v18 =	vnsel vm5, $0x0, v2  }
0x12b: {  	v55 =	vld [tilespmem:$0x1C0];
	vm6 =	veq.s32 v22, v33;
	v0 =	vadd.f32 v0, v18  }
0x12c: {  	v29 =	vmovc v7;
	v56 =	vld [tilespmem:$0x2C0];
	v3 =	vadd.f32 v50, v3;
	v1 =	vadd.f32 v52, v51;
	v2 =	vnsel vm6, $0x0, v2  }
0x12d: {  	vm7 =	veq.s32 v20, v29;
	v18 =	vld [tilespmem:$0x5B0];
	v0 =	vadd.f32 v0, v2  }
0x12e: {  	v17 =	vnsel vm7, $0x0, v3;
	v1 =	vadd.f32 v53, v1  }
0x12f: {  	v57 =	vld [tilespmem:$0x3C0];
	vm8 =	veq.s32 v21, v29;
	v0 =	vadd.f32 v17, v0  }
0x130: {  	v59 =	vld [tilespmem:$0x4C0];
	v58 =	vnsel vm8, $0x0, v3;
	v1 =	vadd.f32 v54, v1  }
0x131: {  	v60 =	vld [tilespmem:$0x5C0];
	vm9 =	veq.s32 v22, v29;
	v0 =	vadd.f32 v0, v58  }
0x132: {  	v61 =	vld [tilespmem:$0x1D0];
	v3 =	vnsel vm9, $0x0, v3;
	v2 =	vadd.f32 v56, v55;
	v1 =	vadd.f32 v18, v1  }
0x133: {  	v63 =	vld [tilespmem:$0x2D0];
	vm10 =	veq.s32 v20, v11;
	v0 =	vadd.f32 v0, v3  }
0x134: {  	v2 =	vadd.f32 v57, v2;
	v18 =	vnsel vm10, $0x0, v1  }
0x135: {  	v9 =	vld [tilespmem:$0x3D0];
	vm11 =	veq.s32 v21, v11;
	v0 =	vadd.f32 v18, v0  }
0x136: {  	v10 =	vld [tilespmem:$0x4D0];
	v2 =	vadd.f32 v59, v2;
	v18 =	vnsel vm11, $0x0, v1  }
0x137: {  	v14 =	vld [tilespmem:$0x1E0];
	vm12 =	veq.s32 v22, v11;
	v0 =	vadd.f32 v0, v18  }
0x138: {  	v32 =	vld [tilespmem:$0x2E0];
	v2 =	vadd.f32 v60, v2;
	v3 =	vadd.f32 v63, v61;
	v1 =	vnsel vm12, $0x0, v1  }
0x139: {  	vm13 =	veq.s32 v20, v12;
	v18 =	vld [tilespmem:$0x5D0];
	v0 =	vadd.f32 v0, v1  }
0x13a: {  	v17 =	vnsel vm13, $0x0, v2;
	v3 =	vadd.f32 v9, v3  }
0x13b: {  	v33 =	vld [tilespmem:$0x3E0];
	vm14 =	veq.s32 v21, v12;
	v0 =	vadd.f32 v17, v0  }
0x13c: {  	v35 =	vld [tilespmem:$0x4E0];
	v34 =	vnsel vm14, $0x0, v2;
	v3 =	vadd.f32 v10, v3  }
0x13d: {  	v36 =	vld [tilespmem:$0x5E0];
	vm15 =	veq.s32 v22, v12;
	v0 =	vadd.f32 v0, v34  }
0x13e: {  	v37 =	vld [tilespmem:$0x1F0];
	v2 =	vnsel vm15, $0x0, v2;
	v1 =	vadd.f32 v32, v14;
	v3 =	vadd.f32 v18, v3  }
0x13f: {  	v38 =	vld [tilespmem:$0x2F0];
	vm4 =	veq.s32 v20, v13;
	v0 =	vadd.f32 v0, v2  }
0x140: {  	v1 =	vadd.f32 v33, v1;
	v18 =	vnsel vm4, $0x0, v3  }
0x141: {  	v39 =	vld [tilespmem:$0x3F0];
	vm5 =	veq.s32 v21, v13;
	v0 =	vadd.f32 v18, v0  }
0x142: {  	v1 =	vadd.f32 v35, v1;
	v18 =	vnsel vm5, $0x0, v3  }
0x143: {  	v40 =	vld [tilespmem:$0x4F0];
	vm6 =	veq.s32 v22, v13;
	v0 =	vadd.f32 v0, v18  }
0x144: {  	v1 =	vadd.f32 v36, v1;
	v2 =	vadd.f32 v38, v37;
	v3 =	vnsel vm6, $0x0, v3  }
0x145: {  	v41 =	vld [tilespmem:$0x5F0];
	vm7 =	veq.s32 v20, v62;
	v0 =	vadd.f32 v0, v3  }
0x146: {  	v42 =	vnsel vm7, $0x0, v1;
	v2 =	vadd.f32 v39, v2  }
0x147: {  	vm8 =	veq.s32 v21, v62;
	v0 =	vadd.f32 v42, v0  }
0x148: {  	v45 =	vld [tilespmem:$0x1FF70];
	v43 =	vnsel vm8, $0x0, v1;
	v2 =	vadd.f32 v40, v2  }
0x149: {  	v46 =	vld [tilespmem:$0x1FFB0];
	vm9 =	veq.s32 v22, v62;
	v0 =	vadd.f32 v0, v43  }
0x14a: {  	v1 =	vnsel vm9, $0x0, v1;
	v2 =	vadd.f32 v41, v2  }
0x14b: {  	vm10 =	veq.s32 v20, v15;
	v0 =	vadd.f32 v0, v1  }
0x14c: {  	v48 =	vld [tilespmem:$0x1FEA0];
	v44 =	vnsel vm10, $0x0, v2  }
0x14d: {  	vm12 =	veq.s32 v21, v15;
	v0 =	vadd.f32 v44, v0  }
0x14e: {  	vm11 =	vnez.u8 v45;
	vm13 =	vnez.u8 v46;
	v47 =	vnsel vm12, $0x0, v2  }
0x14f: {  	vm14 =	veq.s32 v22, v15;
	v3 =	vsel vm11, v22, v21;
	v0 =	vadd.f32 v0, v47  }
0x150: {  	v50 =	vld [tilespmem:$0x1FFC0];
	v2 =	vnsel vm14, $0x0, v2;
	v1 =	vsel vm13, v20, v3  }
0x151: {  	v4 =	vadd.s32 v48, v1;
	v0 =	vadd.f32 v0, v2  }
0x152: {  	v51 =	vld [tilespmem:$0x1FFD0];
	v49 =	vshll.u32 v4, $0x3  }
0x153: {  	v1 =	vand.u32 $0x7, v1;
	v3 =	vand.u32 $0xFFFFFFC0, v49;
	[tilespmem:$0x4800] =	vst v0  }
0x154: {  	v1 =	vor.u32 v1, v3;
	[hbm4b:s6+s3] =	stream.linear.scatter [tilespmem:s14], [sflag:$0x2], $0x10, $0x38;
	[tilespmem:$0x4880] =	vst v63  }
0x155: {  	v2 =	vperm.xlane v1, v50;
	_ =	swait.ge [sflag:s12], $0x10  }
0x156: {  	v53 =	vld [tilespmem:$0x1FFE0]  }
0x157: {  	v52 =	vadd.s32 v51, v2  }
0x158: {  	v54 =	vld [tilespmem:$0x1FFF0]  }
0x159: {  	[sflag:s12] =	ssyncset.done $0x0  }
0x15a: {  	[sflag:s12] =	ssyncadd.s32 $0xFFFFFFF0  }
0x15b: {  	[tilespmem:$0x600] =	vst v4;
	vm15 =	vnez.u8 v53  }
0x15c: {  	[tilespmem:s15], [sflag:$0x1] =	stream.indirect_vreg.gather [hbm4b:s2+s3], $0x80, v52, vm15, $0xb8;
	[tilespmem:$0x4880] =	vst v63  }
0x15d: {  	v1 =	vperm.xlane v1, v54  }
0x15e: {  	[tilespmem:s16], [sflag:$0x1] =	stream.indirect_vreg.gather [hbm4b:s7+s3], $0x80, v52, vm15, $0xb8;
	[tilespmem:$0x4880] =	vst v63  }
0x15f: {  	v1 =	vadd.s32 v51, v1  }
0x160: {  	[tilespmem:s17], [sflag:$0x1] =	stream.indirect_vreg.gather [hbm4b:s8+s3], $0x80, v52, vm15, $0xb8;
	[tilespmem:$0x4880] =	vst v63  }
0x161: {  	_ = 	snop  }
0x162: {  	[tilespmem:s18], [sflag:$0x1] =	stream.indirect_vreg.gather [hbm4b:s9+s3], $0x80, v52, vm15, $0xb8;
	[tilespmem:$0x4880] =	vst v63  }
0x163: {  	_ = 	snop  }
0x164: {  	[tilespmem:s19], [sflag:$0x1] =	stream.indirect_vreg.gather [hbm4b:s2+s3], $0x80, v1, vm15, $0xb8;
	[tilespmem:$0x4880] =	vst v63  }
0x165: {  	_ = 	snop  }
0x166: {  	[tilespmem:s20], [sflag:$0x1] =	stream.indirect_vreg.gather [hbm4b:s7+s3], $0x80, v1, vm15, $0xb8;
	[tilespmem:$0x4880] =	vst v63  }
0x167: {  	_ = 	snop  }
0x168: {  	[tilespmem:s21], [sflag:$0x1] =	stream.indirect_vreg.gather [hbm4b:s8+s3], $0x80, v1, vm15, $0xb8;
	[tilespmem:$0x4880] =	vst v63  }
0x169: {  	_ = 	snop  }
0x16a: {  	[tilespmem:s22], [sflag:$0x1] =	stream.indirect_vreg.gather [hbm4b:s9+s3], $0x80, v1, vm15, $0xb8;
	[tilespmem:$0x4880] =	vst v63  }
0x16b: {  	_ =	swait.ge [sflag:s23], $0x4000  }
0x16c: {  	s26 =	sand.u32 $0x70, s3;
	s28 =	sand.u32 $0x1C00, s3;
	[sflag:s23] =	ssyncset.done $0x0  }
0x16d: {  	s31 =	sor.u32 s26, s28;
	[sflag:s23] =	ssyncadd.s32 $0xFFFFC000  }
0x16e: {  	v55 =	vld [tilespmem:s31+$0x2980]  }
0x16f: {  	v56 =	vld [tilespmem:s31+$0x2A00]  }
0x170: {  	v57 =	vld [tilespmem:s31+$0x780]  }
0x171: {  	v58 =	vld [tilespmem:s31+$0x2A80]  }
0x172: {  	v59 =	vld [tilespmem:s31+$0x800]  }
0x173: {  	v60 =	vld [tilespmem:s31+$0x900]  }
0x174: {  	s1 =	sor.u32 s3, s3;
	v61 =	vld [tilespmem:s31+$0x980]  }
0x175: {  	s26 =	sor.u32 $0x380, s1;
	v62 =	vld [tilespmem:s31+$0xA80]  }
0x176: {  	v63 =	vld [tilespmem:s26+$0x780];
	v0 =	vadd.f32 v56, v55  }
0x177: {  	v25 =	vld [tilespmem:s31+$0x2800]  }
0x178: {  	v26 =	vld [tilespmem:s31+$0x2880];
	v0 =	vadd.f32 v58, v0  }
0x179: {  	v29 =	vld [tilespmem:s31+$0x880]  }
0x17a: {  	s1 =	simm.s32 $0x10;
	s28 =	simm.s32 $0x80;
	v24 =	vimm.f32 $0.0e+00;
	v23 =	vimm.f32 $0.0e+00;
	v30 =	vld [tilespmem:s31+$0xA00];
	v0 =	vmul.f32 v0, v0  }
0x17b: {  	s29 =	sand.u32 $0x70, s1;
	s30 =	sand.u32 $0x1C00, s28;
	s1 =	sor.u32 s28, s1;
	v22 =	vimm.f32 $0.0e+00;
	v32 =	vld [tilespmem:s31+$0x2780];
	v27 =	vadd.f32 v59, v57;
	v28 =	vadd.f32 v61, v60  }
0x17c: {  	v21 =	vimm.f32 $0.0e+00;
	s26 =	sor.u32 s29, s30;
	s30 =	sor.u32 $0x380, s1;
	s29 =	simm.s32 $0x20;
	v33 =	vld [tilespmem:s31+$0x2900];
	v31 =	vadd.f32 v63, v62;
	v20 =	vadd.f32 v0, v22  }
.LBB2_2:
0x17d: {  	p0 =	sne.s32 s29, $0x3F0;
	v0 =	vld [tilespmem:s26+$0x2980];
	v1 =	vadd.f32 v26, v25  }
0x17e: {  	v2 =	vld [tilespmem:s26+$0x2A00];
	v3 =	vadd.f32 v29, v27  }
0x17f: {  	v4 =	vld [tilespmem:s26+$0x780];
	v5 =	vadd.f32 v30, v28  }
0x180: {  	v6 =	vld [tilespmem:s26+$0x2A80];
	v3 =	vmul.f32 v3, v3;
	v17 =	vadd.f32 v32, v31  }
0x181: {  	v18 =	vld [tilespmem:s26+$0x800];
	v5 =	vmul.f32 v5, v5;
	v1 =	vadd.f32 v33, v1  }
0x182: {  	v19 =	vld [tilespmem:s26+$0x900];
	v22 =	vadd.f32 v3, v22;
	v3 =	vmul.f32 v17, v17  }
0x183: {  	v17 =	vld [tilespmem:s26+$0x980];
	v0 =	vadd.f32 v2, v0;
	v24 =	vadd.f32 v5, v24;
	v1 =	vmul.f32 v1, v1  }
0x184: {  	v2 =	vld [tilespmem:s26+$0xA80];
	v23 =	vadd.f32 v3, v23  }
0x185: {  	v3 =	vld [tilespmem:s30+$0x780];
	v0 =	vadd.f32 v6, v0;
	v21 =	vadd.f32 v1, v21  }
0x186: {  	v27 =	vadd.f32 v18, v4;
	v25 =	vld [tilespmem:s26+$0x2800]  }
.Ltmp0:
0x187: {  	v26 =	vld [tilespmem:s26+$0x2880];
	v0 =	vmul.f32 v0, v0;
	(pc) =	sbr.rel @p0 .LBB2_2-.Ltmp0, $4  }
0x188: {  	v29 =	vld [tilespmem:s26+$0x880];
	v28 =	vadd.f32 v17, v19  }
0x189: {  	s28 =	sadd.s32 $0x80, s28;
	v30 =	vld [tilespmem:s26+$0xA00];
	v20 =	vadd.f32 v0, v20  }
0x18a: {  	s1 =	sand.u32 $0x70, s29;
	s31 =	sand.u32 $0x1C00, s28;
	s30 =	sor.u32 s28, s29;
	v31 =	vadd.f32 v3, v2;
	v32 =	vld [tilespmem:s26+$0x2780]  }
0x18b: {  	s29 =	sadd.s32 $0x10, s29;
	s30 =	sor.u32 $0x380, s30;
	v33 =	vld [tilespmem:s26+$0x2900];
	s26 =	sor.u32 s1, s31  }
0x18c: {  	v0 =	vld [tilespmem:s26+$0x2980]  }
0x18d: {  	v1 =	vld [tilespmem:s26+$0x2A00]  }
0x18e: {  	v2 =	vld [tilespmem:s26+$0x780]  }
0x18f: {  	v3 =	vld [tilespmem:s26+$0x800]  }
0x190: {  	v4 =	vld [tilespmem:s26+$0x900]  }
0x191: {  	v5 =	vld [tilespmem:s26+$0x980]  }
0x192: {  	v6 =	vld [tilespmem:s26+$0xA80]  }
0x193: {  	v17 =	vld [tilespmem:s30+$0x780]  }
0x194: {  	v19 =	vld [tilespmem:s26+$0x2800];
	v18 =	vadd.f32 v29, v27  }
0x195: {  	v47 =	vld [tilespmem:s26+$0x2880]  }
0x196: {  	v25 =	vadd.f32 v26, v25;
	v49 =	vld [tilespmem:s26+$0x880];
	v18 =	vmul.f32 v18, v18  }
0x197: {  	v51 =	vld [tilespmem:s26+$0xA00];
	v48 =	vadd.f32 v30, v28;
	v50 =	vadd.f32 v32, v31  }
0x198: {  	v52 =	vld [tilespmem:s26+$0x2780];
	v25 =	vadd.f32 v33, v25;
	v18 =	vadd.f32 v18, v22  }
0x199: {  	v54 =	vld [tilespmem:s26+$0x2900];
	v0 =	vadd.f32 v1, v0;
	v53 =	vadd.f32 v3, v2  }
0x19a: {  	v56 =	vld [tilespmem:s26+$0x2A80];
	v26 =	vmul.f32 v48, v48;
	v4 =	vadd.f32 v5, v4;
	v6 =	vadd.f32 v17, v6  }
0x19b: {  	v57 =	vadd.f32 v47, v19;
	v1 =	vadd.f32 v49, v53  }
0x19c: {  	v58 =	vmul.f32 v50, v50;
	v55 =	vadd.f32 v26, v24;
	v4 =	vadd.f32 v51, v4  }
0x19d: {  	v59 =	vmul.f32 v25, v25;
	v6 =	vadd.f32 v52, v6;
	v1 =	vmul.f32 v1, v1  }
0x19e: {  	v19 =	vadd.f32 v58, v23;
	v2 =	vadd.f32 v54, v57;
	v4 =	vmul.f32 v4, v4  }
0x19f: {  	v0 =	vadd.f32 v56, v0;
	v60 =	vmul.f32 v6, v6;
	v1 =	vadd.f32 v1, v18  }
0x1a0: {  	v61 =	vadd.f32 v59, v21;
	v2 =	vmul.f32 v2, v2;
	v3 =	vadd.f32 v4, v55  }
0x1a1: {  	v0 =	vmul.f32 v0, v0;
	v62 =	vadd.f32 v60, v19;
	[tilespmem:$0x4780] =	vst v1  }
0x1a2: {  	v63 =	vadd.f32 v2, v61;
	[tilespmem:$0x4790] =	vst v3  }
0x1a3: {  	s25 =	sadd.s32 $0x1, s25;
	v0 =	vadd.f32 v0, v20;
	[tilespmem:$0x47A0] =	vst v62  }
0x1a4: {  	p0 =	sne.s32 s25, s11;
	[tilespmem:$0x47B0] =	vst v63  }
.Ltmp1:
0x1a5: {  	[tilespmem:$0x47C0] =	vst v0;
	(pc) =	sbr.rel @p0 .LBB2_1-.Ltmp1, $4  }
0x1a6: {  	[hbm4b:s10+s3] =	stream.linear.scatter [tilespmem:s24], [sflag:$0x2], $0x50, $0x38;
	[tilespmem:$0x4880] =	vst v63  }
0x1a7: {  	_ =	swait.ge [sflag:s12], $0x50  }
0x1a8: {  	[sflag:s12] =	ssyncset.done $0x0  }
0x1a9: {  	[sflag:s12] =	ssyncadd.s32 $0xFFFFFFB0  }
0x1aa: {  	_ =	sfence.sel $0x180000  }
0x1ab: {  	[bflag:$0x0] =	sbarrier.arrive $0xFFFF  }
0x1ac: {  	_ =	strace $0x9000004A  }
0x1ad: {  	[bflag:$0x2] =	sbarrier.arrive $0xFFFF  }
0x1ae: {  	p0 =	sne.s32 s0, $0x0;
	s0 =	rddreg [dreg:$0x3]  }
0x1af: {  	s0 =	sadd.s32 @!p0 $0x100000, s0  }
0x1b0: {  	[sflag:s0] =	ssyncadd.tile.s32 @!p0 $0x1;
	_ =	shalt  }
.Lfunc_end2:
_tile_overlayer_lowered:
.L_overlay_start_2:
0x1b1: {  	(tag) =	ssettag $0x2  }
0x1b2: {  	s0 =	rddreg [dreg:$0x0];
	s2 =	stileid.u32  }
0x1b3: {  	s1 =	rddreg [dreg:$0x1];
	p0 =	sne.s32 s2, $0x0  }
0x1b4: {  	s3 =	rddreg [dreg:$0x2];
	[bflag:$0x3] =	sbarrier.arrive $0xFFFF;
	s2 =	simm.s32 @!p0 $0x1C02  }
0x1b5: {  	[timem:s3], [sflag:s2] =	dma.local @!p0 [hbm:s0], s1  }
0x1b6: {  	s0 =	simm.s32 @!p0 $0x2  }
0x1b7: {  	_ =	swait.ge @!p0 [sflag:s0], s1  }
0x1b8: {  	s1 =	ssub.s32 @!p0 $0x0, s1;
	[sflag:s0] =	ssyncset.done @!p0 $0x0  }
0x1b9: {  	[sflag:s0] =	ssyncadd.s32 @!p0 s1  }
0x1ba: {  	[bflag:$0x3] =	sbarrier.arrive $0xFFFF  }
0x1bb: {  	_ =	shalt  }

// kernel: kernel.7.cloned.1.call-start
scs
__scs_entry_jumppad:
0x0: {  	(pc) =	sbr.rel $0x88, $3  }
0x1: {  	(tag) =	ssettag $0x0;
	lr =	simm.s32 $0x1  }
0x2: {  	[smem:$0x3F9E] =	sst lr;
	_ =	strace $0xD0000000  }
0x3: {  	_ = 	snop  }
0x4: {  	_ = 	snop  }
0x5: {  	_ = 	snop  }
0x6: {  	_ = 	snop  }
0x7: {  	_ = 	snop  }
__scs_overlays_trampoline_lowered:
0x8: {  	[smem:$0x3FAD] =	sst s0  }
0x9: {  	[smem:$0x3FAE] =	sst s1  }
0xa: {  	[smem:$0x3FAF] =	sst s2  }
0xb: {  	[smem:$0x3FB0] =	sst s3  }
0xc: {  	[smem:$0x3FB1] =	sst s4  }
0xd: {  	[smem:$0x3FB2] =	sst s5  }
0xe: {  	[smem:$0x3FB3] =	sst s6  }
0xf: {  	[smem:$0x3FB4] =	sst s7  }
0x10: {  	[smem:$0x3FB5] =	sst s8  }
0x11: {  	[smem:$0x3FB6] =	sst s9;
	s0 =	simm.s32 @!p0 $0x0  }
0x12: {  	s1 =	sld [smem:$0x3F9C];
	s0 =	simm.s32 @p0 $0x1  }
0x13: {  	[smem:$0x3FB7] =	sst s0;
	s0 =	simm.s32 @!p1 $0x0  }
0x14: {  	s2 =	sld [smem:$0x3F9B];
	s0 =	simm.s32 @p1 $0x1  }
0x15: {  	[smem:$0x3FB8] =	sst s0;
	s0 =	simm.s32 @!p2 $0x0  }
0x16: {  	s3 =	sld [smem:$0x3FDB];
	s0 =	simm.s32 @p2 $0x1  }
0x17: {  	s4 =	simm.s32 $0x1BF5;
	[smem:$0x3FBA] =	sst s0  }
0x18: {  	s0 =	sld [smem:$0x3F9D];
	_ =	swait.ge [sflag:s4], $0x0  }
0x19: {  	s7 =	sld [smem:$0x3F9E]  }
0x1a: {  	s8 =	sadd.s32 $0xFFFFE003, lr  }
0x1b: {  	s9 =	sadd.s32 $0xFFFFFEF7, lr;
	s5 =	simm.s32 $0xFFFFFFFF;
	p2 =	slt.u32 s8, $0xFFFFF086  }
0x1c: {  	p1 =	slt.u32 s9, $0xF7A;
	s5 =	simm.s32 @!p2 $0x0  }
0x1d: {  	s5 =	simm.s32 @p1 $0x1;
	p0 =	seq.s32 s7, s2  }
0x1e: {  	s7 =	smul.u32 @!p0 $0xF7A, s2;
	p2 =	seq.s32 @!p0 s5, $0x0  }
0x1f: {  	s9 =	smul.u32 $0xF7A, s1;
	s8 =	simm.s32 @!p0 $0x1BF5;
	p2 =	por !p2, p0  }
0x20: {  	[sflag:s8] =	ssyncset.s32 @!p0 $0xFFFFF086;
	s6 =	sadd.s32 @!p0 s3, s7;
	s7 =	simm.s32 @!p0 $0x108  }
0x21: {  	s3 =	sadd.s32 s3, s9;
	s6 =	sadd.s32 @!p0 $0x88, s6;
	s7 =	simm.s32 @p2 $0x1082  }
0x22: {  	[simem:s7], [sflag:s8] =	dma.local @!p0 [hbm:s6], $0xF7A  }
0x23: {  	s9 =	sor.u32 $0xD0000000, s2;
	s6 =	simm.s32 $0x108;
	_ =	swait.ge @!p0 [sflag:s8], $0x0  }
0x24: {  	s3 =	sadd.s32 $0x88, s3;
	s6 =	simm.s32 @!p1 $0x1082;
	[sflag:s4] =	ssyncset.s32 $0xFFFFF086  }
0x25: {  	[simem:s6], [sflag:s4] =	dma.local [hbm:s3], $0xF7A  }
0x26: {  	[smem:$0x3F9E] =	sst s1;
	(tag) =	ssettag s2;
	_ =	strace s9  }
0x27: {  	s1 =	sld [smem:$0x3FAE]  }
0x28: {  	s2 =	sld [smem:$0x3FAF]  }
0x29: {  	s4 =	sld [smem:$0x3FB1]  }
0x2a: {  	p0 =	seq.s32 s5, $0x0;
	s5 =	sld [smem:$0x3FB2]  }
0x2b: {  	s6 =	sld [smem:$0x3FB3]  }
0x2c: {  	s7 =	sld [smem:$0x3FB4]  }
0x2d: {  	s3 =	simm.s32 $0x108;
	s8 =	sld [smem:$0x3FB5]  }
0x2e: {  	s3 =	simm.s32 @!p0 $0x1082;
	s9 =	sld [smem:$0x3FB6]  }
0x2f: {  	lr =	sadd.s32 s0, s3;
	s0 =	sld [smem:$0x3FAD]  }
0x30: {  	s3 =	sld [smem:$0x3FB0]  }
0x31: {  	[smem:$0x3FB9] =	sst s10  }
0x32: {  	s10 =	sld [smem:$0x3FB7];
	_ =	sdelay $0x3  }
0x33: {  	p0 =	seq.s32 s10, $0x1;
	s10 =	sld [smem:$0x3FB9];
	_ =	sdelay $0x3  }
0x34: {  	[smem:$0x3FB9] =	sst s10  }
0x35: {  	s10 =	sld [smem:$0x3FB8];
	_ =	sdelay $0x3  }
0x36: {  	p1 =	seq.s32 s10, $0x1;
	s10 =	sld [smem:$0x3FB9];
	_ =	sdelay $0x3  }
0x37: {  	[smem:$0x3FB9] =	sst s10  }
0x38: {  	s10 =	sld [smem:$0x3FBA]  }
0x39: {  	_ = 	snop;
	(pc) =	sbr.ind lr, $3  }
0x3a: {  	_ = 	snop  }
0x3b: {  	_ = 	snop  }
0x3c: {  	p2 =	seq.s32 s10, $0x1;
	s10 =	sld [smem:$0x3FB9]  }
0x3d: {  	_ =	shalt  }
0x3e: {  	_ =	shalt  }
0x3f: {  	_ =	shalt  }
0x40: {  	_ =	shalt  }
0x41: {  	_ =	shalt  }
0x42: {  	_ =	shalt  }
0x43: {  	_ =	shalt  }
0x44: {  	_ =	shalt  }
0x45: {  	_ =	shalt  }
0x46: {  	_ =	shalt  }
0x47: {  	_ =	shalt  }
0x48: {  	_ =	shalt  }
0x49: {  	_ =	shalt  }
0x4a: {  	_ =	shalt  }
0x4b: {  	_ =	shalt  }
0x4c: {  	_ =	shalt  }
0x4d: {  	_ =	shalt  }
0x4e: {  	_ =	shalt  }
0x4f: {  	_ =	shalt  }
0x50: {  	_ =	shalt  }
0x51: {  	_ =	shalt  }
0x52: {  	_ =	shalt  }
0x53: {  	_ =	shalt  }
0x54: {  	_ =	shalt  }
0x55: {  	_ =	shalt  }
0x56: {  	_ =	shalt  }
0x57: {  	_ =	shalt  }
0x58: {  	_ =	shalt  }
0x59: {  	_ =	shalt  }
0x5a: {  	_ =	shalt  }
0x5b: {  	_ =	shalt  }
0x5c: {  	_ =	shalt  }
0x5d: {  	_ =	shalt  }
0x5e: {  	_ =	shalt  }
0x5f: {  	_ =	shalt  }
0x60: {  	_ =	shalt  }
0x61: {  	_ =	shalt  }
0x62: {  	_ =	shalt  }
0x63: {  	_ =	shalt  }
0x64: {  	_ =	shalt  }
0x65: {  	_ =	shalt  }
0x66: {  	_ =	shalt  }
0x67: {  	_ =	shalt  }
0x68: {  	_ =	shalt  }
0x69: {  	_ =	shalt  }
0x6a: {  	_ =	shalt  }
0x6b: {  	_ =	shalt  }
0x6c: {  	_ =	shalt  }
0x6d: {  	_ =	shalt  }
0x6e: {  	_ =	shalt  }
0x6f: {  	_ =	shalt  }
0x70: {  	_ =	shalt  }
0x71: {  	_ =	shalt  }
0x72: {  	_ =	shalt  }
0x73: {  	_ =	shalt  }
0x74: {  	_ =	shalt  }
0x75: {  	_ =	shalt  }
0x76: {  	_ =	shalt  }
0x77: {  	_ =	shalt  }
0x78: {  	_ =	shalt  }
0x79: {  	_ =	shalt  }
0x7a: {  	_ =	shalt  }
0x7b: {  	_ =	shalt  }
0x7c: {  	_ =	shalt  }
0x7d: {  	_ =	shalt  }
0x7e: {  	_ =	shalt  }
0x7f: {  	_ =	shalt  }
0x80: {  	_ =	shalt  }
0x81: {  	_ =	shalt  }
0x82: {  	_ =	shalt  }
0x83: {  	_ =	shalt  }
0x84: {  	_ =	shalt  }
0x85: {  	_ =	shalt  }
0x86: {  	_ =	shalt  }
0x87: {  	_ =	shalt  }
.Lfunc_end0:
.L_simem_size_0:
called_computation_lowered:
.L_overlay_start_0:
0x88: {  	s2 =	sld [smem:$0x3FD9]  }
0x89: {  	s3 =	sld [smem:$0x3FFE];
	_ =	sdelay $0x1  }
0x8a: {  	s1 =	srdreg.scid  }
0x8b: {  	s0 =	sand.u32 $0x1, s1  }
0x8c: {  	s17 =	sshll.u32 s0, $0xA;
	s2 =	sadd.s32 s3, s2  }
0x8d: {  	s2 =	sadd.s32 s2, s17  }
0x8e: {  	[smem:$0x3FC5] =	sst s2  }
0x8f: {  	_ = 	snop  }
0x90: {  	s2 =	sld [smem:$0x3FC9]  }
0x91: {  	s18 =	sld [smem:$0x3FC8];
	(tm) =	ssettm $0x1  }
0x92: {  	s4 =	sld [smem:$0x3FFB];
	_ =	sdelay $0x3  }
0x93: {  	_ =	strace s4  }
0x94: {  	s4 =	sld [smem:$0x3FFC];
	_ =	sdelay $0x3  }
0x95: {  	_ =	strace s4  }
0x96: {  	s4 =	sld [smem:$0x3FFD];
	_ =	sdelay $0x3  }
0x97: {  	_ =	strace s4  }
0x98: {  	_ =	strace $0x8FFFFFFF  }
0x99: {  	s19 =	sld [smem:$0x3FDB];
	_ =	sdelay $0x1  }
0x9a: {  	s5 =	simm.s32 $_scs_section_size  }
0x9b: {  	s6 =	simm.s32 $_size__tile_overlayer_lowered;
	s7 =	simm.s32 $_tile_overlayer_lowered  }
0x9c: {  	s22 =	simm.s32 $0x1BFF;
	s21 =	sshll.u32 s7, $0x1;
	s4 =	sadd.s32 s5, s19  }
0x9d: {  	s8 =	simm.s32 $0x0;
	s20 =	sshll.u32 s6, $0x1;
	s6 =	sadd.s32 s21, s4  }
0x9e: {  	[timem:s8], [sflag:s22] =	dma.local [hbm:s6], s20  }
0x9f: {  	_ =	swait.ge [sflag:s22], s20  }
0xa0: {  	s5 =	ssub.s32 $0x0, s20;
	[sflag:s22] =	ssyncset.done $0x0  }
0xa1: {  	[sflag:s22] =	ssyncadd.s32 s5;
	_ =	sdelay $0x1  }
0xa2: {  	s23 =	simm.s32 $0x1B8B  }
0xa3: {  	_ =	swait.ge [sflag:s23], $0x1  }
0xa4: {  	[sflag:s23] =	ssyncset.done $0x0  }
0xa5: {  	s25 =	simm.s32 $0x1B8E;
	s24 =	sld [smem:$0x3FFE];
	[sflag:s23] =	ssyncadd.s32 $0xFFFFFFFF  }
0xa6: {  	s26 =	simm.s32 $execute0_lowered;
	[smem:$0x3FD2] =	sst s25  }
0xa7: {  	s6 =	sshll.u32 s26, $0x1;
	_ =	strace $0x80000046;
	[dreg:$0x1] =	wrdreg $0xFFFFFFFF  }
0xa8: {  	s28 =	simm.s32 $_size_execute0_lowered;
	s4 =	sadd.s32 s4, s6;
	[dreg:$0x0] =	wrdreg $0x0  }
0xa9: {  	s6 =	sshll.u32 s28, $0x1;
	[dreg:$0x2] =	wrdreg s4  }
0xaa: {  	[dreg:$0x3] =	wrdreg s6  }
0xab: {  	[dreg:$0x4] =	wrdreg $0xC0  }
0xac: {  	_ =	task [dreg:s8], $0x5FFFF  }
0xad: {  	[dreg:$0x1] =	wrdreg $0xFFFFFFFF  }
0xae: {  	[dreg:$0x0] =	wrdreg $0x60  }
0xaf: {  	[dreg:$0x2] =	wrdreg s24  }
0xb0: {  	[dreg:$0x3] =	wrdreg s18  }
0xb1: {  	[dreg:$0x4] =	wrdreg s2  }
0xb2: {  	[dreg:$0x5] =	wrdreg $0x9  }
0xb3: {  	_ =	task.clear_ibuf [dreg:s8], $0x6FFFF;
	_ =	strace $0x90000046  }
0xb4: {  	s29 =	simm.s32 $0x9;
	_ =	strace $0x80000048  }
0xb5: {  	_ =	swait.ge [sflag:s29], $0x1  }
0xb6: {  	[sflag:s29] =	ssyncadd.s32 $0xFFFFFFFF  }
0xb7: {  	_ =	strace $0x90000048  }
0xb8: {  	_ =	sfence  }
0xb9: {  	s30 =	sld [smem:$0x0];
	_ =	sdelay $0x2  }
0xba: {  	s31 =	sshll.u32 s1, $0xD;
	s1 =	sshrl.u32 s1, $0x2  }
0xbb: {  	s3 =	sand.u32 $0x4000, s31;
	s1 =	sadd.s32 s1, s30  }
0xbc: {  	s0 =	sor.u32 s3, s0;
	s1 =	sshll.u32 s1, $0x11  }
0xbd: {  	s0 =	sor.u32 s1, s0  }
0xbe: {  	s0 =	sadd.s32 $0x8F2B, s0  }
0xbf: {  	[sflag:s0] =	ssyncadd.remote.s32 $0x1  }
0xc0: {  	_ =	sfence.sel $0xFFFF  }
0xc1: {  	[dreg:$0x0] =	wrdreg $0xFFFFFFFF;
	(pc) =	sbr.abs _section_cstart, $3  }
0xc2: {  	[dreg:$0x1] =	wrdreg $0xFFFFFFFF  }
0xc3: {  	_ =	task.clear_ibuf [dreg:s8], $0x2FFFF;
	_ =	strace $0x9FFFFFFF  }
0xc4: {  	(tm) =	ssettm $0x7FFFFFFF  }
0xc5: {  	_ =	shalt  }
tec
execute0_lowered:
.L_overlay_start_1:
0x0: {  	(tag) =	ssettag $0x1  }
0x1: {  	s1 =	srdreg.scid;
	s0 =	stileid.u32  }
0x2: {  	v0 =	vimm.s32 $0x400;
	v43 =	vlaneseq.u32;
	s4 =	sand.u32 $0x1, s1;
	s30 =	sshll.u32 s0, $0x1  }
0x3: {  	vm0 =	vcmask $0xB00;
	vm15 =	vcmask $0x170C;
	v44 =	vor.u32 $0x10, v43;
	s5 =	sor.u32 s4, s30  }
0x4: {  	vm4 =	vcmask $0x2318;
	v0 =	vsel vm0, $0x0, v0;
	v45 =	vor.u32 $0x20, v43;
	[tilespmem:$0x1FEB0] =	vst v44;
	s1 =	smul.u32 $0x5, s5  }
0x5: {  	vm5 =	vcmask $0x2F24;
	v46 =	vor.u32 $0x30, v43;
	v0 =	vsel vm15, $0x100, v0;
	[tilespmem:$0x1FEC0] =	vst v45  }
0x6: {  	v47 =	vor.u32 $0x40, v43;
	[tilespmem:$0x1FED0] =	vst v46;
	v0 =	vsel vm4, $0x200, v0;
	v1 =	vmov s1  }
0x7: {  	s6 =	rddreg [dreg:$0x0];
	v48 =	vor.u32 $0x50, v43;
	[tilespmem:$0x1FEE0] =	vst v47;
	v2 =	vsel vm5, $0x300, v0;
	v1 =	vshll.u32 v1, $0x8  }
0x8: {  	s7 =	rddreg [dreg:$0x1];
	s3 =	simm.s32 $0x0;
	[tilespmem:$0x1FEF0] =	vst v48;
	v1 =	vadd.s32 v2, v1  }
0x9: {  	[smem:$0x7FF] =	sst s3;
	v49 =	vor.u32 $0x60, v43;
	[tilespmem:$0x1FEA0] =	vst v1  }
0xa: {  	s2 =	rddreg [dreg:$0x2];
	v50 =	vor.u32 $0x70, v43;
	_ =	strace $0x80000047;
	[tilespmem:$0x1FF00] =	vst v49  }
0xb: {  	vm6 =	vcmask $0x1714;
	vm1 =	vcmask $0xB08;
	v51 =	vor.u32 $0x80, v43;
	[tilespmem:$0x1FF10] =	vst v50  }
0xc: {  	vm7 =	vcmask $0x2320;
	v52 =	vor.u32 $0x90, v43;
	vm0 =	vmor vm1, vm6;
	[tilespmem:$0x1FF20] =	vst v51  }
0xd: {  	vm8 =	vcmask $0x2F2C;
	v53 =	vor.u32 $0xA0, v43;
	vm0 =	vmor vm0, vm7;
	[tilespmem:$0x1FF30] =	vst v52  }
0xe: {  	vm9 =	vcmask $0x3F38;
	v54 =	vor.u32 $0xB0, v43;
	vm0 =	vmor vm0, vm8;
	[tilespmem:$0x1FF40] =	vst v53  }
0xf: {  	v56 =	vimm.s32 $0x0;
	s12 =	simm.s32 $0x2;
	s13 =	simm.s32 $0x100;
	v55 =	vor.u32 $0xC0, v43;
	vm0 =	vmor vm0, vm9;
	[tilespmem:$0x1FF50] =	vst v54  }
0x10: {  	vm10 =	vcmask $0xF0C;
	vm11 =	vcmask $0x300;
	s14 =	simm.s32 $0x4800;
	s15 =	simm.s32 $0x780;
	s16 =	simm.s32 $0xF80;
	v1 =	vsel vm0, $0xFFFFFFFF, v56;
	[tilespmem:$0x1FF60] =	vst v55  }
0x11: {  	vm12 =	vcmask $0x1B18;
	s17 =	simm.s32 $0x1780;
	s18 =	simm.s32 $0x1F80;
	s19 =	simm.s32 $0x2780;
	v57 =	vor.u32 $0xD0, v43;
	[tilespmem:$0x1FF70] =	vst v1  }
0x12: {  	vm13 =	vcmask $0x2724;
	s20 =	simm.s32 $0x2F80;
	s21 =	simm.s32 $0x3780;
	s22 =	simm.s32 $0x3F80;
	v58 =	vor.u32 $0xE0, v43;
	[tilespmem:$0x1FF80] =	vst v57  }
0x13: {  	s23 =	simm.s32 $0x1;
	s24 =	simm.s32 $0x4780;
	s25 =	simm.s32 $0x0;
	v59 =	vor.u32 $0xF0, v43;
	v18 =	vshrl.u32 v43, $0x3;
	vm0 =	vmor vm11, vm10;
	[tilespmem:$0x1FF90] =	vst v58  }
0x14: {  	v61 =	vand.u32 $0x7, v43;
	s4 =	ssub.s32 $0x2, s4;
	v62 =	vmul.u32 $0x8, v18;
	s8 =	smul.u32 $0xA, s5;
	s9 =	sshll.u32 s5, $0x5;
	vm0 =	vmor vm0, vm12;
	[tilespmem:$0x1FFA0] =	vst v59  }
0x15: {  	vm14 =	vcmask $0x3330;
	s31 =	sshll.u32 s5, $0x1;
	s11 =	sshrl.u32 s4, $0x1;
	s5 =	smul.u32 $0xA0, s5;
	[tilespmem:$0x1FFC0] =	vst v61;
	vm0 =	vmor vm0, vm13  }
0x16: {  	v60 =	vimm.s32 $0x0;
	s9 =	sadd.s32 s9, s6;
	s11 =	ssub.s32 s4, s11;
	v0 =	vor.u32 $0x8, v43;
	s10 =	sadd.s32 s8, s6;
	[tilespmem:$0x1FFD0] =	vst v62;
	vm0 =	vmor vm0, vm14  }
0x17: {  	v63 =	vimm.s32 $0x0;
	vm15 =	vmmov $0xffff;
	s6 =	sadd.s32 s31, s6;
	s4 =	sadd.s32 $0x1600, s9;
	s5 =	sadd.s32 s7, s5;
	[tilespmem:$0x1FFF0] =	vst v0;
	v1 =	vsel vm0, $0xFFFFFFFF, v60  }
0x18: {  	s7 =	sadd.s32 $0x100, s2;
	s8 =	sadd.s32 $0x200, s2;
	s9 =	sadd.s32 $0x300, s2;
	[tilespmem:$0x1FFB0] =	vst v1;
	v1 =	vsel vm15, $0xFFFFFFFF, v63  }
0x19: {  	s11 =	smax.u32 s11, $0x1;
	s6 =	sadd.s32 $0x1C00, s6;
	s10 =	sadd.s32 $0x1A00, s10;
	[tilespmem:$0x1FFE0] =	vst v1  }
.LBB2_1:
0x1a: {  	[tilespmem:s3], [sflag:$0x2] =	stream.linear.gather [hbm4b:s4+s3], $0x100, $0x38;
	[tilespmem:$0x4880] =	vst v63  }
0x1b: {  	_ =	swait.ge [sflag:s12], $0x100  }
0x1c: {  	[sflag:s12] =	ssyncset.done $0x0  }
0x1d: {  	[sflag:s12] =	ssyncadd.s32 $0xFFFFFF00  }
0x1e: {  	[tilespmem:s13], [sflag:$0x2] =	stream.linear.gather [hbm4b:s5+s3], $0x500, $0x38;
	[tilespmem:$0x4880] =	vst v63  }
0x1f: {  	_ =	swait.ge [sflag:s12], $0x500  }
0x20: {  	[sflag:s12] =	ssyncset.done $0x0  }
0x21: {  	[sflag:s12] =	ssyncadd.s32 $0xFFFFFB00  }
0x22: {  	v20 =	vld [tilespmem:$0x0];
	_ =	sdelay $0x2  }
0x23: {  	v35 =	vld [tilespmem:$0x10];
	_ =	sdelay $0x1  }
0x24: {  	v34 =	vld [tilespmem:$0x20];
	vm0 =	vlt.f32 v20, $-Inf;
	vm1 =	vgt.f32 v20, $-Inf  }
0x25: {  	vm2 =	vmor vm1, vm0  }
0x26: {  	v33 =	vld [tilespmem:$0x30];
	v20 =	vnsel vm2, $0xFF800000, v20  }
0x27: {  	vm6 =	vgt.f32 v35, v20  }
0x28: {  	v32 =	vld [tilespmem:$0x40];
	v36 =	vsel vm6, v35, v20  }
0x29: {  	vm8 =	vgt.f32 v34, v36  }
0x2a: {  	v31 =	vld [tilespmem:$0x50];
	v37 =	vsel vm8, v34, v36  }
0x2b: {  	vm9 =	vgt.f32 v33, v37  }
0x2c: {  	v30 =	vld [tilespmem:$0x60];
	v38 =	vsel vm9, v33, v37  }
0x2d: {  	vm10 =	vgt.f32 v32, v38  }
0x2e: {  	v29 =	vld [tilespmem:$0x70];
	v39 =	vsel vm10, v32, v38  }
0x2f: {  	vm11 =	vgt.f32 v31, v39  }
0x30: {  	v28 =	vld [tilespmem:$0x80];
	v40 =	vsel vm11, v31, v39  }
0x31: {  	v50 =	vld [tilespmem:$0x1FEB0];
	vm12 =	vgt.f32 v30, v40  }
0x32: {  	v27 =	vld [tilespmem:$0x90];
	v49 =	vsel vm12, v30, v40  }
0x33: {  	v14 =	vld [tilespmem:$0x1FEC0];
	vm13 =	vgt.f32 v29, v49  }
0x34: {  	v26 =	vld [tilespmem:$0xA0];
	v53 =	vsel vm13, v29, v49  }
0x35: {  	v16 =	vld [tilespmem:$0x1FED0];
	vm14 =	vgt.f32 v28, v53  }
0x36: {  	v25 =	vld [tilespmem:$0xB0];
	v56 =	vsel vm14, v28, v53  }
0x37: {  	v1 =	vld [tilespmem:$0x1FEE0];
	vm15 =	vgt.f32 v27, v56  }
0x38: {  	v24 =	vld [tilespmem:$0xC0];
	v58 =	vsel vm15, v27, v56  }
0x39: {  	v3 =	vld [tilespmem:$0x1FEF0];
	vm1 =	vgt.f32 v26, v58  }
0x3a: {  	v0 =	vlaneseq.u32;
	v42 =	vimm.s32 $0x0;
	v7 =	vld [tilespmem:$0x1FF00];
	v61 =	vsel vm1, v26, v58  }
0x3b: {  	v44 =	vimm.s32 $0x0;
	v46 =	vimm.s32 $0x0;
	v8 =	vld [tilespmem:$0x1FF10];
	vm3 =	vgt.f32 v25, v61  }
0x3c: {  	v11 =	vld [tilespmem:$0x1FF30];
	v43 =	vnsel vm2, $0x0, v0;
	v0 =	vsel vm1, $0xFFFFFFFF, v42;
	v63 =	vsel vm3, v25, v61  }
0x3d: {  	v23 =	vld [tilespmem:$0xD0];
	v45 =	vsel vm6, v50, v43;
	[tilespmem:$0x1FDC0] =	vst v0;
	v0 =	vsel vm3, $0xFFFFFFFF, v44;
	vm7 =	vgt.f32 v24, v63  }
0x3e: {  	v13 =	vld [tilespmem:$0x1FF40];
	v47 =	vsel vm8, v14, v45;
	[tilespmem:$0x1FDD0] =	vst v0;
	v0 =	vsel vm7, $0xFFFFFFFF, v46  }
0x3f: {  	v51 =	vsel vm9, v16, v47;
	[tilespmem:$0x1FDE0] =	vst v0;
	v0 =	vld [tilespmem:$0x1FF20]  }
0x40: {  	v22 =	vld [tilespmem:$0xE0];
	v55 =	vsel vm10, v1, v51  }
0x41: {  	v48 =	vld [tilespmem:$0x1FF50];
	v62 =	vsel vm11, v3, v55;
	v19 =	vsel vm7, v24, v63  }
0x42: {  	v2 =	vimm.s32 $0x0;
	v5 =	vld [tilespmem:$0x1FF60];
	v9 =	vsel vm12, v7, v62;
	vm4 =	vgt.f32 v23, v19  }
0x43: {  	v21 =	vld [tilespmem:$0xF0];
	v17 =	vsel vm13, v8, v9;
	v2 =	vsel vm4, $0xFFFFFFFF, v2  }
0x44: {  	[tilespmem:$0x1FDF0] =	vst v2;
	v2 =	vsel vm4, v23, v19;
	v18 =	vsel vm14, v0, v17  }
0x45: {  	v4 =	vimm.s32 $0x0;
	v52 =	vld [tilespmem:$0x1FF80];
	vm5 =	vgt.f32 v22, v2;
	v10 =	vsel vm15, v11, v18  }
0x46: {  	v15 =	vld [tilespmem:$0x1FF90];
	v4 =	vsel vm5, $0xFFFFFFFF, v4;
	v12 =	vsel vm1, v13, v10  }
0x47: {  	v42 =	vld [tilespmem:$0x1FFA0];
	v41 =	vsel vm5, v22, v2;
	[tilespmem:$0x1FE00] =	vst v4;
	v4 =	vsel vm3, v48, v12  }
0x48: {  	v6 =	vimm.s32 $0x0;
	v5 =	vsel vm7, v5, v4;
	vm7 =	vgt.f32 v21, v41  }
0x49: {  	v6 =	vsel vm7, $0xFFFFFFFF, v6  }
0x4a: {  	v59 =	vsel vm7, v21, v41;
	[tilespmem:$0x1FE10] =	vst v6;
	v6 =	vsel vm4, v52, v5  }
0x4b: {  	[tilespmem:$0x680] =	vst v59;
	v57 =	vsel vm5, v15, v6  }
0x4c: {  	[tilespmem:$0x690] =	vst v59;
	v60 =	vsel vm7, v42, v57  }
0x4d: {  	[tilespmem:$0x700] =	vst v60  }
0x4e: {  	v44 =	vld [tilespmem:$0x681];
	[tilespmem:$0x710] =	vst v60  }
0x4f: {  	v46 =	vld [tilespmem:$0x701];
	_ =	sdelay $0x3  }
0x50: {  	vm4 =	vgt.f32 v35, $-Inf  }
0x51: {  	vm7 =	vlt.f32 v35, $-Inf;
	vm5 =	veq.f32 v44, v59;
	vm0 =	vlt.s32 v46, v60  }
0x52: {  	vm2 =	vmor vm4, vm7;
	vm7 =	vgt.f32 v44, v59;
	vm0 =	vmand vm5, vm0  }
0x53: {  	v35 =	vnsel vm2, $0xFF800000, v35;
	vm0 =	vmor vm7, vm0  }
0x54: {  	v42 =	vsel vm6, v20, v35;
	v20 =	vsel vm0, v44, v59  }
0x55: {  	vm3 =	vgt.f32 v34, v42;
	[tilespmem:$0x680] =	vst v20  }
0x56: {  	v54 =	vsel vm3, v34, v42;
	v35 =	vsel vm0, v46, v60;
	[tilespmem:$0x690] =	vst v20  }
0x57: {  	v44 =	vsel vm8, v36, v54;
	[tilespmem:$0x700] =	vst v35  }
0x58: {  	[tilespmem:$0x710] =	vst v35;
	vm4 =	vgt.f32 v33, v44;
	v36 =	vld [tilespmem:$0x682]  }
0x59: {  	v48 =	vsel vm4, v33, v44;
	v54 =	vld [tilespmem:$0x702]  }
0x5a: {  	v46 =	vsel vm9, v37, v48  }
0x5b: {  	vm5 =	vgt.f32 v32, v46  }
0x5c: {  	v37 =	vsel vm5, v32, v46  }
0x5d: {  	v48 =	vsel vm10, v38, v37  }
0x5e: {  	vm7 =	vgt.f32 v31, v48;
	vm0 =	veq.f32 v36, v20;
	vm1 =	vlt.s32 v54, v35  }
0x5f: {  	v52 =	vimm.s32 $0x0;
	vm0 =	vmand vm0, vm1;
	v37 =	vsel vm7, v31, v48  }
0x60: {  	v38 =	vsel vm7, $0xFFFFFFFF, v52;
	v52 =	vnsel vm2, $0x0, v50;
	vm1 =	vgt.f32 v36, v20  }
0x61: {  	v50 =	vsel vm11, v39, v37;
	v52 =	vsel vm6, v43, v52;
	vm0 =	vmor vm1, vm0  }
0x62: {  	vm1 =	vgt.f32 v30, v50;
	v37 =	vsel vm3, v14, v52;
	v20 =	vsel vm0, v36, v20  }
0x63: {  	[tilespmem:$0x1FE40] =	vst v52;
	v52 =	vimm.s32 $0x0;
	v35 =	vsel vm0, v54, v35;
	v43 =	vsel vm1, v30, v50  }
0x64: {  	[tilespmem:$0x1FE20] =	vst v38;
	v38 =	vsel vm1, $0xFFFFFFFF, v52;
	v45 =	vsel vm8, v45, v37;
	v52 =	vsel vm12, v40, v43  }
0x65: {  	vm8 =	vmmov vm4;
	v40 =	vsel vm4, v16, v45;
	vm4 =	vgt.f32 v29, v52  }
0x66: {  	v54 =	vimm.s32 $0x0;
	v47 =	vsel vm9, v47, v40;
	v43 =	vsel vm4, v29, v52  }
0x67: {  	[tilespmem:$0x680] =	vst v20;
	v37 =	vsel vm4, $0xFFFFFFFF, v54;
	v1 =	vsel vm5, v1, v47;
	v54 =	vsel vm13, v49, v43  }
0x68: {  	[tilespmem:$0x690] =	vst v20;
	vm9 =	vmmov vm4;
	v49 =	vsel vm10, v51, v1;
	vm4 =	vgt.f32 v28, v54  }
0x69: {  	[tilespmem:$0x700] =	vst v35;
	v51 =	vimm.s32 $0x0;
	v40 =	vsel vm7, v3, v49;
	v43 =	vsel vm4, v28, v54  }
0x6a: {  	[tilespmem:$0x1FE50] =	vst v37;
	v37 =	vld [tilespmem:$0x1FDC0];
	v1 =	vsel vm4, $0xFFFFFFFF, v51;
	v51 =	vsel vm11, v55, v40;
	v55 =	vsel vm14, v53, v43  }
0x6b: {  	vm6 =	vmmov vm3;
	vm3 =	vmmov vm5;
	[tilespmem:$0x710] =	vst v35;
	vm5 =	vgt.f32 v27, v55  }
0x6c: {  	[tilespmem:$0x1FE30] =	vst v38;
	v36 =	vsel vm1, v7, v51;
	v43 =	vimm.s32 $0x0;
	v40 =	vsel vm5, v27, v55  }
0x6d: {  	v38 =	vld [tilespmem:$0x684];
	[tilespmem:$0x1FE60] =	vst v1;
	v53 =	vsel vm12, v62, v36;
	v1 =	vsel vm5, $0xFFFFFFFF, v43;
	v36 =	vsel vm15, v56, v40  }
0x6e: {  	v39 =	vld [tilespmem:$0x704];
	v62 =	vsel vm9, v8, v53;
	v8 =	vimm.s32 $0x0;
	vm2 =	vgt.f32 v26, v36  }
0x6f: {  	vm11 =	vnez.u8 v37;
	[tilespmem:$0x1FE70] =	vst v1;
	v7 =	vsel vm2, v26, v36;
	v1 =	vsel vm2, $0xFFFFFFFF, v8  }
0x70: {  	[tilespmem:$0x1FE80] =	vst v1;
	v1 =	vsel vm13, v9, v62;
	v37 =	vsel vm11, v58, v7  }
0x71: {  	v8 =	vld [tilespmem:$0x1FDD0];
	v62 =	vimm.s32 $0x0;
	v43 =	vsel vm4, v0, v1;
	vm9 =	vgt.f32 v25, v37  }
0x72: {  	v9 =	vmov v0;
	v17 =	vsel vm14, v17, v43;
	v0 =	vsel vm9, $0xFFFFFFFF, v62  }
0x73: {  	vm7 =	vlt.s32 v39, v35;
	vm12 =	veq.f32 v38, v20;
	v7 =	vsel vm5, v11, v17  }
0x74: {  	vm10 =	vgt.f32 v38, v20;
	vm0 =	vmand vm12, vm7;
	v18 =	vsel vm15, v18, v7  }
0x75: {  	vm0 =	vmor vm10, vm0;
	[tilespmem:$0x1FE90] =	vst v0;
	v0 =	vmov v11;
	v11 =	vsel vm2, v13, v18  }
0x76: {  	v56 =	vsel vm9, v25, v37;
	vm10 =	vnez.u8 v8;
	v43 =	vsel vm11, v10, v11;
	v11 =	vld [tilespmem:$0x1FF50]  }
0x77: {  	v20 =	vsel vm0, v38, v20;
	v38 =	vsel vm10, v61, v56;
	v61 =	vld [tilespmem:$0x1FDE0];
	_ =	sdelay $0x3  }
0x78: {  	v58 =	vsel vm0, v39, v35;
	v35 =	vsel vm9, v11, v43  }
0x79: {  	vm11 =	vnez.u8 v61;
	v61 =	vsel vm10, v12, v35;
	v12 =	vld [tilespmem:$0x1FDF0];
	_ =	sdelay $0x4  }
0x7a: {  	vm4 =	vnez.u8 v12;
	v12 =	vld [tilespmem:$0x1FF60]  }
0x7b: {  	[tilespmem:$0x680] =	vst v20  }
0x7c: {  	[tilespmem:$0x700] =	vst v58;
	vm14 =	vgt.f32 v24, v38  }
0x7d: {  	[tilespmem:$0x710] =	vst v58;
	v7 =	vmov v13;
	v13 =	vsel vm14, v24, v38  }
0x7e: {  	[tilespmem:$0x690] =	vst v20;
	v62 =	vld [tilespmem:$0x708];
	v39 =	vsel vm11, v63, v13  }
0x7f: {  	v56 =	vld [tilespmem:$0x688];
	vm12 =	vgt.f32 v23, v39;
	v13 =	vsel vm14, v12, v61  }
0x80: {  	v63 =	vsel vm12, v23, v39;
	v3 =	vsel vm11, v4, v13;
	v13 =	vld [tilespmem:$0x1FF80]  }
0x81: {  	v40 =	vsel vm4, v19, v63;
	v63 =	vld [tilespmem:$0x1FE00];
	_ =	sdelay $0x2  }
0x82: {  	vm5 =	vgt.f32 v56, v20;
	vm9 =	veq.f32 v56, v20;
	vm10 =	vlt.s32 v62, v58  }
0x83: {  	vm0 =	vmand vm9, vm10;
	vm13 =	vgt.f32 v22, v40;
	v4 =	vsel vm12, v13, v3  }
0x84: {  	v35 =	vsel vm13, v22, v40;
	vm11 =	vnez.u8 v63;
	v56 =	vsel vm4, v5, v4  }
0x85: {  	vm0 =	vmor vm5, vm0;
	v35 =	vsel vm11, v2, v35;
	v2 =	vsel vm13, v15, v56  }
0x86: {  	v20 =	vsel vm0, v62, v58;
	v58 =	vsel vm11, v6, v2;
	v6 =	vld [tilespmem:$0x1FE10];
	_ =	sdelay $0x1  }
0x87: {  	v62 =	vmov v15;
	v15 =	vld [tilespmem:$0x1FFA0];
	_ =	sdelay $0x1  }
0x88: {  	vm15 =	vgt.f32 v21, v35  }
0x89: {  	v4 =	vsel vm15, v21, v35;
	vm7 =	vnez.u8 v6  }
0x8a: {  	vm11 =	veq.s32 v60, v20;
	v2 =	vsel vm7, v41, v4  }
0x8b: {  	v8 =	vsel vm15, v15, v58;
	v5 =	vsel vm11, v2, v59  }
0x8c: {  	v4 =	vsel vm7, v57, v8;
	[tilespmem:$0x680] =	vst v5  }
0x8d: {  	v6 =	vsel vm11, v4, v60;
	[tilespmem:$0x690] =	vst v5  }
0x8e: {  	[tilespmem:$0x700] =	vst v6  }
0x8f: {  	[tilespmem:$0x710] =	vst v6;
	v19 =	vld [tilespmem:$0x681]  }
0x90: {  	v10 =	vld [tilespmem:$0x701]  }
0x91: {  	vm1 =	vgt.f32 v34, $-Inf;
	vm0 =	vlt.f32 v34, $-Inf  }
0x92: {  	vm2 =	vmor vm1, vm0  }
0x93: {  	v34 =	vnsel vm2, $0xFF800000, v34  }
0x94: {  	v34 =	vsel vm6, v42, v34  }
0x95: {  	vm4 =	vgt.f32 v33, v34;
	vm10 =	veq.f32 v19, v5;
	vm9 =	vlt.s32 v10, v6  }
0x96: {  	v33 =	vsel vm4, v33, v34;
	vm10 =	vmand vm10, vm9;
	vm9 =	vgt.f32 v19, v5  }
0x97: {  	v33 =	vsel vm8, v44, v33;
	vm1 =	vmor vm9, vm10  }
0x98: {  	v19 =	vsel vm1, v19, v5;
	v41 =	vsel vm1, v10, v6;
	vm1 =	vgt.f32 v32, v33  }
0x99: {  	v32 =	vsel vm1, v32, v33  }
0x9a: {  	[tilespmem:$0x680] =	vst v19;
	v32 =	vsel vm3, v46, v32;
	v46 =	vld [tilespmem:$0x1FE20]  }
0x9b: {  	[tilespmem:$0x690] =	vst v19  }
0x9c: {  	[tilespmem:$0x700] =	vst v41  }
0x9d: {  	[tilespmem:$0x710] =	vst v41;
	v42 =	vld [tilespmem:$0x682]  }
0x9e: {  	v44 =	vld [tilespmem:$0x702];
	vm5 =	vgt.f32 v31, v32  }
0x9f: {  	vm9 =	vmmov vm3;
	v31 =	vsel vm5, v31, v32;
	vm3 =	vnez.u8 v46  }
0xa0: {  	v31 =	vsel vm3, v48, v31;
	v48 =	vld [tilespmem:$0x1FE30]  }
0xa1: {  	v57 =	vld [tilespmem:$0x1FE40];
	_ =	sdelay $0x1  }
0xa2: {  	vm7 =	vmmov vm8;
	vm0 =	veq.f32 v42, v19;
	vm8 =	vlt.s32 v44, v41  }
0xa3: {  	vm10 =	vmmov vm6;
	vm0 =	vmand vm0, vm8;
	vm6 =	vgt.f32 v30, v31  }
0xa4: {  	v59 =	vld [tilespmem:$0x1FE50];
	v30 =	vsel vm6, v30, v31;
	v31 =	vnsel vm2, $0x0, v14;
	vm8 =	vnez.u8 v48  }
0xa5: {  	v10 =	vld [tilespmem:$0x1FEE0];
	vm2 =	vgt.f32 v42, v19;
	v31 =	vsel vm10, v57, v31;
	v30 =	vsel vm8, v50, v30  }
0xa6: {  	v60 =	vld [tilespmem:$0x1FE60];
	vm0 =	vmor vm2, vm0;
	v31 =	vsel vm4, v16, v31;
	vm2 =	vgt.f32 v29, v30  }
0xa7: {  	v29 =	vsel vm2, v29, v30;
	v30 =	vsel vm7, v45, v31;
	v31 =	vsel vm0, v44, v41;
	v41 =	vld [tilespmem:$0x1FEF0];
	_ =	sdelay $0x1  }
0xa8: {  	v34 =	vld [tilespmem:$0x1FF00];
	vm4 =	vnez.u8 v59  }
0xa9: {  	v33 =	vld [tilespmem:$0x1FE70];
	v29 =	vsel vm4, v52, v29;
	v30 =	vsel vm1, v10, v30  }
0xaa: {  	v8 =	vld [tilespmem:$0x1FF10];
	vm10 =	vgt.f32 v28, v29;
	v30 =	vsel vm9, v47, v30  }
0xab: {  	vm7 =	vnez.u8 v60;
	v28 =	vsel vm10, v28, v29;
	v29 =	vsel vm5, v41, v30  }
0xac: {  	v28 =	vsel vm7, v54, v28;
	v29 =	vsel vm3, v49, v29  }
0xad: {  	vm1 =	vgt.f32 v27, v28;
	v29 =	vsel vm6, v34, v29  }
0xae: {  	vm5 =	vnez.u8 v33;
	v27 =	vsel vm1, v27, v28;
	v28 =	vsel vm8, v51, v29  }
0xaf: {  	v19 =	vsel vm0, v42, v19;
	v27 =	vsel vm5, v55, v27;
	v28 =	vsel vm2, v8, v28  }
0xb0: {  	[tilespmem:$0x680] =	vst v19;
	vm2 =	vgt.f32 v26, v27;
	v28 =	vsel vm4, v53, v28  }
0xb1: {  	[tilespmem:$0x700] =	vst v31;
	v26 =	vsel vm2, v26, v27;
	v27 =	vsel vm10, v9, v28;
	v28 =	vld [tilespmem:$0x1FE80]  }
0xb2: {  	[tilespmem:$0x710] =	vst v31  }
0xb3: {  	[tilespmem:$0x690] =	vst v19;
	v63 =	vld [tilespmem:$0x704]  }
0xb4: {  	v30 =	vld [tilespmem:$0x684];
	_ =	sdelay $0x1  }
0xb5: {  	vm4 =	vnez.u8 v28  }
0xb6: {  	v26 =	vsel vm4, v36, v26;
	v36 =	vld [tilespmem:$0x1FE90];
	_ =	sdelay $0x1  }
0xb7: {  	vm9 =	veq.f32 v30, v19;
	vm10 =	vlt.s32 v63, v31  }
0xb8: {  	vm6 =	vgt.f32 v30, v19;
	vm0 =	vmand vm9, vm10  }
0xb9: {  	v1 =	vsel vm7, v1, v27;
	vm0 =	vmor vm6, vm0;
	vm8 =	vgt.f32 v25, v26  }
0xba: {  	v19 =	vsel vm0, v30, v19;
	v25 =	vsel vm8, v25, v26;
	vm9 =	vnez.u8 v36  }
0xbb: {  	v1 =	vsel vm1, v0, v1;
	[tilespmem:$0x680] =	vst v19;
	v37 =	vsel vm9, v37, v25  }
0xbc: {  	v1 =	vsel vm5, v17, v1;
	[tilespmem:$0x690] =	vst v19;
	v25 =	vsel vm0, v63, v31;
	vm10 =	vgt.f32 v24, v37  }
0xbd: {  	v1 =	vsel vm2, v7, v1;
	[tilespmem:$0x700] =	vst v25;
	v17 =	vsel vm10, v24, v37  }
0xbe: {  	v1 =	vsel vm4, v18, v1;
	v18 =	vld [tilespmem:$0x688];
	[tilespmem:$0x710] =	vst v25;
	v17 =	vsel vm14, v38, v17  }
0xbf: {  	v1 =	vsel vm8, v11, v1;
	v38 =	vld [tilespmem:$0x708];
	vm5 =	vgt.f32 v23, v17  }
0xc0: {  	v33 =	vmov v0;
	v0 =	vsel vm9, v43, v1;
	v17 =	vsel vm5, v23, v17  }
0xc1: {  	v0 =	vsel vm10, v12, v0;
	v17 =	vsel vm12, v39, v17  }
0xc2: {  	v0 =	vsel vm14, v61, v0;
	vm6 =	vgt.f32 v22, v17  }
0xc3: {  	vm7 =	veq.f32 v18, v19;
	v0 =	vsel vm5, v13, v0;
	v42 =	vsel vm6, v22, v17  }
0xc4: {  	v0 =	vsel vm12, v3, v0;
	vm8 =	vlt.s32 v38, v25;
	v3 =	vsel vm13, v40, v42  }
0xc5: {  	vm9 =	vgt.f32 v18, v19;
	vm1 =	vmand vm7, vm8;
	vm10 =	vgt.f32 v21, v3  }
0xc6: {  	v0 =	vsel vm6, v62, v0;
	vm12 =	vmor vm9, vm1;
	v3 =	vsel vm10, v21, v3  }
0xc7: {  	v0 =	vsel vm13, v56, v0;
	v21 =	vsel vm12, v38, v25;
	v3 =	vsel vm15, v35, v3  }
0xc8: {  	v0 =	vsel vm10, v15, v0;
	vm0 =	veq.s32 v6, v21;
	v43 =	vsel vm11, v3, v2  }
0xc9: {  	v0 =	vsel vm15, v58, v0;
	v1 =	vsel vm0, v43, v5  }
0xca: {  	v0 =	vsel vm11, v0, v4;
	[tilespmem:$0x680] =	vst v1  }
0xcb: {  	v0 =	vsel vm0, v0, v6;
	[tilespmem:$0x690] =	vst v1  }
0xcc: {  	[tilespmem:$0x700] =	vst v0  }
0xcd: {  	[tilespmem:$0x710] =	vst v0;
	v44 =	vld [tilespmem:$0x681]  }
0xce: {  	v45 =	vld [tilespmem:$0x701];
	_ =	sdelay $0x4  }
0xcf: {  	vm13 =	veq.f32 v44, v1;
	vm14 =	vlt.s32 v45, v0  }
0xd0: {  	vm15 =	vgt.f32 v44, v1;
	vm0 =	vmand vm13, vm14  }
0xd1: {  	vm0 =	vmor vm15, vm0  }
0xd2: {  	v1 =	vsel vm0, v44, v1  }
0xd3: {  	[tilespmem:$0x680] =	vst v1  }
0xd4: {  	v0 =	vsel vm0, v45, v0;
	[tilespmem:$0x690] =	vst v1  }
0xd5: {  	[tilespmem:$0x700] =	vst v0  }
0xd6: {  	[tilespmem:$0x710] =	vst v0;
	v46 =	vld [tilespmem:$0x682]  }
0xd7: {  	v47 =	vld [tilespmem:$0x702];
	_ =	sdelay $0x4  }
0xd8: {  	vm4 =	veq.f32 v46, v1;
	vm5 =	vlt.s32 v47, v0  }
0xd9: {  	vm6 =	vgt.f32 v46, v1;
	vm0 =	vmand vm4, vm5  }
0xda: {  	vm0 =	vmor vm6, vm0  }
0xdb: {  	v1 =	vsel vm0, v46, v1  }
0xdc: {  	[tilespmem:$0x680] =	vst v1  }
0xdd: {  	v0 =	vsel vm0, v47, v0;
	[tilespmem:$0x690] =	vst v1  }
0xde: {  	[tilespmem:$0x700] =	vst v0  }
0xdf: {  	[tilespmem:$0x710] =	vst v0;
	v48 =	vld [tilespmem:$0x684]  }
0xe0: {  	v49 =	vld [tilespmem:$0x704];
	_ =	sdelay $0x2  }
0xe1: {  	v57 =	vld [tilespmem:$0x310]  }
0xe2: {  	v52 =	vld [tilespmem:$0x200]  }
0xe3: {  	v54 =	vld [tilespmem:$0x300];
	vm7 =	veq.f32 v48, v1;
	vm8 =	vlt.s32 v49, v0  }
0xe4: {  	v51 =	vld [tilespmem:$0x100];
	vm9 =	vgt.f32 v48, v1;
	vm0 =	vmand vm7, vm8  }
0xe5: {  	v55 =	vld [tilespmem:$0x400];
	vm0 =	vmor vm9, vm0  }
0xe6: {  	v19 =	vld [tilespmem:$0x210];
	v1 =	vsel vm0, v48, v1  }
0xe7: {  	v56 =	vld [tilespmem:$0x110];
	[tilespmem:$0x680] =	vst v1  }
0xe8: {  	v18 =	vld [tilespmem:$0x500];
	v0 =	vsel vm0, v49, v0;
	[tilespmem:$0x690] =	vst v1  }
0xe9: {  	v58 =	vld [tilespmem:$0x410];
	v3 =	vadd.f32 v52, v51;
	[tilespmem:$0x700] =	vst v0  }
0xea: {  	[tilespmem:$0x710] =	vst v0;
	v50 =	vld [tilespmem:$0x688]  }
0xeb: {  	v3 =	vadd.f32 v54, v3;
	v53 =	vld [tilespmem:$0x708]  }
0xec: {  	v4 =	vadd.f32 v19, v56  }
0xed: {  	v3 =	vadd.f32 v55, v3  }
0xee: {  	v59 =	vld [tilespmem:$0x220];
	v4 =	vadd.f32 v57, v4  }
0xef: {  	v63 =	vlaneseq.u32;
	v61 =	vlaneseq.u32;
	v23 =	vld [tilespmem:$0x510];
	v3 =	vadd.f32 v18, v3  }
0xf0: {  	v4 =	vadd.f32 v58, v4;
	v18 =	vld [tilespmem:$0x120];
	vm10 =	veq.f32 v50, v1;
	vm11 =	vlt.s32 v53, v0  }
0xf1: {  	v39 =	vld [tilespmem:$0x1FEB0];
	v60 =	vadd.f32 $0.0e+00, v3;
	vm12 =	vgt.f32 v50, v1;
	vm0 =	vmand vm10, vm11  }
0xf2: {  	v32 =	vld [tilespmem:$0x320];
	vm13 =	veq.s32 v20, v61;
	vm14 =	veq.s32 v21, v61;
	vm0 =	vmor vm12, vm0  }
0xf3: {  	v36 =	vld [tilespmem:$0x420];
	v2 =	vnsel vm13, $0x0, v60;
	v35 =	vnsel vm14, $0x0, v3;
	v22 =	vsel vm0, v53, v0  }
0xf4: {  	v37 =	vld [tilespmem:$0x520];
	v2 =	vadd.f32 v2, v35;
	vm15 =	veq.s32 v22, v63  }
0xf5: {  	v40 =	vld [tilespmem:$0x230];
	v4 =	vadd.f32 v23, v4;
	v1 =	vadd.f32 v59, v18;
	v3 =	vnsel vm15, $0x0, v3  }
0xf6: {  	v38 =	vld [tilespmem:$0x130];
	vm4 =	veq.s32 v20, v39;
	v2 =	vadd.f32 v2, v3  }
0xf7: {  	v18 =	vnsel vm4, $0x0, v4;
	v0 =	vadd.f32 v32, v1  }
0xf8: {  	v43 =	vld [tilespmem:$0x330];
	vm5 =	veq.s32 v21, v39;
	v42 =	vadd.f32 v18, v2  }
0xf9: {  	v44 =	vld [tilespmem:$0x430];
	v0 =	vadd.f32 v36, v0;
	v18 =	vnsel vm5, $0x0, v4  }
0xfa: {  	v45 =	vld [tilespmem:$0x140];
	vm6 =	veq.s32 v22, v39;
	v1 =	vadd.f32 v42, v18  }
0xfb: {  	v46 =	vld [tilespmem:$0x240];
	v3 =	vadd.f32 v40, v38;
	v0 =	vadd.f32 v37, v0;
	v4 =	vnsel vm6, $0x0, v4  }
0xfc: {  	vm7 =	veq.s32 v20, v14;
	v18 =	vld [tilespmem:$0x530];
	v1 =	vadd.f32 v1, v4  }
0xfd: {  	v2 =	vadd.f32 v43, v3;
	v47 =	vnsel vm7, $0x0, v0  }
0xfe: {  	vm8 =	veq.s32 v21, v14;
	v48 =	vld [tilespmem:$0x340];
	v1 =	vadd.f32 v47, v1  }
0xff: {  	v51 =	vld [tilespmem:$0x540];
	v49 =	vnsel vm8, $0x0, v0;
	v2 =	vadd.f32 v44, v2  }
0x100: {  	v50 =	vld [tilespmem:$0x440];
	vm9 =	veq.s32 v22, v14;
	v1 =	vadd.f32 v1, v49  }
0x101: {  	v52 =	vld [tilespmem:$0x150];
	v0 =	vnsel vm9, $0x0, v0;
	v4 =	vadd.f32 v46, v45;
	v2 =	vadd.f32 v18, v2  }
0x102: {  	vm10 =	veq.s32 v20, v16;
	v53 =	vld [tilespmem:$0x250];
	v0 =	vadd.f32 v1, v0  }
0x103: {  	v3 =	vadd.f32 v48, v4;
	v18 =	vnsel vm10, $0x0, v2  }
0x104: {  	v54 =	vld [tilespmem:$0x350];
	vm11 =	veq.s32 v21, v16;
	v0 =	vadd.f32 v18, v0  }
0x105: {  	v56 =	vld [tilespmem:$0x160];
	v3 =	vadd.f32 v50, v3;
	v18 =	vnsel vm11, $0x0, v2  }
0x106: {  	v55 =	vld [tilespmem:$0x450];
	vm12 =	veq.s32 v22, v16;
	v0 =	vadd.f32 v0, v18  }
0x107: {  	v57 =	vld [tilespmem:$0x260];
	v3 =	vadd.f32 v51, v3;
	v1 =	vadd.f32 v53, v52;
	v2 =	vnsel vm12, $0x0, v2  }
0x108: {  	vm13 =	veq.s32 v20, v10;
	v18 =	vld [tilespmem:$0x550];
	v0 =	vadd.f32 v0, v2  }
0x109: {  	v17 =	vnsel vm13, $0x0, v3;
	v1 =	vadd.f32 v54, v1  }
0x10a: {  	v58 =	vld [tilespmem:$0x360];
	vm14 =	veq.s32 v21, v10;
	v0 =	vadd.f32 v17, v0  }
0x10b: {  	v61 =	vld [tilespmem:$0x560];
	v59 =	vnsel vm14, $0x0, v3;
	v1 =	vadd.f32 v55, v1  }
0x10c: {  	v60 =	vld [tilespmem:$0x460];
	vm15 =	veq.s32 v22, v10;
	v0 =	vadd.f32 v0, v59  }
0x10d: {  	v63 =	vld [tilespmem:$0x170];
	v3 =	vnsel vm15, $0x0, v3;
	v2 =	vadd.f32 v57, v56;
	v1 =	vadd.f32 v18, v1  }
0x10e: {  	vm4 =	veq.s32 v20, v41;
	v10 =	vld [tilespmem:$0x270];
	v0 =	vadd.f32 v0, v3  }
0x10f: {  	v2 =	vadd.f32 v58, v2;
	v18 =	vnsel vm4, $0x0, v1  }
0x110: {  	v14 =	vld [tilespmem:$0x370];
	vm5 =	veq.s32 v21, v41;
	v0 =	vadd.f32 v18, v0  }
0x111: {  	v35 =	vld [tilespmem:$0x180];
	v2 =	vadd.f32 v60, v2;
	v18 =	vnsel vm5, $0x0, v1  }
0x112: {  	v32 =	vld [tilespmem:$0x470];
	vm6 =	veq.s32 v22, v41;
	v0 =	vadd.f32 v0, v18  }
0x113: {  	v36 =	vld [tilespmem:$0x280];
	v2 =	vadd.f32 v61, v2;
	v3 =	vadd.f32 v10, v63;
	v1 =	vnsel vm6, $0x0, v1  }
0x114: {  	vm7 =	veq.s32 v20, v34;
	v18 =	vld [tilespmem:$0x570];
	v0 =	vadd.f32 v0, v1  }
0x115: {  	v17 =	vnsel vm7, $0x0, v2;
	v3 =	vadd.f32 v14, v3  }
0x116: {  	v37 =	vld [tilespmem:$0x380];
	vm8 =	veq.s32 v21, v34;
	v0 =	vadd.f32 v17, v0  }
0x117: {  	v39 =	vld [tilespmem:$0x480];
	v38 =	vnsel vm8, $0x0, v2;
	v3 =	vadd.f32 v32, v3  }
0x118: {  	v40 =	vld [tilespmem:$0x580];
	vm9 =	veq.s32 v22, v34;
	v0 =	vadd.f32 v0, v38  }
0x119: {  	v41 =	vld [tilespmem:$0x190];
	v2 =	vnsel vm9, $0x0, v2;
	v1 =	vadd.f32 v36, v35;
	v3 =	vadd.f32 v18, v3  }
0x11a: {  	v42 =	vld [tilespmem:$0x290];
	vm10 =	veq.s32 v20, v8;
	v0 =	vadd.f32 v0, v2  }
0x11b: {  	v1 =	vadd.f32 v37, v1;
	v18 =	vnsel vm10, $0x0, v3  }
0x11c: {  	v43 =	vld [tilespmem:$0x390];
	vm11 =	veq.s32 v21, v8;
	v0 =	vadd.f32 v18, v0  }
0x11d: {  	v44 =	vld [tilespmem:$0x490];
	v1 =	vadd.f32 v39, v1;
	v18 =	vnsel vm11, $0x0, v3  }
0x11e: {  	v45 =	vld [tilespmem:$0x1A0];
	vm12 =	veq.s32 v22, v8;
	v0 =	vadd.f32 v0, v18  }
0x11f: {  	v46 =	vld [tilespmem:$0x2A0];
	v1 =	vadd.f32 v40, v1;
	v2 =	vadd.f32 v42, v41;
	v3 =	vnsel vm12, $0x0, v3  }
0x120: {  	vm13 =	veq.s32 v20, v9;
	v18 =	vld [tilespmem:$0x590];
	v0 =	vadd.f32 v0, v3  }
0x121: {  	v17 =	vnsel vm13, $0x0, v1;
	v2 =	vadd.f32 v43, v2  }
0x122: {  	v47 =	vld [tilespmem:$0x3A0];
	vm14 =	veq.s32 v21, v9;
	v0 =	vadd.f32 v17, v0  }
0x123: {  	v49 =	vld [tilespmem:$0x4A0];
	v48 =	vnsel vm14, $0x0, v1;
	v2 =	vadd.f32 v44, v2  }
0x124: {  	v50 =	vld [tilespmem:$0x5A0];
	vm15 =	veq.s32 v22, v9;
	v0 =	vadd.f32 v0, v48  }
0x125: {  	v51 =	vld [tilespmem:$0x1B0];
	v1 =	vnsel vm15, $0x0, v1;
	v3 =	vadd.f32 v46, v45;
	v2 =	vadd.f32 v18, v2  }
0x126: {  	v52 =	vld [tilespmem:$0x2B0];
	vm4 =	veq.s32 v20, v33;
	v0 =	vadd.f32 v0, v1  }
0x127: {  	v3 =	vadd.f32 v47, v3;
	v18 =	vnsel vm4, $0x0, v2  }
0x128: {  	v53 =	vld [tilespmem:$0x3B0];
	vm5 =	veq.s32 v21, v33;
	v0 =	vadd.f32 v18, v0  }
0x129: {  	v54 =	vld [tilespmem:$0x4B0];
	v3 =	vadd.f32 v49, v3;
	v18 =	vnsel vm5, $0x0, v2  }
0x12a: {  	v55 =	vld [tilespmem:$0x1C0];
	vm6 =	veq.s32 v22, v33;
	v0 =	vadd.f32 v0, v18  }
0x12b: {  	v29 =	vmovc v7;
	v56 =	vld [tilespmem:$0x2C0];
	v3 =	vadd.f32 v50, v3;
	v1 =	vadd.f32 v52, v51;
	v2 =	vnsel vm6, $0x0, v2  }
0x12c: {  	vm7 =	veq.s32 v20, v29;
	v18 =	vld [tilespmem:$0x5B0];
	v0 =	vadd.f32 v0, v2  }
0x12d: {  	v17 =	vnsel vm7, $0x0, v3;
	v1 =	vadd.f32 v53, v1  }
0x12e: {  	v57 =	vld [tilespmem:$0x3C0];
	vm8 =	veq.s32 v21, v29;
	v0 =	vadd.f32 v17, v0  }
0x12f: {  	v59 =	vld [tilespmem:$0x4C0];
	v58 =	vnsel vm8, $0x0, v3;
	v1 =	vadd.f32 v54, v1  }
0x130: {  	v60 =	vld [tilespmem:$0x5C0];
	vm9 =	veq.s32 v22, v29;
	v0 =	vadd.f32 v0, v58  }
0x131: {  	v61 =	vld [tilespmem:$0x1D0];
	v3 =	vnsel vm9, $0x0, v3;
	v2 =	vadd.f32 v56, v55;
	v1 =	vadd.f32 v18, v1  }
0x132: {  	v63 =	vld [tilespmem:$0x2D0];
	vm10 =	veq.s32 v20, v11;
	v0 =	vadd.f32 v0, v3  }
0x133: {  	v2 =	vadd.f32 v57, v2;
	v18 =	vnsel vm10, $0x0, v1  }
0x134: {  	v9 =	vld [tilespmem:$0x3D0];
	vm11 =	veq.s32 v21, v11;
	v0 =	vadd.f32 v18, v0  }
0x135: {  	v10 =	vld [tilespmem:$0x4D0];
	v2 =	vadd.f32 v59, v2;
	v18 =	vnsel vm11, $0x0, v1  }
0x136: {  	v14 =	vld [tilespmem:$0x1E0];
	vm12 =	veq.s32 v22, v11;
	v0 =	vadd.f32 v0, v18  }
0x137: {  	v32 =	vld [tilespmem:$0x2E0];
	v2 =	vadd.f32 v60, v2;
	v3 =	vadd.f32 v63, v61;
	v1 =	vnsel vm12, $0x0, v1  }
0x138: {  	vm13 =	veq.s32 v20, v12;
	v18 =	vld [tilespmem:$0x5D0];
	v0 =	vadd.f32 v0, v1  }
0x139: {  	v17 =	vnsel vm13, $0x0, v2;
	v3 =	vadd.f32 v9, v3  }
0x13a: {  	v33 =	vld [tilespmem:$0x3E0];
	vm14 =	veq.s32 v21, v12;
	v0 =	vadd.f32 v17, v0  }
0x13b: {  	v35 =	vld [tilespmem:$0x4E0];
	v34 =	vnsel vm14, $0x0, v2;
	v3 =	vadd.f32 v10, v3  }
0x13c: {  	v36 =	vld [tilespmem:$0x5E0];
	vm15 =	veq.s32 v22, v12;
	v0 =	vadd.f32 v0, v34  }
0x13d: {  	v37 =	vld [tilespmem:$0x1F0];
	v2 =	vnsel vm15, $0x0, v2;
	v1 =	vadd.f32 v32, v14;
	v3 =	vadd.f32 v18, v3  }
0x13e: {  	v38 =	vld [tilespmem:$0x2F0];
	vm4 =	veq.s32 v20, v13;
	v0 =	vadd.f32 v0, v2  }
0x13f: {  	v1 =	vadd.f32 v33, v1;
	v18 =	vnsel vm4, $0x0, v3  }
0x140: {  	v39 =	vld [tilespmem:$0x3F0];
	vm5 =	veq.s32 v21, v13;
	v0 =	vadd.f32 v18, v0  }
0x141: {  	v1 =	vadd.f32 v35, v1;
	v18 =	vnsel vm5, $0x0, v3  }
0x142: {  	v40 =	vld [tilespmem:$0x4F0];
	vm6 =	veq.s32 v22, v13;
	v0 =	vadd.f32 v0, v18  }
0x143: {  	v1 =	vadd.f32 v36, v1;
	v2 =	vadd.f32 v38, v37;
	v3 =	vnsel vm6, $0x0, v3  }
0x144: {  	v41 =	vld [tilespmem:$0x5F0];
	vm7 =	veq.s32 v20, v62;
	v0 =	vadd.f32 v0, v3  }
0x145: {  	v42 =	vnsel vm7, $0x0, v1;
	v2 =	vadd.f32 v39, v2  }
0x146: {  	vm8 =	veq.s32 v21, v62;
	v0 =	vadd.f32 v42, v0  }
0x147: {  	v45 =	vld [tilespmem:$0x1FF70];
	v43 =	vnsel vm8, $0x0, v1;
	v2 =	vadd.f32 v40, v2  }
0x148: {  	v46 =	vld [tilespmem:$0x1FFB0];
	vm9 =	veq.s32 v22, v62;
	v0 =	vadd.f32 v0, v43  }
0x149: {  	v1 =	vnsel vm9, $0x0, v1;
	v2 =	vadd.f32 v41, v2  }
0x14a: {  	vm10 =	veq.s32 v20, v15;
	v0 =	vadd.f32 v0, v1  }
0x14b: {  	v48 =	vld [tilespmem:$0x1FEA0];
	v44 =	vnsel vm10, $0x0, v2  }
0x14c: {  	vm12 =	veq.s32 v21, v15;
	v0 =	vadd.f32 v44, v0  }
0x14d: {  	vm11 =	vnez.u8 v45;
	vm13 =	vnez.u8 v46;
	v47 =	vnsel vm12, $0x0, v2  }
0x14e: {  	vm14 =	veq.s32 v22, v15;
	v3 =	vsel vm11, v22, v21;
	v0 =	vadd.f32 v0, v47  }
0x14f: {  	v50 =	vld [tilespmem:$0x1FFC0];
	v2 =	vnsel vm14, $0x0, v2;
	v1 =	vsel vm13, v20, v3  }
0x150: {  	v4 =	vadd.s32 v48, v1;
	v0 =	vadd.f32 v0, v2  }
0x151: {  	v51 =	vld [tilespmem:$0x1FFD0];
	v49 =	vshll.u32 v4, $0x3  }
0x152: {  	v1 =	vand.u32 $0x7, v1;
	v3 =	vand.u32 $0xFFFFFFC0, v49;
	[tilespmem:$0x4800] =	vst v0  }
0x153: {  	v1 =	vor.u32 v1, v3;
	[hbm4b:s6+s3] =	stream.linear.scatter [tilespmem:s14], [sflag:$0x2], $0x10, $0x38;
	[tilespmem:$0x4880] =	vst v63  }
0x154: {  	v2 =	vperm.xlane v1, v50;
	_ =	swait.ge [sflag:s12], $0x10  }
0x155: {  	v53 =	vld [tilespmem:$0x1FFE0]  }
0x156: {  	v52 =	vadd.s32 v51, v2  }
0x157: {  	v54 =	vld [tilespmem:$0x1FFF0]  }
0x158: {  	[sflag:s12] =	ssyncset.done $0x0  }
0x159: {  	[sflag:s12] =	ssyncadd.s32 $0xFFFFFFF0  }
0x15a: {  	[tilespmem:$0x600] =	vst v4;
	vm15 =	vnez.u8 v53  }
0x15b: {  	[tilespmem:s15], [sflag:$0x1] =	stream.indirect_vreg.gather [hbm4b:s2+s3], $0x80, v52, vm15, $0xb8;
	[tilespmem:$0x4880] =	vst v63  }
0x15c: {  	v1 =	vperm.xlane v1, v54  }
0x15d: {  	[tilespmem:s16], [sflag:$0x1] =	stream.indirect_vreg.gather [hbm4b:s7+s3], $0x80, v52, vm15, $0xb8;
	[tilespmem:$0x4880] =	vst v63  }
0x15e: {  	v1 =	vadd.s32 v51, v1  }
0x15f: {  	[tilespmem:s17], [sflag:$0x1] =	stream.indirect_vreg.gather [hbm4b:s8+s3], $0x80, v52, vm15, $0xb8;
	[tilespmem:$0x4880] =	vst v63  }
0x160: {  	_ = 	snop  }
0x161: {  	[tilespmem:s18], [sflag:$0x1] =	stream.indirect_vreg.gather [hbm4b:s9+s3], $0x80, v52, vm15, $0xb8;
	[tilespmem:$0x4880] =	vst v63  }
0x162: {  	_ = 	snop  }
0x163: {  	[tilespmem:s19], [sflag:$0x1] =	stream.indirect_vreg.gather [hbm4b:s2+s3], $0x80, v1, vm15, $0xb8;
	[tilespmem:$0x4880] =	vst v63  }
0x164: {  	_ = 	snop  }
0x165: {  	[tilespmem:s20], [sflag:$0x1] =	stream.indirect_vreg.gather [hbm4b:s7+s3], $0x80, v1, vm15, $0xb8;
	[tilespmem:$0x4880] =	vst v63  }
0x166: {  	_ = 	snop  }
0x167: {  	[tilespmem:s21], [sflag:$0x1] =	stream.indirect_vreg.gather [hbm4b:s8+s3], $0x80, v1, vm15, $0xb8;
	[tilespmem:$0x4880] =	vst v63  }
0x168: {  	_ = 	snop  }
0x169: {  	[tilespmem:s22], [sflag:$0x1] =	stream.indirect_vreg.gather [hbm4b:s9+s3], $0x80, v1, vm15, $0xb8;
	[tilespmem:$0x4880] =	vst v63  }
0x16a: {  	_ =	swait.ge [sflag:s23], $0x4000  }
0x16b: {  	s26 =	sand.u32 $0x70, s3;
	s28 =	sand.u32 $0x1C00, s3;
	[sflag:s23] =	ssyncset.done $0x0  }
0x16c: {  	s31 =	sor.u32 s26, s28;
	[sflag:s23] =	ssyncadd.s32 $0xFFFFC000  }
0x16d: {  	v55 =	vld [tilespmem:s31+$0x2980]  }
0x16e: {  	v56 =	vld [tilespmem:s31+$0x2A00]  }
0x16f: {  	v57 =	vld [tilespmem:s31+$0x780]  }
0x170: {  	v58 =	vld [tilespmem:s31+$0x2A80]  }
0x171: {  	v59 =	vld [tilespmem:s31+$0x800]  }
0x172: {  	v60 =	vld [tilespmem:s31+$0x900]  }
0x173: {  	s1 =	sor.u32 s3, s3;
	v61 =	vld [tilespmem:s31+$0x980]  }
0x174: {  	s26 =	sor.u32 $0x380, s1;
	v62 =	vld [tilespmem:s31+$0xA80]  }
0x175: {  	v63 =	vld [tilespmem:s26+$0x780];
	v0 =	vadd.f32 v56, v55  }
0x176: {  	v25 =	vld [tilespmem:s31+$0x2800]  }
0x177: {  	v26 =	vld [tilespmem:s31+$0x2880];
	v0 =	vadd.f32 v58, v0  }
0x178: {  	v29 =	vld [tilespmem:s31+$0x880]  }
0x179: {  	s1 =	simm.s32 $0x10;
	s28 =	simm.s32 $0x80;
	v24 =	vimm.f32 $0.0e+00;
	v23 =	vimm.f32 $0.0e+00;
	v30 =	vld [tilespmem:s31+$0xA00];
	v0 =	vmul.f32 v0, v0  }
0x17a: {  	s29 =	sand.u32 $0x70, s1;
	s30 =	sand.u32 $0x1C00, s28;
	s1 =	sor.u32 s28, s1;
	v22 =	vimm.f32 $0.0e+00;
	v32 =	vld [tilespmem:s31+$0x2780];
	v27 =	vadd.f32 v59, v57;
	v28 =	vadd.f32 v61, v60  }
0x17b: {  	v21 =	vimm.f32 $0.0e+00;
	s26 =	sor.u32 s29, s30;
	s30 =	sor.u32 $0x380, s1;
	s29 =	simm.s32 $0x20;
	v33 =	vld [tilespmem:s31+$0x2900];
	v31 =	vadd.f32 v63, v62;
	v20 =	vadd.f32 v0, v22  }
.LBB2_2:
0x17c: {  	p0 =	sne.s32 s29, $0x3F0;
	v0 =	vld [tilespmem:s26+$0x2980];
	v1 =	vadd.f32 v26, v25  }
0x17d: {  	v2 =	vld [tilespmem:s26+$0x2A00];
	v3 =	vadd.f32 v29, v27  }
0x17e: {  	v4 =	vld [tilespmem:s26+$0x780];
	v5 =	vadd.f32 v30, v28  }
0x17f: {  	v6 =	vld [tilespmem:s26+$0x2A80];
	v3 =	vmul.f32 v3, v3;
	v17 =	vadd.f32 v32, v31  }
0x180: {  	v18 =	vld [tilespmem:s26+$0x800];
	v5 =	vmul.f32 v5, v5;
	v1 =	vadd.f32 v33, v1  }
0x181: {  	v19 =	vld [tilespmem:s26+$0x900];
	v22 =	vadd.f32 v3, v22;
	v3 =	vmul.f32 v17, v17  }
0x182: {  	v17 =	vld [tilespmem:s26+$0x980];
	v0 =	vadd.f32 v2, v0;
	v24 =	vadd.f32 v5, v24;
	v1 =	vmul.f32 v1, v1  }
0x183: {  	v2 =	vld [tilespmem:s26+$0xA80];
	v23 =	vadd.f32 v3, v23  }
0x184: {  	v3 =	vld [tilespmem:s30+$0x780];
	v0 =	vadd.f32 v6, v0;
	v21 =	vadd.f32 v1, v21  }
0x185: {  	v27 =	vadd.f32 v18, v4;
	v25 =	vld [tilespmem:s26+$0x2800]  }
.Ltmp0:
0x186: {  	v26 =	vld [tilespmem:s26+$0x2880];
	v0 =	vmul.f32 v0, v0;
	(pc) =	sbr.rel @p0 .LBB2_2-.Ltmp0, $4  }
0x187: {  	v29 =	vld [tilespmem:s26+$0x880];
	v28 =	vadd.f32 v17, v19  }
0x188: {  	s28 =	sadd.s32 $0x80, s28;
	v30 =	vld [tilespmem:s26+$0xA00];
	v20 =	vadd.f32 v0, v20  }
0x189: {  	s1 =	sand.u32 $0x70, s29;
	s31 =	sand.u32 $0x1C00, s28;
	s30 =	sor.u32 s28, s29;
	v31 =	vadd.f32 v3, v2;
	v32 =	vld [tilespmem:s26+$0x2780]  }
0x18a: {  	s29 =	sadd.s32 $0x10, s29;
	s30 =	sor.u32 $0x380, s30;
	v33 =	vld [tilespmem:s26+$0x2900];
	s26 =	sor.u32 s1, s31  }
0x18b: {  	v0 =	vld [tilespmem:s26+$0x2980]  }
0x18c: {  	v1 =	vld [tilespmem:s26+$0x2A00]  }
0x18d: {  	v2 =	vld [tilespmem:s26+$0x780]  }
0x18e: {  	v3 =	vld [tilespmem:s26+$0x800]  }
0x18f: {  	v4 =	vld [tilespmem:s26+$0x900]  }
0x190: {  	v5 =	vld [tilespmem:s26+$0x980]  }
0x191: {  	v6 =	vld [tilespmem:s26+$0xA80]  }
0x192: {  	v17 =	vld [tilespmem:s30+$0x780]  }
0x193: {  	v19 =	vld [tilespmem:s26+$0x2800];
	v18 =	vadd.f32 v29, v27  }
0x194: {  	v47 =	vld [tilespmem:s26+$0x2880]  }
0x195: {  	v25 =	vadd.f32 v26, v25;
	v49 =	vld [tilespmem:s26+$0x880];
	v18 =	vmul.f32 v18, v18  }
0x196: {  	v51 =	vld [tilespmem:s26+$0xA00];
	v48 =	vadd.f32 v30, v28;
	v50 =	vadd.f32 v32, v31  }
0x197: {  	v52 =	vld [tilespmem:s26+$0x2780];
	v25 =	vadd.f32 v33, v25;
	v18 =	vadd.f32 v18, v22  }
0x198: {  	v54 =	vld [tilespmem:s26+$0x2900];
	v0 =	vadd.f32 v1, v0;
	v53 =	vadd.f32 v3, v2  }
0x199: {  	v56 =	vld [tilespmem:s26+$0x2A80];
	v26 =	vmul.f32 v48, v48;
	v4 =	vadd.f32 v5, v4;
	v6 =	vadd.f32 v17, v6  }
0x19a: {  	v57 =	vadd.f32 v47, v19;
	v1 =	vadd.f32 v49, v53  }
0x19b: {  	v58 =	vmul.f32 v50, v50;
	v55 =	vadd.f32 v26, v24;
	v4 =	vadd.f32 v51, v4  }
0x19c: {  	v59 =	vmul.f32 v25, v25;
	v6 =	vadd.f32 v52, v6;
	v1 =	vmul.f32 v1, v1  }
0x19d: {  	v19 =	vadd.f32 v58, v23;
	v2 =	vadd.f32 v54, v57;
	v4 =	vmul.f32 v4, v4  }
0x19e: {  	v0 =	vadd.f32 v56, v0;
	v60 =	vmul.f32 v6, v6;
	v1 =	vadd.f32 v1, v18  }
0x19f: {  	v61 =	vadd.f32 v59, v21;
	v2 =	vmul.f32 v2, v2;
	v3 =	vadd.f32 v4, v55  }
0x1a0: {  	v0 =	vmul.f32 v0, v0;
	v62 =	vadd.f32 v60, v19;
	[tilespmem:$0x4780] =	vst v1  }
0x1a1: {  	v63 =	vadd.f32 v2, v61;
	[tilespmem:$0x4790] =	vst v3  }
0x1a2: {  	s25 =	sadd.s32 $0x1, s25;
	v0 =	vadd.f32 v0, v20;
	[tilespmem:$0x47A0] =	vst v62  }
0x1a3: {  	p0 =	sne.s32 s25, s11;
	[tilespmem:$0x47B0] =	vst v63  }
.Ltmp1:
0x1a4: {  	[tilespmem:$0x47C0] =	vst v0;
	(pc) =	sbr.rel @p0 .LBB2_1-.Ltmp1, $4  }
0x1a5: {  	[hbm4b:s10+s3] =	stream.linear.scatter [tilespmem:s24], [sflag:$0x2], $0x50, $0x38;
	[tilespmem:$0x4880] =	vst v63  }
0x1a6: {  	_ =	swait.ge [sflag:s12], $0x50  }
0x1a7: {  	[sflag:s12] =	ssyncset.done $0x0  }
0x1a8: {  	[sflag:s12] =	ssyncadd.s32 $0xFFFFFFB0  }
0x1a9: {  	_ =	sfence.sel $0x180000  }
0x1aa: {  	[bflag:$0x0] =	sbarrier.arrive $0xFFFF  }
0x1ab: {  	_ =	strace $0x90000047  }
0x1ac: {  	[bflag:$0x2] =	sbarrier.arrive $0xFFFF  }
0x1ad: {  	p0 =	sne.s32 s0, $0x0;
	s0 =	rddreg [dreg:$0x3]  }
0x1ae: {  	s0 =	sadd.s32 @!p0 $0x100000, s0  }
0x1af: {  	[sflag:s0] =	ssyncadd.tile.s32 @!p0 $0x1;
	_ =	shalt  }
.Lfunc_end2:
_tile_overlayer_lowered:
.L_overlay_start_2:
0x1b0: {  	(tag) =	ssettag $0x2  }
0x1b1: {  	s0 =	rddreg [dreg:$0x0];
	s2 =	stileid.u32  }
0x1b2: {  	s1 =	rddreg [dreg:$0x1];
	p0 =	sne.s32 s2, $0x0  }
0x1b3: {  	s3 =	rddreg [dreg:$0x2];
	[bflag:$0x3] =	sbarrier.arrive $0xFFFF;
	s2 =	simm.s32 @!p0 $0x1C02  }
0x1b4: {  	[timem:s3], [sflag:s2] =	dma.local @!p0 [hbm:s0], s1  }
0x1b5: {  	s0 =	simm.s32 @!p0 $0x2  }
0x1b6: {  	_ =	swait.ge @!p0 [sflag:s0], s1  }
0x1b7: {  	s1 =	ssub.s32 @!p0 $0x0, s1;
	[sflag:s0] =	ssyncset.done @!p0 $0x0  }
0x1b8: {  	[sflag:s0] =	ssyncadd.s32 @!p0 s1  }
0x1b9: {  	[bflag:$0x3] =	sbarrier.arrive $0xFFFF  }
0x1ba: {  	_ =	shalt  }

</sc_bundles>
